<compile_context>
chip_gen: v7x
topology: tpu7x:2x2x1
jax: 0.10.2.dev20260603
libtpu: 0.0.44.dev20260713+nightly
codegen_flags: <defaults>
</compile_context>

<pallas_src>
import functools
import math

import jax
import jax.numpy as jnp
from jax.experimental import pallas as pl

_N_BLK = 1024
_E_BLK = 32768


def _proj_body(nw, bn, *refs):
    h_ref = refs[0]
    idx = 1
    h = h_ref[...]
    if bn:
        m_ref, v_ref, g_ref, be_ref = refs[1:5]
        idx = 5
        h = (h - m_ref[...]) * jax.lax.rsqrt(v_ref[...] + 1e-5) * g_ref[...] + be_ref[...]
        h = jnp.maximum(h, 0.0)
    w_refs = refs[idx:idx + 2 * nw]
    o_refs = refs[idx + 2 * nw:]
    for i in range(nw):
        W = w_refs[2 * i][...]
        b = w_refs[2 * i + 1][...]
        o_refs[i][...] = jnp.dot(h, W, preferred_element_type=jnp.float32) + b


def _fused_proj(h, weights, biases, bn=None):
    n, k = h.shape
    nw = len(weights)
    cs = [w.shape[1] for w in weights]
    grid = (pl.cdiv(n, _N_BLK),)
    in_specs = [pl.BlockSpec((_N_BLK, k), lambda i: (i, 0))]
    args = [h]
    if bn is not None:
        for a in bn:
            args.append(a.reshape(1, k))
            in_specs.append(pl.BlockSpec((1, k), lambda i: (0, 0)))
    for w, b in zip(weights, biases):
        c = w.shape[1]
        args.append(w)
        in_specs.append(pl.BlockSpec((k, c), lambda i: (0, 0)))
        args.append(b.reshape(1, c))
        in_specs.append(pl.BlockSpec((1, c), lambda i: (0, 0)))
    out_shape = [jax.ShapeDtypeStruct((n, c), jnp.float32) for c in cs]
    out_specs = [pl.BlockSpec((_N_BLK, c), lambda i: (i, 0)) for c in cs]
    outs = pl.pallas_call(
        functools.partial(_proj_body, nw, bn is not None),
        grid=grid,
        in_specs=in_specs,
        out_specs=out_specs,
        out_shape=out_shape,
    )(*args)
    return outs


def _ealpha_body(scale_ref, alpha_ref, out_ref):
    out_ref[...] = jnp.exp(alpha_ref[...] * scale_ref[0, 0])


def _edge_elemwise(body, a, extra=None):
    e = a.shape[0]
    pad = (-e) % 256
    a2 = jnp.pad(a, (0, pad)).reshape(-1, 256)
    rows = a2.shape[0]
    blk = min(rows, _E_BLK // 256)
    grid = (pl.cdiv(rows, blk),)
    in_specs = [pl.BlockSpec((blk, 256), lambda i: (i, 0))]
    args = [a2]
    if extra is not None:
        args = [extra] + args
        in_specs = [pl.BlockSpec((1, 1), lambda i: (0, 0))] + in_specs
    out = pl.pallas_call(
        body,
        grid=grid,
        in_specs=in_specs,
        out_specs=pl.BlockSpec((blk, 256), lambda i: (i, 0)),
        out_shape=jax.ShapeDtypeStruct((rows, 256), jnp.float32),
    )(*args)
    return out.reshape(-1)[:e]


def _transformer_conv(h, src, dst, Wq, bq, Wk, bk, Wv, bv, Ws, bs, bn):
    n = h.shape[0]
    c = Wq.shape[1]
    q, k, v, s = _fused_proj(h, [Wq, Wk, Wv, Ws], [bq, bk, bv, bs], bn=bn)
    alpha = jnp.sum(q[dst] * k[src], axis=-1)
    scale = jnp.full((1, 1), 1.0 / math.sqrt(c), jnp.float32)
    ealpha = _edge_elemwise(_ealpha_body, alpha, extra=scale)
    denom = jax.ops.segment_sum(ealpha, dst, num_segments=n)
    out = jax.ops.segment_sum(ealpha[:, None] * v[src], dst, num_segments=n)
    return out / (denom[:, None] + 1e-16) + s


def kernel(x, edge_index, W_lin, b_lin,
           Wq1, bq1, Wk1, bk1, Wv1, bv1, Ws1, bs1, g1, be1,
           Wq2, bq2, Wk2, bk2, Wv2, bv2, Ws2, bs2, g2, be2,
           Wq3, bq3, Wk3, bk3, Wv3, bv3, Ws3, bs3):
    n = x.shape[0]
    loops = jnp.arange(n, dtype=edge_index.dtype)
    src = jnp.concatenate([edge_index[0], loops])
    dst = jnp.concatenate([edge_index[1], loops])

    (h,) = _fused_proj(x, [W_lin], [b_lin])
    h = _transformer_conv(h, src, dst, Wq1, bq1, Wk1, bk1, Wv1, bv1, Ws1, bs1, None)
    m1 = jnp.mean(h, axis=0)
    v1 = jnp.var(h, axis=0)
    h = _transformer_conv(h, src, dst, Wq2, bq2, Wk2, bk2, Wv2, bv2, Ws2, bs2,
                          (m1, v1, g1, be1))
    m2 = jnp.mean(h, axis=0)
    v2 = jnp.var(h, axis=0)
    h = _transformer_conv(h, src, dst, Wq3, bq3, Wk3, bk3, Wv3, bv3, Ws3, bs3,
                          (m2, v2, g2, be2))
    return h

# --- scband reference (transcript-rebuilt; emitter-appended) ---
"""Pipeline reference for scband-gcn-encoder-73598559584319 (READ-ONLY COPY).

The authoritative reference and input builder live on the scoring server;
editing this copy changes nothing except your own understanding.
"""

import jax, jax.numpy as jnp
import numpy as np

N = 10000
E = 320000
D_IN = 128
OUT = 128
H1_IN = 2 * OUT
H1_OUT = 4 * OUT
H2_OUT = 2 * OUT
H3_OUT = 2 * OUT


def _w(key, shape, scale=0.05):
    return jax.random.normal(key, shape, dtype=jnp.float32) * scale


def setup_inputs(seed: int = 0) -> dict:
    key = jax.random.key(seed)
    ks = jax.random.split(key, 20)
    inp = {}
    inp["x"] = jax.random.normal(ks[0], (N, D_IN), dtype=jnp.float32)
    inp["edge_index"] = jax.random.randint(ks[1], (2, E), 0, N, dtype=jnp.int32)
    inp["W_lin"] = _w(ks[2], (D_IN, H1_IN)); inp["b_lin"] = jnp.zeros((H1_IN,), jnp.float32)
    inp["Wq1"] = _w(ks[3], (H1_IN, H1_OUT)); inp["bq1"] = jnp.zeros((H1_OUT,), jnp.float32)
    inp["Wk1"] = _w(ks[4], (H1_IN, H1_OUT)); inp["bk1"] = jnp.zeros((H1_OUT,), jnp.float32)
    inp["Wv1"] = _w(ks[5], (H1_IN, H1_OUT)); inp["bv1"] = jnp.zeros((H1_OUT,), jnp.float32)
    inp["Ws1"] = _w(ks[6], (H1_IN, H1_OUT)); inp["bs1"] = jnp.zeros((H1_OUT,), jnp.float32)
    inp["g1"] = jnp.ones((H1_OUT,), jnp.float32); inp["be1"] = jnp.zeros((H1_OUT,), jnp.float32)
    inp["Wq2"] = _w(ks[7], (H1_OUT, H2_OUT)); inp["bq2"] = jnp.zeros((H2_OUT,), jnp.float32)
    inp["Wk2"] = _w(ks[8], (H1_OUT, H2_OUT)); inp["bk2"] = jnp.zeros((H2_OUT,), jnp.float32)
    inp["Wv2"] = _w(ks[9], (H1_OUT, H2_OUT)); inp["bv2"] = jnp.zeros((H2_OUT,), jnp.float32)
    inp["Ws2"] = _w(ks[10], (H1_OUT, H2_OUT)); inp["bs2"] = jnp.zeros((H2_OUT,), jnp.float32)
    inp["g2"] = jnp.ones((H2_OUT,), jnp.float32); inp["be2"] = jnp.zeros((H2_OUT,), jnp.float32)
    inp["Wq3"] = _w(ks[11], (H2_OUT, H3_OUT)); inp["bq3"] = jnp.zeros((H3_OUT,), jnp.float32)
    inp["Wk3"] = _w(ks[12], (H2_OUT, H3_OUT)); inp["bk3"] = jnp.zeros((H3_OUT,), jnp.float32)
    inp["Wv3"] = _w(ks[13], (H2_OUT, H3_OUT)); inp["bv3"] = jnp.zeros((H3_OUT,), jnp.float32)
    inp["Ws3"] = _w(ks[14], (H2_OUT, H3_OUT)); inp["bs3"] = jnp.zeros((H3_OUT,), jnp.float32)
    return inp


def transformer_conv(x, ei, Wq, bq, Wk, bk, Wv, bv, Ws, bs):
    # PyG TransformerConv, heads=1, concat=True, root_weight=True, bias=True
    src = ei[0]
    dst = ei[1]
    n = x.shape[0]
    C = Wq.shape[1]
    q = x @ Wq + bq
    k = x @ Wk + bk
    v = x @ Wv + bv
    alpha = jnp.sum(q[dst] * k[src], axis=-1) / jnp.sqrt(jnp.float32(C))
    amax = jax.ops.segment_max(alpha, dst, num_segments=n)
    amax = jnp.where(jnp.isfinite(amax), amax, 0.0)
    ealpha = jnp.exp(alpha - jax.lax.stop_gradient(amax)[dst])
    denom = jax.ops.segment_sum(ealpha, dst, num_segments=n)
    w = ealpha / (denom[dst] + 1e-16)
    out = jax.ops.segment_sum(w[:, None] * v[src], dst, num_segments=n)
    return out + x @ Ws + bs


def batch_norm(x, g, b, eps=1e-5):
    m = jnp.mean(x, axis=0)
    v = jnp.var(x, axis=0)
    return (x - m) / jnp.sqrt(v + eps) * g + b


def reference(x, edge_index, W_lin, b_lin,
              Wq1, bq1, Wk1, bk1, Wv1, bv1, Ws1, bs1, g1, be1,
              Wq2, bq2, Wk2, bk2, Wv2, bv2, Ws2, bs2, g2, be2,
              Wq3, bq3, Wk3, bk3, Wv3, bv3, Ws3, bs3):
    n = x.shape[0]
    loops = jnp.arange(n, dtype=edge_index.dtype)
    ei = jnp.concatenate([edge_index, jnp.stack([loops, loops])], axis=1)
    h = x @ W_lin + b_lin
    h = transformer_conv(h, ei, Wq1, bq1, Wk1, bk1, Wv1, bv1, Ws1, bs1)
    h = batch_norm(h, g1, be1)
    h = jax.nn.relu(h)
    h = transformer_conv(h, ei, Wq2, bq2, Wk2, bk2, Wv2, bv2, Ws2, bs2)
    h = batch_norm(h, g2, be2)
    h = jax.nn.relu(h)
    h = transformer_conv(h, ei, Wq3, bq3, Wk3, bk3, Wv3, bv3, Ws3, bs3)
    return h

if __name__ == "__main__":
    import jax
    _d = setup_inputs()
    print(jax.jit(kernel)(*tuple(_d.values())))

</pallas_src>

<mosaic_0001>
module attributes {stable_mosaic.version = 14 : i64} {
  func.func @_proj_body(%arg0: i32, %arg1: memref<1024x128xf32, #tpu.memory_space<vmem>>, %arg2: memref<128x256xf32, #tpu.memory_space<vmem>>, %arg3: memref<1x256xf32, #tpu.memory_space<vmem>>, %arg4: memref<1024x256xf32, #tpu.memory_space<vmem>>) attributes {dimension_semantics = [#tpu.dimension_semantics<arbitrary>], iteration_bounds = array<i64: 10>, scalar_prefetch = 0 : i64, scratch_operands = 0 : i64, tpu.core_type = #tpu.core_type<tc>, window_params = [{transform_indices = @transform_0, window_bounds = array<i64: 1024, 128>}, {pipeline_mode = #tpu.pipeline_mode<synchronous>, transform_indices = @transform_1, window_bounds = array<i64: 128, 256>}, {pipeline_mode = #tpu.pipeline_mode<synchronous>, transform_indices = @transform_2, window_bounds = array<i64: 1, 256>}, {transform_indices = @transform_3, window_bounds = array<i64: 1024, 256>}]} {
    %get3A = arith.constant 0 : index
    %get3A_0 = arith.constant 0 : index
    %get3A_1 = vector.load %arg1[%get3A, %get3A_0] : memref<1024x128xf32, #tpu.memory_space<vmem>>, vector<1024x128xf32>
    %get3A_2 = arith.constant 0 : index
    %get3A_3 = arith.constant 0 : index
    %get3A_4 = vector.load %arg2[%get3A_2, %get3A_3] : memref<128x256xf32, #tpu.memory_space<vmem>>, vector<128x256xf32>
    %get3A_5 = arith.constant 0 : index
    %get3A_6 = arith.constant 0 : index
    %get3A_7 = vector.load %arg3[%get3A_5, %get3A_6] : memref<1x256xf32, #tpu.memory_space<vmem>>, vector<1x256xf32>
    %dot_general3A = arith.constant dense<0.000000e+00> : vector<1024x256xf32>
    %dot_general3A_8 = tpu.matmul %get3A_1, %get3A_4, %dot_general3A {dimension_numbers = #tpu.dot_dimension_numbers<[1], [0], [0], [1], [0, 0, 1, 1], [], []>, transpose_lhs_hint = false} : vector<1024x128xf32>, vector<128x256xf32>, vector<1024x256xf32> -> vector<1024x256xf32>
    %add3A = vector.broadcast %get3A_7 : vector<1x256xf32> to vector<1024x256xf32>
    %add3A_9 = arith.addf %dot_general3A_8, %add3A : vector<1024x256xf32>
    %swap3A = arith.constant 0 : index
    %swap3A_10 = arith.constant 0 : index
    %swap3A_11 = vector.load %arg4[%swap3A, %swap3A_10] : memref<1024x256xf32, #tpu.memory_space<vmem>>, vector<1024x256xf32>
    tpu.vector_store %arg4[%swap3A, %swap3A_10], %add3A_9 {strides = array<i32>} : memref<1024x256xf32, #tpu.memory_space<vmem>>, vector<1024x256xf32>,
    return
  }
  func.func @transform_0(%arg0: i32) -> (i32, i32) {
    %c0_i32 = arith.constant 0 : i32
    %c0_i32_0 = arith.constant 0 : i32
    return %arg0, %c0_i32 : i32, i32
  }
  func.func @transform_1(%arg0: i32) -> (i32, i32) {
    %c0_i32 = arith.constant 0 : i32
    %c0_i32_0 = arith.constant 0 : i32
    %c0_i32_1 = arith.constant 0 : i32
    return %c0_i32, %c0_i32_0 : i32, i32
  }
  func.func @transform_2(%arg0: i32) -> (i32, i32) {
    %c0_i32 = arith.constant 0 : i32
    %c0_i32_0 = arith.constant 0 : i32
    %c0_i32_1 = arith.constant 0 : i32
    return %c0_i32, %c0_i32_0 : i32, i32
  }
  func.func @transform_3(%arg0: i32) -> (i32, i32) {
    %c0_i32 = arith.constant 0 : i32
    %c0_i32_0 = arith.constant 0 : i32
    return %arg0, %c0_i32 : i32, i32
  }
}

module attributes {stable_mosaic.version = 14 : i64} {
  func.func @_proj_body(%arg0: i32, %arg1: memref<1024x256xf32, #tpu.memory_space<vmem>>, %arg2: memref<256x512xf32, #tpu.memory_space<vmem>>, %arg3: memref<1x512xf32, #tpu.memory_space<vmem>>, %arg4: memref<256x512xf32, #tpu.memory_space<vmem>>, %arg5: memref<1x512xf32, #tpu.memory_space<vmem>>, %arg6: memref<256x512xf32, #tpu.memory_space<vmem>>, %arg7: memref<1x512xf32, #tpu.memory_space<vmem>>, %arg8: memref<256x512xf32, #tpu.memory_space<vmem>>, %arg9: memref<1x512xf32, #tpu.memory_space<vmem>>, %arg10: memref<1024x512xf32, #tpu.memory_space<vmem>>, %arg11: memref<1024x512xf32, #tpu.memory_space<vmem>>, %arg12: memref<1024x512xf32, #tpu.memory_space<vmem>>, %arg13: memref<1024x512xf32, #tpu.memory_space<vmem>>) attributes {dimension_semantics = [#tpu.dimension_semantics<arbitrary>], iteration_bounds = array<i64: 10>, scalar_prefetch = 0 : i64, scratch_operands = 0 : i64, tpu.core_type = #tpu.core_type<tc>, window_params = [{transform_indices = @transform_0, window_bounds = array<i64: 1024, 256>}, {pipeline_mode = #tpu.pipeline_mode<synchronous>, transform_indices = @transform_1, window_bounds = array<i64: 256, 512>}, {pipeline_mode = #tpu.pipeline_mode<synchronous>, transform_indices = @transform_2, window_bounds = array<i64: 1, 512>}, {pipeline_mode = #tpu.pipeline_mode<synchronous>, transform_indices = @transform_3, window_bounds = array<i64: 256, 512>}, {pipeline_mode = #tpu.pipeline_mode<synchronous>, transform_indices = @transform_4, window_bounds = array<i64: 1, 512>}, {pipeline_mode = #tpu.pipeline_mode<synchronous>, transform_indices = @transform_5, window_bounds = array<i64: 256, 512>}, {pipeline_mode = #tpu.pipeline_mode<synchronous>, transform_indices = @transform_6, window_bounds = array<i64: 1, 512>}, {pipeline_mode = #tpu.pipeline_mode<synchronous>, transform_indices = @transform_7, window_bounds = array<i64: 256, 512>}, {pipeline_mode = #tpu.pipeline_mode<synchronous>, transform_indices = @transform_8, window_bounds = array<i64: 1, 512>}, {transform_indices = @transform_9, window_bounds = array<i64: 1024, 512>}, {transform_indices = @transform_10, window_bounds = array<i64: 1024, 512>}, {transform_indices = @transform_11, window_bounds = array<i64: 1024, 512>}, {transform_indices = @transform_12, window_bounds = array<i64: 1024, 512>}]} {
    %get3A = arith.constant 0 : index
    %get3A_0 = arith.constant 0 : index
    %get3A_1 = vector.load %arg1[%get3A, %get3A_0] : memref<1024x256xf32, #tpu.memory_space<vmem>>, vector<1024x256xf32>
    %get3A_2 = arith.constant 0 : index
    %get3A_3 = arith.constant 0 : index
    %get3A_4 = vector.load %arg2[%get3A_2, %get3A_3] : memref<256x512xf32, #tpu.memory_space<vmem>>, vector<256x512xf32>
    %get3A_5 = arith.constant 0 : index
    %get3A_6 = arith.constant 0 : index
    %get3A_7 = vector.load %arg3[%get3A_5, %get3A_6] : memref<1x512xf32, #tpu.memory_space<vmem>>, vector<1x512xf32>
    %dot_general3A = arith.constant dense<0.000000e+00> : vector<1024x512xf32>
    %dot_general3A_8 = tpu.matmul %get3A_1, %get3A_4, %dot_general3A {dimension_numbers = #tpu.dot_dimension_numbers<[1], [0], [0], [1], [0, 0, 1, 1], [], []>, transpose_lhs_hint = false} : vector<1024x256xf32>, vector<256x512xf32>, vector<1024x512xf32> -> vector<1024x512xf32>
    %add3A = vector.broadcast %get3A_7 : vector<1x512xf32> to vector<1024x512xf32>
    %add3A_9 = arith.addf %dot_general3A_8, %add3A : vector<1024x512xf32>
    %swap3A = arith.constant 0 : index
    %swap3A_10 = arith.constant 0 : index
    %swap3A_11 = vector.load %arg10[%swap3A, %swap3A_10] : memref<1024x512xf32, #tpu.memory_space<vmem>>, vector<1024x512xf32>
    tpu.vector_store %arg10[%swap3A, %swap3A_10], %add3A_9 {strides = array<i32>} : memref<1024x512xf32, #tpu.memory_space<vmem>>, vector<1024x512xf32>,
    %get3A_12 = arith.constant 0 : index
    %get3A_13 = arith.constant 0 : index
    %get3A_14 = vector.load %arg4[%get3A_12, %get3A_13] : memref<256x512xf32, #tpu.memory_space<vmem>>, vector<256x512xf32>
    %get3A_15 = arith.constant 0 : index
    %get3A_16 = arith.constant 0 : index
    %get3A_17 = vector.load %arg5[%get3A_15, %get3A_16] : memref<1x512xf32, #tpu.memory_space<vmem>>, vector<1x512xf32>
    %dot_general3A_18 = arith.constant dense<0.000000e+00> : vector<1024x512xf32>
    %dot_general3A_19 = tpu.matmul %get3A_1, %get3A_14, %dot_general3A_18 {dimension_numbers = #tpu.dot_dimension_numbers<[1], [0], [0], [1], [0, 0, 1, 1], [], []>, transpose_lhs_hint = false} : vector<1024x256xf32>, vector<256x512xf32>, vector<1024x512xf32> -> vector<1024x512xf32>
    %add3A_20 = vector.broadcast %get3A_17 : vector<1x512xf32> to vector<1024x512xf32>
    %add3A_21 = arith.addf %dot_general3A_19, %add3A_20 : vector<1024x512xf32>
    %swap3A_22 = arith.constant 0 : index
    %swap3A_23 = arith.constant 0 : index
    %swap3A_24 = vector.load %arg11[%swap3A_22, %swap3A_23] : memref<1024x512xf32, #tpu.memory_space<vmem>>, vector<1024x512xf32>
    tpu.vector_store %arg11[%swap3A_22, %swap3A_23], %add3A_21 {strides = array<i32>} : memref<1024x512xf32, #tpu.memory_space<vmem>>, vector<1024x512xf32>,
    %get3A_25 = arith.constant 0 : index
    %get3A_26 = arith.constant 0 : index
    %get3A_27 = vector.load %arg6[%get3A_25, %get3A_26] : memref<256x512xf32, #tpu.memory_space<vmem>>, vector<256x512xf32>
    %get3A_28 = arith.constant 0 : index
    %get3A_29 = arith.constant 0 : index
    %get3A_30 = vector.load %arg7[%get3A_28, %get3A_29] : memref<1x512xf32, #tpu.memory_space<vmem>>, vector<1x512xf32>
    %dot_general3A_31 = arith.constant dense<0.000000e+00> : vector<1024x512xf32>
    %dot_general3A_32 = tpu.matmul %get3A_1, %get3A_27, %dot_general3A_31 {dimension_numbers = #tpu.dot_dimension_numbers<[1], [0], [0], [1], [0, 0, 1, 1], [], []>, transpose_lhs_hint = false} : vector<1024x256xf32>, vector<256x512xf32>, vector<1024x512xf32> -> vector<1024x512xf32>
    %add3A_33 = vector.broadcast %get3A_30 : vector<1x512xf32> to vector<1024x512xf32>
    %add3A_34 = arith.addf %dot_general3A_32, %add3A_33 : vector<1024x512xf32>
    %swap3A_35 = arith.constant 0 : index
    %swap3A_36 = arith.constant 0 : index
    %swap3A_37 = vector.load %arg12[%swap3A_35, %swap3A_36] : memref<1024x512xf32, #tpu.memory_space<vmem>>, vector<1024x512xf32>
    tpu.vector_store %arg12[%swap3A_35, %swap3A_36], %add3A_34 {strides = array<i32>} : memref<1024x512xf32, #tpu.memory_space<vmem>>, vector<1024x512xf32>,
    %get3A_38 = arith.constant 0 : index
    %get3A_39 = arith.constant 0 : index
    %get3A_40 = vector.load %arg8[%get3A_38, %get3A_39] : memref<256x512xf32, #tpu.memory_space<vmem>>, vector<256x512xf32>
    %get3A_41 = arith.constant 0 : index
    %get3A_42 = arith.constant 0 : index
    %get3A_43 = vector.load %arg9[%get3A_41, %get3A_42] : memref<1x512xf32, #tpu.memory_space<vmem>>, vector<1x512xf32>
    %dot_general3A_44 = arith.constant dense<0.000000e+00> : vector<1024x512xf32>
    %dot_general3A_45 = tpu.matmul %get3A_1, %get3A_40, %dot_general3A_44 {dimension_numbers = #tpu.dot_dimension_numbers<[1], [0], [0], [1], [0, 0, 1, 1], [], []>, transpose_lhs_hint = false} : vector<1024x256xf32>, vector<256x512xf32>, vector<1024x512xf32> -> vector<1024x512xf32>
    %add3A_46 = vector.broadcast %get3A_43 : vector<1x512xf32> to vector<1024x512xf32>
    %add3A_47 = arith.addf %dot_general3A_45, %add3A_46 : vector<1024x512xf32>
    %swap3A_48 = arith.constant 0 : index
    %swap3A_49 = arith.constant 0 : index
    %swap3A_50 = vector.load %arg13[%swap3A_48, %swap3A_49] : memref<1024x512xf32, #tpu.memory_space<vmem>>, vector<1024x512xf32>
    tpu.vector_store %arg13[%swap3A_48, %swap3A_49], %add3A_47 {strides = array<i32>} : memref<1024x512xf32, #tpu.memory_space<vmem>>, vector<1024x512xf32>,
    return
  }
  func.func @transform_0(%arg0: i32) -> (i32, i32) {
    %c0_i32 = arith.constant 0 : i32
    %c0_i32_0 = arith.constant 0 : i32
    return %arg0, %c0_i32 : i32, i32
  }
  func.func @transform_1(%arg0: i32) -> (i32, i32) {
    %c0_i32 = arith.constant 0 : i32
    %c0_i32_0 = arith.constant 0 : i32
    %c0_i32_1 = arith.constant 0 : i32
    return %c0_i32, %c0_i32_0 : i32, i32
  }
  func.func @transform_2(%arg0: i32) -> (i32, i32) {
    %c0_i32 = arith.constant 0 : i32
    %c0_i32_0 = arith.constant 0 : i32
    %c0_i32_1 = arith.constant 0 : i32
    return %c0_i32, %c0_i32_0 : i32, i32
  }
  func.func @transform_3(%arg0: i32) -> (i32, i32) {
    %c0_i32 = arith.constant 0 : i32
    %c0_i32_0 = arith.constant 0 : i32
    %c0_i32_1 = arith.constant 0 : i32
    return %c0_i32, %c0_i32_0 : i32, i32
  }
  func.func @transform_4(%arg0: i32) -> (i32, i32) {
    %c0_i32 = arith.constant 0 : i32
    %c0_i32_0 = arith.constant 0 : i32
    %c0_i32_1 = arith.constant 0 : i32
    return %c0_i32, %c0_i32_0 : i32, i32
  }
  func.func @transform_5(%arg0: i32) -> (i32, i32) {
    %c0_i32 = arith.constant 0 : i32
    %c0_i32_0 = arith.constant 0 : i32
    %c0_i32_1 = arith.constant 0 : i32
    return %c0_i32, %c0_i32_0 : i32, i32
  }
  func.func @transform_6(%arg0: i32) -> (i32, i32) {
    %c0_i32 = arith.constant 0 : i32
    %c0_i32_0 = arith.constant 0 : i32
    %c0_i32_1 = arith.constant 0 : i32
    return %c0_i32, %c0_i32_0 : i32, i32
  }
  func.func @transform_7(%arg0: i32) -> (i32, i32) {
    %c0_i32 = arith.constant 0 : i32
    %c0_i32_0 = arith.constant 0 : i32
    %c0_i32_1 = arith.constant 0 : i32
    return %c0_i32, %c0_i32_0 : i32, i32
  }
  func.func @transform_8(%arg0: i32) -> (i32, i32) {
    %c0_i32 = arith.constant 0 : i32
    %c0_i32_0 = arith.constant 0 : i32
    %c0_i32_1 = arith.constant 0 : i32
    return %c0_i32, %c0_i32_0 : i32, i32
  }
  func.func @transform_9(%arg0: i32) -> (i32, i32) {
    %c0_i32 = arith.constant 0 : i32
    %c0_i32_0 = arith.constant 0 : i32
    return %arg0, %c0_i32 : i32, i32
  }
  func.func @transform_10(%arg0: i32) -> (i32, i32) {
    %c0_i32 = arith.constant 0 : i32
    %c0_i32_0 = arith.constant 0 : i32
    return %arg0, %c0_i32 : i32, i32
  }
  func.func @transform_11(%arg0: i32) -> (i32, i32) {
    %c0_i32 = arith.constant 0 : i32
    %c0_i32_0 = arith.constant 0 : i32
    return %arg0, %c0_i32 : i32, i32
  }
  func.func @transform_12(%arg0: i32) -> (i32, i32) {
    %c0_i32 = arith.constant 0 : i32
    %c0_i32_0 = arith.constant 0 : i32
    return %arg0, %c0_i32 : i32, i32
  }
}

module attributes {stable_mosaic.version = 14 : i64} {
  func.func @_ealpha_body(%arg0: i32, %arg1: memref<1x1xf32, #tpu.memory_space<vmem>>, %arg2: memref<128x256xf32, #tpu.memory_space<vmem>>, %arg3: memref<128x256xf32, #tpu.memory_space<vmem>>) attributes {dimension_semantics = [#tpu.dimension_semantics<arbitrary>], iteration_bounds = array<i64: 11>, scalar_prefetch = 0 : i64, scratch_operands = 0 : i64, tpu.core_type = #tpu.core_type<tc>, window_params = [{pipeline_mode = #tpu.pipeline_mode<synchronous>, transform_indices = @transform_0, window_bounds = array<i64: 1, 1>}, {transform_indices = @transform_1, window_bounds = array<i64: 128, 256>}, {transform_indices = @transform_2, window_bounds = array<i64: 128, 256>}]} {
    %get3A = arith.constant 0 : index
    %get3A_0 = arith.constant 0 : index
    %get3A_1 = vector.load %arg2[%get3A, %get3A_0] : memref<128x256xf32, #tpu.memory_space<vmem>>, vector<128x256xf32>
    %get3A_2 = arith.constant 0 : index
    %get3A_3 = arith.constant 0 : index
    %get3A_4 = vector.load %arg1[%get3A_2, %get3A_3] : memref<1x1xf32, #tpu.memory_space<vmem>>, vector<1x1xf32>
    %get3A_5 = vector.extract %get3A_4[0, 0] : f32 from vector<1x1xf32>
    %mul3A = vector.broadcast %get3A_5 : f32 to vector<128x256xf32>
    %mul3A_6 = arith.mulf %get3A_1, %mul3A : vector<128x256xf32>
    %exp3A = math.exp %mul3A_6 : vector<128x256xf32>
    %swap3A = arith.constant 0 : index
    %swap3A_7 = arith.constant 0 : index
    %swap3A_8 = vector.load %arg3[%swap3A, %swap3A_7] : memref<128x256xf32, #tpu.memory_space<vmem>>, vector<128x256xf32>
    tpu.vector_store %arg3[%swap3A, %swap3A_7], %exp3A {strides = array<i32>} : memref<128x256xf32, #tpu.memory_space<vmem>>, vector<128x256xf32>,
    return
  }
  func.func @transform_0(%arg0: i32) -> (i32, i32) {
    %c0_i32 = arith.constant 0 : i32
    %c0_i32_0 = arith.constant 0 : i32
    %c0_i32_1 = arith.constant 0 : i32
    return %c0_i32, %c0_i32_0 : i32, i32
  }
  func.func @transform_1(%arg0: i32) -> (i32, i32) {
    %c0_i32 = arith.constant 0 : i32
    %c0_i32_0 = arith.constant 0 : i32
    return %arg0, %c0_i32 : i32, i32
  }
  func.func @transform_2(%arg0: i32) -> (i32, i32) {
    %c0_i32 = arith.constant 0 : i32
    %c0_i32_0 = arith.constant 0 : i32
    return %arg0, %c0_i32 : i32, i32
  }
}

module attributes {stable_mosaic.version = 14 : i64} {
  func.func @_proj_body(%arg0: i32, %arg1: memref<1024x512xf32, #tpu.memory_space<vmem>>, %arg2: memref<1x512xf32, #tpu.memory_space<vmem>>, %arg3: memref<1x512xf32, #tpu.memory_space<vmem>>, %arg4: memref<1x512xf32, #tpu.memory_space<vmem>>, %arg5: memref<1x512xf32, #tpu.memory_space<vmem>>, %arg6: memref<512x256xf32, #tpu.memory_space<vmem>>, %arg7: memref<1x256xf32, #tpu.memory_space<vmem>>, %arg8: memref<512x256xf32, #tpu.memory_space<vmem>>, %arg9: memref<1x256xf32, #tpu.memory_space<vmem>>, %arg10: memref<512x256xf32, #tpu.memory_space<vmem>>, %arg11: memref<1x256xf32, #tpu.memory_space<vmem>>, %arg12: memref<512x256xf32, #tpu.memory_space<vmem>>, %arg13: memref<1x256xf32, #tpu.memory_space<vmem>>, %arg14: memref<1024x256xf32, #tpu.memory_space<vmem>>, %arg15: memref<1024x256xf32, #tpu.memory_space<vmem>>, %arg16: memref<1024x256xf32, #tpu.memory_space<vmem>>, %arg17: memref<1024x256xf32, #tpu.memory_space<vmem>>) attributes {dimension_semantics = [#tpu.dimension_semantics<arbitrary>], iteration_bounds = array<i64: 10>, scalar_prefetch = 0 : i64, scratch_operands = 0 : i64, tpu.core_type = #tpu.core_type<tc>, window_params = [{transform_indices = @transform_0, window_bounds = array<i64: 1024, 512>}, {pipeline_mode = #tpu.pipeline_mode<synchronous>, transform_indices = @transform_1, window_bounds = array<i64: 1, 512>}, {pipeline_mode = #tpu.pipeline_mode<synchronous>, transform_indices = @transform_2, window_bounds = array<i64: 1, 512>}, {pipeline_mode = #tpu.pipeline_mode<synchronous>, transform_indices = @transform_3, window_bounds = array<i64: 1, 512>}, {pipeline_mode = #tpu.pipeline_mode<synchronous>, transform_indices = @transform_4, window_bounds = array<i64: 1, 512>}, {pipeline_mode = #tpu.pipeline_mode<synchronous>, transform_indices = @transform_5, window_bounds = array<i64: 512, 256>}, {pipeline_mode = #tpu.pipeline_mode<synchronous>, transform_indices = @transform_6, window_bounds = array<i64: 1, 256>}, {pipeline_mode = #tpu.pipeline_mode<synchronous>, transform_indices = @transform_7, window_bounds = array<i64: 512, 256>}, {pipeline_mode = #tpu.pipeline_mode<synchronous>, transform_indices = @transform_8, window_bounds = array<i64: 1, 256>}, {pipeline_mode = #tpu.pipeline_mode<synchronous>, transform_indices = @transform_9, window_bounds = array<i64: 512, 256>}, {pipeline_mode = #tpu.pipeline_mode<synchronous>, transform_indices = @transform_10, window_bounds = array<i64: 1, 256>}, {pipeline_mode = #tpu.pipeline_mode<synchronous>, transform_indices = @transform_11, window_bounds = array<i64: 512, 256>}, {pipeline_mode = #tpu.pipeline_mode<synchronous>, transform_indices = @transform_12, window_bounds = array<i64: 1, 256>}, {transform_indices = @transform_13, window_bounds = array<i64: 1024, 256>}, {transform_indices = @transform_14, window_bounds = array<i64: 1024, 256>}, {transform_indices = @transform_15, window_bounds = array<i64: 1024, 256>}, {transform_indices = @transform_16, window_bounds = array<i64: 1024, 256>}]} {
    %get3A = arith.constant 0 : index
    %get3A_0 = arith.constant 0 : index
    %get3A_1 = vector.load %arg1[%get3A, %get3A_0] : memref<1024x512xf32, #tpu.memory_space<vmem>>, vector<1024x512xf32>
    %get3A_2 = arith.constant 0 : index
    %get3A_3 = arith.constant 0 : index
    %get3A_4 = vector.load %arg2[%get3A_2, %get3A_3] : memref<1x512xf32, #tpu.memory_space<vmem>>, vector<1x512xf32>
    %sub3A = vector.broadcast %get3A_4 : vector<1x512xf32> to vector<1024x512xf32>
    %sub3A_5 = arith.subf %get3A_1, %sub3A : vector<1024x512xf32>
    %get3A_6 = arith.constant 0 : index
    %get3A_7 = arith.constant 0 : index
    %get3A_8 = vector.load %arg3[%get3A_6, %get3A_7] : memref<1x512xf32, #tpu.memory_space<vmem>>, vector<1x512xf32>
    %add3A = arith.constant 9.99999974E-6 : f32
    %add3A_9 = vector.broadcast %add3A : f32 to vector<1x512xf32>
    %add3A_10 = arith.addf %get3A_8, %add3A_9 : vector<1x512xf32>
    %rsqrt3A = math.rsqrt %add3A_10 : vector<1x512xf32>
    %mul3A = vector.broadcast %rsqrt3A : vector<1x512xf32> to vector<1024x512xf32>
    %mul3A_11 = arith.mulf %sub3A_5, %mul3A : vector<1024x512xf32>
    %get3A_12 = arith.constant 0 : index
    %get3A_13 = arith.constant 0 : index
    %get3A_14 = vector.load %arg4[%get3A_12, %get3A_13] : memref<1x512xf32, #tpu.memory_space<vmem>>, vector<1x512xf32>
    %mul3A_15 = vector.broadcast %get3A_14 : vector<1x512xf32> to vector<1024x512xf32>
    %mul3A_16 = arith.mulf %mul3A_11, %mul3A_15 : vector<1024x512xf32>
    %get3A_17 = arith.constant 0 : index
    %get3A_18 = arith.constant 0 : index
    %get3A_19 = vector.load %arg5[%get3A_17, %get3A_18] : memref<1x512xf32, #tpu.memory_space<vmem>>, vector<1x512xf32>
    %add3A_20 = vector.broadcast %get3A_19 : vector<1x512xf32> to vector<1024x512xf32>
    %add3A_21 = arith.addf %mul3A_16, %add3A_20 : vector<1024x512xf32>
    %max3A = arith.constant 0.000000e+00 : f32
    %max3A_22 = vector.broadcast %max3A : f32 to vector<1024x512xf32>
    %max3A_23 = arith.maximumf %add3A_21, %max3A_22 : vector<1024x512xf32>
    %get3A_24 = arith.constant 0 : index
    %get3A_25 = arith.constant 0 : index
    %get3A_26 = vector.load %arg6[%get3A_24, %get3A_25] : memref<512x256xf32, #tpu.memory_space<vmem>>, vector<512x256xf32>
    %get3A_27 = arith.constant 0 : index
    %get3A_28 = arith.constant 0 : index
    %get3A_29 = vector.load %arg7[%get3A_27, %get3A_28] : memref<1x256xf32, #tpu.memory_space<vmem>>, vector<1x256xf32>
    %dot_general3A = arith.constant dense<0.000000e+00> : vector<1024x256xf32>
    %dot_general3A_30 = tpu.matmul %max3A_23, %get3A_26, %dot_general3A {dimension_numbers = #tpu.dot_dimension_numbers<[1], [0], [0], [1], [0, 0, 1, 1], [], []>, transpose_lhs_hint = false} : vector<1024x512xf32>, vector<512x256xf32>, vector<1024x256xf32> -> vector<1024x256xf32>
    %add3A_31 = vector.broadcast %get3A_29 : vector<1x256xf32> to vector<1024x256xf32>
    %add3A_32 = arith.addf %dot_general3A_30, %add3A_31 : vector<1024x256xf32>
    %swap3A = arith.constant 0 : index
    %swap3A_33 = arith.constant 0 : index
    %swap3A_34 = vector.load %arg14[%swap3A, %swap3A_33] : memref<1024x256xf32, #tpu.memory_space<vmem>>, vector<1024x256xf32>
    tpu.vector_store %arg14[%swap3A, %swap3A_33], %add3A_32 {strides = array<i32>} : memref<1024x256xf32, #tpu.memory_space<vmem>>, vector<1024x256xf32>,
    %get3A_35 = arith.constant 0 : index
    %get3A_36 = arith.constant 0 : index
    %get3A_37 = vector.load %arg8[%get3A_35, %get3A_36] : memref<512x256xf32, #tpu.memory_space<vmem>>, vector<512x256xf32>
    %get3A_38 = arith.constant 0 : index
    %get3A_39 = arith.constant 0 : index
    %get3A_40 = vector.load %arg9[%get3A_38, %get3A_39] : memref<1x256xf32, #tpu.memory_space<vmem>>, vector<1x256xf32>
    %dot_general3A_41 = arith.constant dense<0.000000e+00> : vector<1024x256xf32>
    %dot_general3A_42 = tpu.matmul %max3A_23, %get3A_37, %dot_general3A_41 {dimension_numbers = #tpu.dot_dimension_numbers<[1], [0], [0], [1], [0, 0, 1, 1], [], []>, transpose_lhs_hint = false} : vector<1024x512xf32>, vector<512x256xf32>, vector<1024x256xf32> -> vector<1024x256xf32>
    %add3A_43 = vector.broadcast %get3A_40 : vector<1x256xf32> to vector<1024x256xf32>
    %add3A_44 = arith.addf %dot_general3A_42, %add3A_43 : vector<1024x256xf32>
    %swap3A_45 = arith.constant 0 : index
    %swap3A_46 = arith.constant 0 : index
    %swap3A_47 = vector.load %arg15[%swap3A_45, %swap3A_46] : memref<1024x256xf32, #tpu.memory_space<vmem>>, vector<1024x256xf32>
    tpu.vector_store %arg15[%swap3A_45, %swap3A_46], %add3A_44 {strides = array<i32>} : memref<1024x256xf32, #tpu.memory_space<vmem>>, vector<1024x256xf32>,
    %get3A_48 = arith.constant 0 : index
    %get3A_49 = arith.constant 0 : index
    %get3A_50 = vector.load %arg10[%get3A_48, %get3A_49] : memref<512x256xf32, #tpu.memory_space<vmem>>, vector<512x256xf32>
    %get3A_51 = arith.constant 0 : index
    %get3A_52 = arith.constant 0 : index
    %get3A_53 = vector.load %arg11[%get3A_51, %get3A_52] : memref<1x256xf32, #tpu.memory_space<vmem>>, vector<1x256xf32>
    %dot_general3A_54 = arith.constant dense<0.000000e+00> : vector<1024x256xf32>
    %dot_general3A_55 = tpu.matmul %max3A_23, %get3A_50, %dot_general3A_54 {dimension_numbers = #tpu.dot_dimension_numbers<[1], [0], [0], [1], [0, 0, 1, 1], [], []>, transpose_lhs_hint = false} : vector<1024x512xf32>, vector<512x256xf32>, vector<1024x256xf32> -> vector<1024x256xf32>
    %add3A_56 = vector.broadcast %get3A_53 : vector<1x256xf32> to vector<1024x256xf32>
    %add3A_57 = arith.addf %dot_general3A_55, %add3A_56 : vector<1024x256xf32>
    %swap3A_58 = arith.constant 0 : index
    %swap3A_59 = arith.constant 0 : index
    %swap3A_60 = vector.load %arg16[%swap3A_58, %swap3A_59] : memref<1024x256xf32, #tpu.memory_space<vmem>>, vector<1024x256xf32>
    tpu.vector_store %arg16[%swap3A_58, %swap3A_59], %add3A_57 {strides = array<i32>} : memref<1024x256xf32, #tpu.memory_space<vmem>>, vector<1024x256xf32>,
    %get3A_61 = arith.constant 0 : index
    %get3A_62 = arith.constant 0 : index
    %get3A_63 = vector.load %arg12[%get3A_61, %get3A_62] : memref<512x256xf32, #tpu.memory_space<vmem>>, vector<512x256xf32>
    %get3A_64 = arith.constant 0 : index
    %get3A_65 = arith.constant 0 : index
    %get3A_66 = vector.load %arg13[%get3A_64, %get3A_65] : memref<1x256xf32, #tpu.memory_space<vmem>>, vector<1x256xf32>
    %dot_general3A_67 = arith.constant dense<0.000000e+00> : vector<1024x256xf32>
    %dot_general3A_68 = tpu.matmul %max3A_23, %get3A_63, %dot_general3A_67 {dimension_numbers = #tpu.dot_dimension_numbers<[1], [0], [0], [1], [0, 0, 1, 1], [], []>, transpose_lhs_hint = false} : vector<1024x512xf32>, vector<512x256xf32>, vector<1024x256xf32> -> vector<1024x256xf32>
    %add3A_69 = vector.broadcast %get3A_66 : vector<1x256xf32> to vector<1024x256xf32>
    %add3A_70 = arith.addf %dot_general3A_68, %add3A_69 : vector<1024x256xf32>
    %swap3A_71 = arith.constant 0 : index
    %swap3A_72 = arith.constant 0 : index
    %swap3A_73 = vector.load %arg17[%swap3A_71, %swap3A_72] : memref<1024x256xf32, #tpu.memory_space<vmem>>, vector<1024x256xf32>
    tpu.vector_store %arg17[%swap3A_71, %swap3A_72], %add3A_70 {strides = array<i32>} : memref<1024x256xf32, #tpu.memory_space<vmem>>, vector<1024x256xf32>,
    return
  }
  func.func @transform_0(%arg0: i32) -> (i32, i32) {
    %c0_i32 = arith.constant 0 : i32
    %c0_i32_0 = arith.constant 0 : i32
    return %arg0, %c0_i32 : i32, i32
  }
  func.func @transform_1(%arg0: i32) -> (i32, i32) {
    %c0_i32 = arith.constant 0 : i32
    %c0_i32_0 = arith.constant 0 : i32
    %c0_i32_1 = arith.constant 0 : i32
    return %c0_i32, %c0_i32_0 : i32, i32
  }
  func.func @transform_2(%arg0: i32) -> (i32, i32) {
    %c0_i32 = arith.constant 0 : i32
    %c0_i32_0 = arith.constant 0 : i32
    %c0_i32_1 = arith.constant 0 : i32
    return %c0_i32, %c0_i32_0 : i32, i32
  }
  func.func @transform_3(%arg0: i32) -> (i32, i32) {
    %c0_i32 = arith.constant 0 : i32
    %c0_i32_0 = arith.constant 0 : i32
    %c0_i32_1 = arith.constant 0 : i32
    return %c0_i32, %c0_i32_0 : i32, i32
  }
  func.func @transform_4(%arg0: i32) -> (i32, i32) {
    %c0_i32 = arith.constant 0 : i32
    %c0_i32_0 = arith.constant 0 : i32
    %c0_i32_1 = arith.constant 0 : i32
    return %c0_i32, %c0_i32_0 : i32, i32
  }
  func.func @transform_5(%arg0: i32) -> (i32, i32) {
    %c0_i32 = arith.constant 0 : i32
    %c0_i32_0 = arith.constant 0 : i32
    %c0_i32_1 = arith.constant 0 : i32
    return %c0_i32, %c0_i32_0 : i32, i32
  }
  func.func @transform_6(%arg0: i32) -> (i32, i32) {
    %c0_i32 = arith.constant 0 : i32
    %c0_i32_0 = arith.constant 0 : i32
    %c0_i32_1 = arith.constant 0 : i32
    return %c0_i32, %c0_i32_0 : i32, i32
  }
  func.func @transform_7(%arg0: i32) -> (i32, i32) {
    %c0_i32 = arith.constant 0 : i32
    %c0_i32_0 = arith.constant 0 : i32
    %c0_i32_1 = arith.constant 0 : i32
    return %c0_i32, %c0_i32_0 : i32, i32
  }
  func.func @transform_8(%arg0: i32) -> (i32, i32) {
    %c0_i32 = arith.constant 0 : i32
    %c0_i32_0 = arith.constant 0 : i32
    %c0_i32_1 = arith.constant 0 : i32
    return %c0_i32, %c0_i32_0 : i32, i32
  }
  func.func @transform_9(%arg0: i32) -> (i32, i32) {
    %c0_i32 = arith.constant 0 : i32
    %c0_i32_0 = arith.constant 0 : i32
    %c0_i32_1 = arith.constant 0 : i32
    return %c0_i32, %c0_i32_0 : i32, i32
  }
  func.func @transform_10(%arg0: i32) -> (i32, i32) {
    %c0_i32 = arith.constant 0 : i32
    %c0_i32_0 = arith.constant 0 : i32
    %c0_i32_1 = arith.constant 0 : i32
    return %c0_i32, %c0_i32_0 : i32, i32
  }
  func.func @transform_11(%arg0: i32) -> (i32, i32) {
    %c0_i32 = arith.constant 0 : i32
    %c0_i32_0 = arith.constant 0 : i32
    %c0_i32_1 = arith.constant 0 : i32
    return %c0_i32, %c0_i32_0 : i32, i32
  }
  func.func @transform_12(%arg0: i32) -> (i32, i32) {
    %c0_i32 = arith.constant 0 : i32
    %c0_i32_0 = arith.constant 0 : i32
    %c0_i32_1 = arith.constant 0 : i32
    return %c0_i32, %c0_i32_0 : i32, i32
  }
  func.func @transform_13(%arg0: i32) -> (i32, i32) {
    %c0_i32 = arith.constant 0 : i32
    %c0_i32_0 = arith.constant 0 : i32
    return %arg0, %c0_i32 : i32, i32
  }
  func.func @transform_14(%arg0: i32) -> (i32, i32) {
    %c0_i32 = arith.constant 0 : i32
    %c0_i32_0 = arith.constant 0 : i32
    return %arg0, %c0_i32 : i32, i32
  }
  func.func @transform_15(%arg0: i32) -> (i32, i32) {
    %c0_i32 = arith.constant 0 : i32
    %c0_i32_0 = arith.constant 0 : i32
    return %arg0, %c0_i32 : i32, i32
  }
  func.func @transform_16(%arg0: i32) -> (i32, i32) {
    %c0_i32 = arith.constant 0 : i32
    %c0_i32_0 = arith.constant 0 : i32
    return %arg0, %c0_i32 : i32, i32
  }
}

module attributes {stable_mosaic.version = 14 : i64} {
  func.func @_proj_body(%arg0: i32, %arg1: memref<1024x256xf32, #tpu.memory_space<vmem>>, %arg2: memref<1x256xf32, #tpu.memory_space<vmem>>, %arg3: memref<1x256xf32, #tpu.memory_space<vmem>>, %arg4: memref<1x256xf32, #tpu.memory_space<vmem>>, %arg5: memref<1x256xf32, #tpu.memory_space<vmem>>, %arg6: memref<256x256xf32, #tpu.memory_space<vmem>>, %arg7: memref<1x256xf32, #tpu.memory_space<vmem>>, %arg8: memref<256x256xf32, #tpu.memory_space<vmem>>, %arg9: memref<1x256xf32, #tpu.memory_space<vmem>>, %arg10: memref<256x256xf32, #tpu.memory_space<vmem>>, %arg11: memref<1x256xf32, #tpu.memory_space<vmem>>, %arg12: memref<256x256xf32, #tpu.memory_space<vmem>>, %arg13: memref<1x256xf32, #tpu.memory_space<vmem>>, %arg14: memref<1024x256xf32, #tpu.memory_space<vmem>>, %arg15: memref<1024x256xf32, #tpu.memory_space<vmem>>, %arg16: memref<1024x256xf32, #tpu.memory_space<vmem>>, %arg17: memref<1024x256xf32, #tpu.memory_space<vmem>>) attributes {dimension_semantics = [#tpu.dimension_semantics<arbitrary>], iteration_bounds = array<i64: 10>, scalar_prefetch = 0 : i64, scratch_operands = 0 : i64, tpu.core_type = #tpu.core_type<tc>, window_params = [{transform_indices = @transform_0, window_bounds = array<i64: 1024, 256>}, {pipeline_mode = #tpu.pipeline_mode<synchronous>, transform_indices = @transform_1, window_bounds = array<i64: 1, 256>}, {pipeline_mode = #tpu.pipeline_mode<synchronous>, transform_indices = @transform_2, window_bounds = array<i64: 1, 256>}, {pipeline_mode = #tpu.pipeline_mode<synchronous>, transform_indices = @transform_3, window_bounds = array<i64: 1, 256>}, {pipeline_mode = #tpu.pipeline_mode<synchronous>, transform_indices = @transform_4, window_bounds = array<i64: 1, 256>}, {pipeline_mode = #tpu.pipeline_mode<synchronous>, transform_indices = @transform_5, window_bounds = array<i64: 256, 256>}, {pipeline_mode = #tpu.pipeline_mode<synchronous>, transform_indices = @transform_6, window_bounds = array<i64: 1, 256>}, {pipeline_mode = #tpu.pipeline_mode<synchronous>, transform_indices = @transform_7, window_bounds = array<i64: 256, 256>}, {pipeline_mode = #tpu.pipeline_mode<synchronous>, transform_indices = @transform_8, window_bounds = array<i64: 1, 256>}, {pipeline_mode = #tpu.pipeline_mode<synchronous>, transform_indices = @transform_9, window_bounds = array<i64: 256, 256>}, {pipeline_mode = #tpu.pipeline_mode<synchronous>, transform_indices = @transform_10, window_bounds = array<i64: 1, 256>}, {pipeline_mode = #tpu.pipeline_mode<synchronous>, transform_indices = @transform_11, window_bounds = array<i64: 256, 256>}, {pipeline_mode = #tpu.pipeline_mode<synchronous>, transform_indices = @transform_12, window_bounds = array<i64: 1, 256>}, {transform_indices = @transform_13, window_bounds = array<i64: 1024, 256>}, {transform_indices = @transform_14, window_bounds = array<i64: 1024, 256>}, {transform_indices = @transform_15, window_bounds = array<i64: 1024, 256>}, {transform_indices = @transform_16, window_bounds = array<i64: 1024, 256>}]} {
    %get3A = arith.constant 0 : index
    %get3A_0 = arith.constant 0 : index
    %get3A_1 = vector.load %arg1[%get3A, %get3A_0] : memref<1024x256xf32, #tpu.memory_space<vmem>>, vector<1024x256xf32>
    %get3A_2 = arith.constant 0 : index
    %get3A_3 = arith.constant 0 : index
    %get3A_4 = vector.load %arg2[%get3A_2, %get3A_3] : memref<1x256xf32, #tpu.memory_space<vmem>>, vector<1x256xf32>
    %sub3A = vector.broadcast %get3A_4 : vector<1x256xf32> to vector<1024x256xf32>
    %sub3A_5 = arith.subf %get3A_1, %sub3A : vector<1024x256xf32>
    %get3A_6 = arith.constant 0 : index
    %get3A_7 = arith.constant 0 : index
    %get3A_8 = vector.load %arg3[%get3A_6, %get3A_7] : memref<1x256xf32, #tpu.memory_space<vmem>>, vector<1x256xf32>
    %add3A = arith.constant 9.99999974E-6 : f32
    %add3A_9 = vector.broadcast %add3A : f32 to vector<1x256xf32>
    %add3A_10 = arith.addf %get3A_8, %add3A_9 : vector<1x256xf32>
    %rsqrt3A = math.rsqrt %add3A_10 : vector<1x256xf32>
    %mul3A = vector.broadcast %rsqrt3A : vector<1x256xf32> to vector<1024x256xf32>
    %mul3A_11 = arith.mulf %sub3A_5, %mul3A : vector<1024x256xf32>
    %get3A_12 = arith.constant 0 : index
    %get3A_13 = arith.constant 0 : index
    %get3A_14 = vector.load %arg4[%get3A_12, %get3A_13] : memref<1x256xf32, #tpu.memory_space<vmem>>, vector<1x256xf32>
    %mul3A_15 = vector.broadcast %get3A_14 : vector<1x256xf32> to vector<1024x256xf32>
    %mul3A_16 = arith.mulf %mul3A_11, %mul3A_15 : vector<1024x256xf32>
    %get3A_17 = arith.constant 0 : index
    %get3A_18 = arith.constant 0 : index
    %get3A_19 = vector.load %arg5[%get3A_17, %get3A_18] : memref<1x256xf32, #tpu.memory_space<vmem>>, vector<1x256xf32>
    %add3A_20 = vector.broadcast %get3A_19 : vector<1x256xf32> to vector<1024x256xf32>
    %add3A_21 = arith.addf %mul3A_16, %add3A_20 : vector<1024x256xf32>
    %max3A = arith.constant 0.000000e+00 : f32
    %max3A_22 = vector.broadcast %max3A : f32 to vector<1024x256xf32>
    %max3A_23 = arith.maximumf %add3A_21, %max3A_22 : vector<1024x256xf32>
    %get3A_24 = arith.constant 0 : index
    %get3A_25 = arith.constant 0 : index
    %get3A_26 = vector.load %arg6[%get3A_24, %get3A_25] : memref<256x256xf32, #tpu.memory_space<vmem>>, vector<256x256xf32>
    %get3A_27 = arith.constant 0 : index
    %get3A_28 = arith.constant 0 : index
    %get3A_29 = vector.load %arg7[%get3A_27, %get3A_28] : memref<1x256xf32, #tpu.memory_space<vmem>>, vector<1x256xf32>
    %dot_general3A = arith.constant dense<0.000000e+00> : vector<1024x256xf32>
    %dot_general3A_30 = tpu.matmul %max3A_23, %get3A_26, %dot_general3A {dimension_numbers = #tpu.dot_dimension_numbers<[1], [0], [0], [1], [0, 0, 1, 1], [], []>, transpose_lhs_hint = false} : vector<1024x256xf32>, vector<256x256xf32>, vector<1024x256xf32> -> vector<1024x256xf32>
    %add3A_31 = vector.broadcast %get3A_29 : vector<1x256xf32> to vector<1024x256xf32>
    %add3A_32 = arith.addf %dot_general3A_30, %add3A_31 : vector<1024x256xf32>
    %swap3A = arith.constant 0 : index
    %swap3A_33 = arith.constant 0 : index
    %swap3A_34 = vector.load %arg14[%swap3A, %swap3A_33] : memref<1024x256xf32, #tpu.memory_space<vmem>>, vector<1024x256xf32>
    tpu.vector_store %arg14[%swap3A, %swap3A_33], %add3A_32 {strides = array<i32>} : memref<1024x256xf32, #tpu.memory_space<vmem>>, vector<1024x256xf32>,
    %get3A_35 = arith.constant 0 : index
    %get3A_36 = arith.constant 0 : index
    %get3A_37 = vector.load %arg8[%get3A_35, %get3A_36] : memref<256x256xf32, #tpu.memory_space<vmem>>, vector<256x256xf32>
    %get3A_38 = arith.constant 0 : index
    %get3A_39 = arith.constant 0 : index
    %get3A_40 = vector.load %arg9[%get3A_38, %get3A_39] : memref<1x256xf32, #tpu.memory_space<vmem>>, vector<1x256xf32>
    %dot_general3A_41 = arith.constant dense<0.000000e+00> : vector<1024x256xf32>
    %dot_general3A_42 = tpu.matmul %max3A_23, %get3A_37, %dot_general3A_41 {dimension_numbers = #tpu.dot_dimension_numbers<[1], [0], [0], [1], [0, 0, 1, 1], [], []>, transpose_lhs_hint = false} : vector<1024x256xf32>, vector<256x256xf32>, vector<1024x256xf32> -> vector<1024x256xf32>
    %add3A_43 = vector.broadcast %get3A_40 : vector<1x256xf32> to vector<1024x256xf32>
    %add3A_44 = arith.addf %dot_general3A_42, %add3A_43 : vector<1024x256xf32>
    %swap3A_45 = arith.constant 0 : index
    %swap3A_46 = arith.constant 0 : index
    %swap3A_47 = vector.load %arg15[%swap3A_45, %swap3A_46] : memref<1024x256xf32, #tpu.memory_space<vmem>>, vector<1024x256xf32>
    tpu.vector_store %arg15[%swap3A_45, %swap3A_46], %add3A_44 {strides = array<i32>} : memref<1024x256xf32, #tpu.memory_space<vmem>>, vector<1024x256xf32>,
    %get3A_48 = arith.constant 0 : index
    %get3A_49 = arith.constant 0 : index
    %get3A_50 = vector.load %arg10[%get3A_48, %get3A_49] : memref<256x256xf32, #tpu.memory_space<vmem>>, vector<256x256xf32>
    %get3A_51 = arith.constant 0 : index
    %get3A_52 = arith.constant 0 : index
    %get3A_53 = vector.load %arg11[%get3A_51, %get3A_52] : memref<1x256xf32, #tpu.memory_space<vmem>>, vector<1x256xf32>
    %dot_general3A_54 = arith.constant dense<0.000000e+00> : vector<1024x256xf32>
    %dot_general3A_55 = tpu.matmul %max3A_23, %get3A_50, %dot_general3A_54 {dimension_numbers = #tpu.dot_dimension_numbers<[1], [0], [0], [1], [0, 0, 1, 1], [], []>, transpose_lhs_hint = false} : vector<1024x256xf32>, vector<256x256xf32>, vector<1024x256xf32> -> vector<1024x256xf32>
    %add3A_56 = vector.broadcast %get3A_53 : vector<1x256xf32> to vector<1024x256xf32>
    %add3A_57 = arith.addf %dot_general3A_55, %add3A_56 : vector<1024x256xf32>
    %swap3A_58 = arith.constant 0 : index
    %swap3A_59 = arith.constant 0 : index
    %swap3A_60 = vector.load %arg16[%swap3A_58, %swap3A_59] : memref<1024x256xf32, #tpu.memory_space<vmem>>, vector<1024x256xf32>
    tpu.vector_store %arg16[%swap3A_58, %swap3A_59], %add3A_57 {strides = array<i32>} : memref<1024x256xf32, #tpu.memory_space<vmem>>, vector<1024x256xf32>,
    %get3A_61 = arith.constant 0 : index
    %get3A_62 = arith.constant 0 : index
    %get3A_63 = vector.load %arg12[%get3A_61, %get3A_62] : memref<256x256xf32, #tpu.memory_space<vmem>>, vector<256x256xf32>
    %get3A_64 = arith.constant 0 : index
    %get3A_65 = arith.constant 0 : index
    %get3A_66 = vector.load %arg13[%get3A_64, %get3A_65] : memref<1x256xf32, #tpu.memory_space<vmem>>, vector<1x256xf32>
    %dot_general3A_67 = arith.constant dense<0.000000e+00> : vector<1024x256xf32>
    %dot_general3A_68 = tpu.matmul %max3A_23, %get3A_63, %dot_general3A_67 {dimension_numbers = #tpu.dot_dimension_numbers<[1], [0], [0], [1], [0, 0, 1, 1], [], []>, transpose_lhs_hint = false} : vector<1024x256xf32>, vector<256x256xf32>, vector<1024x256xf32> -> vector<1024x256xf32>
    %add3A_69 = vector.broadcast %get3A_66 : vector<1x256xf32> to vector<1024x256xf32>
    %add3A_70 = arith.addf %dot_general3A_68, %add3A_69 : vector<1024x256xf32>
    %swap3A_71 = arith.constant 0 : index
    %swap3A_72 = arith.constant 0 : index
    %swap3A_73 = vector.load %arg17[%swap3A_71, %swap3A_72] : memref<1024x256xf32, #tpu.memory_space<vmem>>, vector<1024x256xf32>
    tpu.vector_store %arg17[%swap3A_71, %swap3A_72], %add3A_70 {strides = array<i32>} : memref<1024x256xf32, #tpu.memory_space<vmem>>, vector<1024x256xf32>,
    return
  }
  func.func @transform_0(%arg0: i32) -> (i32, i32) {
    %c0_i32 = arith.constant 0 : i32
    %c0_i32_0 = arith.constant 0 : i32
    return %arg0, %c0_i32 : i32, i32
  }
  func.func @transform_1(%arg0: i32) -> (i32, i32) {
    %c0_i32 = arith.constant 0 : i32
    %c0_i32_0 = arith.constant 0 : i32
    %c0_i32_1 = arith.constant 0 : i32
    return %c0_i32, %c0_i32_0 : i32, i32
  }
  func.func @transform_2(%arg0: i32) -> (i32, i32) {
    %c0_i32 = arith.constant 0 : i32
    %c0_i32_0 = arith.constant 0 : i32
    %c0_i32_1 = arith.constant 0 : i32
    return %c0_i32, %c0_i32_0 : i32, i32
  }
  func.func @transform_3(%arg0: i32) -> (i32, i32) {
    %c0_i32 = arith.constant 0 : i32
    %c0_i32_0 = arith.constant 0 : i32
    %c0_i32_1 = arith.constant 0 : i32
    return %c0_i32, %c0_i32_0 : i32, i32
  }
  func.func @transform_4(%arg0: i32) -> (i32, i32) {
    %c0_i32 = arith.constant 0 : i32
    %c0_i32_0 = arith.constant 0 : i32
    %c0_i32_1 = arith.constant 0 : i32
    return %c0_i32, %c0_i32_0 : i32, i32
  }
  func.func @transform_5(%arg0: i32) -> (i32, i32) {
    %c0_i32 = arith.constant 0 : i32
    %c0_i32_0 = arith.constant 0 : i32
    %c0_i32_1 = arith.constant 0 : i32
    return %c0_i32, %c0_i32_0 : i32, i32
  }
  func.func @transform_6(%arg0: i32) -> (i32, i32) {
    %c0_i32 = arith.constant 0 : i32
    %c0_i32_0 = arith.constant 0 : i32
    %c0_i32_1 = arith.constant 0 : i32
    return %c0_i32, %c0_i32_0 : i32, i32
  }
  func.func @transform_7(%arg0: i32) -> (i32, i32) {
    %c0_i32 = arith.constant 0 : i32
    %c0_i32_0 = arith.constant 0 : i32
    %c0_i32_1 = arith.constant 0 : i32
    return %c0_i32, %c0_i32_0 : i32, i32
  }
  func.func @transform_8(%arg0: i32) -> (i32, i32) {
    %c0_i32 = arith.constant 0 : i32
    %c0_i32_0 = arith.constant 0 : i32
    %c0_i32_1 = arith.constant 0 : i32
    return %c0_i32, %c0_i32_0 : i32, i32
  }
  func.func @transform_9(%arg0: i32) -> (i32, i32) {
    %c0_i32 = arith.constant 0 : i32
    %c0_i32_0 = arith.constant 0 : i32
    %c0_i32_1 = arith.constant 0 : i32
    return %c0_i32, %c0_i32_0 : i32, i32
  }
  func.func @transform_10(%arg0: i32) -> (i32, i32) {
    %c0_i32 = arith.constant 0 : i32
    %c0_i32_0 = arith.constant 0 : i32
    %c0_i32_1 = arith.constant 0 : i32
    return %c0_i32, %c0_i32_0 : i32, i32
  }
  func.func @transform_11(%arg0: i32) -> (i32, i32) {
    %c0_i32 = arith.constant 0 : i32
    %c0_i32_0 = arith.constant 0 : i32
    %c0_i32_1 = arith.constant 0 : i32
    return %c0_i32, %c0_i32_0 : i32, i32
  }
  func.func @transform_12(%arg0: i32) -> (i32, i32) {
    %c0_i32 = arith.constant 0 : i32
    %c0_i32_0 = arith.constant 0 : i32
    %c0_i32_1 = arith.constant 0 : i32
    return %c0_i32, %c0_i32_0 : i32, i32
  }
  func.func @transform_13(%arg0: i32) -> (i32, i32) {
    %c0_i32 = arith.constant 0 : i32
    %c0_i32_0 = arith.constant 0 : i32
    return %arg0, %c0_i32 : i32, i32
  }
  func.func @transform_14(%arg0: i32) -> (i32, i32) {
    %c0_i32 = arith.constant 0 : i32
    %c0_i32_0 = arith.constant 0 : i32
    return %arg0, %c0_i32 : i32, i32
  }
  func.func @transform_15(%arg0: i32) -> (i32, i32) {
    %c0_i32 = arith.constant 0 : i32
    %c0_i32_0 = arith.constant 0 : i32
    return %arg0, %c0_i32 : i32, i32
  }
  func.func @transform_16(%arg0: i32) -> (i32, i32) {
    %c0_i32 = arith.constant 0 : i32
    %c0_i32_0 = arith.constant 0 : i32
    return %arg0, %c0_i32 : i32, i32
  }
}

</mosaic_0001>

<sc_bundles>
// kernel: scatter_offload_async_start.1
scs
__scs_entry_jumppad:
0x0: {  	(pc) =	sbr.rel $0x88, $3  }
0x1: {  	(tag) =	ssettag $0x0;
	lr =	simm.s32 $0x1  }
0x2: {  	[smem:$0x3F81] =	sst lr;
	_ =	strace $0xD0000000  }
0x3: {  	_ = 	snop  }
0x4: {  	_ = 	snop  }
0x5: {  	_ = 	snop  }
0x6: {  	_ = 	snop  }
0x7: {  	_ = 	snop  }
__scs_overlays_trampoline_lowered:
0x8: {  	[smem:$0x3F90] =	sst s0  }
0x9: {  	[smem:$0x3F91] =	sst s1  }
0xa: {  	[smem:$0x3F92] =	sst s2  }
0xb: {  	[smem:$0x3F93] =	sst s3  }
0xc: {  	[smem:$0x3F94] =	sst s4  }
0xd: {  	[smem:$0x3F95] =	sst s5  }
0xe: {  	[smem:$0x3F96] =	sst s6  }
0xf: {  	[smem:$0x3F97] =	sst s7  }
0x10: {  	[smem:$0x3F98] =	sst s8  }
0x11: {  	[smem:$0x3F99] =	sst s9;
	s0 =	simm.s32 @!p0 $0x0  }
0x12: {  	s1 =	sld [smem:$0x3F7F];
	s0 =	simm.s32 @p0 $0x1  }
0x13: {  	[smem:$0x3F9A] =	sst s0;
	s0 =	simm.s32 @!p1 $0x0  }
0x14: {  	s2 =	sld [smem:$0x3F7E];
	s0 =	simm.s32 @p1 $0x1  }
0x15: {  	[smem:$0x3F9B] =	sst s0;
	s0 =	simm.s32 @!p2 $0x0  }
0x16: {  	s3 =	sld [smem:$0x3FDB];
	s0 =	simm.s32 @p2 $0x1  }
0x17: {  	s4 =	simm.s32 $0x1BF5;
	[smem:$0x3F9D] =	sst s0  }
0x18: {  	s0 =	sld [smem:$0x3F80];
	_ =	swait.ge [sflag:s4], $0x0  }
0x19: {  	s7 =	sld [smem:$0x3F81]  }
0x1a: {  	s8 =	sadd.s32 $0xFFFFE003, lr  }
0x1b: {  	s9 =	sadd.s32 $0xFFFFFEF7, lr;
	s5 =	simm.s32 $0xFFFFFFFF;
	p2 =	slt.u32 s8, $0xFFFFF086  }
0x1c: {  	p1 =	slt.u32 s9, $0xF7A;
	s5 =	simm.s32 @!p2 $0x0  }
0x1d: {  	s5 =	simm.s32 @p1 $0x1;
	p0 =	seq.s32 s7, s2  }
0x1e: {  	s7 =	smul.u32 @!p0 $0xF7A, s2;
	p2 =	seq.s32 @!p0 s5, $0x0  }
0x1f: {  	s9 =	smul.u32 $0xF7A, s1;
	s8 =	simm.s32 @!p0 $0x1BF5;
	p2 =	por !p2, p0  }
0x20: {  	[sflag:s8] =	ssyncset.s32 @!p0 $0xFFFFF086;
	s6 =	sadd.s32 @!p0 s3, s7;
	s7 =	simm.s32 @!p0 $0x108  }
0x21: {  	s3 =	sadd.s32 s3, s9;
	s6 =	sadd.s32 @!p0 $0x88, s6;
	s7 =	simm.s32 @p2 $0x1082  }
0x22: {  	[simem:s7], [sflag:s8] =	dma.local @!p0 [hbm:s6], $0xF7A  }
0x23: {  	s9 =	sor.u32 $0xD0000000, s2;
	s6 =	simm.s32 $0x108;
	_ =	swait.ge @!p0 [sflag:s8], $0x0  }
0x24: {  	s3 =	sadd.s32 $0x88, s3;
	s6 =	simm.s32 @!p1 $0x1082;
	[sflag:s4] =	ssyncset.s32 $0xFFFFF086  }
0x25: {  	[simem:s6], [sflag:s4] =	dma.local [hbm:s3], $0xF7A  }
0x26: {  	[smem:$0x3F81] =	sst s1;
	(tag) =	ssettag s2;
	_ =	strace s9  }
0x27: {  	s1 =	sld [smem:$0x3F91]  }
0x28: {  	s2 =	sld [smem:$0x3F92]  }
0x29: {  	s4 =	sld [smem:$0x3F94]  }
0x2a: {  	p0 =	seq.s32 s5, $0x0;
	s5 =	sld [smem:$0x3F95]  }
0x2b: {  	s6 =	sld [smem:$0x3F96]  }
0x2c: {  	s7 =	sld [smem:$0x3F97]  }
0x2d: {  	s3 =	simm.s32 $0x108;
	s8 =	sld [smem:$0x3F98]  }
0x2e: {  	s3 =	simm.s32 @!p0 $0x1082;
	s9 =	sld [smem:$0x3F99]  }
0x2f: {  	lr =	sadd.s32 s0, s3;
	s0 =	sld [smem:$0x3F90]  }
0x30: {  	s3 =	sld [smem:$0x3F93]  }
0x31: {  	[smem:$0x3F9C] =	sst s10  }
0x32: {  	s10 =	sld [smem:$0x3F9A];
	_ =	sdelay $0x3  }
0x33: {  	p0 =	seq.s32 s10, $0x1;
	s10 =	sld [smem:$0x3F9C];
	_ =	sdelay $0x3  }
0x34: {  	[smem:$0x3F9C] =	sst s10  }
0x35: {  	s10 =	sld [smem:$0x3F9B];
	_ =	sdelay $0x3  }
0x36: {  	p1 =	seq.s32 s10, $0x1;
	s10 =	sld [smem:$0x3F9C];
	_ =	sdelay $0x3  }
0x37: {  	[smem:$0x3F9C] =	sst s10  }
0x38: {  	s10 =	sld [smem:$0x3F9D]  }
0x39: {  	_ = 	snop;
	(pc) =	sbr.ind lr, $3  }
0x3a: {  	_ = 	snop  }
0x3b: {  	_ = 	snop  }
0x3c: {  	p2 =	seq.s32 s10, $0x1;
	s10 =	sld [smem:$0x3F9C]  }
0x3d: {  	_ =	shalt  }
0x3e: {  	_ =	shalt  }
0x3f: {  	_ =	shalt  }
0x40: {  	_ =	shalt  }
0x41: {  	_ =	shalt  }
0x42: {  	_ =	shalt  }
0x43: {  	_ =	shalt  }
0x44: {  	_ =	shalt  }
0x45: {  	_ =	shalt  }
0x46: {  	_ =	shalt  }
0x47: {  	_ =	shalt  }
0x48: {  	_ =	shalt  }
0x49: {  	_ =	shalt  }
0x4a: {  	_ =	shalt  }
0x4b: {  	_ =	shalt  }
0x4c: {  	_ =	shalt  }
0x4d: {  	_ =	shalt  }
0x4e: {  	_ =	shalt  }
0x4f: {  	_ =	shalt  }
0x50: {  	_ =	shalt  }
0x51: {  	_ =	shalt  }
0x52: {  	_ =	shalt  }
0x53: {  	_ =	shalt  }
0x54: {  	_ =	shalt  }
0x55: {  	_ =	shalt  }
0x56: {  	_ =	shalt  }
0x57: {  	_ =	shalt  }
0x58: {  	_ =	shalt  }
0x59: {  	_ =	shalt  }
0x5a: {  	_ =	shalt  }
0x5b: {  	_ =	shalt  }
0x5c: {  	_ =	shalt  }
0x5d: {  	_ =	shalt  }
0x5e: {  	_ =	shalt  }
0x5f: {  	_ =	shalt  }
0x60: {  	_ =	shalt  }
0x61: {  	_ =	shalt  }
0x62: {  	_ =	shalt  }
0x63: {  	_ =	shalt  }
0x64: {  	_ =	shalt  }
0x65: {  	_ =	shalt  }
0x66: {  	_ =	shalt  }
0x67: {  	_ =	shalt  }
0x68: {  	_ =	shalt  }
0x69: {  	_ =	shalt  }
0x6a: {  	_ =	shalt  }
0x6b: {  	_ =	shalt  }
0x6c: {  	_ =	shalt  }
0x6d: {  	_ =	shalt  }
0x6e: {  	_ =	shalt  }
0x6f: {  	_ =	shalt  }
0x70: {  	_ =	shalt  }
0x71: {  	_ =	shalt  }
0x72: {  	_ =	shalt  }
0x73: {  	_ =	shalt  }
0x74: {  	_ =	shalt  }
0x75: {  	_ =	shalt  }
0x76: {  	_ =	shalt  }
0x77: {  	_ =	shalt  }
0x78: {  	_ =	shalt  }
0x79: {  	_ =	shalt  }
0x7a: {  	_ =	shalt  }
0x7b: {  	_ =	shalt  }
0x7c: {  	_ =	shalt  }
0x7d: {  	_ =	shalt  }
0x7e: {  	_ =	shalt  }
0x7f: {  	_ =	shalt  }
0x80: {  	_ =	shalt  }
0x81: {  	_ =	shalt  }
0x82: {  	_ =	shalt  }
0x83: {  	_ =	shalt  }
0x84: {  	_ =	shalt  }
0x85: {  	_ =	shalt  }
0x86: {  	_ =	shalt  }
0x87: {  	_ =	shalt  }
.Lfunc_end0:
.L_simem_size_0:
called_computation.1_lowered:
.L_overlay_start_0:
0x88: {  	s0 =	sld [smem:$0x3FD9]  }
0x89: {  	s1 =	sld [smem:$0x3FFE];
	_ =	sdelay $0x3  }
0x8a: {  	s0 =	sadd.s32 s1, s0  }
0x8b: {  	[smem:$0x3FA8] =	sst s0  }
0x8c: {  	_ = 	snop  }
0x8d: {  	(tm) =	ssettm $0x1  }
0x8e: {  	s15 =	sld [smem:$0x3FFB];
	_ =	sdelay $0x3  }
0x8f: {  	_ =	strace s15  }
0x90: {  	s0 =	sld [smem:$0x3FFC];
	_ =	sdelay $0x3  }
0x91: {  	_ =	strace s0  }
0x92: {  	s0 =	sld [smem:$0x3FFD];
	_ =	sdelay $0x3  }
0x93: {  	_ =	strace s0  }
0x94: {  	_ =	strace $0x8FFFFFFF  }
0x95: {  	s16 =	sld [smem:$0x3FDB];
	_ =	sdelay $0x1  }
0x96: {  	s17 =	simm.s32 $_scs_section_size  }
0x97: {  	s2 =	simm.s32 $_size__tile_overlayer_lowered;
	s3 =	simm.s32 $_tile_overlayer_lowered  }
0x98: {  	s20 =	simm.s32 $0x1BFF;
	s19 =	sshll.u32 s3, $0x1;
	s0 =	sadd.s32 s17, s16  }
0x99: {  	s4 =	simm.s32 $0x0;
	s18 =	sshll.u32 s2, $0x1;
	s2 =	sadd.s32 s19, s0  }
0x9a: {  	[timem:s4], [sflag:s20] =	dma.local [hbm:s2], s18  }
0x9b: {  	_ =	swait.ge [sflag:s20], s18  }
0x9c: {  	s1 =	ssub.s32 $0x0, s18;
	[sflag:s20] =	ssyncset.done $0x0  }
0x9d: {  	[sflag:s20] =	ssyncadd.s32 s1;
	_ =	sdelay $0x1  }
0x9e: {  	s21 =	simm.s32 $0x1B8B  }
0x9f: {  	_ =	swait.ge [sflag:s21], $0x1  }
0xa0: {  	[sflag:s21] =	ssyncset.done $0x0  }
0xa1: {  	s23 =	simm.s32 $0x1B8E;
	s22 =	sld [smem:$0x3FFE];
	[sflag:s21] =	ssyncadd.s32 $0xFFFFFFFF  }
0xa2: {  	s24 =	simm.s32 $execute0_lowered;
	[smem:$0x3FD2] =	sst s23  }
0xa3: {  	s2 =	sshll.u32 s24, $0x1;
	_ =	strace $0x8000004C;
	[dreg:$0x1] =	wrdreg $0xFFFFFFFF  }
0xa4: {  	s25 =	simm.s32 $_size_execute0_lowered;
	s0 =	sadd.s32 s0, s2;
	[dreg:$0x0] =	wrdreg $0x0  }
0xa5: {  	s2 =	sshll.u32 s25, $0x1;
	[dreg:$0x2] =	wrdreg s0  }
0xa6: {  	[dreg:$0x3] =	wrdreg s2  }
0xa7: {  	[dreg:$0x4] =	wrdreg $0xC0  }
0xa8: {  	_ =	task [dreg:s4], $0x5FFFF  }
0xa9: {  	[dreg:$0x1] =	wrdreg $0xFFFFFFFF  }
0xaa: {  	[dreg:$0x0] =	wrdreg $0x60  }
0xab: {  	[dreg:$0x2] =	wrdreg s22  }
0xac: {  	[dreg:$0x3] =	wrdreg $0xB  }
0xad: {  	_ =	task.clear_ibuf [dreg:s4], $0x4FFFF;
	_ =	strace $0x9000004C  }
0xae: {  	s26 =	simm.s32 $0xB;
	_ =	strace $0x8000004E  }
0xaf: {  	_ =	swait.ge [sflag:s26], $0x1  }
0xb0: {  	[sflag:s26] =	ssyncadd.s32 $0xFFFFFFFF  }
0xb1: {  	_ =	strace $0x9000004E  }
0xb2: {  	_ =	sfence  }
0xb3: {  	s28 =	sld [smem:$0x0];
	_ =	sdelay $0x1  }
0xb4: {  	s29 =	srdreg.scid  }
0xb5: {  	s30 =	sshll.u32 s29, $0xD;
	s31 =	sshrl.u32 s29, $0x2  }
0xb6: {  	s1 =	sand.u32 $0x1, s29;
	s2 =	sand.u32 $0x4000, s30;
	s0 =	sadd.s32 s31, s28  }
0xb7: {  	s1 =	sor.u32 s2, s1;
	s0 =	sshll.u32 s0, $0x11  }
0xb8: {  	s0 =	sor.u32 s0, s1  }
0xb9: {  	s0 =	sadd.s32 $0x8F2B, s0  }
0xba: {  	[sflag:s0] =	ssyncadd.remote.s32 $0x1  }
0xbb: {  	_ =	sfence.sel $0xFFFF  }
0xbc: {  	[dreg:$0x0] =	wrdreg $0xFFFFFFFF;
	(pc) =	sbr.abs _section_cstart, $3  }
0xbd: {  	[dreg:$0x1] =	wrdreg $0xFFFFFFFF  }
0xbe: {  	_ =	task.clear_ibuf [dreg:s4], $0x2FFFF;
	_ =	strace $0x9FFFFFFF  }
0xbf: {  	(tm) =	ssettm $0x7FFFFFFF  }
tec
execute0_lowered:
.L_overlay_start_1:
0x0: {  	(tag) =	ssettag $0x1  }
0x1: {  	s2 =	rddreg [dreg:$0x0];
	_ =	strace $0x8000004D;
	s0 =	simm.s32 $0x1  }
0x2: {  	v0 =	vimm.s32 $0x0;
	[sflag:s0] =	ssyncpa.u1 $0x0;
	s0 =	simm.s32 $0x408  }
0x3: {  	[tilespmem:s0+$0x70] =	vst v0  }
0x4: {  	[tilespmem:s0+$0x60] =	vst v0  }
0x5: {  	[tilespmem:s0+$0x50] =	vst v0  }
0x6: {  	[tilespmem:s0+$0x40] =	vst v0  }
0x7: {  	[tilespmem:s0+$0x30] =	vst v0  }
0x8: {  	s1 =	sadd.s32 $0x52400, s2;
	s3 =	sadd.s32 $0x3E000, s2;
	s4 =	sadd.s32 $0x290A00, s2;
	[tilespmem:s0+$0x20] =	vst v0  }
0x9: {  	s6 =	sadd.s32 $0x48200, s2;
	s2 =	simm.s32 $0x40;
	[dreg:$0x2] =	wrdreg s3;
	[tilespmem:s0+$0x10] =	vst v0  }
.LBB2_1:
0xa: {  	s2 =	sadd.s32 $0x40, s2;
	[tilespmem:s0+$0x0] =	vst v0;
	s0 =	sadd.s32 $0x80, s0  }
0xb: {  	p0 =	slt.u32 s2, $0x3100;
	[tilespmem:s0+$0x70] =	vst v0  }
0xc: {  	[tilespmem:s0+$0x60] =	vst v0  }
.Ltmp0:
0xd: {  	[tilespmem:s0+$0x50] =	vst v0;
	(pc) =	sbr.rel @p0 .LBB2_1-.Ltmp0, $4  }
0xe: {  	[tilespmem:s0+$0x40] =	vst v0  }
0xf: {  	[tilespmem:s0+$0x30] =	vst v0  }
0x10: {  	[tilespmem:s0+$0x20] =	vst v0  }
0x11: {  	[tilespmem:s0+$0x10] =	vst v0  }
0x12: {  	s5 =	stileid.u32  }
0x13: {  	s2 =	smul.u32 $0x1AD, s5  }
0x14: {  	s3 =	smin.u32 s5, $0xB  }
0x15: {  	s2 =	sadd.s32 s3, s2  }
0x16: {  	p0 =	slt.u32 s5, $0xB;
	s7 =	smul.u32 $0x30, s2;
	s2 =	simm.s32 $0x50A0  }
0x17: {  	s2 =	simm.s32 @!p0 $0x5070  }
0x18: {  	s2 =	sadd.s32 s2, s7  }
0x19: {  	s10 =	smin.u32 s2, $0x50910  }
0x1a: {  	s2 =	ssub.s32 s10, s7  }
0x1b: {  	p0 =	sgt.s32 s2, $0x0  }
0x1c: {  	s26 =	simm.s32 $0x2;
	s2 =	simm.s32 @!p0 $0x0  }
0x1d: {  	s29 =	simm.s32 $0x7;
	s8 =	simm.s32 $0x8;
	s28 =	smulhi.u32 $0x2AAAAAAB, s2  }
0x1e: {  	s31 =	simm.s32 $0x9;
	s12 =	simm.s32 $0x1;
	s22 =	simm.s32 $0x0  }
0x1f: {  	[tilespmem:s0+$0x0] =	vst v0;
	p1 =	por $0x0, $0x0;
	s16 =	simm.s32 $0x80;
	s0 =	sshrl.u32 s28, $0x3  }
0x20: {  	s17 =	simm.s32 $0x400;
	s15 =	simm.s32 $0xA;
	s30 =	smul.u32 $0x30, s0  }
0x21: {  	s19 =	simm.s32 $0x0;
	s21 =	simm.s32 $0x0;
	[sflag:s26] =	ssyncpa.u1 $0x0  }
.Ltmp1:
0x22: {  	v0 =	vimm.s32 $0xFFFFFFFF;
	p0 =	sne.s32 s2, s30;
	s2 =	simm.s32 $0x1;
	(pc) =	sbr.rel .LBB2_3-.Ltmp1, $4  }
0x23: {  	s13 =	sshll.u32 s5, $0xA;
	[tilespmem:$0xC808] =	vst v0;
	[sflag:s29] =	ssyncpa.u1 $0x0;
	s2 =	simm.s32 @!p0 $0x0  }
0x24: {  	[dreg:$0x4] =	wrdreg s13;
	[sflag:s8] =	ssyncpa.u1 $0x0;
	s11 =	sadd.s32 s2, s0  }
0x25: {  	[sflag:s31] =	ssyncpa.u1 $0x0;
	s14 =	sadd.s32 $0x1, s11;
	[dreg:$0x3] =	wrdreg s11  }
0x26: {  	v0 =	vlaneseq.u32;
	s20 =	smov.u32 s7;
	p0 =	por $0x1, $0x1;
	[dreg:$0x5] =	wrdreg s14  }
.LBB2_32:
0x27: {  	s0 =	sshrl.u32 s30, $0x2  }
.LBB2_34:
0x28: {  	_ =	swait.ge [sflag:s15], s0  }
0x29: {  	s31 =	ssub.s32 $0x0, s0;
	v1 =	vmov s24;
	vm0 =	veq.s32 v0, $0x0;
	[sflag:s15] =	ssyncset.done $0x0  }
0x2a: {  	vm15 =	veq.s32 v0, $0x2;
	v1 =	vsel vm0, s29, v1;
	[sflag:s15] =	ssyncadd.s32 s31  }
0x2b: {  	v1 =	vsel vm15, s22, v1;
	[sflag:s15] =	ssyncpa.u1 $0x1  }
0x2c: {  	[tilespmem:$0xC808] =	vst v1  }
.LBB2_35:
0x2d: {  	s0 =	sadd.s32 $0x30, s20  }
0x2e: {  	s2 =	smov.u32 s7;
	p2 =	slt.s32 s0, s10  }
0x2f: {  	s2 =	smov.u32 @p2 s0;
	p2 =	sne.s32 s21, s14  }
.Ltmp2:
0x30: {  	_ = 	snop;
	(pc) =	sbr.rel @!p2 .LBB2_36-.Ltmp2, $4  }
0x31: {  	_ = 	snop  }
0x32: {  	s22 =	smov.u32 s19  }
0x33: {  	s31 =	sadd.s32 $0x1, s21;
	s19 =	smov.u32 s20;
	p0 =	por !p0, !p0  }
0x34: {  	p1 =	por !p1, !p1;
	s21 =	smov.u32 s31;
	s20 =	smov.u32 s2  }
.LBB2_3:
0x35: {  	p2 =	sge.u32 s21, s11  }
0x36: {  	s0 =	smulhi.u32 @!p2 $0xAAAAAAAB, s21  }
0x37: {  	s2 =	smov.u32 s20;
	p3 =	sgt.s32 @!p2 s20, $0x508E0  }
0x38: {  	s3 =	sshra.s32 @!p2 s20, $0x1F;
	p3 =	por !p3, p2;
	s0 =	sshrl.u32 @!p2 s0, $0x1  }
0x39: {  	s3 =	sand.u32 @!p2 s3, s20;
	s2 =	simm.s32 @p3 $0x508E0;
	s0 =	smul.u32 @!p2 $0x3, s0  }
0x3a: {  	s2 =	ssub.s32 @!p2 s2, s3  }
0x3b: {  	s2 =	sadd.s32 @!p2 $0xFFFAF720, s2;
	s0 =	ssub.s32 @!p2 s21, s0  }
0x3c: {  	s3 =	sshll.u32 @!p2 s2, $0x2;
	p3 =	sgt.s32 @!p2 s2, $0x2F;
	s0 =	smul.u32 @!p2 $0xC0, s0  }
0x3d: {  	s8 =	sand.u32 @!p2 $0x7, s20;
	s2 =	ssub.s32 @!p2 $0xC0, s3;
	p3 =	por !p3, p2  }
0x3e: {  	s3 =	sshrl.u32 @!p2 s20, $0x3;
	s2 =	sshrl.u32 @!p2 s2, $0x2;
	s0 =	sshrl.u32 @!p2 s0, $0x2  }
0x3f: {  	s3 =	sadd.s32 @!p2 s6, s3;
	s2 =	simm.s32 @!p3 $0x0;
	s0 =	sadd.s32 @!p2 $0x10838, s0  }
0x40: {  	[tilespmem:s0], [sflag:$0x8] =	stream.linear.gather @!p2 [hbm4b:s3+s8], s2, $0x38;
	[tilespmem:$0x1C928] =	vst v63  }
0x41: {  	s0 =	sadd.s32 $0xFFFFFFFF, s21  }
0x42: {  	p2 =	slt.u32 s0, s11  }
.Ltmp3:
0x43: {  	_ = 	snop;
	(pc) =	sbr.rel @!p2 .LBB2_11-.Ltmp3, $1  }
0x44: {  	_ =	sdelay $0x3  }
0x45: {  	p2 =	sgt.s32 s19, $0x508E0;
	s2 =	smov.u32 s19;
	s3 =	sshra.s32 s19, $0x1F  }
0x46: {  	s24 =	smulhi.u32 $0xAAAAAAAB, s0;
	s2 =	simm.s32 @!p2 $0x508E0;
	s3 =	sand.u32 s3, s19  }
0x47: {  	s2 =	ssub.s32 s2, s3  }
0x48: {  	s25 =	sand.u32 $0x1, s0;
	s3 =	sshrl.u32 s24, $0x1;
	s2 =	sadd.s32 $0xFFFAF720, s2  }
0x49: {  	s5 =	simm.s32 $0x8;
	s3 =	smul.u32 $0x3, s3;
	s8 =	sshll.u32 s2, $0x2  }
0x4a: {  	s9 =	sshrl.u32 s19, $0x3;
	s28 =	smul.u32 $0xC0, s25;
	s8 =	ssub.s32 $0xC0, s8  }
0x4b: {  	p2 =	sgt.s32 s2, $0x2F;
	s26 =	ssub.s32 s0, s3;
	s2 =	sshrl.u32 s8, $0x2  }
0x4c: {  	s3 =	sshrl.u32 s28, $0x2;
	s0 =	smul.u32 $0xC0, s26;
	s2 =	simm.s32 @p2 $0x0  }
0x4d: {  	s3 =	sor.u32 $0x108C8, s3;
	_ =	swait.ge [sflag:s5], s2;
	s29 =	ssub.s32 $0x0, s2  }
0x4e: {  	s24 =	sshrl.u32 s0, $0x2;
	[sflag:s5] =	ssyncset.done $0x0;
	s30 =	rddreg [dreg:$0x2]  }
0x4f: {  	[sflag:s5] =	ssyncadd.s32 s29;
	s31 =	sadd.s32 s30, s9;
	s5 =	sand.u32 $0x7, s19  }
0x50: {  	[tilespmem:s3], [sflag:$0x9] =	stream.linear.gather [hbm4b:s31+s5], s2, $0x38;
	[tilespmem:$0x1C928] =	vst v63  }
0x51: {  	v1 =	vld.msk [tilespmem:s24+$0x10838], $0xffff;
	_ =	sdelay $0x3  }
0x52: {  	s13 =	simm.s32 $0x0  }
0x53: {  	(v2sf) =	vpush v1, s13;
	_ =	sdelay $0x5  }
0x54: {  	s18 =	simm.s32 $0x1  }
0x55: {  	(v2sf) =	vpush v1, s18;
	_ =	sdelay $0x4  }
0x56: {  	s29 =	simm.s32 $0x2  }
0x57: {  	(v2sf) =	vpush v1, s29  }
0x58: {  	s30 =	simm.s32 $0x3  }
0x59: {  	s23 =	spop (v2sf);
	(v2sf) =	vpush v1, s30  }
0x5a: {  	s0 =	simm.s32 $0x1  }
0x5b: {  	s0 =	simm.s32 @!p0 $0x0  }
0x5c: {  	s0 =	smul.u32 $0x18000, s0;
	s25 =	sshll.u32 s23, $0x9;
	s2 =	sshll.u32 s23, $0x7  }
0x5d: {  	s3 =	sand.u32 $0xFFFFF000, s25;
	s2 =	sand.u32 $0x380, s2  }
0x5e: {  	s26 =	sshrl.u32 s0, $0x2;
	s28 =	sor.u32 s2, s3  }
0x5f: {  	s0 =	sor.u32 $0x10928, s26;
	s23 =	sadd.s32 $0x14928, s26;
	s2 =	sshrl.u32 s28, $0x3  }
0x60: {  	s31 =	spop (v2sf);
	s25 =	sadd.s32 $0x12928, s26;
	s2 =	sadd.s32 s4, s2  }
0x61: {  	[tilespmem:s0], [sflag:$0x7] =	stream.strided.gather [hbm4b:s2+s16], $0x200, s17, s16, $0x38;
	[tilespmem:$0x1C928] =	vst v63  }
0x62: {  	s8 =	sshll.u32 s31, $0x7;
	s3 =	sshll.u32 s31, $0x9;
	s2 =	simm.s32 $0x4  }
.LBB2_5:
0x63: {  	(v2sf) =	vpush v1, s2;
	s3 =	sand.u32 $0xFFFFF000, s3;
	s8 =	sand.u32 $0x380, s8;
	p2 =	seq.s32 s2, $0xF  }
.Ltmp4:
0x64: {  	s2 =	sadd.s32 $0x1, s2;
	s3 =	sor.u32 s8, s3;
	(pc) =	sbr.rel @!p2 .LBB2_5-.Ltmp4, $4  }
0x65: {  	s3 =	sshrl.u32 s3, $0x3  }
0x66: {  	s0 =	sadd.s32 $0x200, s0;
	s8 =	spop (v2sf);
	s3 =	sadd.s32 s4, s3  }
0x67: {  	[tilespmem:s0], [sflag:$0x7] =	stream.strided.gather [hbm4b:s3+s16], $0x200, s17, s16, $0x38;
	[tilespmem:$0x1C928] =	vst v63  }
0x68: {  	s3 =	sshll.u32 s8, $0x9;
	s8 =	sshll.u32 s8, $0x7  }
0x69: {  	s2 =	sand.u32 $0xFFFFF000, s3;
	s30 =	sand.u32 $0x380, s8  }
0x6a: {  	s2 =	sor.u32 s30, s2  }
0x6b: {  	s31 =	spop (v2sf);
	s0 =	sadd.s32 $0x200, s0;
	s2 =	sshrl.u32 s2, $0x3  }
0x6c: {  	s5 =	sshll.u32 s31, $0x9;
	s3 =	sshll.u32 s31, $0x7;
	s2 =	sadd.s32 s4, s2  }
0x6d: {  	[tilespmem:s0], [sflag:$0x7] =	stream.strided.gather [hbm4b:s2+s16], $0x200, s17, s16, $0x38;
	[tilespmem:$0x1C928] =	vst v63  }
0x6e: {  	s3 =	sand.u32 $0x380, s3;
	s2 =	sand.u32 $0xFFFFF000, s5  }
0x6f: {  	s2 =	sor.u32 s3, s2  }
0x70: {  	s2 =	sshrl.u32 s2, $0x3  }
0x71: {  	s0 =	sadd.s32 $0x200, s0;
	s2 =	sadd.s32 s4, s2  }
0x72: {  	[tilespmem:s0], [sflag:$0x7] =	stream.strided.gather [hbm4b:s2+s16], $0x200, s17, s16, $0x38;
	[tilespmem:$0x1C928] =	vst v63  }
0x73: {  	s8 =	spop (v2sf)  }
0x74: {  	s9 =	sshll.u32 s8, $0x9;
	s3 =	sshll.u32 s8, $0x7  }
0x75: {  	s2 =	sand.u32 $0xFFFFF000, s9;
	s3 =	sand.u32 $0x380, s3  }
0x76: {  	s2 =	sor.u32 s3, s2  }
0x77: {  	s2 =	sshrl.u32 s2, $0x3  }
0x78: {  	s0 =	sadd.s32 $0x200, s0;
	s2 =	sadd.s32 s4, s2  }
0x79: {  	[tilespmem:s0], [sflag:$0x7] =	stream.strided.gather [hbm4b:s2+s16], $0x200, s17, s16, $0x38;
	[tilespmem:$0x1C928] =	vst v63  }
0x7a: {  	v1 =	vld.msk [tilespmem:s24+$0x10848], $0xffff;
	_ =	sdelay $0x3  }
0x7b: {  	s13 =	simm.s32 $0x0  }
0x7c: {  	(v2sf) =	vpush v1, s13;
	_ =	sdelay $0x7  }
0x7d: {  	s18 =	simm.s32 $0x1  }
0x7e: {  	(v2sf) =	vpush v1, s18;
	_ =	sdelay $0x4  }
0x7f: {  	s29 =	simm.s32 $0x2  }
0x80: {  	s26 =	spop (v2sf);
	(v2sf) =	vpush v1, s29  }
0x81: {  	s30 =	simm.s32 $0x3  }
0x82: {  	(v2sf) =	vpush v1, s30;
	_ =	sdelay $0x2  }
0x83: {  	s28 =	sshll.u32 s26, $0x9;
	s0 =	sshll.u32 s26, $0x7  }
0x84: {  	s2 =	sand.u32 $0xFFFFF000, s28;
	s0 =	sand.u32 $0x380, s0  }
0x85: {  	s0 =	sor.u32 s0, s2  }
0x86: {  	s0 =	sshrl.u32 s0, $0x3  }
0x87: {  	s31 =	spop (v2sf);
	s0 =	sadd.s32 s4, s0  }
0x88: {  	[tilespmem:s25], [sflag:$0x7] =	stream.strided.gather [hbm4b:s0+s16], $0x200, s17, s16, $0x38;
	[tilespmem:$0x1C928] =	vst v63  }
0x89: {  	s3 =	sshll.u32 s31, $0x7;
	s2 =	sshll.u32 s31, $0x9;
	s0 =	simm.s32 $0x4  }
.LBB2_7:
0x8a: {  	(v2sf) =	vpush v1, s0;
	s2 =	sand.u32 $0xFFFFF000, s2;
	s3 =	sand.u32 $0x380, s3;
	p2 =	sne.s32 s0, $0xF  }
.Ltmp5:
0x8b: {  	s0 =	sadd.s32 $0x1, s0;
	s2 =	sor.u32 s3, s2;
	(pc) =	sbr.rel @p2 .LBB2_7-.Ltmp5, $4  }
0x8c: {  	s2 =	sshrl.u32 s2, $0x3  }
0x8d: {  	s25 =	sadd.s32 $0x200, s25;
	s3 =	spop (v2sf);
	s2 =	sadd.s32 s4, s2  }
0x8e: {  	[tilespmem:s25], [sflag:$0x7] =	stream.strided.gather [hbm4b:s2+s16], $0x200, s17, s16, $0x38;
	[tilespmem:$0x1C928] =	vst v63  }
0x8f: {  	s2 =	sshll.u32 s3, $0x9;
	s3 =	sshll.u32 s3, $0x7  }
0x90: {  	s0 =	sand.u32 $0xFFFFF000, s2;
	s31 =	sand.u32 $0x380, s3  }
0x91: {  	s0 =	sor.u32 s31, s0  }
0x92: {  	s3 =	spop (v2sf);
	s5 =	sadd.s32 $0x200, s25;
	s0 =	sshrl.u32 s0, $0x3  }
0x93: {  	s8 =	sshll.u32 s3, $0x9;
	s2 =	sshll.u32 s3, $0x7;
	s0 =	sadd.s32 s4, s0  }
0x94: {  	[tilespmem:s5], [sflag:$0x7] =	stream.strided.gather [hbm4b:s0+s16], $0x200, s17, s16, $0x38;
	[tilespmem:$0x1C928] =	vst v63  }
0x95: {  	s2 =	sand.u32 $0x380, s2;
	s0 =	sand.u32 $0xFFFFF000, s8  }
0x96: {  	s0 =	sor.u32 s2, s0  }
0x97: {  	s0 =	sshrl.u32 s0, $0x3  }
0x98: {  	s3 =	sadd.s32 $0x200, s5;
	s0 =	sadd.s32 s4, s0  }
0x99: {  	[tilespmem:s3], [sflag:$0x7] =	stream.strided.gather [hbm4b:s0+s16], $0x200, s17, s16, $0x38;
	[tilespmem:$0x1C928] =	vst v63  }
0x9a: {  	s9 =	spop (v2sf)  }
0x9b: {  	s13 =	sshll.u32 s9, $0x9;
	s2 =	sshll.u32 s9, $0x7  }
0x9c: {  	s0 =	sand.u32 $0xFFFFF000, s13;
	s2 =	sand.u32 $0x380, s2  }
0x9d: {  	s0 =	sor.u32 s2, s0  }
0x9e: {  	s0 =	sshrl.u32 s0, $0x3  }
0x9f: {  	s18 =	sadd.s32 $0x200, s3;
	s0 =	sadd.s32 s4, s0  }
0xa0: {  	[tilespmem:s18], [sflag:$0x7] =	stream.strided.gather [hbm4b:s0+s16], $0x200, s17, s16, $0x38;
	[tilespmem:$0x1C928] =	vst v63  }
0xa1: {  	v1 =	vld.msk [tilespmem:s24+$0x10858], $0xffff;
	_ =	sdelay $0x3  }
0xa2: {  	s24 =	simm.s32 $0x0  }
0xa3: {  	(v2sf) =	vpush v1, s24;
	_ =	sdelay $0x7  }
0xa4: {  	s25 =	simm.s32 $0x1  }
0xa5: {  	(v2sf) =	vpush v1, s25;
	_ =	sdelay $0x4  }
0xa6: {  	s29 =	simm.s32 $0x2  }
0xa7: {  	s26 =	spop (v2sf);
	(v2sf) =	vpush v1, s29  }
0xa8: {  	s30 =	simm.s32 $0x3  }
0xa9: {  	(v2sf) =	vpush v1, s30;
	_ =	sdelay $0x2  }
0xaa: {  	s28 =	sshll.u32 s26, $0x9;
	s0 =	sshll.u32 s26, $0x7  }
0xab: {  	s2 =	sand.u32 $0xFFFFF000, s28;
	s0 =	sand.u32 $0x380, s0  }
0xac: {  	s0 =	sor.u32 s0, s2  }
0xad: {  	s0 =	sshrl.u32 s0, $0x3  }
0xae: {  	s31 =	spop (v2sf);
	s0 =	sadd.s32 s4, s0  }
0xaf: {  	[tilespmem:s23], [sflag:$0x7] =	stream.strided.gather [hbm4b:s0+s16], $0x200, s17, s16, $0x38;
	[tilespmem:$0x1C928] =	vst v63  }
0xb0: {  	s3 =	sshll.u32 s31, $0x7;
	s2 =	sshll.u32 s31, $0x9;
	s0 =	simm.s32 $0x4  }
.LBB2_9:
0xb1: {  	(v2sf) =	vpush v1, s0;
	s2 =	sand.u32 $0xFFFFF000, s2;
	s3 =	sand.u32 $0x380, s3;
	p2 =	seq.s32 s0, $0xF  }
.Ltmp6:
0xb2: {  	s0 =	sadd.s32 $0x1, s0;
	s2 =	sor.u32 s3, s2;
	(pc) =	sbr.rel @!p2 .LBB2_9-.Ltmp6, $4  }
0xb3: {  	s2 =	sshrl.u32 s2, $0x3  }
0xb4: {  	s23 =	sadd.s32 $0x200, s23;
	s3 =	spop (v2sf);
	s2 =	sadd.s32 s4, s2  }
0xb5: {  	[tilespmem:s23], [sflag:$0x7] =	stream.strided.gather [hbm4b:s2+s16], $0x200, s17, s16, $0x38;
	[tilespmem:$0x1C928] =	vst v63  }
0xb6: {  	s2 =	sshll.u32 s3, $0x9;
	s3 =	sshll.u32 s3, $0x7  }
0xb7: {  	s0 =	sand.u32 $0xFFFFF000, s2;
	s24 =	sand.u32 $0x380, s3  }
0xb8: {  	s0 =	sor.u32 s24, s0  }
0xb9: {  	s25 =	spop (v2sf);
	s26 =	sadd.s32 $0x200, s23;
	s0 =	sshrl.u32 s0, $0x3  }
0xba: {  	s28 =	sshll.u32 s25, $0x9;
	s2 =	sshll.u32 s25, $0x7;
	s0 =	sadd.s32 s4, s0  }
0xbb: {  	[tilespmem:s26], [sflag:$0x7] =	stream.strided.gather [hbm4b:s0+s16], $0x200, s17, s16, $0x38;
	[tilespmem:$0x1C928] =	vst v63  }
0xbc: {  	s2 =	sand.u32 $0x380, s2;
	s0 =	sand.u32 $0xFFFFF000, s28  }
0xbd: {  	s0 =	sor.u32 s2, s0  }
0xbe: {  	s0 =	sshrl.u32 s0, $0x3  }
0xbf: {  	s3 =	sadd.s32 $0x200, s26;
	s0 =	sadd.s32 s4, s0  }
0xc0: {  	[tilespmem:s3], [sflag:$0x7] =	stream.strided.gather [hbm4b:s0+s16], $0x200, s17, s16, $0x38;
	[tilespmem:$0x1C928] =	vst v63  }
0xc1: {  	s29 =	spop (v2sf)  }
0xc2: {  	s30 =	sshll.u32 s29, $0x9;
	s2 =	sshll.u32 s29, $0x7  }
0xc3: {  	s0 =	sand.u32 $0xFFFFF000, s30;
	s2 =	sand.u32 $0x380, s2  }
0xc4: {  	s0 =	sor.u32 s2, s0  }
0xc5: {  	s0 =	sshrl.u32 s0, $0x3  }
0xc6: {  	s31 =	sadd.s32 $0x200, s3;
	s0 =	sadd.s32 s4, s0  }
0xc7: {  	[tilespmem:s31], [sflag:$0x7] =	stream.strided.gather [hbm4b:s0+s16], $0x200, s17, s16, $0x38;
	[tilespmem:$0x1C928] =	vst v63  }
.LBB2_11:
0xc8: {  	p2 =	slt.u32 s21, $0x2  }
.Ltmp7:
0xc9: {  	_ = 	snop;
	(pc) =	sbr.rel @p2 .LBB2_35-.Ltmp7, $1  }
0xca: {  	_ =	sdelay $0x3  }
0xcb: {  	p2 =	sgt.s32 s22, $0x508E0;
	s0 =	smov.u32 s22;
	s2 =	sshra.s32 s22, $0x1F  }
0xcc: {  	s0 =	simm.s32 @!p2 $0x508E0;
	s2 =	sand.u32 s2, s22  }
0xcd: {  	s0 =	ssub.s32 s0, s2  }
0xce: {  	s0 =	sadd.s32 $0xFFFAF720, s0  }
0xcf: {  	s3 =	simm.s32 $0x7;
	s28 =	sshll.u32 s0, $0x2  }
0xd0: {  	_ =	swait.ge [sflag:s3], $0x6000;
	s2 =	ssub.s32 $0xC0, s28  }
0xd1: {  	[sflag:s3] =	ssyncset.done $0x0;
	p2 =	sgt.s32 s0, $0x2F;
	s0 =	sshrl.u32 s2, $0x2  }
0xd2: {  	s29 =	simm.s32 $0x9;
	[sflag:s3] =	ssyncadd.s32 $0xFFFFA000;
	s0 =	simm.s32 @p2 $0x0  }
0xd3: {  	_ =	swait.ge [sflag:s29], s0  }
0xd4: {  	s0 =	ssub.s32 $0x0, s0;
	[sflag:s29] =	ssyncset.done $0x0  }
0xd5: {  	[sflag:s29] =	ssyncadd.s32 s0  }
0xd6: {  	v1 =	vld [tilespmem:$0xC808];
	_ =	sdelay $0x4  }
0xd7: {  	(v2sf) =	vpush v1, $0x0  }
0xd8: {  	(v2sf) =	vpush v1, $0x1  }
0xd9: {  	(v2sf) =	vpush v1, $0x2;
	_ =	sdelay $0x3  }
0xda: {  	s2 =	sadd.s32 $0x30, s22  }
0xdb: {  	s3 =	ssub.s32 $0x50910, s22;
	p2 =	slt.s32 s10, s2  }
0xdc: {  	s2 =	smov.u32 @p2 s10;
	p2 =	sgt.s32 s3, $0x0  }
0xdd: {  	s23 =	ssub.s32 s2, s22;
	s3 =	simm.s32 @!p2 $0x0  }
0xde: {  	p2 =	slt.s32 s3, s23  }
0xdf: {  	s23 =	smov.u32 @p2 s3  }
0xe0: {  	s0 =	simm.s32 $0x1;
	p2 =	slt.s32 s23, $0x1  }
.Ltmp8:
0xe1: {  	s0 =	simm.s32 @!p1 $0x0;
	(pc) =	sbr.rel @p2 .LBB2_16-.Ltmp8, $4  }
0xe2: {  	s8 =	smul.u32 $0xC0, s0  }
0xe3: {  	s2 =	spop (v2sf)  }
0xe4: {  	s31 =	sshrl.u32 s8, $0x2;
	s25 =	spop (v2sf)  }
0xe5: {  	s30 =	sor.u32 $0x108C8, s31;
	s22 =	spop (v2sf)  }
0xe6: {  	s3 =	smin.u32 s23, $0x10  }
0xe7: {  	v1 =	vmov s3  }
0xe8: {  	vm1 =	vgt.u32 v1, v0  }
0xe9: {  	p3 =	sgt.s32 s23, $0x10  }
.Ltmp9:
0xea: {  	_ = 	snop;
	(pc) =	sbr.rel @!p3 .LBB2_15-.Ltmp9, $2  }
0xeb: {  	_ =	sdelay $0x2  }
0xec: {  	s8 =	simm.s32 $0x10;
	s24 =	sadd.s32 $0xFFFFFFF0, s23;
	s3 =	smov.u32 s30;
	vm0 =	vmmov vm1;
	v1 =	vld.msk [tilespmem:s30+$0x0 ss:$0x1], vm1  }
.LBB2_14:
0xed: {  	s9 =	smin.u32 s24, $0x10;
	s8 =	sadd.s32 $0x10, s8  }
0xee: {  	v2 =	vmov s9;
	p3 =	slt.s32 s8, s23  }
0xef: {  	vm1 =	vgt.u32 v2, v0;
	_ =	sdelay $0x1  }
0xf0: {  	v2 =	vshll.u32 v1, $0x6;
	v1 =	vshll.u32 v1, $0x4  }
.Ltmp10:
0xf1: {  	v2 =	vand.u32 $0xFFFFFE00, v2;
	v1 =	vand.u32 $0x70, v1;
	(pc) =	sbr.rel @p3 .LBB2_14-.Ltmp10, $4  }
0xf2: {  	v1 =	vor.u32 v1, v2  }
0xf3: {  	[tilespmem:s3+$0x0] =	vst.msk vm0, v1;
	s3 =	sadd.s32 $0x10, s3;
	vm0 =	vmmov vm1  }
0xf4: {  	v1 =	vld.msk [tilespmem:s3+$0x0 ss:$0x1], vm1  }
0xf5: {  	s24 =	sadd.s32 $0xFFFFFFF0, s24  }
.LBB2_15:
0xf6: {  	_ =	sdelay $0x3  }
0xf7: {  	v2 =	vshll.u32 v1, $0x6;
	v1 =	vshll.u32 v1, $0x4  }
0xf8: {  	v2 =	vand.u32 $0xFFFFFE00, v2;
	v1 =	vand.u32 $0x70, v1  }
0xf9: {  	v1 =	vor.u32 v1, v2  }
0xfa: {  	[tilespmem:s3+$0x0] =	vst.msk vm0, v1  }
.LBB2_16:
0xfb: {  	s3 =	sand.u32 $0x1, s21  }
0xfc: {  	s3 =	smul.u32 $0x30, s3  }
0xfd: {  	p3 =	sne.s32 s25, $0xFFFFFFFF  }
0xfe: {  	v1 =	vld.msk @!p3 [tilespmem:s3+$0x108C8], $0x1;
	_ =	sdelay $0x4  }
0xff: {  	(v2sf) =	vpush @!p3 v1, $0x0;
	_ =	sdelay $0xc  }
.Ltmp11:
0x100: {  	_ = 	snop;
	(pc) =	sbr.rel @p2 .LBB2_33-.Ltmp11, $4  }
0x101: {  	_ = 	snop  }
0x102: {  	s28 =	spop @!p3 (v2sf)  }
0x103: {  	s22 =	simm.s32 @!p3 $0x0;
	s24 =	smov.u32 s28  }
0x104: {  	[sflag:s15] =	ssyncpa.u1 $0x0;
	s28 =	smov.u32 @p3 s2;
	s24 =	smov.u32 @p3 s25  }
0x105: {  	v1 =	vld.msk [tilespmem:s30+$0x0], $0x1;
	_ =	sdelay $0x4  }
0x106: {  	(v2sf) =	vpush v1, $0x0;
	_ =	sdelay $0xe  }
0x107: {  	s2 =	smul.u32 $0x18000, s0;
	s0 =	spop (v2sf)  }
0x108: {  	s14 =	smov.u32 s10;
	s13 =	smov.u32 s7;
	p2 =	seq.s32 s28, s0  }
0x109: {  	s7 =	smov.u32 s6;
	s29 =	sadd.s32 $0x108C8, s3;
	p3 =	sgt.s32 @!p2 s28, $0x0  }
0x10a: {  	s18 =	ssub.s32 $0x0, s23;
	s3 =	smov.u32 s28;
	p3 =	por !p3, p2  }
0x10b: {  	s26 =	simm.s32 $0x0;
	s30 =	sadd.s32 $0x1, s30;
	s3 =	simm.s32 @p3 $0x0  }
0x10c: {  	s31 =	sadd.s32 $0x1, s18;
	s8 =	simm.s32 @!p2 $0x6608;
	s9 =	smin.u32 @!p2 s3, $0x9C270  }
0x10d: {  	p3 =	seq.s32 s31, $0x0;
	s3 =	sand.u32 @!p2 $0xFFFF8, s9;
	s10 =	sadd.s32 @!p2 $0x80, s9  }
0x10e: {  	s5 =	sadd.s32 @!p2 s1, s3;
	s3 =	sand.u32 @!p2 $0x7, s9;
	s10 =	sand.u32 @!p2 $0x1FFFF8, s10  }
0x10f: {  	[tilespmem:s8], [sflag:$0x2] =	stream.linear.gather @!p2 [hbm4b:s5+s3], $0x80, $0x38;
	[tilespmem:$0x1C928] =	vst v63  }
0x110: {  	s11 =	sadd.s32 @!p2 $0x100, s9;
	s5 =	simm.s32 @!p2 $0x6688;
	s8 =	sadd.s32 @!p2 s1, s10  }
0x111: {  	[tilespmem:s5], [sflag:$0x2] =	stream.linear.gather @!p2 [hbm4b:s8+s3], $0x80, $0x38;
	[tilespmem:$0x1C928] =	vst v63  }
.Ltmp12:
0x112: {  	s2 =	sshrl.u32 s2, $0x2;
	s10 =	sand.u32 @!p2 $0x1FFFF8, s11;
	(pc) =	sbr.rel @p3 .LBB2_19-.Ltmp12, $4  }
0x113: {  	s5 =	simm.s32 @!p2 $0x6708;
	s8 =	sadd.s32 @!p2 $0x180, s9;
	s9 =	sadd.s32 @!p2 s1, s10  }
0x114: {  	[tilespmem:s5], [sflag:$0x2] =	stream.linear.gather @!p2 [hbm4b:s9+s3], $0x80, $0x38;
	[tilespmem:$0x1C928] =	vst v63  }
0x115: {  	s25 =	sor.u32 $0x10928, s2;
	s2 =	simm.s32 @!p2 $0x1;
	s5 =	sand.u32 @!p2 $0x1FFFF8, s8  }
0x116: {  	s2 =	smov.u32 @p2 s26;
	s8 =	simm.s32 @!p2 $0x6788;
	s9 =	sadd.s32 @!p2 s1, s5  }
.LBB2_18:
0x117: {  	s5 =	smov.u32 s2  }
0x118: {  	[tilespmem:s8], [sflag:$0x2] =	stream.linear.gather @!p2 [hbm4b:s9+s3], $0x80, $0x38;
	[tilespmem:$0x1C928] =	vst v63  }
0x119: {  	s31 =	sadd.s32 $0x1, s31;
	s3 =	smov.u32 s0  }
0x11a: {  	p3 =	seq.s32 s31, $0x0;
	v1 =	vld.msk [tilespmem:s30+$0x0], $0x1;
	_ =	sdelay $0x4  }
0x11b: {  	(v2sf) =	vpush v1, $0x0;
	_ =	sdelay $0xe  }
0x11c: {  	s0 =	spop (v2sf)  }
0x11d: {  	p2 =	seq.s32 s3, s0  }
0x11e: {  	p4 =	sgt.s32 @!p2 s3, $0x0  }
0x11f: {  	s8 =	sshll.u32 @!p2 s2, $0xB;
	s2 =	sadd.s32 @!p2 $0x1, s2;
	p4 =	por !p4, p2  }
0x120: {  	s8 =	sshra.s32 @!p2 s8, $0x2;
	s2 =	smov.u32 @p2 s5;
	s3 =	simm.s32 @p4 $0x0  }
0x121: {  	s5 =	sadd.s32 @!p2 $0x6608, s8;
	s9 =	sadd.s32 @!p2 $0x6688, s8;
	s10 =	smin.u32 @!p2 s3, $0x9C270  }
0x122: {  	s11 =	sadd.s32 @!p2 $0x6708, s8;
	s8 =	sadd.s32 @!p2 $0x6788, s8;
	s3 =	sand.u32 @!p2 $0xFFFF8, s10  }
0x123: {  	s15 =	sadd.s32 @!p2 $0x80, s10;
	s6 =	sadd.s32 @!p2 $0x100, s10;
	s18 =	sadd.s32 @!p2 s1, s3  }
0x124: {  	s3 =	sand.u32 @!p2 $0x7, s10;
	s15 =	sand.u32 @!p2 $0x1FFFF8, s15;
	s6 =	sand.u32 @!p2 $0x1FFFF8, s6  }
0x125: {  	[tilespmem:s5], [sflag:$0x2] =	stream.linear.gather @!p2 [hbm4b:s18+s3], $0x80, $0x38;
	[tilespmem:$0x1C928] =	vst v63  }
.Ltmp13:
0x126: {  	s10 =	sadd.s32 @!p2 $0x180, s10;
	s5 =	sadd.s32 @!p2 s1, s15;
	(pc) =	sbr.rel @!p3 .LBB2_18-.Ltmp13, $4  }
0x127: {  	[tilespmem:s9], [sflag:$0x2] =	stream.linear.gather @!p2 [hbm4b:s5+s3], $0x80, $0x38;
	[tilespmem:$0x1C928] =	vst v63  }
0x128: {  	s5 =	sadd.s32 @!p2 s1, s6;
	s6 =	sand.u32 @!p2 $0x1FFFF8, s10  }
0x129: {  	[tilespmem:s11], [sflag:$0x2] =	stream.linear.gather @!p2 [hbm4b:s5+s3], $0x80, $0x38;
	[tilespmem:$0x1C928] =	vst v63  }
0x12a: {  	s30 =	sadd.s32 $0x1, s30;
	s9 =	sadd.s32 @!p2 s1, s6  }
.LBB2_19:
0x12b: {  	[tilespmem:s8], [sflag:$0x2] =	stream.linear.gather @!p2 [hbm4b:s9+s3], $0x80, $0x38;
	[tilespmem:$0x1C928] =	vst v63  }
0x12c: {  	s0 =	sshll.u32 s2, $0x9;
	s18 =	simm.s32 $0x2  }
.Ltmp14:
0x12d: {  	s30 =	simm.s32 $0x0;
	s0 =	sand.u32 $0x3FFFFE00, s0;
	(pc) =	sbr.rel .LBB2_20-.Ltmp14, $4  }
0x12e: {  	s31 =	simm.s32 $0x0;
	s6 =	smov.u32 s7;
	_ =	swait.ge [sflag:s18], s0  }
0x12f: {  	s7 =	smov.u32 s13;
	s10 =	smov.u32 s14;
	s11 =	rddreg [dreg:$0x3]  }
0x130: {  	s0 =	ssub.s32 $0x0, s0;
	[sflag:s18] =	ssyncset.done $0x0;
	s13 =	rddreg [dreg:$0x4]  }
0x131: {  	v1 =	vmov s29;
	s15 =	simm.s32 $0xA;
	s14 =	rddreg [dreg:$0x5];
	[sflag:s18] =	ssyncadd.s32 s0  }
.LBB2_30:
0x132: {  	[tilespmem:s0+$0x0] =	vst v2;
	s26 =	sadd.s32 $0x1, s26  }
.LBB2_31:
0x133: {  	s31 =	sadd.s32 $0x1, s31  }
0x134: {  	p2 =	sne.s32 s31, s23  }
.Ltmp15:
0x135: {  	_ = 	snop;
	(pc) =	sbr.rel @!p2 .LBB2_32-.Ltmp15, $2  }
0x136: {  	_ =	sdelay $0x2  }
0x137: {  	s25 =	sadd.s32 $0x200, s25;
	s28 =	smov.u32 s29  }
.LBB2_20:
0x138: {  	_ =	sdelay $0x3  }
0x139: {  	v2 =	vld.idx.msk [tilespmem:v1+s31+$0x0 ss:$0x1], $0x1;
	_ =	sdelay $0x4  }
0x13a: {  	(v2sf) =	vpush v2, $0x0;
	_ =	sdelay $0xe  }
0x13b: {  	s29 =	spop (v2sf)  }
0x13c: {  	p2 =	sne.s32 s28, s29  }
.Ltmp16:
0x13d: {  	_ = 	snop;
	(pc) =	sbr.rel @p2 .LBB2_24-.Ltmp16, $3  }
0x13e: {  	_ =	sdelay $0x1  }
0x13f: {  	s0 =	sshll.u32 s22, $0xB  }
0x140: {  	s0 =	sshra.s32 s0, $0x2  }
0x141: {  	s0 =	sadd.s32 $0x408, s0;
	s2 =	simm.s32 $0x0;
	v2 =	vld [tilespmem:s25+$0x0];
	s3 =	smov.u32 s25  }
.LBB2_22:
0x142: {  	s2 =	sadd.s32 $0x10, s2  }
0x143: {  	p2 =	slt.u32 s2, $0x1F0  }
.Ltmp17:
0x144: {  	_ = 	snop;
	(pc) =	sbr.rel @p2 .LBB2_22-.Ltmp17, $3  }
0x145: {  	_ =	sdelay $0x1  }
0x146: {  	s3 =	sadd.s32 $0x10, s3;
	[tilespmem:s0+$0x0] =	vst.add.f32.msk $0xffff, v2;
	s0 =	sadd.s32 $0x10, s0  }
0x147: {  	v2 =	vld [tilespmem:s3+$0x0]  }
.Ltmp18:
0x148: {  	_ = 	snop;
	(pc) =	sbr.rel .LBB2_31-.Ltmp18, $2  }
0x149: {  	_ =	sdelay $0x2  }
0x14a: {  	[tilespmem:s0+$0x0] =	vst.add.f32.msk $0xffff, v2  }
.LBB2_24:
0x14b: {  	p2 =	seq.s32 s28, s24  }
.Ltmp19:
0x14c: {  	_ = 	snop;
	(pc) =	sbr.rel @!p2 .LBB2_25-.Ltmp19, $1  }
0x14d: {  	_ =	sdelay $0x3  }
.Ltmp20:
0x14e: {  	s0 =	sadd.s32 $0x408, s0;
	(pc) =	sbr.rel .LBB2_28-.Ltmp20, $4  }
0x14f: {  	[spmem:s13] =	stream.linear.scatter [tilespmem:s0], [sflag:$0x1], $0x200, $0x38;
	[tilespmem:$0x1C928] =	vst v63  }
0x150: {  	_ =	swait.ge [sflag:s12], $0x200  }
0x151: {  	[sflag:s12] =	ssyncset.done $0x0  }
0x152: {  	[sflag:s12] =	ssyncadd.s32 $0xFFFFFE00  }
.LBB2_25:
0x153: {  	s2 =	sshll.u32 s26, $0xB  }
0x154: {  	s2 =	sshra.s32 s2, $0x2  }
0x155: {  	s3 =	sadd.s32 $0x6608, s2;
	s2 =	sadd.s32 $0x408, s0  }
0x156: {  	s9 =	simm.s32 $0x0;
	v2 =	vld [tilespmem:s3+$0x0];
	s8 =	smov.u32 s2  }
.LBB2_26:
0x157: {  	s9 =	sadd.s32 $0x10, s9  }
0x158: {  	p2 =	slt.u32 s9, $0x1F0  }
.Ltmp21:
0x159: {  	_ = 	snop;
	(pc) =	sbr.rel @p2 .LBB2_26-.Ltmp21, $3  }
0x15a: {  	_ =	sdelay $0x1  }
0x15b: {  	s3 =	sadd.s32 $0x10, s3;
	[tilespmem:s8+$0x0] =	vst.add.f32.msk $0xffff, v2;
	s8 =	sadd.s32 $0x10, s8  }
0x15c: {  	v2 =	vld [tilespmem:s3+$0x0]  }
0x15d: {  	_ =	sdelay $0x1  }
0x15e: {  	p2 =	sgt.u32 s28, $0x9C270  }
0x15f: {  	s3 =	sand.u32 @!p2 $0xFFFF8, s28  }
0x160: {  	s5 =	sand.u32 @!p2 $0x7, s28;
	s3 =	sadd.s32 @!p2 s1, s3;
	[tilespmem:s8+$0x0] =	vst.add.f32.msk $0xffff, v2  }
0x161: {  	[hbm4b:s3+s5] =	stream.linear.scatter @!p2 [tilespmem:s2], [sflag:$0xA], $0x80, $0x38;
	[tilespmem:$0x1C928] =	vst v63  }
0x162: {  	s2 =	sadd.s32 @!p2 $0x80, s28  }
0x163: {  	s2 =	sand.u32 @!p2 $0x1FFFF8, s2  }
0x164: {  	s3 =	sadd.s32 @!p2 $0x488, s0;
	s2 =	sadd.s32 @!p2 s1, s2  }
0x165: {  	[hbm4b:s2+s5] =	stream.linear.scatter @!p2 [tilespmem:s3], [sflag:$0xA], $0x80, $0x38;
	[tilespmem:$0x1C928] =	vst v63  }
0x166: {  	s2 =	sadd.s32 @!p2 $0x100, s28  }
0x167: {  	s2 =	sand.u32 @!p2 $0x1FFFF8, s2  }
0x168: {  	s3 =	sadd.s32 @!p2 $0x508, s0;
	s2 =	sadd.s32 @!p2 s1, s2  }
0x169: {  	[hbm4b:s2+s5] =	stream.linear.scatter @!p2 [tilespmem:s3], [sflag:$0xA], $0x80, $0x38;
	[tilespmem:$0x1C928] =	vst v63  }
0x16a: {  	s2 =	sadd.s32 @!p2 $0x180, s28;
	s3 =	simm.s32 $0x0  }
0x16b: {  	s2 =	sand.u32 @!p2 $0x1FFFF8, s2;
	s3 =	simm.s32 @!p2 $0x800  }
0x16c: {  	s0 =	sadd.s32 @!p2 $0x588, s0;
	s2 =	sadd.s32 @!p2 s1, s2;
	s30 =	sadd.s32 s3, s30  }
0x16d: {  	[hbm4b:s2+s5] =	stream.linear.scatter @!p2 [tilespmem:s0], [sflag:$0xA], $0x80, $0x38;
	[tilespmem:$0x1C928] =	vst v63  }
.LBB2_28:
0x16e: {  	s0 =	sadd.s32 $0x1, s22  }
0x16f: {  	s2 =	smulhi.u32 $0xAAAAAAAB, s0;
	_ =	sdelay $0x1  }
0x170: {  	s2 =	sshrl.u32 s2, $0x5  }
0x171: {  	s2 =	smul.u32 $0x30, s2;
	_ =	sdelay $0x1  }
0x172: {  	s22 =	ssub.s32 s0, s2  }
0x173: {  	s0 =	sshll.u32 s22, $0x9  }
0x174: {  	v2 =	vld [tilespmem:s25+$0x0];
	s3 =	smov.u32 s25;
	s2 =	simm.s32 $0x0;
	s0 =	sadd.s32 $0x408, s0  }
.LBB2_29:
0x175: {  	s2 =	sadd.s32 $0x10, s2  }
0x176: {  	p2 =	slt.u32 s2, $0x1F0  }
.Ltmp22:
0x177: {  	_ = 	snop;
	(pc) =	sbr.rel @p2 .LBB2_29-.Ltmp22, $3  }
0x178: {  	_ =	sdelay $0x1  }
0x179: {  	[tilespmem:s0+$0x0] =	vst v2;
	s0 =	sadd.s32 $0x10, s0;
	s3 =	sadd.s32 $0x10, s3  }
0x17a: {  	v2 =	vld [tilespmem:s3+$0x0]  }
.Ltmp23:
0x17b: {  	_ = 	snop;
	(pc) =	sbr.rel .LBB2_30-.Ltmp23, $1  }
0x17c: {  	_ =	sdelay $0x3  }
.LBB2_33:
.Ltmp24:
0x17d: {  	(pc) =	sbr.rel .LBB2_34-.Ltmp24, $4  }
0x17e: {  	_ = 	snop  }
0x17f: {  	s0 =	simm.s32 $0x2  }
0x180: {  	_ =	swait.ge [sflag:s0], $0x0  }
0x181: {  	s29 =	smov.u32 s28;
	[sflag:s0] =	ssyncset.done $0x0;
	s0 =	simm.s32 $0x0  }
.LBB2_36:
0x182: {  	_ =	sfence.sel $0x180000  }
0x183: {  	s0 =	simm.s32 $0x7;
	[bflag:$0x0] =	sbarrier.arrive $0xFFFF  }
0x184: {  	s25 =	simm.s32 $0x8;
	[sflag:s0] =	ssyncpa.u1 $0x1  }
0x185: {  	s26 =	simm.s32 $0x9;
	[sflag:s25] =	ssyncpa.u1 $0x1  }
0x186: {  	s28 =	simm.s32 $0x2;
	[sflag:s26] =	ssyncpa.u1 $0x1  }
0x187: {  	[sflag:s28] =	ssyncpa.u1 $0x1  }
0x188: {  	v0 =	vld [tilespmem:$0xC808];
	_ =	sdelay $0x4  }
0x189: {  	(v2sf) =	vpush v0, $0x0  }
0x18a: {  	(v2sf) =	vpush v0, $0x1;
	_ =	sdelay $0x1  }
0x18b: {  	(v2sf) =	vpush v0, $0x2;
	_ =	sdelay $0xb  }
0x18c: {  	s0 =	spop (v2sf)  }
0x18d: {  	s2 =	spop (v2sf)  }
0x18e: {  	s3 =	smov.u32 s0;
	p0 =	sne.s32 s0, s2  }
0x18f: {  	s4 =	spop (v2sf);
	s3 =	simm.s32 @!p0 $0xFFFFFFFF  }
0x190: {  	v2 =	vimm.s32 $0x1;
	v3 =	vlaneseq.u32;
	p0 =	seq.s32 s4, $0xFFFFFFFF;
	v1 =	vmov s3  }
0x191: {  	s7 =	stileid.u32;
	v0 =	vperm.xlane v0, v2;
	p1 =	sne.s32 @!p0 s0, s2;
	v1 =	vperm.xlane v1, v3  }
0x192: {  	vm0 =	vcmask $0x3F04;
	s6 =	simm.s32 $0xC808;
	s0 =	simm.s32 @!p0 $0x1;
	p1 =	por !p1, p0  }
0x193: {  	s3 =	sshll.u32 s7, $0x1;
	s2 =	sshll.u32 @!p0 s4, $0xB;
	s0 =	simm.s32 @p1 $0x0;
	v0 =	vsel vm0, v1, v0  }
0x194: {  	s5 =	sor.u32 $0x4000, s3;
	s2 =	sshra.s32 @!p0 s2, $0x2;
	s0 =	sor.u32 @!p0 s0, s3;
	[tilespmem:$0xC808] =	vst v0  }
0x195: {  	[spmem:s5] =	stream.linear.scatter [tilespmem:s6], [sflag:$0x1], $0x2, $0x38;
	[tilespmem:$0x1C928] =	vst v63  }
0x196: {  	s2 =	sadd.s32 @!p0 $0x408, s2;
	s0 =	sshll.u32 @!p0 s0, $0x9  }
0x197: {  	[spmem:s0] =	stream.linear.scatter @!p0 [tilespmem:s2], [sflag:$0x1], $0x200, $0x38;
	[tilespmem:$0x1C928] =	vst v63  }
0x198: {  	s2 =	simm.s32 @!p0 $0x202  }
0x199: {  	s0 =	simm.s32 $0x1;
	s2 =	simm.s32 @p0 $0x2  }
0x19a: {  	_ =	swait.ge [sflag:s0], s2  }
0x19b: {  	s2 =	ssub.s32 $0x0, s2;
	[sflag:s0] =	ssyncset.done $0x0  }
0x19c: {  	[sflag:s0] =	ssyncadd.s32 s2  }
0x19d: {  	_ =	sfence.stream.spmem  }
0x19e: {  	s29 =	simm.s32 $0x3;
	[bflag:$0x0] =	sbarrier.arrive $0xFFFF  }
0x19f: {  	s30 =	simm.s32 $0x4;
	[sflag:s29] =	ssyncpa.u1 $0x1  }
0x1a0: {  	s31 =	simm.s32 $0x3C;
	[sflag:s30] =	ssyncpa.u1 $0x1  }
0x1a1: {  	p0 =	sne.s32 s7, $0x0;
	[sflag:s31] =	ssyncpa.u1 $0x1  }
0x1a2: {  	_ =	sfence @p0  }
0x1a3: {  	[sflag:s0] =	ssyncpa.u1 @p0 $0x1  }
0x1a4: {  	_ =	strace @p0 $0x9000004D  }
0x1a5: {  	[bflag:$0x2] =	sbarrier.arrive @p0 $0xFFFF  }
0x1a6: {  	_ =	shalt @p0  }
.LBB2_37:
0x1a7: {  	_ =	sfence.stream.spmem;
	s0 =	simm.s32 $0x5  }
0x1a8: {  	s2 =	simm.s32 $0x4000;
	s3 =	simm.s32 $0xC818;
	[sflag:s0] =	ssyncpa.u1 $0x0  }
0x1a9: {  	[tilespmem:s3], [sflag:$0x5] =	stream.linear.gather [spmem:s2], $0x20, $0x38;
	[tilespmem:$0x1C928] =	vst v63  }
0x1aa: {  	s2 =	simm.s32 $0x0;
	s3 =	simm.s32 $0xC838  }
0x1ab: {  	[tilespmem:s3], [sflag:$0x5] =	stream.linear.gather [spmem:s2], $0x4000, $0x38;
	[tilespmem:$0x1C928] =	vst v63  }
.Ltmp25:
0x1ac: {  	_ = 	snop;
	(pc) =	sbr.rel .LBB2_38-.Ltmp25, $4  }
0x1ad: {  	_ =	swait.ge [sflag:s0], $0x4020  }
0x1ae: {  	s4 =	simm.s32 $0x6;
	[sflag:s0] =	ssyncset.done $0x0  }
0x1af: {  	s5 =	simm.s32 $0xC688;
	s6 =	simm.s32 $0xC708;
	[sflag:s0] =	ssyncadd.s32 $0xFFFFBFE0  }
0x1b0: {  	s7 =	simm.s32 $0xC788;
	s8 =	simm.s32 $0x0;
	[sflag:s4] =	ssyncpa.u1 $0x0  }
.LBB2_53:
0x1b1: {  	s8 =	sadd.s32 $0x1, s8  }
0x1b2: {  	p0 =	sne.s32 s8, $0x20  }
.Ltmp26:
0x1b3: {  	_ = 	snop;
	(pc) =	sbr.rel @!p0 .LBB2_54-.Ltmp26, $2  }
0x1b4: {  	_ =	sdelay $0x2  }
0x1b5: {  	s3 =	sadd.s32 $0x200, s3  }
.LBB2_38:
0x1b6: {  	v0 =	vld.msk [tilespmem:s8+$0xC818], $0x1;
	_ =	sdelay $0x4  }
0x1b7: {  	(v2sf) =	vpush v0, $0x0;
	_ =	sdelay $0xe  }
0x1b8: {  	s0 =	spop (v2sf)  }
0x1b9: {  	p0 =	seq.s32 s0, $0xFFFFFFFF  }
.Ltmp27:
0x1ba: {  	_ = 	snop;
	(pc) =	sbr.rel @p0 .LBB2_53-.Ltmp27, $1  }
0x1bb: {  	_ =	sdelay $0x3  }
0x1bc: {  	p0 =	slt.s32 s2, $0x1  }
.Ltmp28:
0x1bd: {  	_ = 	snop;
	(pc) =	sbr.rel @p0 .LBB2_46-.Ltmp28, $1  }
0x1be: {  	_ =	sdelay $0x3  }
0x1bf: {  	s9 =	simm.s32 $0xC818;
	p0 =	por $0x0, $0x0  }
0x1c0: {  	v1 =	vld.msk @!p0 [tilespmem:s9+$0x0], $0x1;
	_ =	sdelay $0x4  }
0x1c1: {  	(v2sf) =	vpush @!p0 v1, $0x0;
	_ =	sdelay $0xd  }
0x1c2: {  	p2 =	sne.s32 s2, $0x1  }
.Ltmp29:
0x1c3: {  	s10 =	spop @!p0 (v2sf);
	(pc) =	sbr.rel @!p2 .LBB2_42-.Ltmp29, $4  }
0x1c4: {  	p1 =	seq.s32 @!p0 s0, s10  }
0x1c5: {  	s10 =	simm.s32 $0x0;
	p1 =	por !p1, p0  }
0x1c6: {  	s12 =	simm.s32 $0xFFFFFFFF;
	s10 =	simm.s32 @p1 $0xFFFFFFFF  }
0x1c7: {  	s11 =	simm.s32 $0x1;
	s10 =	smov.u32 @p0 s12  }
.LBB2_41:
0x1c8: {  	s12 =	smov.u32 s10;
	p0 =	sne.s32 s10, $0xFFFFFFFF  }
0x1c9: {  	s9 =	sadd.s32 $0x1, s9;
	s10 =	smov.u32 s11;
	s11 =	sadd.s32 $0x1, s11  }
0x1ca: {  	p1 =	sne.s32 s2, s11;
	v1 =	vld.msk @!p0 [tilespmem:s9+$0x0], $0x1;
	_ =	sdelay $0x4  }
0x1cb: {  	(v2sf) =	vpush @!p0 v1, $0x0;
	_ =	sdelay $0xe  }
.Ltmp30:
0x1cc: {  	s13 =	spop @!p0 (v2sf);
	(pc) =	sbr.rel @p1 .LBB2_41-.Ltmp30, $4  }
0x1cd: {  	p2 =	seq.s32 @!p0 s0, s13  }
0x1ce: {  	p2 =	por !p2, p0  }
0x1cf: {  	s10 =	simm.s32 @p2 $0xFFFFFFFF  }
0x1d0: {  	s10 =	smov.u32 @p0 s12  }
.LBB2_42:
0x1d1: {  	p0 =	seq.s32 s10, $0xFFFFFFFF  }
.Ltmp31:
0x1d2: {  	_ = 	snop;
	(pc) =	sbr.rel @p0 .LBB2_46-.Ltmp31, $1  }
0x1d3: {  	_ =	sdelay $0x3  }
0x1d4: {  	s0 =	sshll.u32 s10, $0xB  }
0x1d5: {  	s0 =	sshra.s32 s0, $0x2  }
0x1d6: {  	s9 =	simm.s32 $0x0;
	v0 =	vld [tilespmem:s3+$0x0];
	s10 =	smov.u32 s3;
	s0 =	sadd.s32 $0xC838, s0  }
.LBB2_44:
0x1d7: {  	s9 =	sadd.s32 $0x10, s9  }
0x1d8: {  	p0 =	slt.u32 s9, $0x1F0  }
.Ltmp32:
0x1d9: {  	_ = 	snop;
	(pc) =	sbr.rel @p0 .LBB2_44-.Ltmp32, $3  }
0x1da: {  	_ =	sdelay $0x1  }
0x1db: {  	s10 =	sadd.s32 $0x10, s10;
	[tilespmem:s0+$0x0] =	vst.add.f32.msk $0xffff, v0;
	s0 =	sadd.s32 $0x10, s0  }
0x1dc: {  	v0 =	vld [tilespmem:s10+$0x0]  }
.Ltmp33:
0x1dd: {  	_ = 	snop;
	(pc) =	sbr.rel .LBB2_53-.Ltmp33, $2  }
0x1de: {  	_ =	sdelay $0x2  }
0x1df: {  	[tilespmem:s0+$0x0] =	vst.add.f32.msk $0xffff, v0  }
.LBB2_46:
0x1e0: {  	p0 =	sgt.u32 s0, $0x9C270  }
.Ltmp34:
0x1e1: {  	_ = 	snop;
	(pc) =	sbr.rel @p0 .LBB2_50-.Ltmp34, $1  }
0x1e2: {  	_ =	sdelay $0x3  }
0x1e3: {  	s9 =	sand.u32 $0xFFFF8, s0;
	s11 =	sand.u32 $0x7, s0  }
0x1e4: {  	s29 =	sadd.s32 $0x80, s0;
	s10 =	sadd.s32 s1, s9;
	s9 =	simm.s32 $0xC608  }
0x1e5: {  	[tilespmem:s9], [sflag:$0x6] =	stream.linear.gather [hbm4b:s10+s11], $0x80, $0x38;
	[tilespmem:$0x1C928] =	vst v63  }
0x1e6: {  	s10 =	sand.u32 $0x1FFFF8, s29  }
0x1e7: {  	s30 =	sadd.s32 $0x100, s0;
	s10 =	sadd.s32 s1, s10  }
0x1e8: {  	[tilespmem:s5], [sflag:$0x6] =	stream.linear.gather [hbm4b:s10+s11], $0x80, $0x38;
	[tilespmem:$0x1C928] =	vst v63  }
0x1e9: {  	s31 =	sadd.s32 $0x180, s0;
	s10 =	sand.u32 $0x1FFFF8, s30  }
0x1ea: {  	s0 =	sand.u32 $0x1FFFF8, s31;
	s10 =	sadd.s32 s1, s10  }
0x1eb: {  	[tilespmem:s6], [sflag:$0x6] =	stream.linear.gather [hbm4b:s10+s11], $0x80, $0x38;
	[tilespmem:$0x1C928] =	vst v63  }
0x1ec: {  	s0 =	sadd.s32 s1, s0  }
0x1ed: {  	[tilespmem:s7], [sflag:$0x6] =	stream.linear.gather [hbm4b:s0+s11], $0x80, $0x38;
	[tilespmem:$0x1C928] =	vst v63  }
0x1ee: {  	_ =	swait.ge [sflag:s4], $0x200  }
0x1ef: {  	[sflag:s4] =	ssyncset.done $0x0  }
0x1f0: {  	[sflag:s4] =	ssyncadd.s32 $0xFFFFFE00  }
0x1f1: {  	s10 =	smov.u32 s3;
	s0 =	simm.s32 $0x0;
	v1 =	vld [tilespmem:s9+$0x0]  }
.LBB2_48:
0x1f2: {  	s0 =	sadd.s32 $0x10, s0  }
0x1f3: {  	p0 =	slt.u32 s0, $0x1F0  }
.Ltmp35:
0x1f4: {  	_ = 	snop;
	(pc) =	sbr.rel @p0 .LBB2_48-.Ltmp35, $3  }
0x1f5: {  	_ =	sdelay $0x1  }
0x1f6: {  	s9 =	sadd.s32 $0x10, s9;
	[tilespmem:s10+$0x0] =	vst.add.f32.msk $0xffff, v1;
	s10 =	sadd.s32 $0x10, s10  }
0x1f7: {  	v1 =	vld [tilespmem:s9+$0x0]  }
0x1f8: {  	_ =	sdelay $0x3  }
0x1f9: {  	[tilespmem:s10+$0x0] =	vst.add.f32.msk $0xffff, v1  }
.LBB2_50:
0x1fa: {  	s0 =	sshll.u32 s2, $0xB  }
0x1fb: {  	[tilespmem:s2+$0xC818] =	vst.msk $0x1, v0;
	s0 =	sshra.s32 s0, $0x2  }
0x1fc: {  	s9 =	simm.s32 $0x0;
	s10 =	smov.u32 s3;
	v0 =	vld [tilespmem:s3+$0x0];
	s0 =	sadd.s32 $0xC838, s0  }
.LBB2_51:
0x1fd: {  	s9 =	sadd.s32 $0x10, s9  }
0x1fe: {  	p0 =	slt.u32 s9, $0x1F0  }
.Ltmp36:
0x1ff: {  	_ = 	snop;
	(pc) =	sbr.rel @p0 .LBB2_51-.Ltmp36, $3  }
0x200: {  	_ =	sdelay $0x1  }
0x201: {  	s10 =	sadd.s32 $0x10, s10;
	[tilespmem:s0+$0x0] =	vst v0;
	s0 =	sadd.s32 $0x10, s0  }
0x202: {  	v0 =	vld [tilespmem:s10+$0x0]  }
.Ltmp37:
0x203: {  	_ = 	snop;
	(pc) =	sbr.rel .LBB2_53-.Ltmp37, $2  }
0x204: {  	_ =	sdelay $0x2  }
0x205: {  	s2 =	sadd.s32 $0x1, s2;
	[tilespmem:s0+$0x0] =	vst v0  }
.LBB2_54:
0x206: {  	p0 =	slt.s32 s2, $0x1  }
.Ltmp38:
0x207: {  	_ = 	snop;
	(pc) =	sbr.rel @p0 .LBB2_58-.Ltmp38, $3  }
0x208: {  	_ =	sdelay $0x1  }
0x209: {  	s0 =	simm.s32 $0x6  }
0x20a: {  	s3 =	simm.s32 $0x0;
	[sflag:s0] =	ssyncpa.u1 $0x1  }
0x20b: {  	s0 =	simm.s32 $0xC818  }
0x20c: {  	v0 =	vld.msk [tilespmem:s0+$0x0], $0x1;
	_ =	sdelay $0x4  }
0x20d: {  	(v2sf) =	vpush v0, $0x0;
	_ =	sdelay $0xe  }
0x20e: {  	s7 =	spop (v2sf)  }
0x20f: {  	s2 =	sadd.s32 $0xFFFFFFFF, s2;
	p0 =	sgt.u32 s7, $0x9C270  }
0x210: {  	s0 =	simm.s32 $0xC838;
	s4 =	sand.u32 @!p0 $0xFFFF8, s7;
	s8 =	sadd.s32 @!p0 $0x80, s7  }
0x211: {  	s5 =	sand.u32 @!p0 $0x7, s7;
	s4 =	sadd.s32 @!p0 s1, s4;
	s8 =	sand.u32 @!p0 $0x1FFFF8, s8  }
0x212: {  	[hbm4b:s4+s5] =	stream.linear.scatter @!p0 [tilespmem:s0], [sflag:$0x5], $0x80, $0x38;
	[tilespmem:$0x1C928] =	vst v63  }
0x213: {  	p1 =	sne.s32 s2, $0x0;
	s0 =	simm.s32 @!p0 $0xC8B8;
	s4 =	sadd.s32 @!p0 s1, s8  }
0x214: {  	[hbm4b:s4+s5] =	stream.linear.scatter @!p0 [tilespmem:s0], [sflag:$0x5], $0x80, $0x38;
	[tilespmem:$0x1C928] =	vst v63  }
.Ltmp39:
0x215: {  	s6 =	simm.s32 $0x0;
	s9 =	sadd.s32 @!p0 $0x100, s7;
	(pc) =	sbr.rel @!p1 .LBB2_57-.Ltmp39, $4  }
0x216: {  	s6 =	simm.s32 @!p0 $0x800;
	s8 =	sand.u32 @!p0 $0x1FFFF8, s9;
	s0 =	simm.s32 @!p0 $0xC938  }
0x217: {  	s4 =	sadd.s32 @!p0 s1, s8;
	s8 =	sadd.s32 @!p0 $0x180, s7;
	s7 =	simm.s32 @!p0 $0xC9B8  }
0x218: {  	[hbm4b:s4+s5] =	stream.linear.scatter @!p0 [tilespmem:s0], [sflag:$0x5], $0x80, $0x38;
	[tilespmem:$0x1C928] =	vst v63  }
0x219: {  	s8 =	sand.u32 @!p0 $0x1FFFF8, s8;
	s0 =	simm.s32 $0xC819;
	s4 =	simm.s32 $0xCA38  }
.LBB2_56:
0x21a: {  	s2 =	sadd.s32 $0xFFFFFFFF, s2;
	s8 =	sadd.s32 @!p0 s1, s8;
	s3 =	sadd.s32 s3, s6  }
0x21b: {  	[hbm4b:s8+s5] =	stream.linear.scatter @!p0 [tilespmem:s7], [sflag:$0x5], $0x80, $0x38;
	[tilespmem:$0x1C928] =	vst v63  }
0x21c: {  	p1 =	sne.s32 s2, $0x0;
	s7 =	smov.u32 s4;
	v0 =	vld.msk [tilespmem:s0+$0x0], $0x1;
	_ =	sdelay $0x4  }
0x21d: {  	(v2sf) =	vpush v0, $0x0;
	_ =	sdelay $0xe  }
0x21e: {  	s6 =	spop (v2sf)  }
0x21f: {  	s4 =	sadd.s32 $0x200, s4;
	s0 =	sadd.s32 $0x1, s0;
	p0 =	sgt.u32 s6, $0x9C270  }
0x220: {  	s5 =	sand.u32 @!p0 $0xFFFF8, s6;
	s8 =	sadd.s32 @!p0 $0x80, s6;
	s9 =	sadd.s32 @!p0 $0x100, s6  }
0x221: {  	s10 =	sadd.s32 @!p0 s1, s5;
	s5 =	sand.u32 @!p0 $0x7, s6;
	s8 =	sand.u32 @!p0 $0x1FFFF8, s8  }
0x222: {  	[hbm4b:s10+s5] =	stream.linear.scatter @!p0 [tilespmem:s7], [sflag:$0x5], $0x80, $0x38;
	[tilespmem:$0x1C928] =	vst v63  }
0x223: {  	s9 =	sand.u32 @!p0 $0x1FFFF8, s9;
	s10 =	sadd.s32 @!p0 $0x80, s7  }
.Ltmp40:
0x224: {  	s8 =	sadd.s32 @!p0 s1, s8;
	s9 =	sadd.s32 @!p0 s1, s9;
	(pc) =	sbr.rel @p1 .LBB2_56-.Ltmp40, $4  }
0x225: {  	[hbm4b:s8+s5] =	stream.linear.scatter @!p0 [tilespmem:s10], [sflag:$0x5], $0x80, $0x38;
	[tilespmem:$0x1C928] =	vst v63  }
0x226: {  	s8 =	sadd.s32 @!p0 $0x100, s7;
	s10 =	sadd.s32 @!p0 $0x180, s6;
	s6 =	simm.s32 $0x0  }
0x227: {  	[hbm4b:s9+s5] =	stream.linear.scatter @!p0 [tilespmem:s8], [sflag:$0x5], $0x80, $0x38;
	[tilespmem:$0x1C928] =	vst v63  }
0x228: {  	s7 =	sadd.s32 @!p0 $0x180, s7;
	s6 =	simm.s32 @!p0 $0x800;
	s8 =	sand.u32 @!p0 $0x1FFFF8, s10  }
.LBB2_57:
0x229: {  	s0 =	sadd.s32 @!p0 s1, s8;
	s31 =	sadd.s32 s3, s6  }
0x22a: {  	[hbm4b:s0+s5] =	stream.linear.scatter @!p0 [tilespmem:s7], [sflag:$0x5], $0x80, $0x38;
	[tilespmem:$0x1C928] =	vst v63  }
0x22b: {  	s3 =	sshrl.u32 s31, $0x2  }
.LBB2_58:
0x22c: {  	s0 =	simm.s32 $0x5  }
0x22d: {  	_ =	swait.ge [sflag:s0], s3  }
0x22e: {  	s1 =	ssub.s32 $0x0, s3;
	[sflag:s0] =	ssyncset.done $0x0  }
0x22f: {  	[sflag:s0] =	ssyncadd.s32 s1  }
0x230: {  	[sflag:s0] =	ssyncpa.u1 $0x1  }
0x231: {  	s30 =	simm.s32 $0x1;
	_ =	sfence  }
0x232: {  	[sflag:s30] =	ssyncpa.u1 $0x1  }
0x233: {  	_ =	strace $0x9000004D  }
0x234: {  	[bflag:$0x2] =	sbarrier.arrive $0xFFFF  }
0x235: {  	s31 =	rddreg [dreg:$0x1]  }
0x236: {  	s0 =	sadd.s32 $0x100000, s31  }
0x237: {  	[sflag:s0] =	ssyncadd.tile.s32 $0x1;
	_ =	shalt  }
.Lfunc_end2:
_tile_overlayer_lowered:
.L_overlay_start_2:
0x238: {  	(tag) =	ssettag $0x2  }
0x239: {  	s0 =	rddreg [dreg:$0x0];
	s2 =	stileid.u32  }
0x23a: {  	s1 =	rddreg [dreg:$0x1];
	p0 =	sne.s32 s2, $0x0  }
0x23b: {  	s3 =	rddreg [dreg:$0x2];
	[bflag:$0x3] =	sbarrier.arrive $0xFFFF;
	s2 =	simm.s32 @!p0 $0x1C01  }
0x23c: {  	[timem:s3], [sflag:s2] =	dma.local @!p0 [hbm:s0], s1  }
0x23d: {  	s0 =	simm.s32 @!p0 $0x1  }
0x23e: {  	_ =	swait.ge @!p0 [sflag:s0], s1  }
0x23f: {  	s1 =	ssub.s32 @!p0 $0x0, s1;
	[sflag:s0] =	ssyncset.done @!p0 $0x0  }
0x240: {  	[sflag:s0] =	ssyncadd.s32 @!p0 s1  }
0x241: {  	[bflag:$0x3] =	sbarrier.arrive $0xFFFF  }
0x242: {  	_ =	shalt  }

// kernel: scatter_offload_async_start.2
scs
__scs_entry_jumppad:
0x0: {  	(pc) =	sbr.rel $0x88, $3  }
0x1: {  	(tag) =	ssettag $0x0;
	lr =	simm.s32 $0x1  }
0x2: {  	[smem:$0x3F81] =	sst lr;
	_ =	strace $0xD0000000  }
0x3: {  	_ = 	snop  }
0x4: {  	_ = 	snop  }
0x5: {  	_ = 	snop  }
0x6: {  	_ = 	snop  }
0x7: {  	_ = 	snop  }
__scs_overlays_trampoline_lowered:
0x8: {  	[smem:$0x3F90] =	sst s0  }
0x9: {  	[smem:$0x3F91] =	sst s1  }
0xa: {  	[smem:$0x3F92] =	sst s2  }
0xb: {  	[smem:$0x3F93] =	sst s3  }
0xc: {  	[smem:$0x3F94] =	sst s4  }
0xd: {  	[smem:$0x3F95] =	sst s5  }
0xe: {  	[smem:$0x3F96] =	sst s6  }
0xf: {  	[smem:$0x3F97] =	sst s7  }
0x10: {  	[smem:$0x3F98] =	sst s8  }
0x11: {  	[smem:$0x3F99] =	sst s9;
	s0 =	simm.s32 @!p0 $0x0  }
0x12: {  	s1 =	sld [smem:$0x3F7F];
	s0 =	simm.s32 @p0 $0x1  }
0x13: {  	[smem:$0x3F9A] =	sst s0;
	s0 =	simm.s32 @!p1 $0x0  }
0x14: {  	s2 =	sld [smem:$0x3F7E];
	s0 =	simm.s32 @p1 $0x1  }
0x15: {  	[smem:$0x3F9B] =	sst s0;
	s0 =	simm.s32 @!p2 $0x0  }
0x16: {  	s3 =	sld [smem:$0x3FDB];
	s0 =	simm.s32 @p2 $0x1  }
0x17: {  	s4 =	simm.s32 $0x1BF5;
	[smem:$0x3F9D] =	sst s0  }
0x18: {  	s0 =	sld [smem:$0x3F80];
	_ =	swait.ge [sflag:s4], $0x0  }
0x19: {  	s7 =	sld [smem:$0x3F81]  }
0x1a: {  	s8 =	sadd.s32 $0xFFFFE003, lr  }
0x1b: {  	s9 =	sadd.s32 $0xFFFFFEF7, lr;
	s5 =	simm.s32 $0xFFFFFFFF;
	p2 =	slt.u32 s8, $0xFFFFF086  }
0x1c: {  	p1 =	slt.u32 s9, $0xF7A;
	s5 =	simm.s32 @!p2 $0x0  }
0x1d: {  	s5 =	simm.s32 @p1 $0x1;
	p0 =	seq.s32 s7, s2  }
0x1e: {  	s7 =	smul.u32 @!p0 $0xF7A, s2;
	p2 =	seq.s32 @!p0 s5, $0x0  }
0x1f: {  	s9 =	smul.u32 $0xF7A, s1;
	s8 =	simm.s32 @!p0 $0x1BF5;
	p2 =	por !p2, p0  }
0x20: {  	[sflag:s8] =	ssyncset.s32 @!p0 $0xFFFFF086;
	s6 =	sadd.s32 @!p0 s3, s7;
	s7 =	simm.s32 @!p0 $0x108  }
0x21: {  	s3 =	sadd.s32 s3, s9;
	s6 =	sadd.s32 @!p0 $0x88, s6;
	s7 =	simm.s32 @p2 $0x1082  }
0x22: {  	[simem:s7], [sflag:s8] =	dma.local @!p0 [hbm:s6], $0xF7A  }
0x23: {  	s9 =	sor.u32 $0xD0000000, s2;
	s6 =	simm.s32 $0x108;
	_ =	swait.ge @!p0 [sflag:s8], $0x0  }
0x24: {  	s3 =	sadd.s32 $0x88, s3;
	s6 =	simm.s32 @!p1 $0x1082;
	[sflag:s4] =	ssyncset.s32 $0xFFFFF086  }
0x25: {  	[simem:s6], [sflag:s4] =	dma.local [hbm:s3], $0xF7A  }
0x26: {  	[smem:$0x3F81] =	sst s1;
	(tag) =	ssettag s2;
	_ =	strace s9  }
0x27: {  	s1 =	sld [smem:$0x3F91]  }
0x28: {  	s2 =	sld [smem:$0x3F92]  }
0x29: {  	s4 =	sld [smem:$0x3F94]  }
0x2a: {  	p0 =	seq.s32 s5, $0x0;
	s5 =	sld [smem:$0x3F95]  }
0x2b: {  	s6 =	sld [smem:$0x3F96]  }
0x2c: {  	s7 =	sld [smem:$0x3F97]  }
0x2d: {  	s3 =	simm.s32 $0x108;
	s8 =	sld [smem:$0x3F98]  }
0x2e: {  	s3 =	simm.s32 @!p0 $0x1082;
	s9 =	sld [smem:$0x3F99]  }
0x2f: {  	lr =	sadd.s32 s0, s3;
	s0 =	sld [smem:$0x3F90]  }
0x30: {  	s3 =	sld [smem:$0x3F93]  }
0x31: {  	[smem:$0x3F9C] =	sst s10  }
0x32: {  	s10 =	sld [smem:$0x3F9A];
	_ =	sdelay $0x3  }
0x33: {  	p0 =	seq.s32 s10, $0x1;
	s10 =	sld [smem:$0x3F9C];
	_ =	sdelay $0x3  }
0x34: {  	[smem:$0x3F9C] =	sst s10  }
0x35: {  	s10 =	sld [smem:$0x3F9B];
	_ =	sdelay $0x3  }
0x36: {  	p1 =	seq.s32 s10, $0x1;
	s10 =	sld [smem:$0x3F9C];
	_ =	sdelay $0x3  }
0x37: {  	[smem:$0x3F9C] =	sst s10  }
0x38: {  	s10 =	sld [smem:$0x3F9D]  }
0x39: {  	_ = 	snop;
	(pc) =	sbr.ind lr, $3  }
0x3a: {  	_ = 	snop  }
0x3b: {  	_ = 	snop  }
0x3c: {  	p2 =	seq.s32 s10, $0x1;
	s10 =	sld [smem:$0x3F9C]  }
0x3d: {  	_ =	shalt  }
0x3e: {  	_ =	shalt  }
0x3f: {  	_ =	shalt  }
0x40: {  	_ =	shalt  }
0x41: {  	_ =	shalt  }
0x42: {  	_ =	shalt  }
0x43: {  	_ =	shalt  }
0x44: {  	_ =	shalt  }
0x45: {  	_ =	shalt  }
0x46: {  	_ =	shalt  }
0x47: {  	_ =	shalt  }
0x48: {  	_ =	shalt  }
0x49: {  	_ =	shalt  }
0x4a: {  	_ =	shalt  }
0x4b: {  	_ =	shalt  }
0x4c: {  	_ =	shalt  }
0x4d: {  	_ =	shalt  }
0x4e: {  	_ =	shalt  }
0x4f: {  	_ =	shalt  }
0x50: {  	_ =	shalt  }
0x51: {  	_ =	shalt  }
0x52: {  	_ =	shalt  }
0x53: {  	_ =	shalt  }
0x54: {  	_ =	shalt  }
0x55: {  	_ =	shalt  }
0x56: {  	_ =	shalt  }
0x57: {  	_ =	shalt  }
0x58: {  	_ =	shalt  }
0x59: {  	_ =	shalt  }
0x5a: {  	_ =	shalt  }
0x5b: {  	_ =	shalt  }
0x5c: {  	_ =	shalt  }
0x5d: {  	_ =	shalt  }
0x5e: {  	_ =	shalt  }
0x5f: {  	_ =	shalt  }
0x60: {  	_ =	shalt  }
0x61: {  	_ =	shalt  }
0x62: {  	_ =	shalt  }
0x63: {  	_ =	shalt  }
0x64: {  	_ =	shalt  }
0x65: {  	_ =	shalt  }
0x66: {  	_ =	shalt  }
0x67: {  	_ =	shalt  }
0x68: {  	_ =	shalt  }
0x69: {  	_ =	shalt  }
0x6a: {  	_ =	shalt  }
0x6b: {  	_ =	shalt  }
0x6c: {  	_ =	shalt  }
0x6d: {  	_ =	shalt  }
0x6e: {  	_ =	shalt  }
0x6f: {  	_ =	shalt  }
0x70: {  	_ =	shalt  }
0x71: {  	_ =	shalt  }
0x72: {  	_ =	shalt  }
0x73: {  	_ =	shalt  }
0x74: {  	_ =	shalt  }
0x75: {  	_ =	shalt  }
0x76: {  	_ =	shalt  }
0x77: {  	_ =	shalt  }
0x78: {  	_ =	shalt  }
0x79: {  	_ =	shalt  }
0x7a: {  	_ =	shalt  }
0x7b: {  	_ =	shalt  }
0x7c: {  	_ =	shalt  }
0x7d: {  	_ =	shalt  }
0x7e: {  	_ =	shalt  }
0x7f: {  	_ =	shalt  }
0x80: {  	_ =	shalt  }
0x81: {  	_ =	shalt  }
0x82: {  	_ =	shalt  }
0x83: {  	_ =	shalt  }
0x84: {  	_ =	shalt  }
0x85: {  	_ =	shalt  }
0x86: {  	_ =	shalt  }
0x87: {  	_ =	shalt  }
.Lfunc_end0:
.L_simem_size_0:
called_computation.2_lowered:
.L_overlay_start_0:
0x88: {  	s0 =	sld [smem:$0x3FD9]  }
0x89: {  	s1 =	sld [smem:$0x3FFE];
	_ =	sdelay $0x3  }
0x8a: {  	s0 =	sadd.s32 s1, s0  }
0x8b: {  	[smem:$0x3FA8] =	sst s0  }
0x8c: {  	_ = 	snop  }
0x8d: {  	(tm) =	ssettm $0x1  }
0x8e: {  	s14 =	sld [smem:$0x3FFB];
	_ =	sdelay $0x3  }
0x8f: {  	_ =	strace s14  }
0x90: {  	s0 =	sld [smem:$0x3FFC];
	_ =	sdelay $0x3  }
0x91: {  	_ =	strace s0  }
0x92: {  	s0 =	sld [smem:$0x3FFD];
	_ =	sdelay $0x3  }
0x93: {  	_ =	strace s0  }
0x94: {  	_ =	strace $0x8FFFFFFF  }
0x95: {  	s15 =	sld [smem:$0x3FDB];
	_ =	sdelay $0x1  }
0x96: {  	s16 =	simm.s32 $_scs_section_size  }
0x97: {  	s2 =	simm.s32 $_size__tile_overlayer_lowered;
	s3 =	simm.s32 $_tile_overlayer_lowered  }
0x98: {  	s4 =	simm.s32 $0x1BFF;
	s17 =	sshll.u32 s3, $0x1;
	s1 =	sadd.s32 s16, s15  }
0x99: {  	s18 =	simm.s32 $0x0;
	s2 =	sshll.u32 s2, $0x1;
	s3 =	sadd.s32 s17, s1  }
0x9a: {  	[timem:s18], [sflag:s4] =	dma.local [hbm:s3], s2  }
0x9b: {  	_ =	swait.ge [sflag:s4], s2  }
0x9c: {  	s2 =	ssub.s32 $0x0, s2;
	[sflag:s4] =	ssyncset.done $0x0  }
0x9d: {  	[sflag:s4] =	ssyncadd.s32 s2;
	_ =	sdelay $0x1  }
0x9e: {  	s19 =	simm.s32 $0x1B8B  }
0x9f: {  	_ =	swait.ge [sflag:s19], $0x1  }
0xa0: {  	[sflag:s19] =	ssyncset.done $0x0  }
0xa1: {  	s21 =	simm.s32 $0x1B8E;
	s20 =	sld [smem:$0x3FFE];
	[sflag:s19] =	ssyncadd.s32 $0xFFFFFFFF  }
0xa2: {  	s22 =	simm.s32 $execute0_lowered;
	[smem:$0x3FD2] =	sst s21  }
0xa3: {  	s3 =	sshll.u32 s22, $0x1;
	_ =	strace $0x8000004F;
	[dreg:$0x1] =	wrdreg $0xFFFFFFFF  }
0xa4: {  	s23 =	simm.s32 $_size_execute0_lowered;
	s3 =	sadd.s32 s1, s3;
	[dreg:$0x0] =	wrdreg $0x0  }
0xa5: {  	s4 =	sshll.u32 s23, $0x1;
	[dreg:$0x2] =	wrdreg s3  }
0xa6: {  	[dreg:$0x3] =	wrdreg s4  }
0xa7: {  	[dreg:$0x4] =	wrdreg $0xC0  }
0xa8: {  	s24 =	simm.s32 $execute1_lowered;
	_ =	task [dreg:s18], $0x5FFFF  }
0xa9: {  	s3 =	sshll.u32 s24, $0x1;
	[dreg:$0x1] =	wrdreg $0xFFFFFFFF  }
0xaa: {  	s1 =	sadd.s32 s1, s3;
	[dreg:$0x0] =	wrdreg $0x60  }
0xab: {  	[dreg:$0x2] =	wrdreg s1  }
0xac: {  	[dreg:$0x3] =	wrdreg s20  }
0xad: {  	[dreg:$0x4] =	wrdreg $0x9  }
0xae: {  	_ =	task.clear_ibuf [dreg:s18], $0x5FFFF;
	_ =	strace $0x9000004F  }
0xaf: {  	s25 =	simm.s32 $0x9;
	_ =	strace $0x80000051  }
0xb0: {  	_ =	swait.ge [sflag:s25], $0x1  }
0xb1: {  	[sflag:s25] =	ssyncadd.s32 $0xFFFFFFFF  }
0xb2: {  	_ =	strace $0x90000051  }
0xb3: {  	_ =	strace $0x80000052;
	[dreg:$0x1] =	wrdreg $0xFFFFFFFF  }
0xb4: {  	[dreg:$0x0] =	wrdreg $0x2030  }
0xb5: {  	[dreg:$0x2] =	wrdreg s20  }
0xb6: {  	[dreg:$0x3] =	wrdreg $0xA  }
0xb7: {  	_ =	task.clear_ibuf [dreg:s18], $0x4FFFF;
	_ =	strace $0x90000052  }
0xb8: {  	s26 =	simm.s32 $0xA;
	_ =	strace $0x80000054  }
0xb9: {  	_ =	swait.ge [sflag:s26], $0x1  }
0xba: {  	[sflag:s26] =	ssyncadd.s32 $0xFFFFFFFF  }
0xbb: {  	_ =	strace $0x90000054  }
0xbc: {  	_ =	sfence  }
0xbd: {  	s28 =	sld [smem:$0x0];
	_ =	sdelay $0x1  }
0xbe: {  	s29 =	srdreg.scid  }
0xbf: {  	s30 =	sshll.u32 s29, $0xD;
	s31 =	sshrl.u32 s29, $0x2  }
0xc0: {  	s2 =	sand.u32 $0x1, s29;
	s3 =	sand.u32 $0x4000, s30;
	s1 =	sadd.s32 s31, s28  }
0xc1: {  	s2 =	sor.u32 s3, s2;
	s1 =	sshll.u32 s1, $0x11  }
0xc2: {  	s1 =	sor.u32 s1, s2  }
0xc3: {  	s1 =	sadd.s32 $0x8F2B, s1  }
0xc4: {  	[sflag:s1] =	ssyncadd.remote.s32 $0x1  }
0xc5: {  	_ =	sfence.sel $0xFFFF  }
0xc6: {  	[dreg:$0x0] =	wrdreg $0xFFFFFFFF;
	(pc) =	sbr.abs _section_cstart, $3  }
0xc7: {  	[dreg:$0x1] =	wrdreg $0xFFFFFFFF  }
0xc8: {  	_ =	task.clear_ibuf [dreg:s18], $0x2FFFF;
	_ =	strace $0x9FFFFFFF  }
0xc9: {  	(tm) =	ssettm $0x7FFFFFFF  }
tec
execute0_lowered:
.L_overlay_start_1:
0x0: {  	(tag) =	ssettag $0x1  }
0x1: {  	s2 =	rddreg [dreg:$0x0]  }
0x2: {  	s4 =	rddreg [dreg:$0x1]  }
0x3: {  	s0 =	rddreg [dreg:$0x2];
	s3 =	stileid.u32  }
0x4: {  	[bflag:$0x3] =	sbarrier.arrive $0xFFFF;
	s1 =	simm.s32 $_size_execute1_lowered;
	p0 =	sne.s32 s3, $0x0  }
0x5: {  	s1 =	sshll.u32 s1, $0x1;
	s5 =	simm.s32 @!p0 $0x1C3F;
	s6 =	simm.s32 @!p0 $0x4060  }
0x6: {  	[timem:s6], [sflag:s5] =	dma.local @!p0 [hbm:s2], s1  }
0x7: {  	s2 =	smul.u32 $0x280, s3  }
.Ltmp0:
0x8: {  	s31 =	simm.s32 $0x2;
	s7 =	simm.s32 $0x280;
	(pc) =	sbr.rel .LBB2_1-.Ltmp0, $4  }
0x9: {  	s8 =	simm.s32 $0x780;
	s10 =	simm.s32 $0x0;
	s9 =	simm.s32 $0x0  }
0xa: {  	s3 =	simm.s32 $0x1;
	_ =	strace $0x80000050;
	s30 =	sshrl.u32 s2, $0x3  }
0xb: {  	s6 =	simm.s32 $0x0;
	[sflag:s3] =	ssyncpa.u1 $0x0;
	s5 =	sadd.s32 s30, s4  }
0xc: {  	s4 =	sadd.s32 $0x1E00, s4;
	[sflag:s31] =	ssyncpa.u1 $0x0;
	s5 =	sadd.s32 $0x1800, s5  }
.LBB2_8:
0xd: {  	p1 =	seq.s32 s9, $0x2  }
.Ltmp1:
0xe: {  	_ = 	snop;
	(pc) =	sbr.rel @p1 .LBB2_10-.Ltmp1, $1  }
0xf: {  	_ =	sdelay $0x3  }
.LBB2_9:
0x10: {  	s9 =	sadd.s32 $0x1, s9;
	s10 =	smov.u32 s2  }
.LBB2_1:
0x11: {  	p1 =	sne.s32 s9, $0x0  }
.Ltmp2:
0x12: {  	_ = 	snop;
	(pc) =	sbr.rel @!p1 .LBB2_2-.Ltmp2, $1  }
0x13: {  	_ =	sdelay $0x3  }
0x14: {  	s11 =	sand.u32 $0x1, s9  }
0x15: {  	p1 =	seq.s32 s11, $0x0  }
.Ltmp3:
0x16: {  	_ = 	snop;
	(pc) =	sbr.rel @p1 .LBB2_8-.Ltmp3, $1  }
0x17: {  	_ =	sdelay $0x3  }
0x18: {  	_ =	swait.ge [sflag:s3], $0x280  }
0x19: {  	[sflag:s3] =	ssyncset.done $0x0  }
0x1a: {  	s11 =	simm.s32 $0x0;
	p1 =	por $0x1, $0x1;
	[sflag:s3] =	ssyncadd.s32 $0xFFFFFD80  }
.LBB2_5:
0x1b: {  	v0 =	vld [tilespmem:s11+$0x280]  }
0x1c: {  	v1 =	vld [tilespmem:s11+$0x290]  }
0x1d: {  	v2 =	vld [tilespmem:s11+$0x2A0]  }
0x1e: {  	v3 =	vld [tilespmem:s11+$0x2B0]  }
0x1f: {  	v4 =	vld [tilespmem:s11+$0x2C0]  }
0x20: {  	v53 =	vld [tilespmem:s11+$0x2D0];
	[tilespmem:s11+$0x780] =	vst v0  }
0x21: {  	v54 =	vld [tilespmem:s11+$0x2E0];
	[tilespmem:s11+$0x790] =	vst v1  }
0x22: {  	v55 =	vld [tilespmem:s11+$0x2F0];
	[tilespmem:s11+$0x7A0] =	vst v2  }
0x23: {  	v56 =	vld [tilespmem:s11+$0x300];
	[tilespmem:s11+$0x7B0] =	vst v3  }
0x24: {  	v57 =	vld [tilespmem:s11+$0x310];
	[tilespmem:s11+$0x7C0] =	vst v4  }
0x25: {  	v58 =	vld [tilespmem:s11+$0x320];
	[tilespmem:s11+$0x7D0] =	vst v53  }
0x26: {  	v59 =	vld [tilespmem:s11+$0x330];
	[tilespmem:s11+$0x7E0] =	vst v54  }
0x27: {  	v60 =	vld [tilespmem:s11+$0x340];
	[tilespmem:s11+$0x7F0] =	vst v55  }
0x28: {  	v61 =	vld [tilespmem:s11+$0x350];
	[tilespmem:s11+$0x800] =	vst v56  }
0x29: {  	v62 =	vld [tilespmem:s11+$0x360];
	[tilespmem:s11+$0x810] =	vst v57  }
0x2a: {  	v63 =	vld [tilespmem:s11+$0x370];
	p2 =	por p1, p1;
	[tilespmem:s11+$0x820] =	vst v58  }
.Ltmp4:
0x2b: {  	[tilespmem:s11+$0x830] =	vst v59;
	(pc) =	sbr.rel @p2 .LBB2_5-.Ltmp4, $4  }
0x2c: {  	[tilespmem:s11+$0x840] =	vst v60  }
0x2d: {  	[tilespmem:s11+$0x850] =	vst v61  }
0x2e: {  	s12 =	simm.s32 $0x1F0;
	s13 =	simm.s32 $0x980;
	[tilespmem:s11+$0x860] =	vst v62  }
0x2f: {  	s14 =	simm.s32 $0x480;
	p1 =	por $0x0, $0x0;
	[tilespmem:s11+$0x870] =	vst v63;
	s11 =	simm.s32 $0x100  }
.LBB2_6:
0x30: {  	s12 =	sadd.s32 $0x10, s12  }
0x31: {  	v0 =	vld [tilespmem:s14+$0x0];
	p1 =	slt.u32 s12, $0x270  }
.Ltmp5:
0x32: {  	_ = 	snop;
	(pc) =	sbr.rel @p1 .LBB2_6-.Ltmp5, $2  }
0x33: {  	_ =	sdelay $0x2  }
0x34: {  	s14 =	sadd.s32 $0x10, s14;
	[tilespmem:s13+$0x0] =	vst v0;
	s13 =	sadd.s32 $0x10, s13  }
.Ltmp6:
0x35: {  	(pc) =	sbr.rel .LBB2_8-.Ltmp6, $4  }
0x36: {  	_ = 	snop  }
0x37: {  	s10 =	sshrl.u32 s10, $0x3  }
0x38: {  	s10 =	sadd.s32 s4, s10  }
0x39: {  	[hbm4b:s10+s6] =	stream.linear.scatter [tilespmem:s8], [sflag:$0x2], $0x280, $0x38;
	[tilespmem:$0xA00] =	vst v63  }
.LBB2_2:
.Ltmp7:
0x3a: {  	(pc) =	sbr.rel .LBB2_9-.Ltmp7, $2  }
0x3b: {  	_ =	sdelay $0x2  }
0x3c: {  	[tilespmem:s7], [sflag:$0x1] =	stream.linear.gather [hbm4b:s5+s6], $0x280, $0x38;
	[tilespmem:$0xA00] =	vst v63  }
.LBB2_10:
0x3d: {  	s2 =	simm.s32 $0x2  }
0x3e: {  	_ =	swait.ge [sflag:s2], $0x280  }
0x3f: {  	[sflag:s2] =	ssyncset.done $0x0  }
0x40: {  	[sflag:s2] =	ssyncadd.s32 $0xFFFFFD80  }
0x41: {  	_ =	sfence.sel $0x180000  }
0x42: {  	s3 =	simm.s32 $0x1;
	[bflag:$0x0] =	sbarrier.arrive $0xFFFF  }
0x43: {  	[sflag:s3] =	ssyncpa.u1 $0x1  }
0x44: {  	[sflag:s2] =	ssyncpa.u1 $0x1  }
0x45: {  	_ =	strace $0x90000050  }
0x46: {  	s0 =	sadd.s32 @!p0 $0x100000, s0;
	[bflag:$0x2] =	sbarrier.arrive $0xFFFF  }
0x47: {  	[sflag:s0] =	ssyncadd.tile.s32 @!p0 $0x1;
	s0 =	simm.s32 @!p0 $0x3F  }
0x48: {  	_ =	swait.ge @!p0 [sflag:s0], s1  }
0x49: {  	s1 =	ssub.s32 @!p0 $0x0, s1;
	[sflag:s0] =	ssyncset.done @!p0 $0x0  }
0x4a: {  	[sflag:s0] =	ssyncadd.s32 @!p0 s1  }
0x4b: {  	[bflag:$0x3] =	sbarrier.arrive $0xFFFF  }
0x4c: {  	_ =	shalt  }
.Lfunc_end2:
execute1_lowered:
.L_overlay_start_2:
0x4d: {  	(tag) =	ssettag $0x2  }
0x4e: {  	s0 =	rddreg [dreg:$0x0]  }
0x4f: {  	s6 =	stileid.u32;
	_ =	strace $0x80000053;
	s2 =	simm.s32 $0x1  }
0x50: {  	v1 =	vimm.s32 $0xFFFFFFFF;
	s1 =	smul.u32 $0x3, s6;
	[sflag:s2] =	ssyncpa.u1 $0x0  }
0x51: {  	s3 =	smin.u32 s6, $0x7;
	[tilespmem:$0x10] =	vst v1  }
0x52: {  	v0 =	vimm.f32 $0.0e+00;
	[tilespmem:$0x20] =	vst v1;
	s1 =	sadd.s32 s3, s1  }
0x53: {  	p0 =	slt.u32 s6, $0x7;
	[tilespmem:$0x30] =	vst v0;
	s3 =	smul.u32 $0x1770, s1;
	s1 =	simm.s32 $0x5DC0  }
0x54: {  	[tilespmem:$0x40] =	vst v0;
	s1 =	simm.s32 @!p0 $0x4650  }
0x55: {  	[tilespmem:$0x50] =	vst v0;
	s1 =	sadd.s32 s1, s3  }
0x56: {  	[tilespmem:$0x60] =	vst v1;
	s4 =	smin.u32 s1, $0x50910  }
0x57: {  	s7 =	simm.s32 $0x2;
	[tilespmem:$0x70] =	vst v1;
	s9 =	ssub.s32 s4, s3  }
0x58: {  	s8 =	simm.s32 $0x8;
	s31 =	simm.s32 $0x9;
	[tilespmem:$0x80] =	vst v1;
	p0 =	sgt.s32 s9, $0x0  }
0x59: {  	s16 =	simm.s32 $0x0;
	s17 =	simm.s32 $0xF0;
	v1 =	vimm.s32 $0x0;
	[tilespmem:$0xB0] =	vst v0;
	s9 =	simm.s32 @!p0 $0x0  }
0x5a: {  	s18 =	simm.s32 $0xFFFFFFFF;
	s19 =	simm.s32 $0xFFFFD220;
	[tilespmem:$0x90] =	vst v1;
	s5 =	smulhi.u32 $0x57619F1, s9  }
0x5b: {  	s20 =	simm.s32 $0xFFFFFFFE;
	[tilespmem:$0xA0] =	vst v1;
	[sflag:s7] =	ssyncpa.u1 $0x0;
	s7 =	simm.s32 $0x7  }
0x5c: {  	s21 =	simm.s32 $0xF;
	[sflag:s7] =	ssyncpa.u1 $0x0;
	s10 =	sshrl.u32 s5, $0x7  }
0x5d: {  	s25 =	simm.s32 $0x0;
	[sflag:s8] =	ssyncpa.u1 $0x0;
	s11 =	smul.u32 $0x1770, s10  }
0x5e: {  	s24 =	simm.s32 $0x0;
	s14 =	sshllo.u32 s6, $0x1;
	[sflag:s31] =	ssyncpa.u1 $0x0  }
.Ltmp8:
0x5f: {  	s1 =	sadd.s32 $0x1E00, s0;
	p0 =	sne.s32 s9, s11;
	(pc) =	sbr.rel .LBB3_1-.Ltmp8, $4  }
0x60: {  	s5 =	sadd.s32 $0x33E00, s0;
	s0 =	sadd.s32 $0x52400, s0;
	s2 =	simm.s32 @!p0 $0x0  }
0x61: {  	s23 =	smov.u32 s3;
	[dreg:$0x2] =	wrdreg s0;
	s9 =	sadd.s32 s2, s10  }
0x62: {  	vm0 =	vmmov $0xffff;
	v2 =	vlaneseq.u32;
	p0 =	por $0x0, $0x0;
	s10 =	sshll.u32 s6, $0x1;
	s11 =	sadd.s32 $0x1, s9  }
0x63: {  	vm1 =	vmxor vm1, vm1;
	vm2 =	vmmov $0x1;
	vm3 =	vcmask $0x3F3C;
	s12 =	sadd.s32 $0x2, s9;
	s13 =	sor.u32 $0x81, s10;
	s15 =	sor.u32 $0x80, s10  }
.LBB3_9:
0x64: {  	p1 =	slt.u32 s24, $0x3  }
0x65: {  	s0 =	simm.s32 @!p1 $0x2  }
0x66: {  	_ =	swait.ge @!p1 [sflag:s0], $0x1770  }
0x67: {  	[sflag:s0] =	ssyncset.done @!p1 $0x0  }
0x68: {  	[sflag:s0] =	ssyncadd.s32 @!p1 $0xFFFFE890;
	s0 =	simm.s32 @!p1 $0x9  }
0x69: {  	_ =	swait.ge @!p1 [sflag:s0], $0x10  }
0x6a: {  	[sflag:s0] =	ssyncset.done @!p1 $0x0  }
0x6b: {  	[sflag:s0] =	ssyncadd.s32 @!p1 $0xFFFFFFF0;
	p1 =	sne.s32 s24, s12  }
.Ltmp9:
0x6c: {  	s2 =	sadd.s32 $0x1770, s23;
	(pc) =	sbr.rel @!p1 .LBB3_10-.Ltmp9, $4  }
0x6d: {  	s6 =	smov.u32 s3;
	s31 =	sadd.s32 $0x1, s24;
	s17 =	sadd.s32 $0x1770, s17  }
0x6e: {  	s18 =	sadd.s32 $0x1, s18;
	s25 =	smov.u32 s23;
	p2 =	slt.s32 s2, s4  }
0x6f: {  	p0 =	por !p0, !p0;
	s19 =	sadd.s32 $0x1770, s19;
	s6 =	smov.u32 @p2 s2  }
0x70: {  	s20 =	sadd.s32 $0x1, s20;
	s23 =	smov.u32 s6;
	s24 =	smov.u32 s31  }
.LBB3_1:
0x71: {  	p1 =	sge.u32 s24, s9  }
0x72: {  	s0 =	smulhi.u32 @!p1 $0xAAAAAAAB, s24;
	_ =	sdelay $0x1  }
0x73: {  	s0 =	sshrl.u32 @!p1 s0, $0x1  }
0x74: {  	s0 =	smul.u32 @!p1 $0x3, s0;
	_ =	sdelay $0x1  }
0x75: {  	s0 =	ssub.s32 @!p1 s24, s0  }
0x76: {  	s0 =	smul.u32 @!p1 $0x5DC0, s0;
	_ =	sdelay $0x1  }
0x77: {  	s2 =	sshrl.u32 @!p1 s23, $0x3;
	s0 =	sshrl.u32 @!p1 s0, $0x2  }
0x78: {  	s22 =	sand.u32 @!p1 $0x7, s23;
	s2 =	sadd.s32 @!p1 s5, s2;
	s0 =	sadd.s32 @!p1 $0x100, s0  }
0x79: {  	[tilespmem:s0], [sflag:$0x7] =	stream.linear.gather @!p1 [hbm4b:s2+s22], $0x1770, $0x38;
	[tilespmem:$0xD410] =	vst v63  }
0x7a: {  	s0 =	sadd.s32 $0xFFFFFFFF, s24  }
0x7b: {  	p1 =	sge.u32 s0, s9  }
.Ltmp10:
0x7c: {  	_ = 	snop;
	(pc) =	sbr.rel @p1 .LBB3_5-.Ltmp10, $1  }
0x7d: {  	_ =	sdelay $0x3  }
0x7e: {  	s2 =	smulhi.u32 $0xAAAAAAAB, s0;
	_ =	sdelay $0x1  }
0x7f: {  	s2 =	sshrl.u32 s2, $0x1  }
0x80: {  	s2 =	smul.u32 $0x3, s2;
	_ =	sdelay $0x1  }
0x81: {  	s2 =	ssub.s32 s0, s2  }
0x82: {  	s2 =	smul.u32 $0x5DC0, s2  }
0x83: {  	_ =	swait.ge [sflag:s7], $0x1770  }
0x84: {  	[sflag:s7] =	ssyncset.done $0x0;
	s2 =	sshrl.u32 s2, $0x2  }
0x85: {  	[sflag:s7] =	ssyncadd.s32 $0xFFFFE890;
	(ifvalue) =	ssetifvalue $0xFFFFFFFF;
	v3 =	vld.msk [tilespmem:s2+$0x100 ss:$0x1], $0xffff;
	_ =	sdelay $0x2  }
0x86: {  	s30 =	smulhi.u32 $0xAAAAAAAB, s18;
	p1 =	sne.s32 s24, $0x1  }
0x87: {  	v4 =	vimm.s32 @!p1 $0x0  }
0x88: {  	s2 =	sshrl.u32 s30, $0x1;
	v4 =	vperm.xlane @!p1 v3, v4  }
0x89: {  	s22 =	sshll.u32 s24, $0x4;
	s2 =	smul.u32 $0xFFFEE6C0, s2;
	vm4 =	vlt.u32 v3, $0x2800  }
0x8a: {  	s22 =	sand.u32 $0x10, s22;
	v3 =	vnsel vm4, $0xFFFFFFFE, v3;
	vm4 =	vlt.u32 @!p1 v4, $0x2800  }
0x8b: {  	s2 =	sshra.s32 s2, $0x2;
	[tilespmem:s22+$0x60] =	vst v3;
	v3 =	vnsel @!p1 vm4, $0xFFFFFFFE, v4  }
0x8c: {  	s28 =	sadd.s32 s2, s17;
	[tilespmem:$0x80] =	vst @!p1 v3  }
0x8d: {  	v3 =	vld.msk [tilespmem:s28+$0x0 ss:$0x1], $0xffff;
	_ =	sdelay $0x4  }
0x8e: {  	(xrf1) =	vunique.msk.u32 $0xffff, v3;
	_ =	sdelay $0xd  }
0x8f: {  	v4 =	vimm.s32 $0xFFFFFFFF;
	v5, _, _ =	vpop (xrf1)  }
0x90: {  	vm5 =	vne.s32 v3, v4;
	vm4 =	veq.s32 v5, v2  }
0x91: {  	vm6 =	vlt.u32 v3, $0x2800;
	vm4 =	vmand vm5, vm4  }
0x92: {  	vm4 =	vmand vm6, vm4  }
0x93: {  	v4 =	vnsel vm4, $0xFFFFFFFF, v3  }
0x94: {  	s31 =	sand.u32 $0x1, s0  }
0x95: {  	s0 =	simm.s32 $0x1770;
	p1 =	seq.s32 s31, $0x1  }
0x96: {  	s0 =	simm.s32 @!p1 $0x0  }
0x97: {  	s26 =	sadd.s32 $0x5EB0, s0;
	(ifvalue) =	ssetifvalue $0xFFFFFFFF  }
0x98: {  	v3 =	vperm.xlane v3, v1;
	[tilespmem:s26], [sflag:$0x8] =	stream.indirect_vreg.gather [hbm4b:s1+s16], $0x1, v4, vm0, $0x4038;
	v4 =	vnsel vm6, $0xFFFFFFFE, v4;
	[tilespmem:$0xD410] =	vst v63  }
0x99: {  	s2 =	simm.s32 $0x0;
	s22 =	sadd.s32 $0xFFFFFFF0, s28;
	[tilespmem:s28+$0x0] =	vst v4  }
.LBB3_3:
0x9a: {  	v4 =	vld.msk [tilespmem:s22+$0x0 ss:$0x1], $0xffff;
	s2 =	sadd.s32 $0x10, s2;
	v5 =	vmov v3;
	s28 =	smov.u32 s22  }
0x9b: {  	p1 =	slt.u32 s2, $0x1760;
	_ =	sdelay $0x4  }
0x9c: {  	v3 =	vperm.xlane v4, v1;
	(xrf1) =	vunique.msk.u32 $0xffff, v4;
	_ =	sdelay $0xd  }
0x9d: {  	v6, _, _ =	vpop (xrf1)  }
0x9e: {  	vm5 =	vne.s32 v4, v5;
	vm4 =	veq.s32 v6, v2  }
0x9f: {  	vm6 =	vlt.u32 v4, $0x2800;
	vm4 =	vmand vm5, vm4  }
0xa0: {  	vm4 =	vmand vm6, vm4  }
0xa1: {  	v4 =	vnsel vm4, $0xFFFFFFFF, v4  }
.Ltmp11:
0xa2: {  	v5 =	vnsel vm6, $0xFFFFFFFE, v4;
	(pc) =	sbr.rel @p1 .LBB3_3-.Ltmp11, $3  }
0xa3: {  	_ =	sdelay $0x1  }
0xa4: {  	s22 =	sadd.s32 $0xFFFFFFF0, s22;
	s26 =	sadd.s32 $0xFFFFFFF0, s26;
	(ifvalue) =	ssetifvalue $0xFFFFFFFF  }
0xa5: {  	[tilespmem:s26], [sflag:$0x8] =	stream.indirect_vreg.gather [hbm4b:s1+s16], $0x1, v4, vm0, $0x4038;
	[tilespmem:s28+$0x0] =	vst v5  }
0xa6: {  	s2 =	sshrl.u32 s25, $0x3;
	s6 =	rddreg [dreg:$0x2]  }
0xa7: {  	s0 =	sadd.s32 $0x7630, s0;
	s2 =	sadd.s32 s6, s2  }
0xa8: {  	[tilespmem:s0], [sflag:$0x8] =	stream.linear.gather [hbm:s2], $0x1770, $0x38;
	[tilespmem:$0xD410] =	vst v63  }
.LBB3_5:
0xa9: {  	p1 =	slt.u32 s24, $0x2  }
0xaa: {  	p2 =	sge.u32 @!p1 s24, s12  }
0xab: {  	p1 =	por p1, p2  }
.Ltmp12:
0xac: {  	_ = 	snop;
	(pc) =	sbr.rel @p1 .LBB3_9-.Ltmp12, $1  }
0xad: {  	_ =	sdelay $0x3  }
0xae: {  	s0 =	sadd.s32 $0xFFFFFFFE, s24  }
0xaf: {  	s2 =	smulhi.u32 $0xAAAAAAAB, s0;
	_ =	sdelay $0x1  }
0xb0: {  	s2 =	sshrl.u32 s2, $0x1  }
0xb1: {  	s2 =	smul.u32 $0x3, s2;
	_ =	sdelay $0x1  }
0xb2: {  	s0 =	ssub.s32 s0, s2  }
0xb3: {  	_ =	swait.ge [sflag:s8], $0x2EE0;
	s0 =	smul.u32 $0x1770, s0  }
0xb4: {  	p1 =	sne.s32 s24, s11;
	[sflag:s8] =	ssyncset.done $0x0  }
0xb5: {  	[sflag:s8] =	ssyncadd.s32 $0xFFFFD120;
	s2 =	sadd.s32 @!p1 $0x186F, s0  }
0xb6: {  	[spmem:s13] =	stream.linear.scatter @!p1 [tilespmem:s2], [sflag:$0x1], $0x1, $0x38;
	[tilespmem:$0xD410] =	vst v63  }
0xb7: {  	s2 =	simm.s32 @!p1 $0x1  }
0xb8: {  	_ =	swait.ge @!p1 [sflag:s2], $0x1  }
0xb9: {  	s22 =	sshll.u32 s24, $0x4;
	[sflag:s2] =	ssyncset.done @!p1 $0x0  }
0xba: {  	s25 =	sand.u32 $0x10, s22;
	[sflag:s2] =	ssyncadd.s32 @!p1 $0xFFFFFFFF  }
0xbb: {  	s2 =	sxor.u32 $0x10, s25;
	v4 =	vld [tilespmem:s25+$0x10]  }
0xbc: {  	v5 =	vld [tilespmem:s2+$0x60]  }
0xbd: {  	v3 =	vld [tilespmem:$0x80];
	_ =	sdelay $0x2  }
0xbe: {  	(v2sf) =	vpush v4, $0x0  }
0xbf: {  	(v2sf) =	vpush v5, $0x0  }
0xc0: {  	(v2sf) =	vpush v3, $0x0;
	_ =	sdelay $0xc  }
0xc1: {  	s6 =	spop (v2sf)  }
0xc2: {  	s28 =	spop (v2sf)  }
0xc3: {  	s26 =	spop (v2sf)  }
0xc4: {  	p2 =	seq.s32 s6, s28;
	p3 =	seq.s32 s26, s6  }
0xc5: {  	p3 =	por p2, p3  }
0xc6: {  	s6 =	sand.u32 $0x1, s24;
	v4 =	vpsel p3, $0xFFFFFFFF, v4  }
0xc7: {  	s28 =	smul.u32 $0x1770, s6;
	[tilespmem:s25+$0x10] =	vst.msk $0x1, v4  }
0xc8: {  	v4 =	vld [tilespmem:$0x30]  }
0xc9: {  	v5 =	vld [tilespmem:s28+$0x7630]  }
0xca: {  	v6 =	vld [tilespmem:s25+$0x40];
	_ =	sdelay $0x3  }
0xcb: {  	vm4 =	vmmov vm1;
	v5 =	vadd.f32 v5, v4  }
0xcc: {  	vm5 =	vmmov vm2;
	vm4 =	vmmov @p2 vm2;
	v4 =	vadd.f32 v6, v4  }
0xcd: {  	s22 =	sshll.u32 s6, $0x4;
	vm5 =	vmmov @p3 vm1;
	[tilespmem:s28+$0x7630] =	vst.msk vm4, v5  }
0xce: {  	[tilespmem:s22+$0xD3F0] =	vst.msk vm5, v4  }
0xcf: {  	v4 =	vld [tilespmem:s28+$0x5EB0];
	_ =	sdelay $0x3  }
0xd0: {  	v5 =	vimm.f32 $0.0e+00  }
0xd1: {  	v4 =	vshift.insert v4, v5, s21  }
0xd2: {  	s29 =	sor.u32 $0x40, s2  }
0xd3: {  	[tilespmem:s29+$0x0] =	vst.msk $0x1, v4  }
0xd4: {  	[tilespmem:s28+$0x5EBF] =	vst.msk $0x1, v5  }
0xd5: {  	v4 =	vld [tilespmem:s0+$0x1860];
	_ =	sdelay $0x1  }
0xd6: {  	s29 =	smulhi.u32 $0xAAAAAAAB, s20;
	s0 =	simm.s32 $0x1  }
0xd7: {  	s0 =	simm.s32 @!p0 $0x0  }
0xd8: {  	s29 =	sshrl.u32 s29, $0x1;
	s0 =	smul.u32 $0x5DC0, s0  }
0xd9: {  	s29 =	smul.u32 $0xFFFEE6C0, s29;
	v4 =	vshift.insert v4, v1, s21  }
0xda: {  	s0 =	sshrl.u32 s0, $0x2  }
0xdb: {  	s29 =	sshra.s32 s29, $0x2;
	s30 =	sadd.s32 $0x7630, s0;
	[tilespmem:s2+$0x10] =	vst.msk $0x1, v4  }
0xdc: {  	s6 =	sadd.s32 s29, s19;
	v6 =	vld [tilespmem:s30+$0x0]  }
0xdd: {  	v7 =	vld [tilespmem:s6+$0x0];
	_ =	sdelay $0x3  }
0xde: {  	v5 =	vadd.f32 v6, v5  }
0xdf: {  	vm4 =	vne.s32 v7, $0xFFFFFFFF  }
0xe0: {  	(xrf2) =	vadd.seg.scan.f32 vm4, v5;
	_ =	sdelay $0x3  }
0xe1: {  	s31 =	sadd.s32 $0x4750, s0;
	v5 =	vperm.xlane v4, v1  }
0xe2: {  	v6 =	vld [tilespmem:s31+$0x0]  }
0xe3: {  	vm5 =	veq.s32 v7, v3;
	vm6 =	veq.s32 v7, v5  }
0xe4: {  	vm7 =	vgt.u32 v7, $0xFFFFFFFD;
	vm6 =	vmor vm6, vm5  }
0xe5: {  	vm6 =	vmor vm6, vm7  }
0xe6: {  	v9 =	vld [tilespmem:$0xA0];
	v7 =	vsel vm6, $0xFFFFFFFF, v7  }
0xe7: {  	v10 =	vld [tilespmem:$0x90];
	v6 =	vsel vm5, $0x0, v6;
	v8, _, _ =	vpop (xrf2)  }
0xe8: {  	v6 =	vadd.f32 v8, v6  }
0xe9: {  	s0 =	sadd.s32 $0xA510, s0  }
0xea: {  	vm4 =	vmand vm4, vm3;
	[tilespmem:s0+$0x0] =	vst v6;
	(ifvalue) =	ssetifvalue $0xFFFFFFFF  }
0xeb: {  	vm6 =	veq.s32 v9, $0x1;
	[hbm4b:s1+s16] =	stream.indirect_vreg.scatter [tilespmem:s0], [sflag:$0x2], $0x1, v7, vm0, $0x4038;
	v7 =	vsel vm4, $0x0, v8;
	[tilespmem:$0xD410] =	vst v63  }
0xec: {  	s29 =	sadd.s32 $0xD3F0, s22;
	s22 =	sadd.s32 $0x10, s6;
	s2 =	simm.s32 $0x0;
	vm4 =	vmor vm6, vm5;
	v6 =	vsel vm5, v8, v10;
	v7 =	vshift.insert v7, v0, s21  }
.LBB3_7:
0xed: {  	v8 =	vld [tilespmem:s22+$0x0];
	s30 =	sadd.s32 $0x10, s30  }
0xee: {  	s31 =	sadd.s32 $0x10, s31;
	v9 =	vld [tilespmem:s30+$0x0]  }
0xef: {  	s2 =	sadd.s32 $0x10, s2;
	v10 =	vld [tilespmem:s31+$0x0]  }
0xf0: {  	p2 =	slt.u32 s2, $0x1760;
	_ =	sdelay $0x2  }
0xf1: {  	v7 =	vadd.f32 v9, v7  }
0xf2: {  	vm5 =	vne.s32 v8, $0xFFFFFFFF  }
0xf3: {  	vm6 =	vmand vm5, vm3;
	(xrf2) =	vadd.seg.scan.f32 vm5, v7;
	_ =	sdelay $0x5  }
0xf4: {  	vm7 =	veq.s32 v8, v5;
	vm5 =	veq.s32 v8, v3  }
0xf5: {  	vm8 =	vgt.u32 v8, $0xFFFFFFFD;
	vm4 =	vmor vm4, vm5;
	vm7 =	vmor vm7, vm5  }
0xf6: {  	vm7 =	vmor vm7, vm8  }
0xf7: {  	v8 =	vsel vm7, $0xFFFFFFFF, v8  }
.Ltmp13:
0xf8: {  	v7 =	vsel vm5, $0x0, v10;
	v9, _, _ =	vpop (xrf2);
	(pc) =	sbr.rel @p2 .LBB3_7-.Ltmp13, $4  }
0xf9: {  	v6 =	vsel vm5, v9, v6;
	v10 =	vadd.f32 v9, v7;
	v7 =	vsel vm6, $0x0, v9  }
0xfa: {  	s0 =	sadd.s32 $0x10, s0;
	v7 =	vshift.insert v7, v0, s21  }
0xfb: {  	s22 =	sadd.s32 $0x10, s22;
	[tilespmem:s0+$0x0] =	vst v10;
	(ifvalue) =	ssetifvalue $0xFFFFFFFF  }
0xfc: {  	[hbm4b:s1+s16] =	stream.indirect_vreg.scatter [tilespmem:s0], [sflag:$0x2], $0x1, v8, vm0, $0x4038;
	[tilespmem:$0xD410] =	vst v63  }
0xfd: {  	v3 =	vld [tilespmem:s28+$0xBC70];
	_ =	sdelay $0x4  }
0xfe: {  	v3 =	vshift.insert v3, v0, s21  }
0xff: {  	s0 =	simm.s32 $0x30  }
0x100: {  	[tilespmem:s0+$0x0] =	vst.msk $0x1, v3  }
0x101: {  	v3 =	vsel vm4, $0x1, v1;
	[tilespmem:$0x90] =	vst v6  }
0x102: {  	s0 =	sadd.s32 @!p1 $0xBC7F, s28;
	[tilespmem:$0xA0] =	vst v3  }
0x103: {  	[spmem:s14] =	stream.linear.scatter @!p1 [tilespmem:s0], [sflag:$0x1], $0x1, $0x38;
	[tilespmem:$0xD410] =	vst v63  }
0x104: {  	s0 =	simm.s32 @!p1 $0x1  }
0x105: {  	v3 =	vmctz.xlane @!p1 vm4;
	_ =	swait.ge @!p1 [sflag:s0], $0x1  }
0x106: {  	(v2sf) =	vpush @!p1 v4, $0x0  }
0x107: {  	(v2sf) =	vpush @!p1 v3, $0x0;
	_ =	sdelay $0xd  }
0x108: {  	s2 =	spop @!p1 (v2sf)  }
0x109: {  	s6 =	spop @!p1 (v2sf)  }
0x10a: {  	p2 =	sne.s32 @!p1 s26, s2;
	p3 =	slt.s32 @!p1 s6, $0xF  }
0x10b: {  	[sflag:s0] =	ssyncset.done @!p1 $0x0;
	p2 =	por p2, p1;
	p3 =	por !p3, p1  }
0x10c: {  	[sflag:s0] =	ssyncadd.s32 @!p1 $0xFFFFFFFF;
	v3 =	vimm.s32 @!p2 $0xFFFFFFFF;
	s6 =	simm.s32 @p3 $0xF  }
0x10d: {  	[tilespmem:$0x80] =	vst @!p2 v3;
	s2 =	sadd.s32 @!p1 $0x90, s6  }
0x10e: {  	[spmem:s10] =	stream.linear.scatter @!p1 [tilespmem:s2], [sflag:$0x1], $0x1, $0x38;
	[tilespmem:$0xD410] =	vst v63  }
0x10f: {  	_ =	swait.ge @!p1 [sflag:s0], $0x1  }
0x110: {  	[sflag:s0] =	ssyncset.done @!p1 $0x0  }
0x111: {  	s2 =	simm.s32 @!p1 $0x80;
	[sflag:s0] =	ssyncadd.s32 @!p1 $0xFFFFFFFF  }
0x112: {  	[spmem:s15] =	stream.linear.scatter @!p1 [tilespmem:s2], [sflag:$0x1], $0x1, $0x38;
	[tilespmem:$0xD410] =	vst v63  }
0x113: {  	_ =	swait.ge @!p1 [sflag:s0], $0x1  }
0x114: {  	[sflag:s0] =	ssyncset.done @!p1 $0x0  }
0x115: {  	[sflag:s0] =	ssyncadd.s32 @!p1 $0xFFFFFFFF;
	(ifvalue) =	ssetifvalue $0xFFFFFFFF;
	v3 =	vld [tilespmem:s25+$0x10];
	_ =	sdelay $0x3  }
.Ltmp14:
0x116: {  	_ = 	snop;
	(pc) =	sbr.rel .LBB3_9-.Ltmp14, $3  }
0x117: {  	_ =	sdelay $0x1  }
0x118: {  	(ifvalue) =	ssetifvalue $0xFFFFFFFF  }
0x119: {  	[hbm4b:s1+s16] =	stream.indirect_vreg.scatter [tilespmem:s29], [sflag:$0x9], $0x1, v3, vm0, $0x4038;
	[tilespmem:$0xD410] =	vst v63  }
.LBB3_10:
0x11a: {  	_ =	sfence.sel $0x180000  }
0x11b: {  	s0 =	simm.s32 $0x7;
	[bflag:$0x0] =	sbarrier.arrive $0xFFFF  }
0x11c: {  	s26 =	simm.s32 $0x8;
	[sflag:s0] =	ssyncpa.u1 $0x1  }
0x11d: {  	s28 =	simm.s32 $0x9;
	[sflag:s26] =	ssyncpa.u1 $0x1  }
0x11e: {  	[sflag:s28] =	ssyncpa.u1 $0x1  }
0x11f: {  	_ =	sfence.stream.spmem  }
0x120: {  	s29 =	simm.s32 $0x3;
	[bflag:$0x0] =	sbarrier.arrive $0xFFFF  }
0x121: {  	s30 =	simm.s32 $0x4;
	[sflag:s29] =	ssyncpa.u1 $0x1  }
0x122: {  	s31 =	simm.s32 $0x3C;
	s2 =	stileid.u32;
	[sflag:s30] =	ssyncpa.u1 $0x1  }
0x123: {  	p0 =	sne.s32 s2, $0x0;
	[sflag:s31] =	ssyncpa.u1 $0x1  }
0x124: {  	s0 =	simm.s32 @p0 $0x1;
	_ =	sfence @p0  }
0x125: {  	[sflag:s0] =	ssyncpa.u1 @p0 $0x1;
	s0 =	simm.s32 @p0 $0x2  }
0x126: {  	[sflag:s0] =	ssyncpa.u1 @p0 $0x1  }
0x127: {  	_ =	strace @p0 $0x90000053  }
0x128: {  	[bflag:$0x2] =	sbarrier.arrive @p0 $0xFFFF  }
0x129: {  	_ =	shalt @p0  }
.LBB3_11:
0x12a: {  	_ =	sfence.stream.spmem;
	s0 =	simm.s32 $0x5  }
0x12b: {  	s2 =	simm.s32 $0x80;
	s3 =	simm.s32 $0xC0;
	[sflag:s0] =	ssyncpa.u1 $0x0  }
0x12c: {  	[tilespmem:s3], [sflag:$0x5] =	stream.linear.gather [spmem:s2], $0x20, $0x38;
	[tilespmem:$0xD410] =	vst v63  }
0x12d: {  	s2 =	simm.s32 $0x0;
	s3 =	simm.s32 $0xE0  }
0x12e: {  	[tilespmem:s3], [sflag:$0x5] =	stream.linear.gather [spmem:s2], $0x20, $0x38;
	[tilespmem:$0xD410] =	vst v63  }
.Ltmp15:
0x12f: {  	_ = 	snop;
	(pc) =	sbr.rel .LBB3_12-.Ltmp15, $4  }
0x130: {  	_ =	swait.ge [sflag:s0], $0x40  }
0x131: {  	[sflag:s0] =	ssyncset.done $0x0  }
0x132: {  	s31 =	simm.s32 $0x6;
	[sflag:s0] =	ssyncadd.s32 $0xFFFFFFC0  }
0x133: {  	s4 =	simm.s32 $0x0;
	[sflag:s31] =	ssyncpa.u1 $0x0  }
.LBB3_17:
0x134: {  	p0 =	sgt.u32 s5, $0x27FF  }
0x135: {  	s0 =	sshrl.u32 @!p0 s5, $0x3  }
0x136: {  	s5 =	sand.u32 @!p0 $0x7, s5;
	s6 =	simm.s32 @!p0 $0xB0;
	s0 =	sadd.s32 @!p0 s1, s0  }
0x137: {  	[tilespmem:s6], [sflag:$0x6] =	stream.linear.gather @!p0 [hbm4b:s0+s5], $0x1, $0x38;
	[tilespmem:$0xD410] =	vst v63  }
0x138: {  	s0 =	simm.s32 @!p0 $0x6  }
0x139: {  	_ =	swait.ge @!p0 [sflag:s0], $0x1  }
0x13a: {  	[sflag:s0] =	ssyncset.done @!p0 $0x0  }
0x13b: {  	[sflag:s0] =	ssyncadd.s32 @!p0 $0xFFFFFFFF  }
0x13c: {  	v2 =	vmov @!p0 s4;
	v1 =	vld.msk @!p0 [tilespmem:$0xB0], $0x1;
	_ =	sdelay $0x3  }
0x13d: {  	s0 =	simm.s32 @!p0 $0xE0  }
0x13e: {  	[tilespmem:v2+s0+$0x0], v1 =	vst.idx.ret.add.f32.msk @!p0 $0x1, v1  }
0x13f: {  	[tilespmem:s2+$0xC0] =	vst.msk $0x1, v0  }
0x140: {  	v0 =	vld.msk [tilespmem:s4+$0xE0], $0x1;
	_ =	sdelay $0x4  }
0x141: {  	[tilespmem:s2+$0xE0] =	vst.msk $0x1, v0;
	s2 =	sadd.s32 $0x1, s2  }
.LBB3_19:
0x142: {  	s4 =	sadd.s32 $0x1, s4  }
0x143: {  	p0 =	sne.s32 s4, $0x20  }
.Ltmp16:
0x144: {  	_ = 	snop;
	(pc) =	sbr.rel @!p0 .LBB3_20-.Ltmp16, $1  }
0x145: {  	_ =	sdelay $0x3  }
.LBB3_12:
0x146: {  	v0 =	vld.msk [tilespmem:s4+$0xC0], $0x1;
	_ =	sdelay $0x4  }
0x147: {  	(v2sf) =	vpush v0, $0x0;
	_ =	sdelay $0xe  }
0x148: {  	s5 =	spop (v2sf)  }
0x149: {  	p0 =	seq.s32 s5, $0xFFFFFFFF  }
.Ltmp17:
0x14a: {  	_ = 	snop;
	(pc) =	sbr.rel @p0 .LBB3_19-.Ltmp17, $1  }
0x14b: {  	_ =	sdelay $0x3  }
0x14c: {  	p0 =	slt.s32 s2, $0x1  }
.Ltmp18:
0x14d: {  	_ = 	snop;
	(pc) =	sbr.rel @p0 .LBB3_17-.Ltmp18, $1  }
0x14e: {  	_ =	sdelay $0x3  }
0x14f: {  	s0 =	simm.s32 $0xC0;
	p0 =	por $0x0, $0x0  }
0x150: {  	v1 =	vld.msk @!p0 [tilespmem:s0+$0x0], $0x1;
	_ =	sdelay $0x4  }
0x151: {  	(v2sf) =	vpush @!p0 v1, $0x0;
	_ =	sdelay $0xd  }
0x152: {  	p2 =	sne.s32 s2, $0x1  }
.Ltmp19:
0x153: {  	s6 =	spop @!p0 (v2sf);
	(pc) =	sbr.rel @!p2 .LBB3_16-.Ltmp19, $4  }
0x154: {  	p1 =	seq.s32 @!p0 s5, s6  }
0x155: {  	s6 =	simm.s32 $0x0;
	p1 =	por !p1, p0  }
0x156: {  	s8 =	simm.s32 $0xFFFFFFFF;
	s6 =	simm.s32 @p1 $0xFFFFFFFF  }
0x157: {  	s7 =	simm.s32 $0x1;
	s6 =	smov.u32 @p0 s8  }
.LBB3_15:
0x158: {  	s8 =	smov.u32 s6;
	p0 =	sne.s32 s6, $0xFFFFFFFF  }
0x159: {  	s0 =	sadd.s32 $0x1, s0;
	s6 =	smov.u32 s7;
	s7 =	sadd.s32 $0x1, s7  }
0x15a: {  	p1 =	sne.s32 s2, s7;
	v1 =	vld.msk @!p0 [tilespmem:s0+$0x0], $0x1;
	_ =	sdelay $0x4  }
0x15b: {  	(v2sf) =	vpush @!p0 v1, $0x0;
	_ =	sdelay $0xe  }
.Ltmp20:
0x15c: {  	s9 =	spop @!p0 (v2sf);
	(pc) =	sbr.rel @p1 .LBB3_15-.Ltmp20, $4  }
0x15d: {  	p2 =	seq.s32 @!p0 s5, s9  }
0x15e: {  	p2 =	por !p2, p0  }
0x15f: {  	s6 =	simm.s32 @p2 $0xFFFFFFFF  }
0x160: {  	s6 =	smov.u32 @p0 s8  }
.LBB3_16:
0x161: {  	p0 =	sne.s32 s6, $0xFFFFFFFF  }
.Ltmp21:
0x162: {  	_ = 	snop;
	(pc) =	sbr.rel @!p0 .LBB3_17-.Ltmp21, $1  }
0x163: {  	_ =	sdelay $0x3  }
0x164: {  	v0 =	vld.msk [tilespmem:s4+$0xE0], $0x1;
	v1 =	vmov s6  }
.Ltmp22:
0x165: {  	_ = 	snop;
	(pc) =	sbr.rel .LBB3_19-.Ltmp22, $2  }
0x166: {  	_ =	sdelay $0x2  }
0x167: {  	[tilespmem:v1+s3+$0x0], v0 =	vst.idx.ret.add.f32.msk $0x1, v0  }
.LBB3_20:
0x168: {  	p0 =	slt.s32 s2, $0x1  }
.Ltmp23:
0x169: {  	_ = 	snop;
	(pc) =	sbr.rel @p0 .LBB3_24-.Ltmp23, $3  }
0x16a: {  	_ =	sdelay $0x1  }
0x16b: {  	s0 =	simm.s32 $0x6  }
0x16c: {  	s3 =	simm.s32 $0x0;
	[sflag:s0] =	ssyncpa.u1 $0x1  }
0x16d: {  	s0 =	simm.s32 $0xC0  }
0x16e: {  	v0 =	vld.msk [tilespmem:s0+$0x0], $0x1;
	_ =	sdelay $0x4  }
0x16f: {  	(v2sf) =	vpush v0, $0x0;
	_ =	sdelay $0xe  }
0x170: {  	s2 =	sadd.s32 $0xFFFFFFFF, s2;
	s4 =	spop (v2sf)  }
0x171: {  	p1 =	sne.s32 s2, $0x0;
	p0 =	sgt.u32 s4, $0x27FF  }
.Ltmp24:
0x172: {  	s5 =	sshrl.u32 @!p0 s4, $0x3;
	(pc) =	sbr.rel @!p1 .LBB3_23-.Ltmp24, $4  }
0x173: {  	s0 =	simm.s32 $0xE0;
	s4 =	sand.u32 @!p0 $0x7, s4;
	s5 =	sadd.s32 @!p0 s1, s5  }
0x174: {  	[hbm4b:s5+s4] =	stream.linear.scatter @!p0 [tilespmem:s0], [sflag:$0x5], $0x1, $0x38;
	[tilespmem:$0xD410] =	vst v63  }
0x175: {  	s5 =	simm.s32 $0x0  }
0x176: {  	s4 =	simm.s32 $0xC1;
	s5 =	simm.s32 @!p0 $0x4  }
.LBB3_22:
0x177: {  	v0 =	vld.msk [tilespmem:s4+$0x0], $0x1;
	s2 =	sadd.s32 $0xFFFFFFFF, s2;
	s3 =	sadd.s32 s3, s5  }
0x178: {  	p0 =	sne.s32 s2, $0x0;
	_ =	sdelay $0x3  }
0x179: {  	(v2sf) =	vpush v0, $0x0;
	_ =	sdelay $0xe  }
.Ltmp25:
0x17a: {  	s6 =	spop (v2sf);
	(pc) =	sbr.rel @p0 .LBB3_22-.Ltmp25, $4  }
0x17b: {  	s5 =	simm.s32 $0x0;
	p1 =	sgt.u32 s6, $0x27FF  }
0x17c: {  	s0 =	sadd.s32 $0x1, s0;
	s5 =	simm.s32 @!p1 $0x4;
	s7 =	sshrl.u32 @!p1 s6, $0x3  }
0x17d: {  	s4 =	sadd.s32 $0x1, s4;
	s6 =	sand.u32 @!p1 $0x7, s6;
	s7 =	sadd.s32 @!p1 s1, s7  }
0x17e: {  	[hbm4b:s7+s6] =	stream.linear.scatter @!p1 [tilespmem:s0], [sflag:$0x5], $0x1, $0x38;
	[tilespmem:$0xD410] =	vst v63  }
.LBB3_23:
0x17f: {  	s0 =	sadd.s32 s3, s5  }
0x180: {  	s3 =	sshrl.u32 s0, $0x2  }
.LBB3_24:
0x181: {  	s0 =	simm.s32 $0x5  }
0x182: {  	_ =	swait.ge [sflag:s0], s3  }
0x183: {  	s1 =	ssub.s32 $0x0, s3;
	[sflag:s0] =	ssyncset.done $0x0  }
0x184: {  	[sflag:s0] =	ssyncadd.s32 s1  }
0x185: {  	[sflag:s0] =	ssyncpa.u1 $0x1  }
0x186: {  	s29 =	simm.s32 $0x1;
	_ =	sfence  }
0x187: {  	s30 =	simm.s32 $0x2;
	[sflag:s29] =	ssyncpa.u1 $0x1  }
0x188: {  	[sflag:s30] =	ssyncpa.u1 $0x1  }
0x189: {  	_ =	strace $0x90000053  }
0x18a: {  	[bflag:$0x2] =	sbarrier.arrive $0xFFFF  }
0x18b: {  	s31 =	rddreg [dreg:$0x1]  }
0x18c: {  	s0 =	sadd.s32 $0x100000, s31  }
0x18d: {  	[sflag:s0] =	ssyncadd.tile.s32 $0x1;
	_ =	shalt  }
.Lfunc_end3:
_tile_overlayer_lowered:
.L_overlay_start_3:
0x18e: {  	(tag) =	ssettag $0x3  }
0x18f: {  	s0 =	rddreg [dreg:$0x0];
	s2 =	stileid.u32  }
0x190: {  	s1 =	rddreg [dreg:$0x1];
	p0 =	sne.s32 s2, $0x0  }
0x191: {  	s3 =	rddreg [dreg:$0x2];
	[bflag:$0x3] =	sbarrier.arrive $0xFFFF;
	s2 =	simm.s32 @!p0 $0x1C01  }
0x192: {  	[timem:s3], [sflag:s2] =	dma.local @!p0 [hbm:s0], s1  }
0x193: {  	s0 =	simm.s32 @!p0 $0x1  }
0x194: {  	_ =	swait.ge @!p0 [sflag:s0], s1  }
0x195: {  	s1 =	ssub.s32 @!p0 $0x0, s1;
	[sflag:s0] =	ssyncset.done @!p0 $0x0  }
0x196: {  	[sflag:s0] =	ssyncadd.s32 @!p0 s1  }
0x197: {  	[bflag:$0x3] =	sbarrier.arrive $0xFFFF  }
0x198: {  	_ =	shalt  }

// kernel: scatter_offload_async_start.3
scs
__scs_entry_jumppad:
0x0: {  	(pc) =	sbr.rel $0x88, $3  }
0x1: {  	(tag) =	ssettag $0x0;
	lr =	simm.s32 $0x1  }
0x2: {  	[smem:$0x3F81] =	sst lr;
	_ =	strace $0xD0000000  }
0x3: {  	_ = 	snop  }
0x4: {  	_ = 	snop  }
0x5: {  	_ = 	snop  }
0x6: {  	_ = 	snop  }
0x7: {  	_ = 	snop  }
__scs_overlays_trampoline_lowered:
0x8: {  	[smem:$0x3F90] =	sst s0  }
0x9: {  	[smem:$0x3F91] =	sst s1  }
0xa: {  	[smem:$0x3F92] =	sst s2  }
0xb: {  	[smem:$0x3F93] =	sst s3  }
0xc: {  	[smem:$0x3F94] =	sst s4  }
0xd: {  	[smem:$0x3F95] =	sst s5  }
0xe: {  	[smem:$0x3F96] =	sst s6  }
0xf: {  	[smem:$0x3F97] =	sst s7  }
0x10: {  	[smem:$0x3F98] =	sst s8  }
0x11: {  	[smem:$0x3F99] =	sst s9;
	s0 =	simm.s32 @!p0 $0x0  }
0x12: {  	s1 =	sld [smem:$0x3F7F];
	s0 =	simm.s32 @p0 $0x1  }
0x13: {  	[smem:$0x3F9A] =	sst s0;
	s0 =	simm.s32 @!p1 $0x0  }
0x14: {  	s2 =	sld [smem:$0x3F7E];
	s0 =	simm.s32 @p1 $0x1  }
0x15: {  	[smem:$0x3F9B] =	sst s0;
	s0 =	simm.s32 @!p2 $0x0  }
0x16: {  	s3 =	sld [smem:$0x3FDB];
	s0 =	simm.s32 @p2 $0x1  }
0x17: {  	s4 =	simm.s32 $0x1BF5;
	[smem:$0x3F9D] =	sst s0  }
0x18: {  	s0 =	sld [smem:$0x3F80];
	_ =	swait.ge [sflag:s4], $0x0  }
0x19: {  	s7 =	sld [smem:$0x3F81]  }
0x1a: {  	s8 =	sadd.s32 $0xFFFFE003, lr  }
0x1b: {  	s9 =	sadd.s32 $0xFFFFFEF7, lr;
	s5 =	simm.s32 $0xFFFFFFFF;
	p2 =	slt.u32 s8, $0xFFFFF086  }
0x1c: {  	p1 =	slt.u32 s9, $0xF7A;
	s5 =	simm.s32 @!p2 $0x0  }
0x1d: {  	s5 =	simm.s32 @p1 $0x1;
	p0 =	seq.s32 s7, s2  }
0x1e: {  	s7 =	smul.u32 @!p0 $0xF7A, s2;
	p2 =	seq.s32 @!p0 s5, $0x0  }
0x1f: {  	s9 =	smul.u32 $0xF7A, s1;
	s8 =	simm.s32 @!p0 $0x1BF5;
	p2 =	por !p2, p0  }
0x20: {  	[sflag:s8] =	ssyncset.s32 @!p0 $0xFFFFF086;
	s6 =	sadd.s32 @!p0 s3, s7;
	s7 =	simm.s32 @!p0 $0x108  }
0x21: {  	s3 =	sadd.s32 s3, s9;
	s6 =	sadd.s32 @!p0 $0x88, s6;
	s7 =	simm.s32 @p2 $0x1082  }
0x22: {  	[simem:s7], [sflag:s8] =	dma.local @!p0 [hbm:s6], $0xF7A  }
0x23: {  	s9 =	sor.u32 $0xD0000000, s2;
	s6 =	simm.s32 $0x108;
	_ =	swait.ge @!p0 [sflag:s8], $0x0  }
0x24: {  	s3 =	sadd.s32 $0x88, s3;
	s6 =	simm.s32 @!p1 $0x1082;
	[sflag:s4] =	ssyncset.s32 $0xFFFFF086  }
0x25: {  	[simem:s6], [sflag:s4] =	dma.local [hbm:s3], $0xF7A  }
0x26: {  	[smem:$0x3F81] =	sst s1;
	(tag) =	ssettag s2;
	_ =	strace s9  }
0x27: {  	s1 =	sld [smem:$0x3F91]  }
0x28: {  	s2 =	sld [smem:$0x3F92]  }
0x29: {  	s4 =	sld [smem:$0x3F94]  }
0x2a: {  	p0 =	seq.s32 s5, $0x0;
	s5 =	sld [smem:$0x3F95]  }
0x2b: {  	s6 =	sld [smem:$0x3F96]  }
0x2c: {  	s7 =	sld [smem:$0x3F97]  }
0x2d: {  	s3 =	simm.s32 $0x108;
	s8 =	sld [smem:$0x3F98]  }
0x2e: {  	s3 =	simm.s32 @!p0 $0x1082;
	s9 =	sld [smem:$0x3F99]  }
0x2f: {  	lr =	sadd.s32 s0, s3;
	s0 =	sld [smem:$0x3F90]  }
0x30: {  	s3 =	sld [smem:$0x3F93]  }
0x31: {  	[smem:$0x3F9C] =	sst s10  }
0x32: {  	s10 =	sld [smem:$0x3F9A];
	_ =	sdelay $0x3  }
0x33: {  	p0 =	seq.s32 s10, $0x1;
	s10 =	sld [smem:$0x3F9C];
	_ =	sdelay $0x3  }
0x34: {  	[smem:$0x3F9C] =	sst s10  }
0x35: {  	s10 =	sld [smem:$0x3F9B];
	_ =	sdelay $0x3  }
0x36: {  	p1 =	seq.s32 s10, $0x1;
	s10 =	sld [smem:$0x3F9C];
	_ =	sdelay $0x3  }
0x37: {  	[smem:$0x3F9C] =	sst s10  }
0x38: {  	s10 =	sld [smem:$0x3F9D]  }
0x39: {  	_ = 	snop;
	(pc) =	sbr.ind lr, $3  }
0x3a: {  	_ = 	snop  }
0x3b: {  	_ = 	snop  }
0x3c: {  	p2 =	seq.s32 s10, $0x1;
	s10 =	sld [smem:$0x3F9C]  }
0x3d: {  	_ =	shalt  }
0x3e: {  	_ =	shalt  }
0x3f: {  	_ =	shalt  }
0x40: {  	_ =	shalt  }
0x41: {  	_ =	shalt  }
0x42: {  	_ =	shalt  }
0x43: {  	_ =	shalt  }
0x44: {  	_ =	shalt  }
0x45: {  	_ =	shalt  }
0x46: {  	_ =	shalt  }
0x47: {  	_ =	shalt  }
0x48: {  	_ =	shalt  }
0x49: {  	_ =	shalt  }
0x4a: {  	_ =	shalt  }
0x4b: {  	_ =	shalt  }
0x4c: {  	_ =	shalt  }
0x4d: {  	_ =	shalt  }
0x4e: {  	_ =	shalt  }
0x4f: {  	_ =	shalt  }
0x50: {  	_ =	shalt  }
0x51: {  	_ =	shalt  }
0x52: {  	_ =	shalt  }
0x53: {  	_ =	shalt  }
0x54: {  	_ =	shalt  }
0x55: {  	_ =	shalt  }
0x56: {  	_ =	shalt  }
0x57: {  	_ =	shalt  }
0x58: {  	_ =	shalt  }
0x59: {  	_ =	shalt  }
0x5a: {  	_ =	shalt  }
0x5b: {  	_ =	shalt  }
0x5c: {  	_ =	shalt  }
0x5d: {  	_ =	shalt  }
0x5e: {  	_ =	shalt  }
0x5f: {  	_ =	shalt  }
0x60: {  	_ =	shalt  }
0x61: {  	_ =	shalt  }
0x62: {  	_ =	shalt  }
0x63: {  	_ =	shalt  }
0x64: {  	_ =	shalt  }
0x65: {  	_ =	shalt  }
0x66: {  	_ =	shalt  }
0x67: {  	_ =	shalt  }
0x68: {  	_ =	shalt  }
0x69: {  	_ =	shalt  }
0x6a: {  	_ =	shalt  }
0x6b: {  	_ =	shalt  }
0x6c: {  	_ =	shalt  }
0x6d: {  	_ =	shalt  }
0x6e: {  	_ =	shalt  }
0x6f: {  	_ =	shalt  }
0x70: {  	_ =	shalt  }
0x71: {  	_ =	shalt  }
0x72: {  	_ =	shalt  }
0x73: {  	_ =	shalt  }
0x74: {  	_ =	shalt  }
0x75: {  	_ =	shalt  }
0x76: {  	_ =	shalt  }
0x77: {  	_ =	shalt  }
0x78: {  	_ =	shalt  }
0x79: {  	_ =	shalt  }
0x7a: {  	_ =	shalt  }
0x7b: {  	_ =	shalt  }
0x7c: {  	_ =	shalt  }
0x7d: {  	_ =	shalt  }
0x7e: {  	_ =	shalt  }
0x7f: {  	_ =	shalt  }
0x80: {  	_ =	shalt  }
0x81: {  	_ =	shalt  }
0x82: {  	_ =	shalt  }
0x83: {  	_ =	shalt  }
0x84: {  	_ =	shalt  }
0x85: {  	_ =	shalt  }
0x86: {  	_ =	shalt  }
0x87: {  	_ =	shalt  }
.Lfunc_end0:
.L_simem_size_0:
called_computation.3_lowered:
.L_overlay_start_0:
0x88: {  	s0 =	sld [smem:$0x3FD9]  }
0x89: {  	s1 =	sld [smem:$0x3FFE];
	_ =	sdelay $0x3  }
0x8a: {  	s0 =	sadd.s32 s1, s0  }
0x8b: {  	[smem:$0x3FA8] =	sst s0  }
0x8c: {  	_ = 	snop  }
0x8d: {  	s14 =	sld [smem:$0x3FD0];
	(tm) =	ssettm $0x1  }
0x8e: {  	s15 =	sld [smem:$0x3FFB];
	_ =	sdelay $0x3  }
0x8f: {  	_ =	strace s15  }
0x90: {  	s0 =	sld [smem:$0x3FFC];
	_ =	sdelay $0x3  }
0x91: {  	_ =	strace s0  }
0x92: {  	s0 =	sld [smem:$0x3FFD];
	_ =	sdelay $0x3  }
0x93: {  	_ =	strace s0  }
0x94: {  	_ =	strace $0x8FFFFFFF  }
0x95: {  	s16 =	sld [smem:$0x3FDB];
	_ =	sdelay $0x1  }
0x96: {  	s2 =	simm.s32 $_scs_section_size  }
0x97: {  	s3 =	simm.s32 $_size__tile_overlayer_lowered;
	s4 =	simm.s32 $_tile_overlayer_lowered  }
0x98: {  	s5 =	simm.s32 $0x1BFF;
	s17 =	sshll.u32 s4, $0x1;
	s2 =	sadd.s32 s2, s16  }
0x99: {  	s18 =	simm.s32 $0x0;
	s3 =	sshll.u32 s3, $0x1;
	s4 =	sadd.s32 s17, s2  }
0x9a: {  	[timem:s18], [sflag:s5] =	dma.local [hbm:s4], s3  }
0x9b: {  	_ =	swait.ge [sflag:s5], s3  }
0x9c: {  	s3 =	ssub.s32 $0x0, s3;
	[sflag:s5] =	ssyncset.done $0x0  }
0x9d: {  	[sflag:s5] =	ssyncadd.s32 s3;
	_ =	sdelay $0x1  }
0x9e: {  	s19 =	simm.s32 $0x1B8B  }
0x9f: {  	_ =	swait.ge [sflag:s19], $0x1  }
0xa0: {  	[sflag:s19] =	ssyncset.done $0x0  }
0xa1: {  	s21 =	simm.s32 $0x1B8E;
	s20 =	sld [smem:$0x3FFE];
	[sflag:s19] =	ssyncadd.s32 $0xFFFFFFFF  }
0xa2: {  	s22 =	simm.s32 $execute0_lowered;
	[smem:$0x3FD2] =	sst s21  }
0xa3: {  	s4 =	sshll.u32 s22, $0x1;
	_ =	strace $0x80000055;
	[dreg:$0x1] =	wrdreg $0xFFFFFFFF  }
0xa4: {  	s23 =	simm.s32 $_size_execute0_lowered;
	s4 =	sadd.s32 s2, s4;
	[dreg:$0x0] =	wrdreg $0x0  }
0xa5: {  	s5 =	sshll.u32 s23, $0x1;
	[dreg:$0x2] =	wrdreg s4  }
0xa6: {  	[dreg:$0x3] =	wrdreg s5  }
0xa7: {  	[dreg:$0x4] =	wrdreg $0xC0  }
0xa8: {  	s24 =	simm.s32 $execute1_lowered;
	_ =	task [dreg:s18], $0x5FFFF  }
0xa9: {  	s4 =	sshll.u32 s24, $0x1;
	[dreg:$0x1] =	wrdreg $0xFFFFFFFF  }
0xaa: {  	s2 =	sadd.s32 s2, s4;
	[dreg:$0x0] =	wrdreg $0x60  }
0xab: {  	[dreg:$0x2] =	wrdreg s2  }
0xac: {  	[dreg:$0x3] =	wrdreg s14  }
0xad: {  	[dreg:$0x4] =	wrdreg s20  }
0xae: {  	[dreg:$0x5] =	wrdreg $0xB  }
0xaf: {  	_ =	task.clear_ibuf [dreg:s18], $0x6FFFF;
	_ =	strace $0x90000055  }
0xb0: {  	s25 =	simm.s32 $0xB;
	_ =	strace $0x80000057  }
0xb1: {  	_ =	swait.ge [sflag:s25], $0x1  }
0xb2: {  	[sflag:s25] =	ssyncadd.s32 $0xFFFFFFFF  }
0xb3: {  	_ =	strace $0x90000057  }
0xb4: {  	_ =	strace $0x80000058;
	[dreg:$0x1] =	wrdreg $0xFFFFFFFF  }
0xb5: {  	[dreg:$0x0] =	wrdreg $0x2030  }
0xb6: {  	[dreg:$0x2] =	wrdreg s20  }
0xb7: {  	[dreg:$0x3] =	wrdreg $0xC  }
0xb8: {  	_ =	task.clear_ibuf [dreg:s18], $0x4FFFF;
	_ =	strace $0x90000058  }
0xb9: {  	s26 =	simm.s32 $0xC;
	_ =	strace $0x8000005A  }
0xba: {  	_ =	swait.ge [sflag:s26], $0x1  }
0xbb: {  	[sflag:s26] =	ssyncadd.s32 $0xFFFFFFFF  }
0xbc: {  	_ =	strace $0x9000005A  }
0xbd: {  	_ =	sfence  }
0xbe: {  	s28 =	sld [smem:$0x0];
	_ =	sdelay $0x1  }
0xbf: {  	s29 =	srdreg.scid  }
0xc0: {  	s30 =	sshll.u32 s29, $0xD;
	s31 =	sshrl.u32 s29, $0x2  }
0xc1: {  	s3 =	sand.u32 $0x4000, s30;
	s2 =	sand.u32 $0x1, s29;
	s1 =	sadd.s32 s31, s28  }
0xc2: {  	s2 =	sor.u32 s3, s2;
	s1 =	sshll.u32 s1, $0x11  }
0xc3: {  	s1 =	sor.u32 s1, s2  }
0xc4: {  	s1 =	sadd.s32 $0x8F2B, s1  }
0xc5: {  	[sflag:s1] =	ssyncadd.remote.s32 $0x1  }
0xc6: {  	_ =	sfence.sel $0xFFFF  }
0xc7: {  	[dreg:$0x0] =	wrdreg $0xFFFFFFFF;
	(pc) =	sbr.abs _section_cstart, $3  }
0xc8: {  	[dreg:$0x1] =	wrdreg $0xFFFFFFFF  }
0xc9: {  	_ =	task.clear_ibuf [dreg:s18], $0x2FFFF;
	_ =	strace $0x9FFFFFFF  }
0xca: {  	(tm) =	ssettm $0x7FFFFFFF  }
0xcb: {  	_ =	shalt  }
tec
execute0_lowered:
.L_overlay_start_1:
0x0: {  	(tag) =	ssettag $0x1  }
0x1: {  	s3 =	rddreg [dreg:$0x0]  }
0x2: {  	s25 =	rddreg [dreg:$0x1]  }
0x3: {  	s4 =	rddreg [dreg:$0x2];
	s5 =	stileid.u32  }
0x4: {  	[bflag:$0x3] =	sbarrier.arrive $0xFFFF;
	s1 =	simm.s32 $_size_execute1_lowered;
	s29 =	simm.s32 $0x1  }
0x5: {  	s31 =	simm.s32 $0x2;
	p0 =	sne.s32 s5, $0x0;
	s0 =	sshll.u32 s1, $0x1  }
0x6: {  	s6 =	simm.s32 @!p0 $0x1C3F;
	s7 =	simm.s32 @!p0 $0x4060;
	[dreg:$0x4] =	wrdreg s0  }
0x7: {  	[timem:s7], [sflag:s6] =	dma.local @!p0 [hbm:s3], s0  }
.Ltmp0:
0x8: {  	s12 =	simm.s32 $0x0;
	s10 =	simm.s32 $0x0;
	(pc) =	sbr.rel .LBB2_1-.Ltmp0, $4  }
0x9: {  	s11 =	simm.s32 $0x0;
	s28 =	sadd.s32 $0x5C600, s4;
	s3 =	sshll.u32 s5, $0x6  }
0xa: {  	_ =	strace $0x80000056;
	[dreg:$0x5] =	wrdreg s28;
	s30 =	ssub.s32 $0x2700, s3  }
0xb: {  	s9 =	smov.u32 s3;
	[sflag:s29] =	ssyncpa.u1 $0x0;
	s6 =	sshrl.u32 s30, $0xA  }
0xc: {  	[dreg:$0x6] =	wrdreg s3;
	[sflag:s31] =	ssyncpa.u1 $0x0;
	s7 =	sor.u32 $0x2, s6  }
.LBB2_4:
0xd: {  	_ = 	snop  }
.LBB2_9:
0xe: {  	_ =	sdelay $0x3  }
0xf: {  	[tilespmem:v0+s23+$0x0 ss:$0x1] =	vst.idx.msk @p1 $0xffff, v2  }
0x10: {  	s0 =	sor.u32 s29, s28;
	v2 =	vld.idx.msk @p1 [tilespmem:v1+s15+$0x0 ss:$0x1], $0xffff;
	[tilespmem:v0+s22+$0x0 ss:$0x1] =	vst.idx.msk @p1 $0xffff, v3  }
0x11: {  	s1 =	sand.u32 $0x80, s18;
	v3 =	vld.idx.msk @p1 [tilespmem:v1+s16+$0x0 ss:$0x1], $0xffff;
	[tilespmem:v0+s19+$0x0 ss:$0x1] =	vst.idx.msk @p1 $0xffff, v6;
	s2 =	sand.u32 $0x3B00, s0  }
0x12: {  	v6 =	vld.idx.msk @p1 [tilespmem:v1+s17+$0x0 ss:$0x1], $0xffff;
	[tilespmem:v0+s24+$0x0 ss:$0x1] =	vst.idx.msk @p1 $0xffff, v4;
	s0 =	sand.u32 $0x3B80, s0;
	s1 =	sor.u32 s1, s2  }
0x13: {  	[tilespmem:v0+s21+$0x0 ss:$0x1] =	vst.idx.msk @p1 $0xffff, v5;
	s24 =	sor.u32 $0x410, s0;
	v48 =	vld.idx.msk [tilespmem:v1+s1+$0x0 ss:$0x1], $0xffff  }
0x14: {  	s26 =	sor.u32 $0x420, s0;
	[tilespmem:v0+s20+$0x0 ss:$0x1] =	vst.idx.msk @p1 $0xffff, v7;
	v57 =	vld.idx.msk [tilespmem:v1+s24+$0x0 ss:$0x1], $0xffff  }
0x15: {  	s28 =	sor.u32 $0x430, s0;
	v58 =	vld.idx.msk [tilespmem:v1+s26+$0x0 ss:$0x1], $0xffff;
	[tilespmem:v0+s15+$0x0 ss:$0x1] =	vst.idx.msk @p1 $0xffff, v2  }
0x16: {  	s29 =	sor.u32 $0x440, s0;
	v59 =	vld.idx.msk [tilespmem:v1+s28+$0x0 ss:$0x1], $0xffff;
	[tilespmem:v0+s16+$0x0 ss:$0x1] =	vst.idx.msk @p1 $0xffff, v3  }
0x17: {  	s30 =	sor.u32 $0x450, s0;
	v60 =	vld.idx.msk [tilespmem:v1+s29+$0x0 ss:$0x1], $0xffff;
	[tilespmem:v0+s17+$0x0 ss:$0x1] =	vst.idx.msk @p1 $0xffff, v6  }
0x18: {  	s31 =	sor.u32 $0x460, s0;
	v61 =	vld.idx.msk [tilespmem:v1+s30+$0x0 ss:$0x1], $0xffff;
	[tilespmem:v0+s1+$0x0 ss:$0x1] =	vst.idx.msk $0xffff, v48  }
0x19: {  	s0 =	sor.u32 $0x470, s0;
	v62 =	vld.idx.msk [tilespmem:v1+s31+$0x0 ss:$0x1], $0xffff;
	[tilespmem:v0+s24+$0x0 ss:$0x1] =	vst.idx.msk $0xffff, v57  }
0x1a: {  	s2 =	sor.u32 $0x400, s1;
	v63 =	vld.idx.msk [tilespmem:v1+s0+$0x0 ss:$0x1], $0xffff;
	[tilespmem:v0+s26+$0x0 ss:$0x1] =	vst.idx.msk $0xffff, v58  }
0x1b: {  	s4 =	sor.u32 $0x10, s1;
	v49 =	vld.idx.msk [tilespmem:v1+s2+$0x0 ss:$0x1], $0xffff;
	[tilespmem:v0+s28+$0x0 ss:$0x1] =	vst.idx.msk $0xffff, v59  }
0x1c: {  	s5 =	sor.u32 $0x20, s1;
	v50 =	vld.idx.msk [tilespmem:v1+s4+$0x0 ss:$0x1], $0xffff;
	[tilespmem:v0+s29+$0x0 ss:$0x1] =	vst.idx.msk $0xffff, v60  }
0x1d: {  	s8 =	sor.u32 $0x30, s1;
	v51 =	vld.idx.msk [tilespmem:v1+s5+$0x0 ss:$0x1], $0xffff;
	[tilespmem:v0+s30+$0x0 ss:$0x1] =	vst.idx.msk $0xffff, v61  }
0x1e: {  	s21 =	sor.u32 $0x40, s1;
	v52 =	vld.idx.msk [tilespmem:v1+s8+$0x0 ss:$0x1], $0xffff;
	[tilespmem:v0+s31+$0x0 ss:$0x1] =	vst.idx.msk $0xffff, v62  }
0x1f: {  	s22 =	sor.u32 $0x50, s1;
	v53 =	vld.idx.msk [tilespmem:v1+s21+$0x0 ss:$0x1], $0xffff;
	[tilespmem:v0+s0+$0x0 ss:$0x1] =	vst.idx.msk $0xffff, v63  }
0x20: {  	s23 =	sor.u32 $0x60, s1;
	v54 =	vld.idx.msk [tilespmem:v1+s22+$0x0 ss:$0x1], $0xffff;
	[tilespmem:v0+s2+$0x0 ss:$0x1] =	vst.idx.msk $0xffff, v49  }
0x21: {  	v55 =	vld.idx.msk [tilespmem:v1+s23+$0x0 ss:$0x1], $0xffff;
	s1 =	sor.u32 $0x70, s1;
	[tilespmem:v0+s4+$0x0 ss:$0x1] =	vst.idx.msk $0xffff, v50  }
0x22: {  	v56 =	vld.idx.msk [tilespmem:v1+s1+$0x0 ss:$0x1], $0xffff;
	[tilespmem:v0+s5+$0x0 ss:$0x1] =	vst.idx.msk $0xffff, v51  }
0x23: {  	[tilespmem:v0+s8+$0x0 ss:$0x1] =	vst.idx.msk $0xffff, v52  }
0x24: {  	[tilespmem:v0+s21+$0x0 ss:$0x1] =	vst.idx.msk $0xffff, v53  }
0x25: {  	[tilespmem:v0+s22+$0x0 ss:$0x1] =	vst.idx.msk $0xffff, v54  }
0x26: {  	[tilespmem:v0+s23+$0x0 ss:$0x1] =	vst.idx.msk $0xffff, v55  }
0x27: {  	[tilespmem:v0+s1+$0x0 ss:$0x1] =	vst.idx.msk $0xffff, v56  }
.LBB2_10:
0x28: {  	s0 =	sshll.u32 s10, $0x8;
	s1 =	sshll.u32 s10, $0x7  }
0x29: {  	s0 =	sand.u32 $0xFFFFF800, s0;
	s1 =	sand.u32 $0x300, s1  }
0x2a: {  	s0 =	sor.u32 s1, s0  }
0x2b: {  	s0 =	sshrl.u32 s0, $0x8  }
0x2c: {  	s28 =	smulhi.u32 $0x1A36E3, s0;
	_ =	sdelay $0x1  }
0x2d: {  	s1 =	sshrl.u32 s28, $0x2  }
0x2e: {  	s1 =	smul.u32 $0x2710, s1  }
0x2f: {  	s2 =	sshll.u32 s10, $0x4  }
0x30: {  	s30 =	rddreg [dreg:$0x5];
	s29 =	sand.u32 $0x10, s2;
	s0 =	ssub.s32 s0, s1  }
0x31: {  	s1 =	sadd.s32 s30, s29;
	s0 =	sshll.u32 s0, $0x5  }
0x32: {  	s31 =	simm.s32 $0x0;
	s0 =	sadd.s32 s0, s1  }
0x33: {  	[hbm4b:s0+s31] =	stream.linear.scatter [tilespmem:s14], [sflag:$0x2], s13, $0x38;
	[tilespmem:$0x10000] =	vst v63  }
.LBB2_11:
0x34: {  	p1 =	slt.u32 s11, $0x2  }
0x35: {  	p2 =	sgt.s32 @!p1 s12, $0x26D0  }
0x36: {  	s0 =	smov.u32 s12;
	s1 =	sshra.s32 @!p1 s12, $0x1F;
	p2 =	por !p2, p1  }
0x37: {  	s1 =	sand.u32 @!p1 s1, s12;
	s0 =	simm.s32 @p2 $0x26D0  }
0x38: {  	s0 =	ssub.s32 @!p1 s0, s1  }
0x39: {  	s0 =	sadd.s32 @!p1 $0xFFFFD930, s0  }
0x3a: {  	s1 =	sshll.u32 @!p1 s0, $0xA  }
0x3b: {  	p2 =	sgt.s32 @!p1 s0, $0x3F;
	s0 =	ssub.s32 @!p1 $0x10000, s1  }
0x3c: {  	s2 =	sadd.s32 $0x400, s9;
	p2 =	por !p2, p1;
	s0 =	sshrl.u32 @!p1 s0, $0x2  }
0x3d: {  	s0 =	simm.s32 @!p2 $0x0;
	p2 =	sgt.s32 s2, $0x270F  }
0x3e: {  	s2 =	smov.u32 @p2 s3;
	p2 =	sne.s32 s11, s7  }
.Ltmp1:
0x3f: {  	_ = 	snop;
	(pc) =	sbr.rel @!p2 .LBB2_12-.Ltmp1, $4  }
0x40: {  	s1 =	simm.s32 @!p1 $0x2  }
0x41: {  	s12 =	smov.u32 s10;
	_ =	swait.ge @!p1 [sflag:s1], s0  }
0x42: {  	s10 =	smov.u32 s9;
	s0 =	ssub.s32 @!p1 $0x0, s0;
	[sflag:s1] =	ssyncset.done @!p1 $0x0  }
0x43: {  	s11 =	sadd.s32 $0x1, s11;
	s9 =	smov.u32 s2;
	[sflag:s1] =	ssyncadd.s32 @!p1 s0  }
.LBB2_1:
0x44: {  	p1 =	sgt.u32 s11, s6  }
0x45: {  	s13 =	sshll.u32 @!p1 s9, $0x8;
	s14 =	sshll.u32 @!p1 s9, $0x7  }
0x46: {  	s13 =	sand.u32 @!p1 $0xFFFFF800, s13;
	s14 =	sand.u32 @!p1 $0x300, s14  }
0x47: {  	s13 =	sor.u32 @!p1 s14, s13  }
0x48: {  	s15 =	smov.u32 s9;
	p2 =	sgt.s32 @!p1 s9, $0x26D0;
	s13 =	sshrl.u32 @!p1 s13, $0x8  }
0x49: {  	s16 =	sshra.s32 @!p1 s9, $0x1F;
	p2 =	por !p2, p1;
	s14 =	smulhi.u32 @!p1 $0x1A36E3, s13  }
0x4a: {  	s16 =	sand.u32 @!p1 s16, s9;
	s15 =	simm.s32 @p2 $0x26D0  }
0x4b: {  	s15 =	ssub.s32 @!p1 s15, s16;
	s16 =	sxor.u32 @!p1 $0xFFFFFFFF, s11;
	s14 =	sshrl.u32 @!p1 s14, $0x2  }
0x4c: {  	s15 =	sadd.s32 @!p1 $0xFFFFD930, s15;
	s16 =	sshll.u32 @!p1 s16, $0xE;
	s14 =	smul.u32 @!p1 $0x2710, s14  }
0x4d: {  	p2 =	sgt.s32 @!p1 s15, $0x3F;
	s16 =	sand.u32 @!p1 $0x4000, s16  }
0x4e: {  	s13 =	ssub.s32 @!p1 s13, s14;
	s14 =	sshll.u32 @!p1 s15, $0xA;
	s15 =	sshll.u32 @!p1 s9, $0x4  }
0x4f: {  	p2 =	por !p2, p1;
	s14 =	ssub.s32 @!p1 $0x10000, s14;
	s15 =	sand.u32 @!p1 $0x10, s15  }
0x50: {  	s13 =	sshll.u32 @!p1 s13, $0x5;
	s14 =	sshrl.u32 @!p1 s14, $0x2;
	s15 =	sadd.s32 @!p1 s25, s15  }
0x51: {  	s14 =	simm.s32 @!p2 $0x0;
	s13 =	sadd.s32 @!p1 s13, s15;
	s15 =	simm.s32 @!p1 $0x0  }
0x52: {  	[tilespmem:s16], [sflag:$0x1] =	stream.linear.gather @!p1 [hbm4b:s13+s15], s14, $0x38;
	[tilespmem:$0x10000] =	vst v63  }
0x53: {  	p1 =	seq.s32 s11, $0x0  }
0x54: {  	p2 =	sge.u32 @!p1 s11, s7  }
0x55: {  	p1 =	por p1, p2  }
.Ltmp2:
0x56: {  	_ = 	snop;
	(pc) =	sbr.rel @p1 .LBB2_11-.Ltmp2, $1  }
0x57: {  	_ =	sdelay $0x3  }
0x58: {  	p1 =	sgt.s32 s10, $0x26D0;
	s13 =	smov.u32 s10;
	s14 =	sshra.s32 s10, $0x1F  }
0x59: {  	s13 =	simm.s32 @!p1 $0x26D0;
	s14 =	sand.u32 s14, s10  }
0x5a: {  	s13 =	ssub.s32 s13, s14  }
0x5b: {  	s13 =	sadd.s32 $0xFFFFD930, s13  }
0x5c: {  	s31 =	sshll.u32 s13, $0xA  }
0x5d: {  	s14 =	ssub.s32 $0x10000, s31  }
0x5e: {  	p1 =	sgt.s32 s13, $0x3F;
	s13 =	sshrl.u32 s14, $0x2;
	s14 =	sadd.s32 $0x40, s10  }
0x5f: {  	s13 =	simm.s32 @p1 $0x0;
	p1 =	slt.s32 s14, $0x2710  }
0x60: {  	s14 =	simm.s32 @!p1 $0x2710  }
0x61: {  	s15 =	ssub.s32 s14, s10  }
0x62: {  	p1 =	slt.s32 s15, $0x1  }
.Ltmp3:
0x63: {  	_ = 	snop;
	(pc) =	sbr.rel @p1 .LBB2_10-.Ltmp3, $4  }
0x64: {  	s0 =	simm.s32 $0x1  }
0x65: {  	s16 =	sshll.u32 s11, $0xE;
	_ =	swait.ge [sflag:s0], s13  }
0x66: {  	s16 =	sand.u32 $0x4000, s16;
	s17 =	ssub.s32 $0x0, s13;
	[sflag:s0] =	ssyncset.done $0x0  }
0x67: {  	s14 =	sor.u32 $0x8000, s16;
	[sflag:s0] =	ssyncadd.s32 s17  }
0x68: {  	p2 =	sne.s32 s15, $0x1  }
.Ltmp4:
0x69: {  	v1 =	vmov s16;
	v0 =	vmov s14;
	(pc) =	sbr.rel @!p2 .LBB2_4-.Ltmp4, $3  }
0x6a: {  	_ =	sdelay $0x1  }
0x6b: {  	s18 =	simm.s32 $0x0;
	s26 =	sadd.s32 $0xFFFFFFFF, s15  }
0x6c: {  	p1 =	por $0x0, $0x0;
	s28 =	sand.u32 $0xFFFFF800, s18;
	s29 =	sand.u32 $0x380, s18  }
0x6d: {  	_ = 	snop  }
0x6e: {  	s15 =	sor.u32 s29, s28  }
0x6f: {  	s16 =	sand.u32 $0x80, s18;
	s17 =	sand.u32 $0x3B00, s15  }
0x70: {  	s31 =	sand.u32 $0x3B80, s15;
	s16 =	sor.u32 s16, s17  }
0x71: {  	s19 =	sor.u32 $0x410, s31;
	v2 =	vld.idx.msk [tilespmem:v1+s16+$0x0 ss:$0x1], $0xffff  }
0x72: {  	s17 =	sor.u32 $0x400, s16;
	v6 =	vld.idx.msk [tilespmem:v1+s19+$0x0 ss:$0x1], $0xffff  }
0x73: {  	s5 =	sor.u32 $0x10, s16;
	v3 =	vld.idx.msk [tilespmem:v1+s17+$0x0 ss:$0x1], $0xffff  }
0x74: {  	s8 =	sor.u32 $0x20, s16;
	v4 =	vld.idx.msk [tilespmem:v1+s5+$0x0 ss:$0x1], $0xffff  }
0x75: {  	s28 =	sor.u32 $0x30, s16;
	v5 =	vld.idx.msk [tilespmem:v1+s8+$0x0 ss:$0x1], $0xffff  }
0x76: {  	s29 =	sor.u32 $0x40, s16;
	v7 =	vld.idx.msk [tilespmem:v1+s28+$0x0 ss:$0x1], $0xffff  }
0x77: {  	s30 =	sor.u32 $0x50, s16;
	v8 =	vld.idx.msk [tilespmem:v1+s29+$0x0 ss:$0x1], $0xffff;
	[tilespmem:v0+s16+$0x0 ss:$0x1] =	vst.idx.msk $0xffff, v2  }
0x78: {  	s3 =	smov.u32 s6;
	p2 =	sne.s32 s26, $0x1;
	s23 =	sor.u32 $0x60, s16;
	v9 =	vld.idx.msk [tilespmem:v1+s30+$0x0 ss:$0x1], $0xffff;
	[tilespmem:v0+s17+$0x0 ss:$0x1] =	vst.idx.msk $0xffff, v3  }
.Ltmp5:
0x79: {  	s6 =	smov.u32 s25;
	s22 =	sor.u32 $0x70, s16;
	v2 =	vld.idx.msk [tilespmem:v1+s23+$0x0 ss:$0x1], $0xffff;
	[tilespmem:v0+s5+$0x0 ss:$0x1] =	vst.idx.msk $0xffff, v4;
	(pc) =	sbr.rel @!p2 .LBB2_6-.Ltmp5, $4  }
0x7a: {  	s25 =	simm.s32 $0x100;
	s18 =	simm.s32 $0x80;
	s24 =	sor.u32 $0x420, s31;
	v3 =	vld.idx.msk [tilespmem:v1+s22+$0x0 ss:$0x1], $0xffff;
	[tilespmem:v0+s8+$0x0 ss:$0x1] =	vst.idx.msk $0xffff, v5  }
0x7b: {  	s26 =	sadd.s32 $0xFFFFFFFF, s26;
	p1 =	por $0x1, $0x1;
	s21 =	sor.u32 $0x430, s31;
	[tilespmem:v0+s28+$0x0 ss:$0x1] =	vst.idx.msk $0xffff, v7;
	v4 =	vld.idx.msk [tilespmem:v1+s24+$0x0 ss:$0x1], $0xffff  }
0x7c: {  	s20 =	sor.u32 $0x440, s31;
	s15 =	sor.u32 $0x450, s31;
	s16 =	sor.u32 $0x460, s31;
	[tilespmem:v0+s29+$0x0 ss:$0x1] =	vst.idx.msk $0xffff, v8;
	v5 =	vld.idx.msk [tilespmem:v1+s21+$0x0 ss:$0x1], $0xffff  }
0x7d: {  	s17 =	sor.u32 $0x470, s31;
	s28 =	sand.u32 $0xFFFFF800, s25;
	s29 =	sand.u32 $0x380, s18;
	[tilespmem:v0+s30+$0x0 ss:$0x1] =	vst.idx.msk $0xffff, v9;
	v7 =	vld.idx.msk [tilespmem:v1+s20+$0x0 ss:$0x1], $0xffff  }
.LBB2_7:
0x7e: {  	p2 =	sne.s32 s26, $0x1;
	s28 =	sor.u32 s29, s28;
	[tilespmem:v0+s23+$0x0 ss:$0x1] =	vst.idx.msk $0xffff, v2;
	v2 =	vld.idx.msk [tilespmem:v1+s15+$0x0 ss:$0x1], $0xffff  }
0x7f: {  	s23 =	sand.u32 $0x80, s18;
	s29 =	sand.u32 $0x3B00, s28;
	s28 =	sand.u32 $0x3B80, s28;
	[tilespmem:v0+s22+$0x0 ss:$0x1] =	vst.idx.msk $0xffff, v3;
	v3 =	vld.idx.msk [tilespmem:v1+s16+$0x0 ss:$0x1], $0xffff  }
0x80: {  	s29 =	sor.u32 s23, s29;
	s30 =	sor.u32 $0x420, s28;
	[tilespmem:v0+s19+$0x0 ss:$0x1] =	vst.idx.msk $0xffff, v6;
	s19 =	sor.u32 $0x410, s28;
	v6 =	vld.idx.msk [tilespmem:v1+s17+$0x0 ss:$0x1], $0xffff  }
0x81: {  	v8 =	vld.idx.msk [tilespmem:v1+s29+$0x0 ss:$0x1], $0xffff;
	s31 =	sor.u32 $0x10, s29;
	s0 =	sor.u32 $0x20, s29;
	s1 =	sor.u32 $0x400, s29;
	[tilespmem:v0+s24+$0x0 ss:$0x1] =	vst.idx.msk $0xffff, v4  }
0x82: {  	s8 =	sor.u32 $0x30, s29;
	s2 =	sor.u32 $0x40, s29;
	s4 =	sor.u32 $0x50, s29;
	v4 =	vld.idx.msk [tilespmem:v1+s1+$0x0 ss:$0x1], $0xffff;
	[tilespmem:v0+s21+$0x0 ss:$0x1] =	vst.idx.msk $0xffff, v5  }
0x83: {  	s23 =	sor.u32 $0x60, s29;
	s22 =	sor.u32 $0x70, s29;
	s21 =	sor.u32 $0x430, s28;
	v5 =	vld.idx.msk [tilespmem:v1+s31+$0x0 ss:$0x1], $0xffff;
	[tilespmem:v0+s20+$0x0 ss:$0x1] =	vst.idx.msk $0xffff, v7  }
0x84: {  	s5 =	sor.u32 $0x460, s28;
	s20 =	sor.u32 $0x440, s28;
	v7 =	vld.idx.msk [tilespmem:v1+s0+$0x0 ss:$0x1], $0xffff;
	[tilespmem:v0+s15+$0x0 ss:$0x1] =	vst.idx.msk $0xffff, v2;
	s15 =	sor.u32 $0x450, s28  }
0x85: {  	s24 =	smov.u32 s30;
	s28 =	sor.u32 $0x470, s28;
	v9 =	vld.idx.msk [tilespmem:v1+s8+$0x0 ss:$0x1], $0xffff;
	[tilespmem:v0+s16+$0x0 ss:$0x1] =	vst.idx.msk $0xffff, v3;
	s16 =	smov.u32 s5  }
0x86: {  	v10 =	vld.idx.msk [tilespmem:v1+s2+$0x0 ss:$0x1], $0xffff;
	[tilespmem:v0+s17+$0x0 ss:$0x1] =	vst.idx.msk $0xffff, v6;
	s17 =	smov.u32 s28  }
0x87: {  	[tilespmem:v0+s29+$0x0 ss:$0x1] =	vst.idx.msk $0xffff, v8;
	v8 =	vld.idx.msk [tilespmem:v1+s4+$0x0 ss:$0x1], $0xffff  }
0x88: {  	v2 =	vld.idx.msk [tilespmem:v1+s23+$0x0 ss:$0x1], $0xffff;
	[tilespmem:v0+s1+$0x0 ss:$0x1] =	vst.idx.msk $0xffff, v4  }
.Ltmp6:
0x89: {  	[tilespmem:v0+s31+$0x0 ss:$0x1] =	vst.idx.msk $0xffff, v5;
	v3 =	vld.idx.msk [tilespmem:v1+s22+$0x0 ss:$0x1], $0xffff;
	(pc) =	sbr.rel @p2 .LBB2_7-.Ltmp6, $4  }
0x8a: {  	[tilespmem:v0+s0+$0x0 ss:$0x1] =	vst.idx.msk $0xffff, v7;
	v6 =	vld.idx.msk [tilespmem:v1+s19+$0x0 ss:$0x1], $0xffff  }
0x8b: {  	[tilespmem:v0+s8+$0x0 ss:$0x1] =	vst.idx.msk $0xffff, v9;
	v4 =	vld.idx.msk [tilespmem:v1+s24+$0x0 ss:$0x1], $0xffff  }
0x8c: {  	s18 =	sadd.s32 $0x80, s18;
	s25 =	sadd.s32 $0x100, s25;
	[tilespmem:v0+s2+$0x0 ss:$0x1] =	vst.idx.msk $0xffff, v10;
	v5 =	vld.idx.msk [tilespmem:v1+s21+$0x0 ss:$0x1], $0xffff  }
0x8d: {  	s26 =	sadd.s32 $0xFFFFFFFF, s26;
	s28 =	sand.u32 $0xFFFFF800, s25;
	s29 =	sand.u32 $0x380, s18;
	[tilespmem:v0+s4+$0x0 ss:$0x1] =	vst.idx.msk $0xffff, v8;
	v7 =	vld.idx.msk [tilespmem:v1+s20+$0x0 ss:$0x1], $0xffff  }
.Ltmp7:
0x8e: {  	(pc) =	sbr.rel .LBB2_9-.Ltmp7, $2  }
0x8f: {  	_ =	sdelay $0x2  }
0x90: {  	s25 =	smov.u32 s6;
	s6 =	smov.u32 s3;
	s3 =	rddreg [dreg:$0x6]  }
.LBB2_6:
.Ltmp8:
0x91: {  	(pc) =	sbr.rel .LBB2_9-.Ltmp8, $2  }
0x92: {  	_ =	sdelay $0x2  }
0x93: {  	s25 =	smov.u32 s6;
	s6 =	smov.u32 s3;
	s3 =	rddreg [dreg:$0x6]  }
.LBB2_12:
0x94: {  	_ =	sfence.sel $0x180000  }
0x95: {  	s0 =	simm.s32 $0x1;
	[bflag:$0x0] =	sbarrier.arrive $0xFFFF  }
0x96: {  	s31 =	simm.s32 $0x2;
	[sflag:s0] =	ssyncpa.u1 $0x1  }
0x97: {  	[sflag:s31] =	ssyncpa.u1 $0x1  }
0x98: {  	_ =	strace $0x90000056  }
0x99: {  	[bflag:$0x2] =	sbarrier.arrive $0xFFFF  }
0x9a: {  	s0 =	rddreg [dreg:$0x3]  }
0x9b: {  	s0 =	sadd.s32 @!p0 $0x100000, s0  }
0x9c: {  	s1 =	rddreg [dreg:$0x4];
	[sflag:s0] =	ssyncadd.tile.s32 @!p0 $0x1;
	s0 =	simm.s32 @!p0 $0x3F  }
0x9d: {  	_ =	swait.ge @!p0 [sflag:s0], s1  }
0x9e: {  	s1 =	ssub.s32 @!p0 $0x0, s1;
	[sflag:s0] =	ssyncset.done @!p0 $0x0  }
0x9f: {  	[sflag:s0] =	ssyncadd.s32 @!p0 s1  }
0xa0: {  	[bflag:$0x3] =	sbarrier.arrive $0xFFFF  }
0xa1: {  	_ =	shalt  }
.Lfunc_end2:
execute1_lowered:
.L_overlay_start_2:
0xa2: {  	(tag) =	ssettag $0x2  }
0xa3: {  	s0 =	rddreg [dreg:$0x0];
	_ =	strace $0x80000059;
	s1 =	simm.s32 $0x1  }
0xa4: {  	s8 =	simm.s32 $0x208;
	v0 =	vimm.s32 $0x0;
	[sflag:s1] =	ssyncpa.u1 $0x0  }
0xa5: {  	[tilespmem:s8+$0x70] =	vst v0  }
0xa6: {  	[tilespmem:s8+$0x60] =	vst v0  }
0xa7: {  	[tilespmem:s8+$0x50] =	vst v0  }
0xa8: {  	[tilespmem:s8+$0x40] =	vst v0  }
0xa9: {  	[tilespmem:s8+$0x30] =	vst v0  }
0xaa: {  	s1 =	sadd.s32 $0x5C600, s0;
	s10 =	sadd.s32 $0x3E000, s0;
	[tilespmem:s8+$0x20] =	vst v0  }
0xab: {  	s4 =	sadd.s32 $0x13CA00, s0;
	s5 =	sadd.s32 $0x48200, s0;
	s0 =	simm.s32 $0x40;
	[tilespmem:s8+$0x10] =	vst v0  }
.LBB3_1:
0xac: {  	s0 =	sadd.s32 $0x40, s0;
	[tilespmem:s8+$0x0] =	vst v0;
	s8 =	sadd.s32 $0x80, s8  }
0xad: {  	p0 =	slt.u32 s0, $0x3880;
	[tilespmem:s8+$0x70] =	vst v0  }
0xae: {  	[tilespmem:s8+$0x60] =	vst v0  }
.Ltmp9:
0xaf: {  	[tilespmem:s8+$0x50] =	vst v0;
	(pc) =	sbr.rel @p0 .LBB3_1-.Ltmp9, $4  }
0xb0: {  	[tilespmem:s8+$0x40] =	vst v0  }
0xb1: {  	[tilespmem:s8+$0x30] =	vst v0  }
0xb2: {  	[tilespmem:s8+$0x20] =	vst v0  }
0xb3: {  	[tilespmem:s8+$0x10] =	vst v0  }
0xb4: {  	s3 =	stileid.u32  }
0xb5: {  	s0 =	smul.u32 $0xB8, s3  }
0xb6: {  	s2 =	smin.u32 s3, $0x3  }
0xb7: {  	s0 =	sor.u32 s2, s0  }
0xb8: {  	p0 =	slt.u32 s3, $0x3;
	s6 =	smul.u32 $0x70, s0;
	s0 =	simm.s32 $0x50F0  }
0xb9: {  	s0 =	simm.s32 @!p0 $0x5080  }
0xba: {  	s0 =	sadd.s32 s0, s6  }
0xbb: {  	s7 =	smin.u32 s0, $0x50910  }
0xbc: {  	s0 =	ssub.s32 s7, s6  }
0xbd: {  	p0 =	sgt.s32 s0, $0x0  }
0xbe: {  	s26 =	simm.s32 $0x2;
	s0 =	simm.s32 @!p0 $0x0  }
0xbf: {  	s29 =	simm.s32 $0x7;
	s30 =	simm.s32 $0x8;
	s28 =	smulhi.u32 $0x92492493, s0  }
0xc0: {  	s31 =	simm.s32 $0x9;
	s11 =	simm.s32 $0x1;
	s21 =	simm.s32 $0x0  }
0xc1: {  	p1 =	por $0x0, $0x0;
	s15 =	simm.s32 $0x80;
	s2 =	sshrl.u32 s28, $0x6  }
0xc2: {  	s16 =	simm.s32 $0x400;
	s17 =	simm.s32 $0xA;
	s9 =	smul.u32 $0x70, s2  }
.Ltmp10:
0xc3: {  	[tilespmem:s8+$0x0] =	vst v0;
	v0 =	vimm.s32 $0xFFFFFFFF;
	s18 =	simm.s32 $0x0;
	[sflag:s26] =	ssyncpa.u1 $0x0;
	(pc) =	sbr.rel .LBB3_3-.Ltmp10, $4  }
0xc4: {  	[tilespmem:$0xE408] =	vst v0;
	[sflag:s29] =	ssyncpa.u1 $0x0;
	p0 =	sne.s32 s0, s9;
	s0 =	simm.s32 $0x1  }
0xc5: {  	s20 =	simm.s32 $0x0;
	[sflag:s30] =	ssyncpa.u1 $0x0;
	s0 =	simm.s32 @!p0 $0x0  }
0xc6: {  	s13 =	sshll.u32 s3, $0x9;
	[sflag:s31] =	ssyncpa.u1 $0x0;
	s12 =	sadd.s32 s0, s2  }
0xc7: {  	v0 =	vlaneseq.u32;
	s19 =	smov.u32 s6;
	p0 =	por $0x1, $0x1;
	s14 =	sadd.s32 $0x1, s12  }
.LBB3_24:
0xc8: {  	s0 =	sshrl.u32 s30, $0x2  }
.LBB3_26:
0xc9: {  	_ =	swait.ge [sflag:s17], s0  }
0xca: {  	s31 =	ssub.s32 $0x0, s0;
	v1 =	vmov s23;
	vm0 =	veq.s32 v0, $0x0;
	[sflag:s17] =	ssyncset.done $0x0  }
0xcb: {  	vm15 =	veq.s32 v0, $0x2;
	v1 =	vsel vm0, s29, v1;
	[sflag:s17] =	ssyncadd.s32 s31  }
0xcc: {  	v1 =	vsel vm15, s21, v1;
	[sflag:s17] =	ssyncpa.u1 $0x1  }
0xcd: {  	[tilespmem:$0xE408] =	vst v1  }
.LBB3_27:
0xce: {  	s0 =	sadd.s32 $0x70, s19  }
0xcf: {  	s2 =	smov.u32 s6;
	p2 =	slt.s32 s0, s7  }
0xd0: {  	s2 =	smov.u32 @p2 s0;
	p2 =	sne.s32 s20, s14  }
.Ltmp11:
0xd1: {  	_ = 	snop;
	(pc) =	sbr.rel @!p2 .LBB3_28-.Ltmp11, $4  }
0xd2: {  	_ = 	snop  }
0xd3: {  	s21 =	smov.u32 s18  }
0xd4: {  	s31 =	sadd.s32 $0x1, s20;
	s18 =	smov.u32 s19;
	p0 =	por !p0, !p0  }
0xd5: {  	p1 =	por !p1, !p1;
	s20 =	smov.u32 s31;
	s19 =	smov.u32 s2  }
.LBB3_3:
0xd6: {  	p2 =	sge.u32 s20, s12  }
0xd7: {  	s0 =	smulhi.u32 @!p2 $0xAAAAAAAB, s20  }
0xd8: {  	s2 =	smov.u32 s19;
	p3 =	sgt.s32 @!p2 s19, $0x508A0  }
0xd9: {  	s8 =	sshra.s32 @!p2 s19, $0x1F;
	p3 =	por !p3, p2;
	s0 =	sshrl.u32 @!p2 s0, $0x1  }
0xda: {  	s8 =	sand.u32 @!p2 s8, s19;
	s2 =	simm.s32 @p3 $0x508A0;
	s0 =	smul.u32 @!p2 $0x3, s0  }
0xdb: {  	s2 =	ssub.s32 @!p2 s2, s8  }
0xdc: {  	s2 =	sadd.s32 @!p2 $0xFFFAF760, s2;
	s0 =	ssub.s32 @!p2 s20, s0  }
0xdd: {  	s8 =	sshll.u32 @!p2 s2, $0x2;
	p3 =	sgt.s32 @!p2 s2, $0x6F;
	s0 =	smul.u32 @!p2 $0x1C0, s0  }
0xde: {  	s9 =	sand.u32 @!p2 $0x7, s19;
	s2 =	ssub.s32 @!p2 $0x1C0, s8;
	p3 =	por !p3, p2  }
0xdf: {  	s8 =	sshrl.u32 @!p2 s19, $0x3;
	s2 =	sshrl.u32 @!p2 s2, $0x2;
	s0 =	sshrl.u32 @!p2 s0, $0x2  }
0xe0: {  	s8 =	sadd.s32 @!p2 s5, s8;
	s2 =	simm.s32 @!p3 $0x0;
	s0 =	sadd.s32 @!p2 $0x10438, s0  }
0xe1: {  	[tilespmem:s0], [sflag:$0x8] =	stream.linear.gather @!p2 [hbm4b:s8+s9], s2, $0x38;
	[tilespmem:$0x1E668] =	vst v63  }
0xe2: {  	s0 =	sadd.s32 $0xFFFFFFFF, s20  }
0xe3: {  	p2 =	sge.u32 s0, s12  }
0xe4: {  	p3 =	sgt.s32 @!p2 s18, $0x508A0  }
0xe5: {  	s2 =	smov.u32 s18;
	s8 =	sshra.s32 @!p2 s18, $0x1F;
	p3 =	por !p3, p2  }
0xe6: {  	s8 =	sand.u32 @!p2 s8, s18;
	s2 =	simm.s32 @p3 $0x508A0  }
0xe7: {  	s2 =	ssub.s32 @!p2 s2, s8  }
0xe8: {  	s2 =	sadd.s32 @!p2 $0xFFFAF760, s2  }
0xe9: {  	s8 =	sshll.u32 @!p2 s2, $0x2  }
0xea: {  	p3 =	sgt.s32 @!p2 s2, $0x6F;
	s2 =	ssub.s32 @!p2 $0x1C0, s8  }
0xeb: {  	p3 =	por !p3, p2;
	s2 =	sshrl.u32 @!p2 s2, $0x2  }
0xec: {  	s9 =	simm.s32 @!p2 $0x8;
	s8 =	sand.u32 @!p2 $0x1, s0;
	s2 =	simm.s32 @!p3 $0x0  }
0xed: {  	s8 =	smul.u32 @!p2 $0x1C0, s8;
	_ =	swait.ge @!p2 [sflag:s9], s2  }
0xee: {  	s22 =	ssub.s32 @!p2 $0x0, s2;
	[sflag:s9] =	ssyncset.done @!p2 $0x0  }
0xef: {  	s8 =	sshrl.u32 @!p2 s8, $0x2;
	[sflag:s9] =	ssyncadd.s32 @!p2 s22;
	s9 =	sshrl.u32 @!p2 s18, $0x3  }
0xf0: {  	s8 =	sor.u32 @!p2 $0x10588, s8;
	s22 =	sand.u32 @!p2 $0x7, s18;
	s9 =	sadd.s32 @!p2 s10, s9  }
0xf1: {  	[tilespmem:s8], [sflag:$0x9] =	stream.linear.gather @!p2 [hbm4b:s9+s22], s2, $0x38;
	[tilespmem:$0x1E668] =	vst v63  }
0xf2: {  	s22 =	ssub.s32 @!p2 $0x50910, s18  }
0xf3: {  	p3 =	slt.s32 @!p2 s22, $0x1  }
0xf4: {  	p3 =	por p2, p3  }
.Ltmp12:
0xf5: {  	_ = 	snop;
	(pc) =	sbr.rel @p3 .LBB3_9-.Ltmp12, $1  }
0xf6: {  	_ =	sdelay $0x3  }
0xf7: {  	s2 =	smulhi.u32 $0xAAAAAAAB, s0;
	_ =	sdelay $0x1  }
0xf8: {  	s2 =	sshrl.u32 s2, $0x1  }
0xf9: {  	s2 =	smul.u32 $0x3, s2;
	_ =	sdelay $0x1  }
0xfa: {  	s29 =	ssub.s32 s0, s2  }
0xfb: {  	s8 =	simm.s32 $0x1;
	s0 =	smul.u32 $0x1C0, s29  }
.Ltmp13:
0xfc: {  	s8 =	simm.s32 @!p0 $0x0;
	(pc) =	sbr.rel .LBB3_6-.Ltmp13, $4  }
0xfd: {  	s30 =	smul.u32 $0x1C000, s8  }
0xfe: {  	p3 =	slt.s32 @!p2 s22, $0x70;
	s0 =	sshrl.u32 s0, $0x2  }
0xff: {  	p2 =	por !p3, p2;
	s2 =	sshrl.u32 s30, $0x2;
	s31 =	sadd.s32 $0x10438, s0  }
0x100: {  	s22 =	simm.s32 @p2 $0x70;
	s23 =	sor.u32 $0x10668, s2;
	s0 =	simm.s32 $0x0;
	v1 =	vmov s31  }
.LBB3_5:
0x101: {  	p2 =	sge.s32 s0, s22  }
.Ltmp14:
0x102: {  	_ = 	snop;
	(pc) =	sbr.rel @p2 .LBB3_9-.Ltmp14, $2  }
0x103: {  	_ =	sdelay $0x2  }
0x104: {  	s23 =	sadd.s32 $0x1000, s23  }
.LBB3_6:
0x105: {  	p2 =	sle.s32 s22, s0  }
.Ltmp15:
0x106: {  	_ = 	snop;
	(pc) =	sbr.rel @p2 .LBB3_5-.Ltmp15, $2  }
0x107: {  	_ =	sdelay $0x2  }
0x108: {  	s24 =	smov.u32 s0;
	s0 =	sadd.s32 $0x10, s0  }
0x109: {  	s2 =	ssub.s32 s22, s24  }
0x10a: {  	p2 =	slt.s32 s2, $0x10  }
0x10b: {  	s2 =	simm.s32 @!p2 $0x10  }
0x10c: {  	v2 =	vmov s2  }
0x10d: {  	vm0 =	vgt.s32 v2, v0;
	_ =	sdelay $0x5  }
0x10e: {  	v2 =	vld.idx.msk [tilespmem:v1+s24+$0x0 ss:$0x1], vm0;
	_ =	sdelay $0x2  }
0x10f: {  	p2 =	slt.s32 s0, s22;
	s2 =	smov.u32 s22  }
0x110: {  	s8 =	smov.u32 s23;
	s25 =	simm.s32 $0x0;
	s2 =	smov.u32 @p2 s0  }
.LBB3_8:
0x111: {  	(v2sf) =	vpush v2, s25;
	_ =	sdelay $0xe  }
0x112: {  	s25 =	sadd.s32 $0x1, s25;
	s9 =	spop (v2sf)  }
0x113: {  	s31 =	sadd.s32 s25, s24;
	s26 =	sshll.u32 s9, $0x8;
	s9 =	sshll.u32 s9, $0x7  }
0x114: {  	p2 =	slt.s32 s31, s2;
	s26 =	sand.u32 $0xFFFFF800, s26;
	s9 =	sand.u32 $0x380, s9  }
.Ltmp16:
0x115: {  	s9 =	sor.u32 s9, s26;
	(pc) =	sbr.rel @p2 .LBB3_8-.Ltmp16, $4  }
0x116: {  	s9 =	sshrl.u32 s9, $0x3  }
0x117: {  	s9 =	sadd.s32 s4, s9  }
0x118: {  	[tilespmem:s8], [sflag:$0x7] =	stream.strided.gather [hbm4b:s9+s15], $0x100, s16, s15, $0x38;
	[tilespmem:$0x1E668] =	vst v63  }
0x119: {  	s8 =	sadd.s32 $0x100, s8  }
.Ltmp17:
0x11a: {  	_ = 	snop;
	(pc) =	sbr.rel .LBB3_5-.Ltmp17, $1  }
0x11b: {  	_ =	sdelay $0x3  }
.LBB3_9:
0x11c: {  	p2 =	slt.u32 s20, $0x2  }
.Ltmp18:
0x11d: {  	_ = 	snop;
	(pc) =	sbr.rel @p2 .LBB3_27-.Ltmp18, $1  }
0x11e: {  	_ =	sdelay $0x3  }
0x11f: {  	p2 =	sgt.s32 s21, $0x508A0;
	s0 =	smov.u32 s21  }
0x120: {  	s2 =	sshra.s32 s21, $0x1F;
	s8 =	ssub.s32 $0x50910, s21;
	s0 =	simm.s32 @!p2 $0x508A0  }
0x121: {  	s2 =	sand.u32 s2, s21;
	p2 =	slt.s32 s8, $0x70;
	s9 =	smov.u32 s8  }
0x122: {  	s0 =	ssub.s32 s0, s2;
	s9 =	simm.s32 @!p2 $0x70  }
0x123: {  	s0 =	sadd.s32 $0xFFFAF760, s0;
	s25 =	sshll.u32 s9, $0x8  }
0x124: {  	s3 =	simm.s32 $0x7;
	s26 =	sshll.u32 s0, $0x2;
	s2 =	sand.u32 $0x3FFFFF00, s25  }
0x125: {  	p2 =	sgt.s32 s0, $0x6F;
	s28 =	ssub.s32 $0x1C0, s26;
	_ =	swait.ge [sflag:s3], s2  }
0x126: {  	s2 =	ssub.s32 $0x0, s2;
	[sflag:s3] =	ssyncset.done $0x0;
	s0 =	sshrl.u32 s28, $0x2  }
0x127: {  	s30 =	simm.s32 $0x9;
	[sflag:s3] =	ssyncadd.s32 s2;
	s0 =	simm.s32 @p2 $0x0  }
0x128: {  	_ =	swait.ge [sflag:s30], s0  }
0x129: {  	s0 =	ssub.s32 $0x0, s0;
	[sflag:s30] =	ssyncset.done $0x0  }
0x12a: {  	[sflag:s30] =	ssyncadd.s32 s0  }
0x12b: {  	v1 =	vld [tilespmem:$0xE408];
	_ =	sdelay $0x4  }
0x12c: {  	(v2sf) =	vpush v1, $0x0  }
0x12d: {  	(v2sf) =	vpush v1, $0x1  }
0x12e: {  	(v2sf) =	vpush v1, $0x2;
	_ =	sdelay $0x3  }
0x12f: {  	s0 =	sadd.s32 $0x70, s21  }
0x130: {  	p2 =	slt.s32 s7, s0  }
0x131: {  	s0 =	smov.u32 @p2 s7;
	p2 =	sgt.s32 s8, $0x0  }
0x132: {  	s25 =	ssub.s32 s0, s21;
	s8 =	simm.s32 @!p2 $0x0  }
0x133: {  	p2 =	slt.s32 s8, s25  }
0x134: {  	s25 =	smov.u32 @p2 s8  }
0x135: {  	s24 =	simm.s32 $0x1;
	p2 =	slt.s32 s25, $0x1  }
.Ltmp19:
0x136: {  	s24 =	simm.s32 @!p1 $0x0;
	(pc) =	sbr.rel @p2 .LBB3_14-.Ltmp19, $4  }
0x137: {  	s31 =	smul.u32 $0x1C0, s24  }
0x138: {  	s26 =	spop (v2sf)  }
0x139: {  	s0 =	sshrl.u32 s31, $0x2;
	s29 =	spop (v2sf)  }
0x13a: {  	s22 =	sor.u32 $0x10588, s0;
	s21 =	spop (v2sf)  }
0x13b: {  	s0 =	smin.u32 s25, $0x10  }
0x13c: {  	v1 =	vmov s0  }
0x13d: {  	vm1 =	vgt.u32 v1, v0  }
0x13e: {  	p3 =	sgt.s32 s25, $0x10  }
.Ltmp20:
0x13f: {  	_ = 	snop;
	(pc) =	sbr.rel @!p3 .LBB3_13-.Ltmp20, $2  }
0x140: {  	_ =	sdelay $0x2  }
0x141: {  	s23 =	simm.s32 $0x10;
	s28 =	sadd.s32 $0xFFFFFFF0, s25;
	s0 =	smov.u32 s22;
	vm0 =	vmmov vm1;
	v1 =	vld.msk [tilespmem:s22+$0x0 ss:$0x1], vm1  }
.LBB3_12:
0x142: {  	s2 =	smin.u32 s28, $0x10;
	s23 =	sadd.s32 $0x10, s23  }
0x143: {  	v2 =	vmov s2;
	p3 =	slt.s32 s23, s25  }
0x144: {  	vm1 =	vgt.u32 v2, v0;
	_ =	sdelay $0x1  }
0x145: {  	v2 =	vshll.u32 v1, $0x5;
	v1 =	vshll.u32 v1, $0x4  }
.Ltmp21:
0x146: {  	v2 =	vand.u32 $0xFFFFFF00, v2;
	v1 =	vand.u32 $0x70, v1;
	(pc) =	sbr.rel @p3 .LBB3_12-.Ltmp21, $4  }
0x147: {  	v1 =	vor.u32 v1, v2  }
0x148: {  	[tilespmem:s0+$0x0] =	vst.msk vm0, v1;
	s0 =	sadd.s32 $0x10, s0;
	vm0 =	vmmov vm1  }
0x149: {  	v1 =	vld.msk [tilespmem:s0+$0x0 ss:$0x1], vm1  }
0x14a: {  	s28 =	sadd.s32 $0xFFFFFFF0, s28  }
.LBB3_13:
0x14b: {  	_ =	sdelay $0x3  }
0x14c: {  	v2 =	vshll.u32 v1, $0x5;
	v1 =	vshll.u32 v1, $0x4  }
0x14d: {  	v2 =	vand.u32 $0xFFFFFF00, v2;
	v1 =	vand.u32 $0x70, v1  }
0x14e: {  	v1 =	vor.u32 v1, v2  }
0x14f: {  	[tilespmem:s0+$0x0] =	vst.msk vm0, v1  }
.LBB3_14:
0x150: {  	s0 =	sand.u32 $0x1, s20  }
0x151: {  	s0 =	smul.u32 $0x70, s0  }
0x152: {  	p3 =	sne.s32 s29, $0xFFFFFFFF  }
0x153: {  	v1 =	vld.msk @!p3 [tilespmem:s0+$0x10588], $0x1;
	_ =	sdelay $0x4  }
0x154: {  	(v2sf) =	vpush @!p3 v1, $0x0;
	_ =	sdelay $0xc  }
.Ltmp22:
0x155: {  	_ = 	snop;
	(pc) =	sbr.rel @p2 .LBB3_25-.Ltmp22, $4  }
0x156: {  	_ = 	snop  }
0x157: {  	s28 =	spop @!p3 (v2sf)  }
0x158: {  	s21 =	simm.s32 @!p3 $0x0;
	s23 =	smov.u32 s28  }
0x159: {  	[sflag:s17] =	ssyncpa.u1 $0x0;
	s28 =	smov.u32 @p3 s26;
	s23 =	smov.u32 @p3 s29  }
0x15a: {  	v1 =	vld.msk [tilespmem:s22+$0x0], $0x1;
	_ =	sdelay $0x4  }
0x15b: {  	(v2sf) =	vpush v1, $0x0;
	_ =	sdelay $0xd  }
0x15c: {  	s17 =	smov.u32 s6  }
0x15d: {  	s6 =	smov.u32 s14;
	s14 =	smov.u32 s5;
	s30 =	spop (v2sf)  }
0x15e: {  	s5 =	smov.u32 s10;
	s0 =	smul.u32 $0x1C000, s24;
	p2 =	seq.s32 s28, s30  }
0x15f: {  	s2 =	smov.u32 s28;
	s25 =	ssub.s32 $0x0, s25;
	p3 =	sgt.s32 @!p2 s28, $0x0  }
0x160: {  	s26 =	simm.s32 $0x0;
	s0 =	sshrl.u32 s0, $0x2;
	p3 =	por !p3, p2  }
0x161: {  	s29 =	sadd.s32 $0x1, s25;
	s24 =	sor.u32 $0x106E8, s0;
	s2 =	simm.s32 @p3 $0x0  }
0x162: {  	s0 =	simm.s32 @!p2 $0x1;
	p3 =	seq.s32 s29, $0x0;
	s2 =	smin.u32 @!p2 s2, $0x4E170  }
.Ltmp23:
0x163: {  	s9 =	simm.s32 @!p2 $0x7308;
	s8 =	sand.u32 @!p2 $0x7FFF8, s2;
	(pc) =	sbr.rel @p3 .LBB3_17-.Ltmp23, $4  }
0x164: {  	s31 =	sadd.s32 @!p2 $0x80, s2;
	s10 =	sadd.s32 @!p2 s1, s8;
	s8 =	sand.u32 @!p2 $0x7, s2  }
0x165: {  	[tilespmem:s9], [sflag:$0x2] =	stream.linear.gather @!p2 [hbm4b:s10+s8], $0x80, $0x38;
	[tilespmem:$0x1E668] =	vst v63  }
0x166: {  	s0 =	smov.u32 @p2 s26;
	s9 =	sand.u32 @!p2 $0xFFFF8, s31  }
0x167: {  	s2 =	simm.s32 @!p2 $0x7388;
	s31 =	sadd.s32 $0x1, s22;
	s9 =	sadd.s32 @!p2 s1, s9  }
.LBB3_16:
0x168: {  	s10 =	smov.u32 s0  }
0x169: {  	[tilespmem:s2], [sflag:$0x2] =	stream.linear.gather @!p2 [hbm4b:s9+s8], $0x80, $0x38;
	[tilespmem:$0x1E668] =	vst v63  }
0x16a: {  	s29 =	sadd.s32 $0x1, s29;
	s8 =	smov.u32 s30;
	v1 =	vld.msk [tilespmem:s31+$0x0], $0x1  }
0x16b: {  	p3 =	seq.s32 s29, $0x0;
	_ =	sdelay $0x3  }
0x16c: {  	(v2sf) =	vpush v1, $0x0;
	_ =	sdelay $0xe  }
0x16d: {  	s30 =	spop (v2sf)  }
0x16e: {  	p2 =	seq.s32 s8, s30  }
0x16f: {  	p4 =	sgt.s32 @!p2 s8, $0x0;
	s2 =	sshll.u32 @!p2 s0, $0xA;
	s0 =	sadd.s32 @!p2 $0x1, s0  }
0x170: {  	p4 =	por !p4, p2;
	s2 =	sshra.s32 @!p2 s2, $0x2;
	s0 =	smov.u32 @p2 s10  }
0x171: {  	s8 =	simm.s32 @p4 $0x0;
	s9 =	sadd.s32 @!p2 $0x7308, s2;
	s2 =	sadd.s32 @!p2 $0x7388, s2  }
.Ltmp24:
0x172: {  	s8 =	smin.u32 @!p2 s8, $0x4E170;
	(pc) =	sbr.rel @!p3 .LBB3_16-.Ltmp24, $4  }
0x173: {  	s10 =	sand.u32 @!p2 $0x7FFF8, s8;
	s3 =	sadd.s32 @!p2 $0x80, s8  }
0x174: {  	s8 =	sand.u32 @!p2 $0x7, s8;
	s10 =	sadd.s32 @!p2 s1, s10;
	s3 =	sand.u32 @!p2 $0xFFFF8, s3  }
0x175: {  	[tilespmem:s9], [sflag:$0x2] =	stream.linear.gather @!p2 [hbm4b:s10+s8], $0x80, $0x38;
	[tilespmem:$0x1E668] =	vst v63  }
0x176: {  	s31 =	sadd.s32 $0x1, s31;
	s9 =	sadd.s32 @!p2 s1, s3  }
.LBB3_17:
0x177: {  	[tilespmem:s2], [sflag:$0x2] =	stream.linear.gather @!p2 [hbm4b:s9+s8], $0x80, $0x38;
	[tilespmem:$0x1E668] =	vst v63  }
.Ltmp25:
0x178: {  	s0 =	sshll.u32 s0, $0x8;
	(pc) =	sbr.rel .LBB3_18-.Ltmp25, $4  }
0x179: {  	s31 =	simm.s32 $0x2;
	s30 =	simm.s32 $0x0;
	s0 =	sand.u32 $0x3FFFFF00, s0  }
0x17a: {  	s10 =	smov.u32 s5;
	s5 =	smov.u32 s14;
	_ =	swait.ge [sflag:s31], s0  }
0x17b: {  	s14 =	smov.u32 s6;
	s0 =	ssub.s32 $0x0, s0;
	[sflag:s31] =	ssyncset.done $0x0  }
0x17c: {  	s6 =	smov.u32 s17;
	s17 =	simm.s32 $0xA;
	[sflag:s31] =	ssyncadd.s32 s0  }
.LBB3_19:
0x17d: {  	v1 =	vld [tilespmem:s24+$0xFFFFFF80];
	_ =	sdelay $0x4  }
0x17e: {  	[tilespmem:s31+$0x208] =	vst.add.f32.msk $0xffff, v1  }
0x17f: {  	v1 =	vld [tilespmem:s24+$0xFFFFFF90];
	_ =	sdelay $0x4  }
0x180: {  	[tilespmem:s31+$0x218] =	vst.add.f32.msk $0xffff, v1  }
0x181: {  	v1 =	vld [tilespmem:s24+$0xFFFFFFA0];
	_ =	sdelay $0x4  }
0x182: {  	[tilespmem:s31+$0x228] =	vst.add.f32.msk $0xffff, v1  }
0x183: {  	v1 =	vld [tilespmem:s24+$0xFFFFFFB0];
	_ =	sdelay $0x4  }
0x184: {  	[tilespmem:s31+$0x238] =	vst.add.f32.msk $0xffff, v1  }
0x185: {  	v1 =	vld [tilespmem:s24+$0xFFFFFFC0];
	_ =	sdelay $0x4  }
0x186: {  	[tilespmem:s31+$0x248] =	vst.add.f32.msk $0xffff, v1  }
0x187: {  	v1 =	vld [tilespmem:s24+$0xFFFFFFD0];
	_ =	sdelay $0x4  }
0x188: {  	[tilespmem:s31+$0x258] =	vst.add.f32.msk $0xffff, v1  }
0x189: {  	v1 =	vld [tilespmem:s24+$0xFFFFFFE0];
	_ =	sdelay $0x4  }
0x18a: {  	[tilespmem:s31+$0x268] =	vst.add.f32.msk $0xffff, v1  }
0x18b: {  	v1 =	vld [tilespmem:s24+$0xFFFFFFF0];
	_ =	sdelay $0x4  }
0x18c: {  	[tilespmem:s31+$0x278] =	vst.add.f32.msk $0xffff, v1  }
0x18d: {  	v1 =	vld [tilespmem:s24+$0x0];
	_ =	sdelay $0x4  }
0x18e: {  	[tilespmem:s31+$0x288] =	vst.add.f32.msk $0xffff, v1  }
0x18f: {  	v1 =	vld [tilespmem:s24+$0x10];
	_ =	sdelay $0x4  }
0x190: {  	[tilespmem:s31+$0x298] =	vst.add.f32.msk $0xffff, v1  }
0x191: {  	v1 =	vld [tilespmem:s24+$0x20];
	_ =	sdelay $0x4  }
0x192: {  	[tilespmem:s31+$0x2A8] =	vst.add.f32.msk $0xffff, v1  }
0x193: {  	v1 =	vld [tilespmem:s24+$0x30];
	_ =	sdelay $0x4  }
0x194: {  	[tilespmem:s31+$0x2B8] =	vst.add.f32.msk $0xffff, v1  }
0x195: {  	v1 =	vld [tilespmem:s24+$0x40];
	_ =	sdelay $0x4  }
0x196: {  	[tilespmem:s31+$0x2C8] =	vst.add.f32.msk $0xffff, v1  }
0x197: {  	v1 =	vld [tilespmem:s24+$0x50];
	_ =	sdelay $0x4  }
0x198: {  	[tilespmem:s31+$0x2D8] =	vst.add.f32.msk $0xffff, v1  }
0x199: {  	v1 =	vld [tilespmem:s24+$0x60];
	_ =	sdelay $0x4  }
0x19a: {  	[tilespmem:s31+$0x2E8] =	vst.add.f32.msk $0xffff, v1  }
0x19b: {  	v1 =	vld [tilespmem:s24+$0x70];
	_ =	sdelay $0x4  }
0x19c: {  	[tilespmem:s31+$0x2F8] =	vst.add.f32.msk $0xffff, v1  }
.LBB3_23:
0x19d: {  	s25 =	sadd.s32 $0x1, s25  }
0x19e: {  	p2 =	seq.s32 s25, $0x0  }
.Ltmp26:
0x19f: {  	_ = 	snop;
	(pc) =	sbr.rel @p2 .LBB3_24-.Ltmp26, $2  }
0x1a0: {  	_ =	sdelay $0x2  }
0x1a1: {  	s22 =	sadd.s32 $0x1, s22;
	s24 =	sadd.s32 $0x100, s24;
	s28 =	smov.u32 s29  }
.LBB3_18:
0x1a2: {  	v1 =	vld.msk [tilespmem:s22+$0x0], $0x1;
	_ =	sdelay $0x4  }
0x1a3: {  	(v2sf) =	vpush v1, $0x0;
	_ =	sdelay $0xe  }
0x1a4: {  	s29 =	spop (v2sf)  }
0x1a5: {  	p2 =	sne.s32 s28, s29  }
.Ltmp27:
0x1a6: {  	_ = 	snop;
	(pc) =	sbr.rel @!p2 .LBB3_19-.Ltmp27, $3  }
0x1a7: {  	_ =	sdelay $0x1  }
0x1a8: {  	s0 =	sshll.u32 s21, $0xA  }
0x1a9: {  	s31 =	sshra.s32 s0, $0x2  }
0x1aa: {  	p2 =	seq.s32 s28, s23  }
.Ltmp28:
0x1ab: {  	_ = 	snop;
	(pc) =	sbr.rel @!p2 .LBB3_21-.Ltmp28, $1  }
0x1ac: {  	_ =	sdelay $0x3  }
.Ltmp29:
0x1ad: {  	s0 =	sadd.s32 $0x208, s31;
	(pc) =	sbr.rel .LBB3_22-.Ltmp29, $4  }
0x1ae: {  	[spmem:s13] =	stream.linear.scatter [tilespmem:s0], [sflag:$0x1], $0x100, $0x38;
	[tilespmem:$0x1E668] =	vst v63  }
0x1af: {  	_ =	swait.ge [sflag:s11], $0x100  }
0x1b0: {  	[sflag:s11] =	ssyncset.done $0x0  }
0x1b1: {  	[sflag:s11] =	ssyncadd.s32 $0xFFFFFF00  }
.LBB3_21:
0x1b2: {  	s0 =	sshll.u32 s26, $0xA  }
0x1b3: {  	s0 =	sshra.s32 s0, $0x2  }
0x1b4: {  	v1 =	vld [tilespmem:s0+$0x7308];
	_ =	sdelay $0x4  }
0x1b5: {  	[tilespmem:s31+$0x208] =	vst.add.f32.msk $0xffff, v1  }
0x1b6: {  	v1 =	vld [tilespmem:s0+$0x7318];
	_ =	sdelay $0x4  }
0x1b7: {  	[tilespmem:s31+$0x218] =	vst.add.f32.msk $0xffff, v1  }
0x1b8: {  	v1 =	vld [tilespmem:s0+$0x7328];
	_ =	sdelay $0x4  }
0x1b9: {  	[tilespmem:s31+$0x228] =	vst.add.f32.msk $0xffff, v1  }
0x1ba: {  	v1 =	vld [tilespmem:s0+$0x7338];
	_ =	sdelay $0x4  }
0x1bb: {  	[tilespmem:s31+$0x238] =	vst.add.f32.msk $0xffff, v1  }
0x1bc: {  	v1 =	vld [tilespmem:s0+$0x7348];
	_ =	sdelay $0x4  }
0x1bd: {  	[tilespmem:s31+$0x248] =	vst.add.f32.msk $0xffff, v1  }
0x1be: {  	v1 =	vld [tilespmem:s0+$0x7358];
	_ =	sdelay $0x4  }
0x1bf: {  	[tilespmem:s31+$0x258] =	vst.add.f32.msk $0xffff, v1  }
0x1c0: {  	v1 =	vld [tilespmem:s0+$0x7368];
	_ =	sdelay $0x4  }
0x1c1: {  	[tilespmem:s31+$0x268] =	vst.add.f32.msk $0xffff, v1  }
0x1c2: {  	v1 =	vld [tilespmem:s0+$0x7378];
	_ =	sdelay $0x4  }
0x1c3: {  	[tilespmem:s31+$0x278] =	vst.add.f32.msk $0xffff, v1  }
0x1c4: {  	v1 =	vld [tilespmem:s0+$0x7388];
	_ =	sdelay $0x4  }
0x1c5: {  	[tilespmem:s31+$0x288] =	vst.add.f32.msk $0xffff, v1  }
0x1c6: {  	v1 =	vld [tilespmem:s0+$0x7398];
	_ =	sdelay $0x4  }
0x1c7: {  	[tilespmem:s31+$0x298] =	vst.add.f32.msk $0xffff, v1  }
0x1c8: {  	v1 =	vld [tilespmem:s0+$0x73A8];
	_ =	sdelay $0x4  }
0x1c9: {  	[tilespmem:s31+$0x2A8] =	vst.add.f32.msk $0xffff, v1  }
0x1ca: {  	v1 =	vld [tilespmem:s0+$0x73B8];
	_ =	sdelay $0x4  }
0x1cb: {  	[tilespmem:s31+$0x2B8] =	vst.add.f32.msk $0xffff, v1  }
0x1cc: {  	v1 =	vld [tilespmem:s0+$0x73C8];
	_ =	sdelay $0x4  }
0x1cd: {  	[tilespmem:s31+$0x2C8] =	vst.add.f32.msk $0xffff, v1  }
0x1ce: {  	v1 =	vld [tilespmem:s0+$0x73D8];
	_ =	sdelay $0x4  }
0x1cf: {  	[tilespmem:s31+$0x2D8] =	vst.add.f32.msk $0xffff, v1  }
0x1d0: {  	v1 =	vld [tilespmem:s0+$0x73E8];
	_ =	sdelay $0x4  }
0x1d1: {  	[tilespmem:s31+$0x2E8] =	vst.add.f32.msk $0xffff, v1  }
0x1d2: {  	v1 =	vld [tilespmem:s0+$0x73F8];
	_ =	sdelay $0x2  }
0x1d3: {  	p2 =	sgt.u32 s28, $0x4E170  }
0x1d4: {  	s0 =	sand.u32 @!p2 $0x7FFF8, s28  }
0x1d5: {  	s2 =	sadd.s32 $0x208, s31;
	s3 =	sand.u32 @!p2 $0x7, s28;
	s0 =	sadd.s32 @!p2 s1, s0;
	[tilespmem:s31+$0x2F8] =	vst.add.f32.msk $0xffff, v1  }
0x1d6: {  	[hbm4b:s0+s3] =	stream.linear.scatter @!p2 [tilespmem:s2], [sflag:$0xA], $0x80, $0x38;
	[tilespmem:$0x1E668] =	vst v63  }
0x1d7: {  	s0 =	sadd.s32 @!p2 $0x80, s28  }
0x1d8: {  	s0 =	sand.u32 @!p2 $0xFFFF8, s0  }
0x1d9: {  	s2 =	sadd.s32 $0x288, s31;
	s0 =	sadd.s32 @!p2 s1, s0  }
0x1da: {  	[hbm4b:s0+s3] =	stream.linear.scatter @!p2 [tilespmem:s2], [sflag:$0xA], $0x80, $0x38;
	[tilespmem:$0x1E668] =	vst v63  }
0x1db: {  	s0 =	simm.s32 $0x0  }
0x1dc: {  	s0 =	simm.s32 @!p2 $0x400  }
0x1dd: {  	s30 =	sadd.s32 s0, s30  }
.LBB3_22:
0x1de: {  	s0 =	sadd.s32 $0x1, s21  }
0x1df: {  	s2 =	sshrl.u32 s0, $0x4  }
0x1e0: {  	s2 =	smulhi.u32 $0x24924925, s2  }
0x1e1: {  	v1 =	vld [tilespmem:s24+$0xFFFFFF80]  }
0x1e2: {  	s2 =	smul.u32 $0x70, s2;
	_ =	sdelay $0x1  }
0x1e3: {  	s21 =	ssub.s32 s0, s2  }
0x1e4: {  	s0 =	sshll.u32 s21, $0x8  }
0x1e5: {  	[tilespmem:s0+$0x208] =	vst v1  }
0x1e6: {  	v1 =	vld [tilespmem:s24+$0xFFFFFF90];
	_ =	sdelay $0x4  }
0x1e7: {  	[tilespmem:s0+$0x218] =	vst v1  }
0x1e8: {  	v1 =	vld [tilespmem:s24+$0xFFFFFFA0];
	_ =	sdelay $0x4  }
0x1e9: {  	[tilespmem:s0+$0x228] =	vst v1  }
0x1ea: {  	v1 =	vld [tilespmem:s24+$0xFFFFFFB0];
	_ =	sdelay $0x4  }
0x1eb: {  	[tilespmem:s0+$0x238] =	vst v1  }
0x1ec: {  	v1 =	vld [tilespmem:s24+$0xFFFFFFC0];
	_ =	sdelay $0x4  }
0x1ed: {  	[tilespmem:s0+$0x248] =	vst v1  }
0x1ee: {  	v1 =	vld [tilespmem:s24+$0xFFFFFFD0];
	_ =	sdelay $0x4  }
0x1ef: {  	[tilespmem:s0+$0x258] =	vst v1  }
0x1f0: {  	v1 =	vld [tilespmem:s24+$0xFFFFFFE0];
	_ =	sdelay $0x4  }
0x1f1: {  	[tilespmem:s0+$0x268] =	vst v1  }
0x1f2: {  	v1 =	vld [tilespmem:s24+$0xFFFFFFF0];
	_ =	sdelay $0x4  }
0x1f3: {  	[tilespmem:s0+$0x278] =	vst v1  }
0x1f4: {  	v1 =	vld [tilespmem:s24+$0x0];
	_ =	sdelay $0x4  }
0x1f5: {  	[tilespmem:s0+$0x288] =	vst v1  }
0x1f6: {  	v1 =	vld [tilespmem:s24+$0x10];
	_ =	sdelay $0x4  }
0x1f7: {  	[tilespmem:s0+$0x298] =	vst v1  }
0x1f8: {  	v1 =	vld [tilespmem:s24+$0x20];
	_ =	sdelay $0x4  }
0x1f9: {  	[tilespmem:s0+$0x2A8] =	vst v1  }
0x1fa: {  	v1 =	vld [tilespmem:s24+$0x30];
	_ =	sdelay $0x4  }
0x1fb: {  	[tilespmem:s0+$0x2B8] =	vst v1  }
0x1fc: {  	v1 =	vld [tilespmem:s24+$0x40];
	_ =	sdelay $0x4  }
0x1fd: {  	[tilespmem:s0+$0x2C8] =	vst v1  }
0x1fe: {  	v1 =	vld [tilespmem:s24+$0x50];
	_ =	sdelay $0x4  }
0x1ff: {  	[tilespmem:s0+$0x2D8] =	vst v1  }
0x200: {  	v1 =	vld [tilespmem:s24+$0x60];
	_ =	sdelay $0x4  }
0x201: {  	[tilespmem:s0+$0x2E8] =	vst v1  }
0x202: {  	v1 =	vld [tilespmem:s24+$0x70]  }
.Ltmp30:
0x203: {  	_ = 	snop;
	(pc) =	sbr.rel .LBB3_23-.Ltmp30, $2  }
0x204: {  	_ =	sdelay $0x2  }
0x205: {  	s26 =	sadd.s32 $0x1, s26;
	[tilespmem:s0+$0x2F8] =	vst v1  }
.LBB3_25:
.Ltmp31:
0x206: {  	(pc) =	sbr.rel .LBB3_26-.Ltmp31, $4  }
0x207: {  	_ = 	snop  }
0x208: {  	s0 =	simm.s32 $0x2  }
0x209: {  	_ =	swait.ge [sflag:s0], $0x0  }
0x20a: {  	s29 =	smov.u32 s28;
	[sflag:s0] =	ssyncset.done $0x0;
	s0 =	simm.s32 $0x0  }
.LBB3_28:
0x20b: {  	_ =	sfence.sel $0x180000  }
0x20c: {  	s0 =	simm.s32 $0x7;
	[bflag:$0x0] =	sbarrier.arrive $0xFFFF  }
0x20d: {  	s25 =	simm.s32 $0x8;
	[sflag:s0] =	ssyncpa.u1 $0x1  }
0x20e: {  	s26 =	simm.s32 $0x9;
	[sflag:s25] =	ssyncpa.u1 $0x1  }
0x20f: {  	s28 =	simm.s32 $0x2;
	[sflag:s26] =	ssyncpa.u1 $0x1  }
0x210: {  	[sflag:s28] =	ssyncpa.u1 $0x1  }
0x211: {  	v0 =	vld [tilespmem:$0xE408];
	_ =	sdelay $0x4  }
0x212: {  	(v2sf) =	vpush v0, $0x0  }
0x213: {  	(v2sf) =	vpush v0, $0x1;
	_ =	sdelay $0x1  }
0x214: {  	(v2sf) =	vpush v0, $0x2;
	_ =	sdelay $0xb  }
0x215: {  	s0 =	spop (v2sf)  }
0x216: {  	s2 =	spop (v2sf)  }
0x217: {  	s3 =	smov.u32 s0;
	p0 =	sne.s32 s0, s2  }
0x218: {  	s4 =	spop (v2sf);
	s3 =	simm.s32 @!p0 $0xFFFFFFFF  }
0x219: {  	v2 =	vimm.s32 $0x1;
	v3 =	vlaneseq.u32;
	p0 =	seq.s32 s4, $0xFFFFFFFF;
	v1 =	vmov s3  }
0x21a: {  	s7 =	stileid.u32;
	v0 =	vperm.xlane v0, v2;
	p1 =	sne.s32 @!p0 s0, s2;
	v1 =	vperm.xlane v1, v3  }
0x21b: {  	vm0 =	vcmask $0x3F04;
	s6 =	simm.s32 $0xE408;
	s0 =	simm.s32 @!p0 $0x1;
	p1 =	por !p1, p0  }
0x21c: {  	s3 =	sshll.u32 s7, $0x1;
	s2 =	sshll.u32 @!p0 s4, $0xA;
	s0 =	simm.s32 @p1 $0x0;
	v0 =	vsel vm0, v1, v0  }
0x21d: {  	s5 =	sor.u32 $0x2000, s3;
	s2 =	sshra.s32 @!p0 s2, $0x2;
	s0 =	sor.u32 @!p0 s0, s3;
	[tilespmem:$0xE408] =	vst v0  }
0x21e: {  	[spmem:s5] =	stream.linear.scatter [tilespmem:s6], [sflag:$0x1], $0x2, $0x38;
	[tilespmem:$0x1E668] =	vst v63  }
0x21f: {  	s2 =	sadd.s32 @!p0 $0x208, s2;
	s0 =	sshll.u32 @!p0 s0, $0x8  }
0x220: {  	[spmem:s0] =	stream.linear.scatter @!p0 [tilespmem:s2], [sflag:$0x1], $0x100, $0x38;
	[tilespmem:$0x1E668] =	vst v63  }
0x221: {  	s2 =	simm.s32 @!p0 $0x102  }
0x222: {  	s0 =	simm.s32 $0x1;
	s2 =	simm.s32 @p0 $0x2  }
0x223: {  	_ =	swait.ge [sflag:s0], s2  }
0x224: {  	s2 =	ssub.s32 $0x0, s2;
	[sflag:s0] =	ssyncset.done $0x0  }
0x225: {  	[sflag:s0] =	ssyncadd.s32 s2  }
0x226: {  	_ =	sfence.stream.spmem  }
0x227: {  	s29 =	simm.s32 $0x3;
	[bflag:$0x0] =	sbarrier.arrive $0xFFFF  }
0x228: {  	s30 =	simm.s32 $0x4;
	[sflag:s29] =	ssyncpa.u1 $0x1  }
0x229: {  	s31 =	simm.s32 $0x3C;
	[sflag:s30] =	ssyncpa.u1 $0x1  }
0x22a: {  	p0 =	sne.s32 s7, $0x0;
	[sflag:s31] =	ssyncpa.u1 $0x1  }
0x22b: {  	_ =	sfence @p0  }
0x22c: {  	[sflag:s0] =	ssyncpa.u1 @p0 $0x1  }
0x22d: {  	_ =	strace @p0 $0x90000059  }
0x22e: {  	[bflag:$0x2] =	sbarrier.arrive @p0 $0xFFFF  }
0x22f: {  	_ =	shalt @p0  }
.LBB3_29:
0x230: {  	_ =	sfence.stream.spmem;
	s0 =	simm.s32 $0x5  }
0x231: {  	s2 =	simm.s32 $0x2000;
	s3 =	simm.s32 $0xE418;
	[sflag:s0] =	ssyncpa.u1 $0x0  }
0x232: {  	[tilespmem:s3], [sflag:$0x5] =	stream.linear.gather [spmem:s2], $0x20, $0x38;
	[tilespmem:$0x1E668] =	vst v63  }
0x233: {  	s30 =	simm.s32 $0xE438;
	s2 =	simm.s32 $0x0  }
0x234: {  	[tilespmem:s30], [sflag:$0x5] =	stream.linear.gather [spmem:s2], $0x2000, $0x38;
	[tilespmem:$0x1E668] =	vst v63  }
.Ltmp32:
0x235: {  	_ = 	snop;
	(pc) =	sbr.rel .LBB3_30-.Ltmp32, $4  }
0x236: {  	_ =	swait.ge [sflag:s0], $0x2020  }
0x237: {  	[sflag:s0] =	ssyncset.done $0x0  }
0x238: {  	s31 =	simm.s32 $0x6;
	[sflag:s0] =	ssyncadd.s32 $0xFFFFDFE0  }
0x239: {  	s3 =	simm.s32 $0x0;
	[sflag:s31] =	ssyncpa.u1 $0x0  }
.LBB3_36:
0x23a: {  	p0 =	slt.u32 s4, $0x4E171  }
0x23b: {  	s0 =	sand.u32 @p0 $0x7FFF8, s4  }
0x23c: {  	s5 =	sand.u32 @p0 $0x7, s4;
	s6 =	simm.s32 @p0 $0xE308;
	s0 =	sadd.s32 @p0 s1, s0  }
0x23d: {  	[tilespmem:s6], [sflag:$0x6] =	stream.linear.gather @p0 [hbm4b:s0+s5], $0x80, $0x38;
	[tilespmem:$0x1E668] =	vst v63  }
0x23e: {  	s0 =	sadd.s32 @p0 $0x80, s4  }
0x23f: {  	s0 =	sand.u32 @p0 $0xFFFF8, s0  }
0x240: {  	s4 =	simm.s32 @p0 $0xE388;
	s0 =	sadd.s32 @p0 s1, s0  }
0x241: {  	[tilespmem:s4], [sflag:$0x6] =	stream.linear.gather @p0 [hbm4b:s0+s5], $0x80, $0x38;
	[tilespmem:$0x1E668] =	vst v63  }
0x242: {  	s0 =	simm.s32 @p0 $0x6  }
0x243: {  	_ =	swait.ge @p0 [sflag:s0], $0x100  }
0x244: {  	[sflag:s0] =	ssyncset.done @p0 $0x0  }
0x245: {  	[sflag:s0] =	ssyncadd.s32 @p0 $0xFFFFFF00  }
0x246: {  	v1 =	vld @p0 [tilespmem:$0xE308];
	_ =	sdelay $0x2  }
0x247: {  	s0 =	sshll.u32 @p0 s3, $0xA  }
0x248: {  	s4 =	sshrl.u32 @p0 s0, $0x2  }
0x249: {  	[tilespmem:s4+$0xE438] =	vst.add.f32.msk @p0 $0xffff, v1  }
0x24a: {  	v1 =	vld @p0 [tilespmem:$0xE318];
	_ =	sdelay $0x4  }
0x24b: {  	[tilespmem:s4+$0xE448] =	vst.add.f32.msk @p0 $0xffff, v1  }
0x24c: {  	v1 =	vld @p0 [tilespmem:$0xE328];
	_ =	sdelay $0x4  }
0x24d: {  	[tilespmem:s4+$0xE458] =	vst.add.f32.msk @p0 $0xffff, v1  }
0x24e: {  	v1 =	vld @p0 [tilespmem:$0xE338];
	_ =	sdelay $0x4  }
0x24f: {  	[tilespmem:s4+$0xE468] =	vst.add.f32.msk @p0 $0xffff, v1  }
0x250: {  	v1 =	vld @p0 [tilespmem:$0xE348];
	_ =	sdelay $0x4  }
0x251: {  	[tilespmem:s4+$0xE478] =	vst.add.f32.msk @p0 $0xffff, v1  }
0x252: {  	v1 =	vld @p0 [tilespmem:$0xE358];
	_ =	sdelay $0x4  }
0x253: {  	[tilespmem:s4+$0xE488] =	vst.add.f32.msk @p0 $0xffff, v1  }
0x254: {  	v1 =	vld @p0 [tilespmem:$0xE368];
	_ =	sdelay $0x4  }
0x255: {  	[tilespmem:s4+$0xE498] =	vst.add.f32.msk @p0 $0xffff, v1  }
0x256: {  	v1 =	vld @p0 [tilespmem:$0xE378];
	_ =	sdelay $0x4  }
0x257: {  	[tilespmem:s4+$0xE4A8] =	vst.add.f32.msk @p0 $0xffff, v1  }
0x258: {  	v1 =	vld @p0 [tilespmem:$0xE388];
	_ =	sdelay $0x4  }
0x259: {  	[tilespmem:s4+$0xE4B8] =	vst.add.f32.msk @p0 $0xffff, v1  }
0x25a: {  	v1 =	vld @p0 [tilespmem:$0xE398];
	_ =	sdelay $0x4  }
0x25b: {  	[tilespmem:s4+$0xE4C8] =	vst.add.f32.msk @p0 $0xffff, v1  }
0x25c: {  	v1 =	vld @p0 [tilespmem:$0xE3A8];
	_ =	sdelay $0x4  }
0x25d: {  	[tilespmem:s4+$0xE4D8] =	vst.add.f32.msk @p0 $0xffff, v1  }
0x25e: {  	v1 =	vld @p0 [tilespmem:$0xE3B8];
	_ =	sdelay $0x4  }
0x25f: {  	[tilespmem:s4+$0xE4E8] =	vst.add.f32.msk @p0 $0xffff, v1  }
0x260: {  	v1 =	vld @p0 [tilespmem:$0xE3C8];
	_ =	sdelay $0x4  }
0x261: {  	[tilespmem:s4+$0xE4F8] =	vst.add.f32.msk @p0 $0xffff, v1  }
0x262: {  	v1 =	vld @p0 [tilespmem:$0xE3D8];
	_ =	sdelay $0x4  }
0x263: {  	[tilespmem:s4+$0xE508] =	vst.add.f32.msk @p0 $0xffff, v1  }
0x264: {  	v1 =	vld @p0 [tilespmem:$0xE3E8];
	_ =	sdelay $0x4  }
0x265: {  	[tilespmem:s4+$0xE518] =	vst.add.f32.msk @p0 $0xffff, v1  }
0x266: {  	v1 =	vld @p0 [tilespmem:$0xE3F8];
	_ =	sdelay $0x3  }
0x267: {  	s5 =	sshll.u32 @!p0 s3, $0xA  }
0x268: {  	s5 =	smov.u32 @p0 s0;
	[tilespmem:s4+$0xE528] =	vst.add.f32.msk @p0 $0xffff, v1  }
0x269: {  	s0 =	sshrl.u32 s5, $0x2;
	[tilespmem:s2+$0xE418] =	vst.msk $0x1, v0  }
0x26a: {  	v0 =	vld [tilespmem:s0+$0xE438];
	_ =	sdelay $0x2  }
0x26b: {  	s31 =	sshll.u32 s2, $0xA  }
0x26c: {  	s4 =	sshra.s32 s31, $0x2  }
0x26d: {  	[tilespmem:s4+$0xE438] =	vst v0  }
0x26e: {  	v0 =	vld [tilespmem:s0+$0xE448];
	_ =	sdelay $0x4  }
0x26f: {  	[tilespmem:s4+$0xE448] =	vst v0  }
0x270: {  	v0 =	vld [tilespmem:s0+$0xE458];
	_ =	sdelay $0x4  }
0x271: {  	[tilespmem:s4+$0xE458] =	vst v0  }
0x272: {  	v0 =	vld [tilespmem:s0+$0xE468];
	_ =	sdelay $0x4  }
0x273: {  	[tilespmem:s4+$0xE468] =	vst v0  }
0x274: {  	v0 =	vld [tilespmem:s0+$0xE478];
	_ =	sdelay $0x4  }
0x275: {  	[tilespmem:s4+$0xE478] =	vst v0  }
0x276: {  	v0 =	vld [tilespmem:s0+$0xE488];
	_ =	sdelay $0x4  }
0x277: {  	[tilespmem:s4+$0xE488] =	vst v0  }
0x278: {  	v0 =	vld [tilespmem:s0+$0xE498];
	_ =	sdelay $0x4  }
0x279: {  	[tilespmem:s4+$0xE498] =	vst v0  }
0x27a: {  	v0 =	vld [tilespmem:s0+$0xE4A8];
	_ =	sdelay $0x4  }
0x27b: {  	[tilespmem:s4+$0xE4A8] =	vst v0  }
0x27c: {  	v0 =	vld [tilespmem:s0+$0xE4B8];
	_ =	sdelay $0x4  }
0x27d: {  	[tilespmem:s4+$0xE4B8] =	vst v0  }
0x27e: {  	v0 =	vld [tilespmem:s0+$0xE4C8];
	_ =	sdelay $0x4  }
0x27f: {  	[tilespmem:s4+$0xE4C8] =	vst v0  }
0x280: {  	v0 =	vld [tilespmem:s0+$0xE4D8];
	_ =	sdelay $0x4  }
0x281: {  	[tilespmem:s4+$0xE4D8] =	vst v0  }
0x282: {  	v0 =	vld [tilespmem:s0+$0xE4E8];
	_ =	sdelay $0x4  }
0x283: {  	[tilespmem:s4+$0xE4E8] =	vst v0  }
0x284: {  	v0 =	vld [tilespmem:s0+$0xE4F8];
	_ =	sdelay $0x4  }
0x285: {  	[tilespmem:s4+$0xE4F8] =	vst v0  }
0x286: {  	v0 =	vld [tilespmem:s0+$0xE508];
	_ =	sdelay $0x4  }
0x287: {  	[tilespmem:s4+$0xE508] =	vst v0  }
0x288: {  	v0 =	vld [tilespmem:s0+$0xE518];
	_ =	sdelay $0x4  }
0x289: {  	[tilespmem:s4+$0xE518] =	vst v0  }
0x28a: {  	v0 =	vld [tilespmem:s0+$0xE528];
	_ =	sdelay $0x4  }
0x28b: {  	s2 =	sadd.s32 $0x1, s2;
	[tilespmem:s4+$0xE528] =	vst v0  }
.LBB3_37:
0x28c: {  	s3 =	sadd.s32 $0x1, s3  }
0x28d: {  	p0 =	sne.s32 s3, $0x20  }
.Ltmp33:
0x28e: {  	_ = 	snop;
	(pc) =	sbr.rel @!p0 .LBB3_38-.Ltmp33, $1  }
0x28f: {  	_ =	sdelay $0x3  }
.LBB3_30:
0x290: {  	v0 =	vld.msk [tilespmem:s3+$0xE418], $0x1;
	_ =	sdelay $0x4  }
0x291: {  	(v2sf) =	vpush v0, $0x0;
	_ =	sdelay $0xe  }
0x292: {  	s4 =	spop (v2sf)  }
0x293: {  	p0 =	seq.s32 s4, $0xFFFFFFFF  }
.Ltmp34:
0x294: {  	_ = 	snop;
	(pc) =	sbr.rel @p0 .LBB3_37-.Ltmp34, $1  }
0x295: {  	_ =	sdelay $0x3  }
0x296: {  	p0 =	slt.s32 s2, $0x1  }
.Ltmp35:
0x297: {  	_ = 	snop;
	(pc) =	sbr.rel @p0 .LBB3_36-.Ltmp35, $1  }
0x298: {  	_ =	sdelay $0x3  }
0x299: {  	s5 =	simm.s32 $0xE418;
	p0 =	por $0x0, $0x0  }
0x29a: {  	v1 =	vld.msk @!p0 [tilespmem:s5+$0x0], $0x1;
	_ =	sdelay $0x4  }
0x29b: {  	(v2sf) =	vpush @!p0 v1, $0x0;
	_ =	sdelay $0xd  }
0x29c: {  	p2 =	sne.s32 s2, $0x1  }
.Ltmp36:
0x29d: {  	s0 =	spop @!p0 (v2sf);
	(pc) =	sbr.rel @!p2 .LBB3_34-.Ltmp36, $4  }
0x29e: {  	p1 =	seq.s32 @!p0 s4, s0  }
0x29f: {  	s6 =	simm.s32 $0x0;
	p1 =	por !p1, p0  }
0x2a0: {  	s0 =	simm.s32 $0xFFFFFFFF;
	s6 =	simm.s32 @p1 $0xFFFFFFFF  }
0x2a1: {  	s7 =	simm.s32 $0x1;
	s6 =	smov.u32 @p0 s0  }
.LBB3_33:
0x2a2: {  	s0 =	smov.u32 s6;
	p0 =	sne.s32 s6, $0xFFFFFFFF  }
0x2a3: {  	s5 =	sadd.s32 $0x1, s5;
	s6 =	smov.u32 s7;
	s7 =	sadd.s32 $0x1, s7  }
0x2a4: {  	p1 =	sne.s32 s2, s7;
	v1 =	vld.msk @!p0 [tilespmem:s5+$0x0], $0x1;
	_ =	sdelay $0x4  }
0x2a5: {  	(v2sf) =	vpush @!p0 v1, $0x0;
	_ =	sdelay $0xe  }
.Ltmp37:
0x2a6: {  	s8 =	spop @!p0 (v2sf);
	(pc) =	sbr.rel @p1 .LBB3_33-.Ltmp37, $4  }
0x2a7: {  	p2 =	seq.s32 @!p0 s4, s8  }
0x2a8: {  	p2 =	por !p2, p0  }
0x2a9: {  	s6 =	simm.s32 @p2 $0xFFFFFFFF  }
0x2aa: {  	s6 =	smov.u32 @p0 s0  }
.LBB3_34:
0x2ab: {  	p0 =	seq.s32 s6, $0xFFFFFFFF  }
.Ltmp38:
0x2ac: {  	_ = 	snop;
	(pc) =	sbr.rel @p0 .LBB3_36-.Ltmp38, $1  }
0x2ad: {  	_ =	sdelay $0x3  }
0x2ae: {  	s0 =	sshll.u32 s3, $0x8  }
0x2af: {  	s0 =	sand.u32 $0x3FFFFF00, s0  }
0x2b0: {  	v0 =	vld [tilespmem:s0+$0xE438];
	_ =	sdelay $0x2  }
0x2b1: {  	s4 =	sshll.u32 s6, $0xA  }
0x2b2: {  	s4 =	sshra.s32 s4, $0x2  }
0x2b3: {  	[tilespmem:s4+$0xE438] =	vst.add.f32.msk $0xffff, v0  }
0x2b4: {  	v0 =	vld [tilespmem:s0+$0xE448];
	_ =	sdelay $0x4  }
0x2b5: {  	[tilespmem:s4+$0xE448] =	vst.add.f32.msk $0xffff, v0  }
0x2b6: {  	v0 =	vld [tilespmem:s0+$0xE458];
	_ =	sdelay $0x4  }
0x2b7: {  	[tilespmem:s4+$0xE458] =	vst.add.f32.msk $0xffff, v0  }
0x2b8: {  	v0 =	vld [tilespmem:s0+$0xE468];
	_ =	sdelay $0x4  }
0x2b9: {  	[tilespmem:s4+$0xE468] =	vst.add.f32.msk $0xffff, v0  }
0x2ba: {  	v0 =	vld [tilespmem:s0+$0xE478];
	_ =	sdelay $0x4  }
0x2bb: {  	[tilespmem:s4+$0xE478] =	vst.add.f32.msk $0xffff, v0  }
0x2bc: {  	v0 =	vld [tilespmem:s0+$0xE488];
	_ =	sdelay $0x4  }
0x2bd: {  	[tilespmem:s4+$0xE488] =	vst.add.f32.msk $0xffff, v0  }
0x2be: {  	v0 =	vld [tilespmem:s0+$0xE498];
	_ =	sdelay $0x4  }
0x2bf: {  	[tilespmem:s4+$0xE498] =	vst.add.f32.msk $0xffff, v0  }
0x2c0: {  	v0 =	vld [tilespmem:s0+$0xE4A8];
	_ =	sdelay $0x4  }
0x2c1: {  	[tilespmem:s4+$0xE4A8] =	vst.add.f32.msk $0xffff, v0  }
0x2c2: {  	v0 =	vld [tilespmem:s0+$0xE4B8];
	_ =	sdelay $0x4  }
0x2c3: {  	[tilespmem:s4+$0xE4B8] =	vst.add.f32.msk $0xffff, v0  }
0x2c4: {  	v0 =	vld [tilespmem:s0+$0xE4C8];
	_ =	sdelay $0x4  }
0x2c5: {  	[tilespmem:s4+$0xE4C8] =	vst.add.f32.msk $0xffff, v0  }
0x2c6: {  	v0 =	vld [tilespmem:s0+$0xE4D8];
	_ =	sdelay $0x4  }
0x2c7: {  	[tilespmem:s4+$0xE4D8] =	vst.add.f32.msk $0xffff, v0  }
0x2c8: {  	v0 =	vld [tilespmem:s0+$0xE4E8];
	_ =	sdelay $0x4  }
0x2c9: {  	[tilespmem:s4+$0xE4E8] =	vst.add.f32.msk $0xffff, v0  }
0x2ca: {  	v0 =	vld [tilespmem:s0+$0xE4F8];
	_ =	sdelay $0x4  }
0x2cb: {  	[tilespmem:s4+$0xE4F8] =	vst.add.f32.msk $0xffff, v0  }
0x2cc: {  	v0 =	vld [tilespmem:s0+$0xE508];
	_ =	sdelay $0x4  }
0x2cd: {  	[tilespmem:s4+$0xE508] =	vst.add.f32.msk $0xffff, v0  }
0x2ce: {  	v0 =	vld [tilespmem:s0+$0xE518];
	_ =	sdelay $0x4  }
0x2cf: {  	[tilespmem:s4+$0xE518] =	vst.add.f32.msk $0xffff, v0  }
0x2d0: {  	v0 =	vld [tilespmem:s0+$0xE528]  }
.Ltmp39:
0x2d1: {  	_ = 	snop;
	(pc) =	sbr.rel .LBB3_37-.Ltmp39, $2  }
0x2d2: {  	_ =	sdelay $0x2  }
0x2d3: {  	[tilespmem:s4+$0xE528] =	vst.add.f32.msk $0xffff, v0  }
.LBB3_38:
0x2d4: {  	p0 =	slt.s32 s2, $0x1  }
.Ltmp40:
0x2d5: {  	_ = 	snop;
	(pc) =	sbr.rel @p0 .LBB3_42-.Ltmp40, $3  }
0x2d6: {  	_ =	sdelay $0x1  }
0x2d7: {  	s0 =	simm.s32 $0x6  }
0x2d8: {  	[sflag:s0] =	ssyncpa.u1 $0x1;
	s0 =	simm.s32 $0x0  }
0x2d9: {  	s3 =	simm.s32 $0xE418  }
0x2da: {  	v0 =	vld.msk [tilespmem:s3+$0x0], $0x1;
	_ =	sdelay $0x4  }
0x2db: {  	(v2sf) =	vpush v0, $0x0;
	_ =	sdelay $0xe  }
0x2dc: {  	s2 =	sadd.s32 $0xFFFFFFFF, s2;
	s4 =	spop (v2sf)  }
0x2dd: {  	s5 =	simm.s32 $0xE438;
	p0 =	sne.s32 s2, $0x0;
	p1 =	sgt.u32 s4, $0x4E170  }
.Ltmp41:
0x2de: {  	s3 =	simm.s32 $0xE538;
	s6 =	sand.u32 @!p1 $0x7FFF8, s4;
	(pc) =	sbr.rel @!p0 .LBB3_41-.Ltmp41, $4  }
0x2df: {  	s7 =	sadd.s32 @!p1 $0x80, s4;
	s8 =	sadd.s32 @!p1 s1, s6;
	s6 =	sand.u32 @!p1 $0x7, s4  }
0x2e0: {  	[hbm4b:s8+s6] =	stream.linear.scatter @!p1 [tilespmem:s5], [sflag:$0x5], $0x80, $0x38;
	[tilespmem:$0x1E668] =	vst v63  }
0x2e1: {  	s0 =	simm.s32 @!p1 $0x400;
	s4 =	simm.s32 $0xE419;
	s5 =	sand.u32 @!p1 $0xFFFF8, s7  }
0x2e2: {  	s7 =	simm.s32 @!p1 $0xE4B8;
	s8 =	sadd.s32 @!p1 s1, s5;
	s5 =	sadd.s32 $0x0, s0  }
.LBB3_40:
0x2e3: {  	[hbm4b:s8+s6] =	stream.linear.scatter @!p1 [tilespmem:s7], [sflag:$0x5], $0x80, $0x38;
	[tilespmem:$0x1E668] =	vst v63  }
0x2e4: {  	s2 =	sadd.s32 $0xFFFFFFFF, s2;
	s0 =	smov.u32 s3;
	v0 =	vld.msk [tilespmem:s4+$0x0], $0x1  }
0x2e5: {  	p0 =	sne.s32 s2, $0x0;
	_ =	sdelay $0x3  }
0x2e6: {  	(v2sf) =	vpush v0, $0x0;
	_ =	sdelay $0xe  }
0x2e7: {  	s3 =	sadd.s32 $0x100, s3;
	s9 =	simm.s32 $0x0;
	s6 =	spop (v2sf)  }
.Ltmp42:
0x2e8: {  	s4 =	sadd.s32 $0x1, s4;
	p1 =	sgt.u32 s6, $0x4E170;
	(pc) =	sbr.rel @p0 .LBB3_40-.Ltmp42, $4  }
0x2e9: {  	s9 =	simm.s32 @!p1 $0x400;
	s7 =	sand.u32 @!p1 $0x7FFF8, s6;
	s8 =	sadd.s32 @!p1 $0x80, s6  }
0x2ea: {  	s6 =	sand.u32 @!p1 $0x7, s6;
	s7 =	sadd.s32 @!p1 s1, s7;
	s8 =	sand.u32 @!p1 $0xFFFF8, s8  }
0x2eb: {  	[hbm4b:s7+s6] =	stream.linear.scatter @!p1 [tilespmem:s0], [sflag:$0x5], $0x80, $0x38;
	[tilespmem:$0x1E668] =	vst v63  }
0x2ec: {  	s5 =	sadd.s32 s5, s9;
	s7 =	sadd.s32 @!p1 $0x80, s0;
	s8 =	sadd.s32 @!p1 s1, s8  }
.LBB3_41:
0x2ed: {  	[hbm4b:s8+s6] =	stream.linear.scatter @!p1 [tilespmem:s7], [sflag:$0x5], $0x80, $0x38;
	[tilespmem:$0x1E668] =	vst v63  }
0x2ee: {  	s0 =	sshrl.u32 s5, $0x2  }
.LBB3_42:
0x2ef: {  	s1 =	simm.s32 $0x5  }
0x2f0: {  	_ =	swait.ge [sflag:s1], s0  }
0x2f1: {  	s29 =	ssub.s32 $0x0, s0;
	[sflag:s1] =	ssyncset.done $0x0  }
0x2f2: {  	[sflag:s1] =	ssyncadd.s32 s29  }
0x2f3: {  	[sflag:s1] =	ssyncpa.u1 $0x1  }
0x2f4: {  	s30 =	simm.s32 $0x1;
	_ =	sfence  }
0x2f5: {  	[sflag:s30] =	ssyncpa.u1 $0x1  }
0x2f6: {  	_ =	strace $0x90000059  }
0x2f7: {  	[bflag:$0x2] =	sbarrier.arrive $0xFFFF  }
0x2f8: {  	s31 =	rddreg [dreg:$0x1]  }
0x2f9: {  	s0 =	sadd.s32 $0x100000, s31  }
0x2fa: {  	[sflag:s0] =	ssyncadd.tile.s32 $0x1;
	_ =	shalt  }
.Lfunc_end3:
_tile_overlayer_lowered:
.L_overlay_start_3:
0x2fb: {  	(tag) =	ssettag $0x3  }
0x2fc: {  	s0 =	rddreg [dreg:$0x0];
	s2 =	stileid.u32  }
0x2fd: {  	s1 =	rddreg [dreg:$0x1];
	p0 =	sne.s32 s2, $0x0  }
0x2fe: {  	s3 =	rddreg [dreg:$0x2];
	[bflag:$0x3] =	sbarrier.arrive $0xFFFF;
	s2 =	simm.s32 @!p0 $0x1C01  }
0x2ff: {  	[timem:s3], [sflag:s2] =	dma.local @!p0 [hbm:s0], s1  }
0x300: {  	s0 =	simm.s32 @!p0 $0x1  }
0x301: {  	_ =	swait.ge @!p0 [sflag:s0], s1  }
0x302: {  	s1 =	ssub.s32 @!p0 $0x0, s1;
	[sflag:s0] =	ssyncset.done @!p0 $0x0  }
0x303: {  	[sflag:s0] =	ssyncadd.s32 @!p0 s1  }
0x304: {  	[bflag:$0x3] =	sbarrier.arrive $0xFFFF  }
0x305: {  	_ =	shalt  }

// kernel: scatter_offload_async_start.4
scs
__scs_entry_jumppad:
0x0: {  	(pc) =	sbr.rel $0x88, $3  }
0x1: {  	(tag) =	ssettag $0x0;
	lr =	simm.s32 $0x1  }
0x2: {  	[smem:$0x3F81] =	sst lr;
	_ =	strace $0xD0000000  }
0x3: {  	_ = 	snop  }
0x4: {  	_ = 	snop  }
0x5: {  	_ = 	snop  }
0x6: {  	_ = 	snop  }
0x7: {  	_ = 	snop  }
__scs_overlays_trampoline_lowered:
0x8: {  	[smem:$0x3F90] =	sst s0  }
0x9: {  	[smem:$0x3F91] =	sst s1  }
0xa: {  	[smem:$0x3F92] =	sst s2  }
0xb: {  	[smem:$0x3F93] =	sst s3  }
0xc: {  	[smem:$0x3F94] =	sst s4  }
0xd: {  	[smem:$0x3F95] =	sst s5  }
0xe: {  	[smem:$0x3F96] =	sst s6  }
0xf: {  	[smem:$0x3F97] =	sst s7  }
0x10: {  	[smem:$0x3F98] =	sst s8  }
0x11: {  	[smem:$0x3F99] =	sst s9;
	s0 =	simm.s32 @!p0 $0x0  }
0x12: {  	s1 =	sld [smem:$0x3F7F];
	s0 =	simm.s32 @p0 $0x1  }
0x13: {  	[smem:$0x3F9A] =	sst s0;
	s0 =	simm.s32 @!p1 $0x0  }
0x14: {  	s2 =	sld [smem:$0x3F7E];
	s0 =	simm.s32 @p1 $0x1  }
0x15: {  	[smem:$0x3F9B] =	sst s0;
	s0 =	simm.s32 @!p2 $0x0  }
0x16: {  	s3 =	sld [smem:$0x3FDB];
	s0 =	simm.s32 @p2 $0x1  }
0x17: {  	s4 =	simm.s32 $0x1BF5;
	[smem:$0x3F9D] =	sst s0  }
0x18: {  	s0 =	sld [smem:$0x3F80];
	_ =	swait.ge [sflag:s4], $0x0  }
0x19: {  	s7 =	sld [smem:$0x3F81]  }
0x1a: {  	s8 =	sadd.s32 $0xFFFFE003, lr  }
0x1b: {  	s9 =	sadd.s32 $0xFFFFFEF7, lr;
	s5 =	simm.s32 $0xFFFFFFFF;
	p2 =	slt.u32 s8, $0xFFFFF086  }
0x1c: {  	p1 =	slt.u32 s9, $0xF7A;
	s5 =	simm.s32 @!p2 $0x0  }
0x1d: {  	s5 =	simm.s32 @p1 $0x1;
	p0 =	seq.s32 s7, s2  }
0x1e: {  	s7 =	smul.u32 @!p0 $0xF7A, s2;
	p2 =	seq.s32 @!p0 s5, $0x0  }
0x1f: {  	s9 =	smul.u32 $0xF7A, s1;
	s8 =	simm.s32 @!p0 $0x1BF5;
	p2 =	por !p2, p0  }
0x20: {  	[sflag:s8] =	ssyncset.s32 @!p0 $0xFFFFF086;
	s6 =	sadd.s32 @!p0 s3, s7;
	s7 =	simm.s32 @!p0 $0x108  }
0x21: {  	s3 =	sadd.s32 s3, s9;
	s6 =	sadd.s32 @!p0 $0x88, s6;
	s7 =	simm.s32 @p2 $0x1082  }
0x22: {  	[simem:s7], [sflag:s8] =	dma.local @!p0 [hbm:s6], $0xF7A  }
0x23: {  	s9 =	sor.u32 $0xD0000000, s2;
	s6 =	simm.s32 $0x108;
	_ =	swait.ge @!p0 [sflag:s8], $0x0  }
0x24: {  	s3 =	sadd.s32 $0x88, s3;
	s6 =	simm.s32 @!p1 $0x1082;
	[sflag:s4] =	ssyncset.s32 $0xFFFFF086  }
0x25: {  	[simem:s6], [sflag:s4] =	dma.local [hbm:s3], $0xF7A  }
0x26: {  	[smem:$0x3F81] =	sst s1;
	(tag) =	ssettag s2;
	_ =	strace s9  }
0x27: {  	s1 =	sld [smem:$0x3F91]  }
0x28: {  	s2 =	sld [smem:$0x3F92]  }
0x29: {  	s4 =	sld [smem:$0x3F94]  }
0x2a: {  	p0 =	seq.s32 s5, $0x0;
	s5 =	sld [smem:$0x3F95]  }
0x2b: {  	s6 =	sld [smem:$0x3F96]  }
0x2c: {  	s7 =	sld [smem:$0x3F97]  }
0x2d: {  	s3 =	simm.s32 $0x108;
	s8 =	sld [smem:$0x3F98]  }
0x2e: {  	s3 =	simm.s32 @!p0 $0x1082;
	s9 =	sld [smem:$0x3F99]  }
0x2f: {  	lr =	sadd.s32 s0, s3;
	s0 =	sld [smem:$0x3F90]  }
0x30: {  	s3 =	sld [smem:$0x3F93]  }
0x31: {  	[smem:$0x3F9C] =	sst s10  }
0x32: {  	s10 =	sld [smem:$0x3F9A];
	_ =	sdelay $0x3  }
0x33: {  	p0 =	seq.s32 s10, $0x1;
	s10 =	sld [smem:$0x3F9C];
	_ =	sdelay $0x3  }
0x34: {  	[smem:$0x3F9C] =	sst s10  }
0x35: {  	s10 =	sld [smem:$0x3F9B];
	_ =	sdelay $0x3  }
0x36: {  	p1 =	seq.s32 s10, $0x1;
	s10 =	sld [smem:$0x3F9C];
	_ =	sdelay $0x3  }
0x37: {  	[smem:$0x3F9C] =	sst s10  }
0x38: {  	s10 =	sld [smem:$0x3F9D]  }
0x39: {  	_ = 	snop;
	(pc) =	sbr.ind lr, $3  }
0x3a: {  	_ = 	snop  }
0x3b: {  	_ = 	snop  }
0x3c: {  	p2 =	seq.s32 s10, $0x1;
	s10 =	sld [smem:$0x3F9C]  }
0x3d: {  	_ =	shalt  }
0x3e: {  	_ =	shalt  }
0x3f: {  	_ =	shalt  }
0x40: {  	_ =	shalt  }
0x41: {  	_ =	shalt  }
0x42: {  	_ =	shalt  }
0x43: {  	_ =	shalt  }
0x44: {  	_ =	shalt  }
0x45: {  	_ =	shalt  }
0x46: {  	_ =	shalt  }
0x47: {  	_ =	shalt  }
0x48: {  	_ =	shalt  }
0x49: {  	_ =	shalt  }
0x4a: {  	_ =	shalt  }
0x4b: {  	_ =	shalt  }
0x4c: {  	_ =	shalt  }
0x4d: {  	_ =	shalt  }
0x4e: {  	_ =	shalt  }
0x4f: {  	_ =	shalt  }
0x50: {  	_ =	shalt  }
0x51: {  	_ =	shalt  }
0x52: {  	_ =	shalt  }
0x53: {  	_ =	shalt  }
0x54: {  	_ =	shalt  }
0x55: {  	_ =	shalt  }
0x56: {  	_ =	shalt  }
0x57: {  	_ =	shalt  }
0x58: {  	_ =	shalt  }
0x59: {  	_ =	shalt  }
0x5a: {  	_ =	shalt  }
0x5b: {  	_ =	shalt  }
0x5c: {  	_ =	shalt  }
0x5d: {  	_ =	shalt  }
0x5e: {  	_ =	shalt  }
0x5f: {  	_ =	shalt  }
0x60: {  	_ =	shalt  }
0x61: {  	_ =	shalt  }
0x62: {  	_ =	shalt  }
0x63: {  	_ =	shalt  }
0x64: {  	_ =	shalt  }
0x65: {  	_ =	shalt  }
0x66: {  	_ =	shalt  }
0x67: {  	_ =	shalt  }
0x68: {  	_ =	shalt  }
0x69: {  	_ =	shalt  }
0x6a: {  	_ =	shalt  }
0x6b: {  	_ =	shalt  }
0x6c: {  	_ =	shalt  }
0x6d: {  	_ =	shalt  }
0x6e: {  	_ =	shalt  }
0x6f: {  	_ =	shalt  }
0x70: {  	_ =	shalt  }
0x71: {  	_ =	shalt  }
0x72: {  	_ =	shalt  }
0x73: {  	_ =	shalt  }
0x74: {  	_ =	shalt  }
0x75: {  	_ =	shalt  }
0x76: {  	_ =	shalt  }
0x77: {  	_ =	shalt  }
0x78: {  	_ =	shalt  }
0x79: {  	_ =	shalt  }
0x7a: {  	_ =	shalt  }
0x7b: {  	_ =	shalt  }
0x7c: {  	_ =	shalt  }
0x7d: {  	_ =	shalt  }
0x7e: {  	_ =	shalt  }
0x7f: {  	_ =	shalt  }
0x80: {  	_ =	shalt  }
0x81: {  	_ =	shalt  }
0x82: {  	_ =	shalt  }
0x83: {  	_ =	shalt  }
0x84: {  	_ =	shalt  }
0x85: {  	_ =	shalt  }
0x86: {  	_ =	shalt  }
0x87: {  	_ =	shalt  }
.Lfunc_end0:
.L_simem_size_0:
called_computation.4_lowered:
.L_overlay_start_0:
0x88: {  	s0 =	sld [smem:$0x3FD9]  }
0x89: {  	s1 =	sld [smem:$0x3FFE];
	_ =	sdelay $0x3  }
0x8a: {  	s0 =	sadd.s32 s1, s0  }
0x8b: {  	[smem:$0x3FA8] =	sst s0  }
0x8c: {  	_ = 	snop  }
0x8d: {  	(tm) =	ssettm $0x1  }
0x8e: {  	s15 =	sld [smem:$0x3FFB];
	_ =	sdelay $0x3  }
0x8f: {  	_ =	strace s15  }
0x90: {  	s0 =	sld [smem:$0x3FFC];
	_ =	sdelay $0x3  }
0x91: {  	_ =	strace s0  }
0x92: {  	s0 =	sld [smem:$0x3FFD];
	_ =	sdelay $0x3  }
0x93: {  	_ =	strace s0  }
0x94: {  	_ =	strace $0x8FFFFFFF  }
0x95: {  	s16 =	sld [smem:$0x3FDB];
	_ =	sdelay $0x1  }
0x96: {  	s17 =	simm.s32 $_scs_section_size  }
0x97: {  	s2 =	simm.s32 $_size__tile_overlayer_lowered;
	s3 =	simm.s32 $_tile_overlayer_lowered  }
0x98: {  	s20 =	simm.s32 $0x1BFF;
	s19 =	sshll.u32 s3, $0x1;
	s0 =	sadd.s32 s17, s16  }
0x99: {  	s4 =	simm.s32 $0x0;
	s18 =	sshll.u32 s2, $0x1;
	s2 =	sadd.s32 s19, s0  }
0x9a: {  	[timem:s4], [sflag:s20] =	dma.local [hbm:s2], s18  }
0x9b: {  	_ =	swait.ge [sflag:s20], s18  }
0x9c: {  	s1 =	ssub.s32 $0x0, s18;
	[sflag:s20] =	ssyncset.done $0x0  }
0x9d: {  	[sflag:s20] =	ssyncadd.s32 s1;
	_ =	sdelay $0x1  }
0x9e: {  	s21 =	simm.s32 $0x1B8B  }
0x9f: {  	_ =	swait.ge [sflag:s21], $0x1  }
0xa0: {  	[sflag:s21] =	ssyncset.done $0x0  }
0xa1: {  	s23 =	simm.s32 $0x1B8E;
	s22 =	sld [smem:$0x3FFE];
	[sflag:s21] =	ssyncadd.s32 $0xFFFFFFFF  }
0xa2: {  	s24 =	simm.s32 $execute0_lowered;
	[smem:$0x3FD2] =	sst s23  }
0xa3: {  	s2 =	sshll.u32 s24, $0x1;
	_ =	strace $0x8000005B;
	[dreg:$0x1] =	wrdreg $0xFFFFFFFF  }
0xa4: {  	s25 =	simm.s32 $_size_execute0_lowered;
	s0 =	sadd.s32 s0, s2;
	[dreg:$0x0] =	wrdreg $0x0  }
0xa5: {  	s2 =	sshll.u32 s25, $0x1;
	[dreg:$0x2] =	wrdreg s0  }
0xa6: {  	[dreg:$0x3] =	wrdreg s2  }
0xa7: {  	[dreg:$0x4] =	wrdreg $0xC0  }
0xa8: {  	_ =	task [dreg:s4], $0x5FFFF  }
0xa9: {  	[dreg:$0x1] =	wrdreg $0xFFFFFFFF  }
0xaa: {  	[dreg:$0x0] =	wrdreg $0x60  }
0xab: {  	[dreg:$0x2] =	wrdreg s22  }
0xac: {  	[dreg:$0x3] =	wrdreg $0x9  }
0xad: {  	_ =	task.clear_ibuf [dreg:s4], $0x4FFFF;
	_ =	strace $0x9000005B  }
0xae: {  	s26 =	simm.s32 $0x9;
	_ =	strace $0x8000005D  }
0xaf: {  	_ =	swait.ge [sflag:s26], $0x1  }
0xb0: {  	[sflag:s26] =	ssyncadd.s32 $0xFFFFFFFF  }
0xb1: {  	_ =	strace $0x9000005D  }
0xb2: {  	_ =	sfence  }
0xb3: {  	s28 =	sld [smem:$0x0];
	_ =	sdelay $0x1  }
0xb4: {  	s29 =	srdreg.scid  }
0xb5: {  	s30 =	sshll.u32 s29, $0xD;
	s31 =	sshrl.u32 s29, $0x2  }
0xb6: {  	s1 =	sand.u32 $0x1, s29;
	s2 =	sand.u32 $0x4000, s30;
	s0 =	sadd.s32 s31, s28  }
0xb7: {  	s1 =	sor.u32 s2, s1;
	s0 =	sshll.u32 s0, $0x11  }
0xb8: {  	s0 =	sor.u32 s0, s1  }
0xb9: {  	s0 =	sadd.s32 $0x8F2B, s0  }
0xba: {  	[sflag:s0] =	ssyncadd.remote.s32 $0x1  }
0xbb: {  	_ =	sfence.sel $0xFFFF  }
0xbc: {  	[dreg:$0x0] =	wrdreg $0xFFFFFFFF;
	(pc) =	sbr.abs _section_cstart, $3  }
0xbd: {  	[dreg:$0x1] =	wrdreg $0xFFFFFFFF  }
0xbe: {  	_ =	task.clear_ibuf [dreg:s4], $0x2FFFF;
	_ =	strace $0x9FFFFFFF  }
0xbf: {  	(tm) =	ssettm $0x7FFFFFFF  }
tec
execute0_lowered:
.L_overlay_start_1:
0x0: {  	(tag) =	ssettag $0x1  }
0x1: {  	s0 =	rddreg [dreg:$0x0]  }
0x2: {  	s6 =	stileid.u32;
	_ =	strace $0x8000005C;
	s2 =	simm.s32 $0x1  }
0x3: {  	v1 =	vimm.s32 $0xFFFFFFFF;
	s1 =	smul.u32 $0x3, s6;
	[sflag:s2] =	ssyncpa.u1 $0x0  }
0x4: {  	s3 =	smin.u32 s6, $0x7;
	[tilespmem:$0x10] =	vst v1  }
0x5: {  	v0 =	vimm.f32 $0.0e+00;
	[tilespmem:$0x20] =	vst v1;
	s1 =	sadd.s32 s3, s1  }
0x6: {  	p0 =	slt.u32 s6, $0x7;
	[tilespmem:$0x30] =	vst v0;
	s3 =	smul.u32 $0x1770, s1;
	s1 =	simm.s32 $0x5DC0  }
0x7: {  	[tilespmem:$0x40] =	vst v0;
	s1 =	simm.s32 @!p0 $0x4650  }
0x8: {  	[tilespmem:$0x50] =	vst v0;
	s1 =	sadd.s32 s1, s3  }
0x9: {  	[tilespmem:$0x60] =	vst v1;
	s4 =	smin.u32 s1, $0x50910  }
0xa: {  	s7 =	simm.s32 $0x2;
	[tilespmem:$0x70] =	vst v1;
	s9 =	ssub.s32 s4, s3  }
0xb: {  	s8 =	simm.s32 $0x8;
	s31 =	simm.s32 $0x9;
	[tilespmem:$0x80] =	vst v1;
	p0 =	sgt.s32 s9, $0x0  }
0xc: {  	s16 =	simm.s32 $0x0;
	s17 =	simm.s32 $0xF0;
	v1 =	vimm.s32 $0x0;
	[tilespmem:$0xB0] =	vst v0;
	s9 =	simm.s32 @!p0 $0x0  }
0xd: {  	s18 =	simm.s32 $0xFFFFFFFF;
	s19 =	simm.s32 $0xFFFFD220;
	[tilespmem:$0x90] =	vst v1;
	s5 =	smulhi.u32 $0x57619F1, s9  }
0xe: {  	s20 =	simm.s32 $0xFFFFFFFE;
	[tilespmem:$0xA0] =	vst v1;
	[sflag:s7] =	ssyncpa.u1 $0x0;
	s7 =	simm.s32 $0x7  }
0xf: {  	s21 =	simm.s32 $0xF;
	[sflag:s7] =	ssyncpa.u1 $0x0;
	s10 =	sshrl.u32 s5, $0x7  }
0x10: {  	s25 =	simm.s32 $0x0;
	[sflag:s8] =	ssyncpa.u1 $0x0;
	s11 =	smul.u32 $0x1770, s10  }
0x11: {  	s24 =	simm.s32 $0x0;
	s14 =	sshllo.u32 s6, $0x1;
	[sflag:s31] =	ssyncpa.u1 $0x0  }
.Ltmp0:
0x12: {  	s1 =	sadd.s32 $0x1800, s0;
	p0 =	sne.s32 s9, s11;
	(pc) =	sbr.rel .LBB2_1-.Ltmp0, $4  }
0x13: {  	s5 =	sadd.s32 $0x1FA00, s0;
	s0 =	sadd.s32 $0x29C00, s0;
	s2 =	simm.s32 @!p0 $0x0  }
0x14: {  	s23 =	smov.u32 s3;
	[dreg:$0x2] =	wrdreg s0;
	s9 =	sadd.s32 s2, s10  }
0x15: {  	vm0 =	vmmov $0xffff;
	v2 =	vlaneseq.u32;
	p0 =	por $0x0, $0x0;
	s10 =	sshll.u32 s6, $0x1;
	s11 =	sadd.s32 $0x1, s9  }
0x16: {  	vm1 =	vmxor vm1, vm1;
	vm2 =	vmmov $0x1;
	vm3 =	vcmask $0x3F3C;
	s12 =	sadd.s32 $0x2, s9;
	s13 =	sor.u32 $0x81, s10;
	s15 =	sor.u32 $0x80, s10  }
.LBB2_9:
0x17: {  	p1 =	slt.u32 s24, $0x3  }
0x18: {  	s0 =	simm.s32 @!p1 $0x2  }
0x19: {  	_ =	swait.ge @!p1 [sflag:s0], $0x1770  }
0x1a: {  	[sflag:s0] =	ssyncset.done @!p1 $0x0  }
0x1b: {  	[sflag:s0] =	ssyncadd.s32 @!p1 $0xFFFFE890;
	s0 =	simm.s32 @!p1 $0x9  }
0x1c: {  	_ =	swait.ge @!p1 [sflag:s0], $0x10  }
0x1d: {  	[sflag:s0] =	ssyncset.done @!p1 $0x0  }
0x1e: {  	[sflag:s0] =	ssyncadd.s32 @!p1 $0xFFFFFFF0;
	p1 =	sne.s32 s24, s12  }
.Ltmp1:
0x1f: {  	s2 =	sadd.s32 $0x1770, s23;
	(pc) =	sbr.rel @!p1 .LBB2_10-.Ltmp1, $4  }
0x20: {  	s6 =	smov.u32 s3;
	s31 =	sadd.s32 $0x1, s24;
	s17 =	sadd.s32 $0x1770, s17  }
0x21: {  	s18 =	sadd.s32 $0x1, s18;
	s25 =	smov.u32 s23;
	p2 =	slt.s32 s2, s4  }
0x22: {  	p0 =	por !p0, !p0;
	s19 =	sadd.s32 $0x1770, s19;
	s6 =	smov.u32 @p2 s2  }
0x23: {  	s20 =	sadd.s32 $0x1, s20;
	s23 =	smov.u32 s6;
	s24 =	smov.u32 s31  }
.LBB2_1:
0x24: {  	p1 =	sge.u32 s24, s9  }
0x25: {  	s0 =	smulhi.u32 @!p1 $0xAAAAAAAB, s24;
	_ =	sdelay $0x1  }
0x26: {  	s0 =	sshrl.u32 @!p1 s0, $0x1  }
0x27: {  	s0 =	smul.u32 @!p1 $0x3, s0;
	_ =	sdelay $0x1  }
0x28: {  	s0 =	ssub.s32 @!p1 s24, s0  }
0x29: {  	s0 =	smul.u32 @!p1 $0x5DC0, s0;
	_ =	sdelay $0x1  }
0x2a: {  	s2 =	sshrl.u32 @!p1 s23, $0x3;
	s0 =	sshrl.u32 @!p1 s0, $0x2  }
0x2b: {  	s22 =	sand.u32 @!p1 $0x7, s23;
	s2 =	sadd.s32 @!p1 s5, s2;
	s0 =	sadd.s32 @!p1 $0x100, s0  }
0x2c: {  	[tilespmem:s0], [sflag:$0x7] =	stream.linear.gather @!p1 [hbm4b:s2+s22], $0x1770, $0x38;
	[tilespmem:$0xD410] =	vst v63  }
0x2d: {  	s0 =	sadd.s32 $0xFFFFFFFF, s24  }
0x2e: {  	p1 =	sge.u32 s0, s9  }
.Ltmp2:
0x2f: {  	_ = 	snop;
	(pc) =	sbr.rel @p1 .LBB2_5-.Ltmp2, $1  }
0x30: {  	_ =	sdelay $0x3  }
0x31: {  	s2 =	smulhi.u32 $0xAAAAAAAB, s0;
	_ =	sdelay $0x1  }
0x32: {  	s2 =	sshrl.u32 s2, $0x1  }
0x33: {  	s2 =	smul.u32 $0x3, s2;
	_ =	sdelay $0x1  }
0x34: {  	s2 =	ssub.s32 s0, s2  }
0x35: {  	s2 =	smul.u32 $0x5DC0, s2  }
0x36: {  	_ =	swait.ge [sflag:s7], $0x1770  }
0x37: {  	[sflag:s7] =	ssyncset.done $0x0;
	s2 =	sshrl.u32 s2, $0x2  }
0x38: {  	[sflag:s7] =	ssyncadd.s32 $0xFFFFE890;
	(ifvalue) =	ssetifvalue $0xFFFFFFFF;
	v3 =	vld.msk [tilespmem:s2+$0x100 ss:$0x1], $0xffff;
	_ =	sdelay $0x2  }
0x39: {  	s30 =	smulhi.u32 $0xAAAAAAAB, s18;
	p1 =	sne.s32 s24, $0x1  }
0x3a: {  	v4 =	vimm.s32 @!p1 $0x0  }
0x3b: {  	s2 =	sshrl.u32 s30, $0x1;
	v4 =	vperm.xlane @!p1 v3, v4  }
0x3c: {  	s22 =	sshll.u32 s24, $0x4;
	s2 =	smul.u32 $0xFFFEE6C0, s2;
	vm4 =	vlt.u32 v3, $0x2800  }
0x3d: {  	s22 =	sand.u32 $0x10, s22;
	v3 =	vnsel vm4, $0xFFFFFFFE, v3;
	vm4 =	vlt.u32 @!p1 v4, $0x2800  }
0x3e: {  	s2 =	sshra.s32 s2, $0x2;
	[tilespmem:s22+$0x60] =	vst v3;
	v3 =	vnsel @!p1 vm4, $0xFFFFFFFE, v4  }
0x3f: {  	s28 =	sadd.s32 s2, s17;
	[tilespmem:$0x80] =	vst @!p1 v3  }
0x40: {  	v3 =	vld.msk [tilespmem:s28+$0x0 ss:$0x1], $0xffff;
	_ =	sdelay $0x4  }
0x41: {  	(xrf1) =	vunique.msk.u32 $0xffff, v3;
	_ =	sdelay $0xd  }
0x42: {  	v4 =	vimm.s32 $0xFFFFFFFF;
	v5, _, _ =	vpop (xrf1)  }
0x43: {  	vm5 =	vne.s32 v3, v4;
	vm4 =	veq.s32 v5, v2  }
0x44: {  	vm6 =	vlt.u32 v3, $0x2800;
	vm4 =	vmand vm5, vm4  }
0x45: {  	vm4 =	vmand vm6, vm4  }
0x46: {  	v4 =	vnsel vm4, $0xFFFFFFFF, v3  }
0x47: {  	s31 =	sand.u32 $0x1, s0  }
0x48: {  	s0 =	simm.s32 $0x1770;
	p1 =	seq.s32 s31, $0x1  }
0x49: {  	s0 =	simm.s32 @!p1 $0x0  }
0x4a: {  	s26 =	sadd.s32 $0x5EB0, s0;
	(ifvalue) =	ssetifvalue $0xFFFFFFFF  }
0x4b: {  	v3 =	vperm.xlane v3, v1;
	[tilespmem:s26], [sflag:$0x8] =	stream.indirect_vreg.gather [hbm4b:s1+s16], $0x1, v4, vm0, $0x4038;
	v4 =	vnsel vm6, $0xFFFFFFFE, v4;
	[tilespmem:$0xD410] =	vst v63  }
0x4c: {  	s2 =	simm.s32 $0x0;
	s22 =	sadd.s32 $0xFFFFFFF0, s28;
	[tilespmem:s28+$0x0] =	vst v4  }
.LBB2_3:
0x4d: {  	v4 =	vld.msk [tilespmem:s22+$0x0 ss:$0x1], $0xffff;
	s2 =	sadd.s32 $0x10, s2;
	v5 =	vmov v3;
	s28 =	smov.u32 s22  }
0x4e: {  	p1 =	slt.u32 s2, $0x1760;
	_ =	sdelay $0x4  }
0x4f: {  	v3 =	vperm.xlane v4, v1;
	(xrf1) =	vunique.msk.u32 $0xffff, v4;
	_ =	sdelay $0xd  }
0x50: {  	v6, _, _ =	vpop (xrf1)  }
0x51: {  	vm5 =	vne.s32 v4, v5;
	vm4 =	veq.s32 v6, v2  }
0x52: {  	vm6 =	vlt.u32 v4, $0x2800;
	vm4 =	vmand vm5, vm4  }
0x53: {  	vm4 =	vmand vm6, vm4  }
0x54: {  	v4 =	vnsel vm4, $0xFFFFFFFF, v4  }
.Ltmp3:
0x55: {  	v5 =	vnsel vm6, $0xFFFFFFFE, v4;
	(pc) =	sbr.rel @p1 .LBB2_3-.Ltmp3, $3  }
0x56: {  	_ =	sdelay $0x1  }
0x57: {  	s22 =	sadd.s32 $0xFFFFFFF0, s22;
	s26 =	sadd.s32 $0xFFFFFFF0, s26;
	(ifvalue) =	ssetifvalue $0xFFFFFFFF  }
0x58: {  	[tilespmem:s26], [sflag:$0x8] =	stream.indirect_vreg.gather [hbm4b:s1+s16], $0x1, v4, vm0, $0x4038;
	[tilespmem:s28+$0x0] =	vst v5  }
0x59: {  	s2 =	sshrl.u32 s25, $0x3;
	s6 =	rddreg [dreg:$0x2]  }
0x5a: {  	s0 =	sadd.s32 $0x7630, s0;
	s2 =	sadd.s32 s6, s2  }
0x5b: {  	[tilespmem:s0], [sflag:$0x8] =	stream.linear.gather [hbm:s2], $0x1770, $0x38;
	[tilespmem:$0xD410] =	vst v63  }
.LBB2_5:
0x5c: {  	p1 =	slt.u32 s24, $0x2  }
0x5d: {  	p2 =	sge.u32 @!p1 s24, s12  }
0x5e: {  	p1 =	por p1, p2  }
.Ltmp4:
0x5f: {  	_ = 	snop;
	(pc) =	sbr.rel @p1 .LBB2_9-.Ltmp4, $1  }
0x60: {  	_ =	sdelay $0x3  }
0x61: {  	s0 =	sadd.s32 $0xFFFFFFFE, s24  }
0x62: {  	s2 =	smulhi.u32 $0xAAAAAAAB, s0;
	_ =	sdelay $0x1  }
0x63: {  	s2 =	sshrl.u32 s2, $0x1  }
0x64: {  	s2 =	smul.u32 $0x3, s2;
	_ =	sdelay $0x1  }
0x65: {  	s0 =	ssub.s32 s0, s2  }
0x66: {  	_ =	swait.ge [sflag:s8], $0x2EE0;
	s0 =	smul.u32 $0x1770, s0  }
0x67: {  	p1 =	sne.s32 s24, s11;
	[sflag:s8] =	ssyncset.done $0x0  }
0x68: {  	[sflag:s8] =	ssyncadd.s32 $0xFFFFD120;
	s2 =	sadd.s32 @!p1 $0x186F, s0  }
0x69: {  	[spmem:s13] =	stream.linear.scatter @!p1 [tilespmem:s2], [sflag:$0x1], $0x1, $0x38;
	[tilespmem:$0xD410] =	vst v63  }
0x6a: {  	s2 =	simm.s32 @!p1 $0x1  }
0x6b: {  	_ =	swait.ge @!p1 [sflag:s2], $0x1  }
0x6c: {  	s22 =	sshll.u32 s24, $0x4;
	[sflag:s2] =	ssyncset.done @!p1 $0x0  }
0x6d: {  	s25 =	sand.u32 $0x10, s22;
	[sflag:s2] =	ssyncadd.s32 @!p1 $0xFFFFFFFF  }
0x6e: {  	s2 =	sxor.u32 $0x10, s25;
	v4 =	vld [tilespmem:s25+$0x10]  }
0x6f: {  	v5 =	vld [tilespmem:s2+$0x60]  }
0x70: {  	v3 =	vld [tilespmem:$0x80];
	_ =	sdelay $0x2  }
0x71: {  	(v2sf) =	vpush v4, $0x0  }
0x72: {  	(v2sf) =	vpush v5, $0x0  }
0x73: {  	(v2sf) =	vpush v3, $0x0;
	_ =	sdelay $0xc  }
0x74: {  	s6 =	spop (v2sf)  }
0x75: {  	s28 =	spop (v2sf)  }
0x76: {  	s26 =	spop (v2sf)  }
0x77: {  	p2 =	seq.s32 s6, s28;
	p3 =	seq.s32 s26, s6  }
0x78: {  	p3 =	por p2, p3  }
0x79: {  	s6 =	sand.u32 $0x1, s24;
	v4 =	vpsel p3, $0xFFFFFFFF, v4  }
0x7a: {  	s28 =	smul.u32 $0x1770, s6;
	[tilespmem:s25+$0x10] =	vst.msk $0x1, v4  }
0x7b: {  	v4 =	vld [tilespmem:$0x30]  }
0x7c: {  	v5 =	vld [tilespmem:s28+$0x7630]  }
0x7d: {  	v6 =	vld [tilespmem:s25+$0x40];
	_ =	sdelay $0x3  }
0x7e: {  	vm4 =	vmmov vm1;
	v5 =	vadd.f32 v5, v4  }
0x7f: {  	vm5 =	vmmov vm2;
	vm4 =	vmmov @p2 vm2;
	v4 =	vadd.f32 v6, v4  }
0x80: {  	s22 =	sshll.u32 s6, $0x4;
	vm5 =	vmmov @p3 vm1;
	[tilespmem:s28+$0x7630] =	vst.msk vm4, v5  }
0x81: {  	[tilespmem:s22+$0xD3F0] =	vst.msk vm5, v4  }
0x82: {  	v4 =	vld [tilespmem:s28+$0x5EB0];
	_ =	sdelay $0x3  }
0x83: {  	v5 =	vimm.f32 $0.0e+00  }
0x84: {  	v4 =	vshift.insert v4, v5, s21  }
0x85: {  	s29 =	sor.u32 $0x40, s2  }
0x86: {  	[tilespmem:s29+$0x0] =	vst.msk $0x1, v4  }
0x87: {  	[tilespmem:s28+$0x5EBF] =	vst.msk $0x1, v5  }
0x88: {  	v4 =	vld [tilespmem:s0+$0x1860];
	_ =	sdelay $0x1  }
0x89: {  	s29 =	smulhi.u32 $0xAAAAAAAB, s20;
	s0 =	simm.s32 $0x1  }
0x8a: {  	s0 =	simm.s32 @!p0 $0x0  }
0x8b: {  	s29 =	sshrl.u32 s29, $0x1;
	s0 =	smul.u32 $0x5DC0, s0  }
0x8c: {  	s29 =	smul.u32 $0xFFFEE6C0, s29;
	v4 =	vshift.insert v4, v1, s21  }
0x8d: {  	s0 =	sshrl.u32 s0, $0x2  }
0x8e: {  	s29 =	sshra.s32 s29, $0x2;
	s30 =	sadd.s32 $0x7630, s0;
	[tilespmem:s2+$0x10] =	vst.msk $0x1, v4  }
0x8f: {  	s6 =	sadd.s32 s29, s19;
	v6 =	vld [tilespmem:s30+$0x0]  }
0x90: {  	v7 =	vld [tilespmem:s6+$0x0];
	_ =	sdelay $0x3  }
0x91: {  	v5 =	vadd.f32 v6, v5  }
0x92: {  	vm4 =	vne.s32 v7, $0xFFFFFFFF  }
0x93: {  	(xrf2) =	vadd.seg.scan.f32 vm4, v5;
	_ =	sdelay $0x3  }
0x94: {  	s31 =	sadd.s32 $0x4750, s0;
	v5 =	vperm.xlane v4, v1  }
0x95: {  	v6 =	vld [tilespmem:s31+$0x0]  }
0x96: {  	vm5 =	veq.s32 v7, v3;
	vm6 =	veq.s32 v7, v5  }
0x97: {  	vm7 =	vgt.u32 v7, $0xFFFFFFFD;
	vm6 =	vmor vm6, vm5  }
0x98: {  	vm6 =	vmor vm6, vm7  }
0x99: {  	v9 =	vld [tilespmem:$0xA0];
	v7 =	vsel vm6, $0xFFFFFFFF, v7  }
0x9a: {  	v10 =	vld [tilespmem:$0x90];
	v6 =	vsel vm5, $0x0, v6;
	v8, _, _ =	vpop (xrf2)  }
0x9b: {  	v6 =	vadd.f32 v8, v6  }
0x9c: {  	s0 =	sadd.s32 $0xA510, s0  }
0x9d: {  	vm4 =	vmand vm4, vm3;
	[tilespmem:s0+$0x0] =	vst v6;
	(ifvalue) =	ssetifvalue $0xFFFFFFFF  }
0x9e: {  	vm6 =	veq.s32 v9, $0x1;
	[hbm4b:s1+s16] =	stream.indirect_vreg.scatter [tilespmem:s0], [sflag:$0x2], $0x1, v7, vm0, $0x4038;
	v7 =	vsel vm4, $0x0, v8;
	[tilespmem:$0xD410] =	vst v63  }
0x9f: {  	s29 =	sadd.s32 $0xD3F0, s22;
	s22 =	sadd.s32 $0x10, s6;
	s2 =	simm.s32 $0x0;
	vm4 =	vmor vm6, vm5;
	v6 =	vsel vm5, v8, v10;
	v7 =	vshift.insert v7, v0, s21  }
.LBB2_7:
0xa0: {  	v8 =	vld [tilespmem:s22+$0x0];
	s30 =	sadd.s32 $0x10, s30  }
0xa1: {  	s31 =	sadd.s32 $0x10, s31;
	v9 =	vld [tilespmem:s30+$0x0]  }
0xa2: {  	s2 =	sadd.s32 $0x10, s2;
	v10 =	vld [tilespmem:s31+$0x0]  }
0xa3: {  	p2 =	slt.u32 s2, $0x1760;
	_ =	sdelay $0x2  }
0xa4: {  	v7 =	vadd.f32 v9, v7  }
0xa5: {  	vm5 =	vne.s32 v8, $0xFFFFFFFF  }
0xa6: {  	vm6 =	vmand vm5, vm3;
	(xrf2) =	vadd.seg.scan.f32 vm5, v7;
	_ =	sdelay $0x5  }
0xa7: {  	vm7 =	veq.s32 v8, v5;
	vm5 =	veq.s32 v8, v3  }
0xa8: {  	vm8 =	vgt.u32 v8, $0xFFFFFFFD;
	vm4 =	vmor vm4, vm5;
	vm7 =	vmor vm7, vm5  }
0xa9: {  	vm7 =	vmor vm7, vm8  }
0xaa: {  	v8 =	vsel vm7, $0xFFFFFFFF, v8  }
.Ltmp5:
0xab: {  	v7 =	vsel vm5, $0x0, v10;
	v9, _, _ =	vpop (xrf2);
	(pc) =	sbr.rel @p2 .LBB2_7-.Ltmp5, $4  }
0xac: {  	v6 =	vsel vm5, v9, v6;
	v10 =	vadd.f32 v9, v7;
	v7 =	vsel vm6, $0x0, v9  }
0xad: {  	s0 =	sadd.s32 $0x10, s0;
	v7 =	vshift.insert v7, v0, s21  }
0xae: {  	s22 =	sadd.s32 $0x10, s22;
	[tilespmem:s0+$0x0] =	vst v10;
	(ifvalue) =	ssetifvalue $0xFFFFFFFF  }
0xaf: {  	[hbm4b:s1+s16] =	stream.indirect_vreg.scatter [tilespmem:s0], [sflag:$0x2], $0x1, v8, vm0, $0x4038;
	[tilespmem:$0xD410] =	vst v63  }
0xb0: {  	v3 =	vld [tilespmem:s28+$0xBC70];
	_ =	sdelay $0x4  }
0xb1: {  	v3 =	vshift.insert v3, v0, s21  }
0xb2: {  	s0 =	simm.s32 $0x30  }
0xb3: {  	[tilespmem:s0+$0x0] =	vst.msk $0x1, v3  }
0xb4: {  	v3 =	vsel vm4, $0x1, v1;
	[tilespmem:$0x90] =	vst v6  }
0xb5: {  	s0 =	sadd.s32 @!p1 $0xBC7F, s28;
	[tilespmem:$0xA0] =	vst v3  }
0xb6: {  	[spmem:s14] =	stream.linear.scatter @!p1 [tilespmem:s0], [sflag:$0x1], $0x1, $0x38;
	[tilespmem:$0xD410] =	vst v63  }
0xb7: {  	s0 =	simm.s32 @!p1 $0x1  }
0xb8: {  	v3 =	vmctz.xlane @!p1 vm4;
	_ =	swait.ge @!p1 [sflag:s0], $0x1  }
0xb9: {  	(v2sf) =	vpush @!p1 v4, $0x0  }
0xba: {  	(v2sf) =	vpush @!p1 v3, $0x0;
	_ =	sdelay $0xd  }
0xbb: {  	s2 =	spop @!p1 (v2sf)  }
0xbc: {  	s6 =	spop @!p1 (v2sf)  }
0xbd: {  	p2 =	sne.s32 @!p1 s26, s2;
	p3 =	slt.s32 @!p1 s6, $0xF  }
0xbe: {  	[sflag:s0] =	ssyncset.done @!p1 $0x0;
	p2 =	por p2, p1;
	p3 =	por !p3, p1  }
0xbf: {  	[sflag:s0] =	ssyncadd.s32 @!p1 $0xFFFFFFFF;
	v3 =	vimm.s32 @!p2 $0xFFFFFFFF;
	s6 =	simm.s32 @p3 $0xF  }
0xc0: {  	[tilespmem:$0x80] =	vst @!p2 v3;
	s2 =	sadd.s32 @!p1 $0x90, s6  }
0xc1: {  	[spmem:s10] =	stream.linear.scatter @!p1 [tilespmem:s2], [sflag:$0x1], $0x1, $0x38;
	[tilespmem:$0xD410] =	vst v63  }
0xc2: {  	_ =	swait.ge @!p1 [sflag:s0], $0x1  }
0xc3: {  	[sflag:s0] =	ssyncset.done @!p1 $0x0  }
0xc4: {  	s2 =	simm.s32 @!p1 $0x80;
	[sflag:s0] =	ssyncadd.s32 @!p1 $0xFFFFFFFF  }
0xc5: {  	[spmem:s15] =	stream.linear.scatter @!p1 [tilespmem:s2], [sflag:$0x1], $0x1, $0x38;
	[tilespmem:$0xD410] =	vst v63  }
0xc6: {  	_ =	swait.ge @!p1 [sflag:s0], $0x1  }
0xc7: {  	[sflag:s0] =	ssyncset.done @!p1 $0x0  }
0xc8: {  	[sflag:s0] =	ssyncadd.s32 @!p1 $0xFFFFFFFF;
	(ifvalue) =	ssetifvalue $0xFFFFFFFF;
	v3 =	vld [tilespmem:s25+$0x10];
	_ =	sdelay $0x3  }
.Ltmp6:
0xc9: {  	_ = 	snop;
	(pc) =	sbr.rel .LBB2_9-.Ltmp6, $3  }
0xca: {  	_ =	sdelay $0x1  }
0xcb: {  	(ifvalue) =	ssetifvalue $0xFFFFFFFF  }
0xcc: {  	[hbm4b:s1+s16] =	stream.indirect_vreg.scatter [tilespmem:s29], [sflag:$0x9], $0x1, v3, vm0, $0x4038;
	[tilespmem:$0xD410] =	vst v63  }
.LBB2_10:
0xcd: {  	_ =	sfence.sel $0x180000  }
0xce: {  	s0 =	simm.s32 $0x7;
	[bflag:$0x0] =	sbarrier.arrive $0xFFFF  }
0xcf: {  	s26 =	simm.s32 $0x8;
	[sflag:s0] =	ssyncpa.u1 $0x1  }
0xd0: {  	s28 =	simm.s32 $0x9;
	[sflag:s26] =	ssyncpa.u1 $0x1  }
0xd1: {  	[sflag:s28] =	ssyncpa.u1 $0x1  }
0xd2: {  	_ =	sfence.stream.spmem  }
0xd3: {  	s29 =	simm.s32 $0x3;
	[bflag:$0x0] =	sbarrier.arrive $0xFFFF  }
0xd4: {  	s30 =	simm.s32 $0x4;
	[sflag:s29] =	ssyncpa.u1 $0x1  }
0xd5: {  	s31 =	simm.s32 $0x3C;
	s2 =	stileid.u32;
	[sflag:s30] =	ssyncpa.u1 $0x1  }
0xd6: {  	p0 =	sne.s32 s2, $0x0;
	[sflag:s31] =	ssyncpa.u1 $0x1  }
0xd7: {  	s0 =	simm.s32 @p0 $0x1;
	_ =	sfence @p0  }
0xd8: {  	[sflag:s0] =	ssyncpa.u1 @p0 $0x1;
	s0 =	simm.s32 @p0 $0x2  }
0xd9: {  	[sflag:s0] =	ssyncpa.u1 @p0 $0x1  }
0xda: {  	_ =	strace @p0 $0x9000005C  }
0xdb: {  	[bflag:$0x2] =	sbarrier.arrive @p0 $0xFFFF  }
0xdc: {  	_ =	shalt @p0  }
.LBB2_11:
0xdd: {  	_ =	sfence.stream.spmem;
	s0 =	simm.s32 $0x5  }
0xde: {  	s2 =	simm.s32 $0x80;
	s3 =	simm.s32 $0xC0;
	[sflag:s0] =	ssyncpa.u1 $0x0  }
0xdf: {  	[tilespmem:s3], [sflag:$0x5] =	stream.linear.gather [spmem:s2], $0x20, $0x38;
	[tilespmem:$0xD410] =	vst v63  }
0xe0: {  	s2 =	simm.s32 $0x0;
	s3 =	simm.s32 $0xE0  }
0xe1: {  	[tilespmem:s3], [sflag:$0x5] =	stream.linear.gather [spmem:s2], $0x20, $0x38;
	[tilespmem:$0xD410] =	vst v63  }
.Ltmp7:
0xe2: {  	_ = 	snop;
	(pc) =	sbr.rel .LBB2_12-.Ltmp7, $4  }
0xe3: {  	_ =	swait.ge [sflag:s0], $0x40  }
0xe4: {  	[sflag:s0] =	ssyncset.done $0x0  }
0xe5: {  	s31 =	simm.s32 $0x6;
	[sflag:s0] =	ssyncadd.s32 $0xFFFFFFC0  }
0xe6: {  	s4 =	simm.s32 $0x0;
	[sflag:s31] =	ssyncpa.u1 $0x0  }
.LBB2_17:
0xe7: {  	p0 =	sgt.u32 s5, $0x27FF  }
0xe8: {  	s0 =	sshrl.u32 @!p0 s5, $0x3  }
0xe9: {  	s5 =	sand.u32 @!p0 $0x7, s5;
	s6 =	simm.s32 @!p0 $0xB0;
	s0 =	sadd.s32 @!p0 s1, s0  }
0xea: {  	[tilespmem:s6], [sflag:$0x6] =	stream.linear.gather @!p0 [hbm4b:s0+s5], $0x1, $0x38;
	[tilespmem:$0xD410] =	vst v63  }
0xeb: {  	s0 =	simm.s32 @!p0 $0x6  }
0xec: {  	_ =	swait.ge @!p0 [sflag:s0], $0x1  }
0xed: {  	[sflag:s0] =	ssyncset.done @!p0 $0x0  }
0xee: {  	[sflag:s0] =	ssyncadd.s32 @!p0 $0xFFFFFFFF  }
0xef: {  	v2 =	vmov @!p0 s4;
	v1 =	vld.msk @!p0 [tilespmem:$0xB0], $0x1;
	_ =	sdelay $0x3  }
0xf0: {  	s0 =	simm.s32 @!p0 $0xE0  }
0xf1: {  	[tilespmem:v2+s0+$0x0], v1 =	vst.idx.ret.add.f32.msk @!p0 $0x1, v1  }
0xf2: {  	[tilespmem:s2+$0xC0] =	vst.msk $0x1, v0  }
0xf3: {  	v0 =	vld.msk [tilespmem:s4+$0xE0], $0x1;
	_ =	sdelay $0x4  }
0xf4: {  	[tilespmem:s2+$0xE0] =	vst.msk $0x1, v0;
	s2 =	sadd.s32 $0x1, s2  }
.LBB2_19:
0xf5: {  	s4 =	sadd.s32 $0x1, s4  }
0xf6: {  	p0 =	sne.s32 s4, $0x20  }
.Ltmp8:
0xf7: {  	_ = 	snop;
	(pc) =	sbr.rel @!p0 .LBB2_20-.Ltmp8, $1  }
0xf8: {  	_ =	sdelay $0x3  }
.LBB2_12:
0xf9: {  	v0 =	vld.msk [tilespmem:s4+$0xC0], $0x1;
	_ =	sdelay $0x4  }
0xfa: {  	(v2sf) =	vpush v0, $0x0;
	_ =	sdelay $0xe  }
0xfb: {  	s5 =	spop (v2sf)  }
0xfc: {  	p0 =	seq.s32 s5, $0xFFFFFFFF  }
.Ltmp9:
0xfd: {  	_ = 	snop;
	(pc) =	sbr.rel @p0 .LBB2_19-.Ltmp9, $1  }
0xfe: {  	_ =	sdelay $0x3  }
0xff: {  	p0 =	slt.s32 s2, $0x1  }
.Ltmp10:
0x100: {  	_ = 	snop;
	(pc) =	sbr.rel @p0 .LBB2_17-.Ltmp10, $1  }
0x101: {  	_ =	sdelay $0x3  }
0x102: {  	s0 =	simm.s32 $0xC0;
	p0 =	por $0x0, $0x0  }
0x103: {  	v1 =	vld.msk @!p0 [tilespmem:s0+$0x0], $0x1;
	_ =	sdelay $0x4  }
0x104: {  	(v2sf) =	vpush @!p0 v1, $0x0;
	_ =	sdelay $0xd  }
0x105: {  	p2 =	sne.s32 s2, $0x1  }
.Ltmp11:
0x106: {  	s6 =	spop @!p0 (v2sf);
	(pc) =	sbr.rel @!p2 .LBB2_16-.Ltmp11, $4  }
0x107: {  	p1 =	seq.s32 @!p0 s5, s6  }
0x108: {  	s6 =	simm.s32 $0x0;
	p1 =	por !p1, p0  }
0x109: {  	s8 =	simm.s32 $0xFFFFFFFF;
	s6 =	simm.s32 @p1 $0xFFFFFFFF  }
0x10a: {  	s7 =	simm.s32 $0x1;
	s6 =	smov.u32 @p0 s8  }
.LBB2_15:
0x10b: {  	s8 =	smov.u32 s6;
	p0 =	sne.s32 s6, $0xFFFFFFFF  }
0x10c: {  	s0 =	sadd.s32 $0x1, s0;
	s6 =	smov.u32 s7;
	s7 =	sadd.s32 $0x1, s7  }
0x10d: {  	p1 =	sne.s32 s2, s7;
	v1 =	vld.msk @!p0 [tilespmem:s0+$0x0], $0x1;
	_ =	sdelay $0x4  }
0x10e: {  	(v2sf) =	vpush @!p0 v1, $0x0;
	_ =	sdelay $0xe  }
.Ltmp12:
0x10f: {  	s9 =	spop @!p0 (v2sf);
	(pc) =	sbr.rel @p1 .LBB2_15-.Ltmp12, $4  }
0x110: {  	p2 =	seq.s32 @!p0 s5, s9  }
0x111: {  	p2 =	por !p2, p0  }
0x112: {  	s6 =	simm.s32 @p2 $0xFFFFFFFF  }
0x113: {  	s6 =	smov.u32 @p0 s8  }
.LBB2_16:
0x114: {  	p0 =	sne.s32 s6, $0xFFFFFFFF  }
.Ltmp13:
0x115: {  	_ = 	snop;
	(pc) =	sbr.rel @!p0 .LBB2_17-.Ltmp13, $1  }
0x116: {  	_ =	sdelay $0x3  }
0x117: {  	v0 =	vld.msk [tilespmem:s4+$0xE0], $0x1;
	v1 =	vmov s6  }
.Ltmp14:
0x118: {  	_ = 	snop;
	(pc) =	sbr.rel .LBB2_19-.Ltmp14, $2  }
0x119: {  	_ =	sdelay $0x2  }
0x11a: {  	[tilespmem:v1+s3+$0x0], v0 =	vst.idx.ret.add.f32.msk $0x1, v0  }
.LBB2_20:
0x11b: {  	p0 =	slt.s32 s2, $0x1  }
.Ltmp15:
0x11c: {  	_ = 	snop;
	(pc) =	sbr.rel @p0 .LBB2_24-.Ltmp15, $3  }
0x11d: {  	_ =	sdelay $0x1  }
0x11e: {  	s0 =	simm.s32 $0x6  }
0x11f: {  	s3 =	simm.s32 $0x0;
	[sflag:s0] =	ssyncpa.u1 $0x1  }
0x120: {  	s0 =	simm.s32 $0xC0  }
0x121: {  	v0 =	vld.msk [tilespmem:s0+$0x0], $0x1;
	_ =	sdelay $0x4  }
0x122: {  	(v2sf) =	vpush v0, $0x0;
	_ =	sdelay $0xe  }
0x123: {  	s2 =	sadd.s32 $0xFFFFFFFF, s2;
	s4 =	spop (v2sf)  }
0x124: {  	p1 =	sne.s32 s2, $0x0;
	p0 =	sgt.u32 s4, $0x27FF  }
.Ltmp16:
0x125: {  	s5 =	sshrl.u32 @!p0 s4, $0x3;
	(pc) =	sbr.rel @!p1 .LBB2_23-.Ltmp16, $4  }
0x126: {  	s0 =	simm.s32 $0xE0;
	s4 =	sand.u32 @!p0 $0x7, s4;
	s5 =	sadd.s32 @!p0 s1, s5  }
0x127: {  	[hbm4b:s5+s4] =	stream.linear.scatter @!p0 [tilespmem:s0], [sflag:$0x5], $0x1, $0x38;
	[tilespmem:$0xD410] =	vst v63  }
0x128: {  	s5 =	simm.s32 $0x0  }
0x129: {  	s4 =	simm.s32 $0xC1;
	s5 =	simm.s32 @!p0 $0x4  }
.LBB2_22:
0x12a: {  	v0 =	vld.msk [tilespmem:s4+$0x0], $0x1;
	s2 =	sadd.s32 $0xFFFFFFFF, s2;
	s3 =	sadd.s32 s3, s5  }
0x12b: {  	p0 =	sne.s32 s2, $0x0;
	_ =	sdelay $0x3  }
0x12c: {  	(v2sf) =	vpush v0, $0x0;
	_ =	sdelay $0xe  }
.Ltmp17:
0x12d: {  	s6 =	spop (v2sf);
	(pc) =	sbr.rel @p0 .LBB2_22-.Ltmp17, $4  }
0x12e: {  	s5 =	simm.s32 $0x0;
	p1 =	sgt.u32 s6, $0x27FF  }
0x12f: {  	s0 =	sadd.s32 $0x1, s0;
	s5 =	simm.s32 @!p1 $0x4;
	s7 =	sshrl.u32 @!p1 s6, $0x3  }
0x130: {  	s4 =	sadd.s32 $0x1, s4;
	s6 =	sand.u32 @!p1 $0x7, s6;
	s7 =	sadd.s32 @!p1 s1, s7  }
0x131: {  	[hbm4b:s7+s6] =	stream.linear.scatter @!p1 [tilespmem:s0], [sflag:$0x5], $0x1, $0x38;
	[tilespmem:$0xD410] =	vst v63  }
.LBB2_23:
0x132: {  	s0 =	sadd.s32 s3, s5  }
0x133: {  	s3 =	sshrl.u32 s0, $0x2  }
.LBB2_24:
0x134: {  	s0 =	simm.s32 $0x5  }
0x135: {  	_ =	swait.ge [sflag:s0], s3  }
0x136: {  	s1 =	ssub.s32 $0x0, s3;
	[sflag:s0] =	ssyncset.done $0x0  }
0x137: {  	[sflag:s0] =	ssyncadd.s32 s1  }
0x138: {  	[sflag:s0] =	ssyncpa.u1 $0x1  }
0x139: {  	s29 =	simm.s32 $0x1;
	_ =	sfence  }
0x13a: {  	s30 =	simm.s32 $0x2;
	[sflag:s29] =	ssyncpa.u1 $0x1  }
0x13b: {  	[sflag:s30] =	ssyncpa.u1 $0x1  }
0x13c: {  	_ =	strace $0x9000005C  }
0x13d: {  	[bflag:$0x2] =	sbarrier.arrive $0xFFFF  }
0x13e: {  	s31 =	rddreg [dreg:$0x1]  }
0x13f: {  	s0 =	sadd.s32 $0x100000, s31  }
0x140: {  	[sflag:s0] =	ssyncadd.tile.s32 $0x1;
	_ =	shalt  }
.Lfunc_end2:
_tile_overlayer_lowered:
.L_overlay_start_2:
0x141: {  	(tag) =	ssettag $0x2  }
0x142: {  	s0 =	rddreg [dreg:$0x0];
	s2 =	stileid.u32  }
0x143: {  	s1 =	rddreg [dreg:$0x1];
	p0 =	sne.s32 s2, $0x0  }
0x144: {  	s3 =	rddreg [dreg:$0x2];
	[bflag:$0x3] =	sbarrier.arrive $0xFFFF;
	s2 =	simm.s32 @!p0 $0x1C01  }
0x145: {  	[timem:s3], [sflag:s2] =	dma.local @!p0 [hbm:s0], s1  }
0x146: {  	s0 =	simm.s32 @!p0 $0x1  }
0x147: {  	_ =	swait.ge @!p0 [sflag:s0], s1  }
0x148: {  	s1 =	ssub.s32 @!p0 $0x0, s1;
	[sflag:s0] =	ssyncset.done @!p0 $0x0  }
0x149: {  	[sflag:s0] =	ssyncadd.s32 @!p0 s1  }
0x14a: {  	[bflag:$0x3] =	sbarrier.arrive $0xFFFF  }
0x14b: {  	_ =	shalt  }

// kernel: scatter_offload_async_start.5
scs
__scs_entry_jumppad:
0x0: {  	(pc) =	sbr.rel $0x88, $3  }
0x1: {  	(tag) =	ssettag $0x0;
	lr =	simm.s32 $0x1  }
0x2: {  	[smem:$0x3F81] =	sst lr;
	_ =	strace $0xD0000000  }
0x3: {  	_ = 	snop  }
0x4: {  	_ = 	snop  }
0x5: {  	_ = 	snop  }
0x6: {  	_ = 	snop  }
0x7: {  	_ = 	snop  }
__scs_overlays_trampoline_lowered:
0x8: {  	[smem:$0x3F90] =	sst s0  }
0x9: {  	[smem:$0x3F91] =	sst s1  }
0xa: {  	[smem:$0x3F92] =	sst s2  }
0xb: {  	[smem:$0x3F93] =	sst s3  }
0xc: {  	[smem:$0x3F94] =	sst s4  }
0xd: {  	[smem:$0x3F95] =	sst s5  }
0xe: {  	[smem:$0x3F96] =	sst s6  }
0xf: {  	[smem:$0x3F97] =	sst s7  }
0x10: {  	[smem:$0x3F98] =	sst s8  }
0x11: {  	[smem:$0x3F99] =	sst s9;
	s0 =	simm.s32 @!p0 $0x0  }
0x12: {  	s1 =	sld [smem:$0x3F7F];
	s0 =	simm.s32 @p0 $0x1  }
0x13: {  	[smem:$0x3F9A] =	sst s0;
	s0 =	simm.s32 @!p1 $0x0  }
0x14: {  	s2 =	sld [smem:$0x3F7E];
	s0 =	simm.s32 @p1 $0x1  }
0x15: {  	[smem:$0x3F9B] =	sst s0;
	s0 =	simm.s32 @!p2 $0x0  }
0x16: {  	s3 =	sld [smem:$0x3FDB];
	s0 =	simm.s32 @p2 $0x1  }
0x17: {  	s4 =	simm.s32 $0x1BF5;
	[smem:$0x3F9D] =	sst s0  }
0x18: {  	s0 =	sld [smem:$0x3F80];
	_ =	swait.ge [sflag:s4], $0x0  }
0x19: {  	s7 =	sld [smem:$0x3F81]  }
0x1a: {  	s8 =	sadd.s32 $0xFFFFE003, lr  }
0x1b: {  	s9 =	sadd.s32 $0xFFFFFEF7, lr;
	s5 =	simm.s32 $0xFFFFFFFF;
	p2 =	slt.u32 s8, $0xFFFFF086  }
0x1c: {  	p1 =	slt.u32 s9, $0xF7A;
	s5 =	simm.s32 @!p2 $0x0  }
0x1d: {  	s5 =	simm.s32 @p1 $0x1;
	p0 =	seq.s32 s7, s2  }
0x1e: {  	s7 =	smul.u32 @!p0 $0xF7A, s2;
	p2 =	seq.s32 @!p0 s5, $0x0  }
0x1f: {  	s9 =	smul.u32 $0xF7A, s1;
	s8 =	simm.s32 @!p0 $0x1BF5;
	p2 =	por !p2, p0  }
0x20: {  	[sflag:s8] =	ssyncset.s32 @!p0 $0xFFFFF086;
	s6 =	sadd.s32 @!p0 s3, s7;
	s7 =	simm.s32 @!p0 $0x108  }
0x21: {  	s3 =	sadd.s32 s3, s9;
	s6 =	sadd.s32 @!p0 $0x88, s6;
	s7 =	simm.s32 @p2 $0x1082  }
0x22: {  	[simem:s7], [sflag:s8] =	dma.local @!p0 [hbm:s6], $0xF7A  }
0x23: {  	s9 =	sor.u32 $0xD0000000, s2;
	s6 =	simm.s32 $0x108;
	_ =	swait.ge @!p0 [sflag:s8], $0x0  }
0x24: {  	s3 =	sadd.s32 $0x88, s3;
	s6 =	simm.s32 @!p1 $0x1082;
	[sflag:s4] =	ssyncset.s32 $0xFFFFF086  }
0x25: {  	[simem:s6], [sflag:s4] =	dma.local [hbm:s3], $0xF7A  }
0x26: {  	[smem:$0x3F81] =	sst s1;
	(tag) =	ssettag s2;
	_ =	strace s9  }
0x27: {  	s1 =	sld [smem:$0x3F91]  }
0x28: {  	s2 =	sld [smem:$0x3F92]  }
0x29: {  	s4 =	sld [smem:$0x3F94]  }
0x2a: {  	p0 =	seq.s32 s5, $0x0;
	s5 =	sld [smem:$0x3F95]  }
0x2b: {  	s6 =	sld [smem:$0x3F96]  }
0x2c: {  	s7 =	sld [smem:$0x3F97]  }
0x2d: {  	s3 =	simm.s32 $0x108;
	s8 =	sld [smem:$0x3F98]  }
0x2e: {  	s3 =	simm.s32 @!p0 $0x1082;
	s9 =	sld [smem:$0x3F99]  }
0x2f: {  	lr =	sadd.s32 s0, s3;
	s0 =	sld [smem:$0x3F90]  }
0x30: {  	s3 =	sld [smem:$0x3F93]  }
0x31: {  	[smem:$0x3F9C] =	sst s10  }
0x32: {  	s10 =	sld [smem:$0x3F9A];
	_ =	sdelay $0x3  }
0x33: {  	p0 =	seq.s32 s10, $0x1;
	s10 =	sld [smem:$0x3F9C];
	_ =	sdelay $0x3  }
0x34: {  	[smem:$0x3F9C] =	sst s10  }
0x35: {  	s10 =	sld [smem:$0x3F9B];
	_ =	sdelay $0x3  }
0x36: {  	p1 =	seq.s32 s10, $0x1;
	s10 =	sld [smem:$0x3F9C];
	_ =	sdelay $0x3  }
0x37: {  	[smem:$0x3F9C] =	sst s10  }
0x38: {  	s10 =	sld [smem:$0x3F9D]  }
0x39: {  	_ = 	snop;
	(pc) =	sbr.ind lr, $3  }
0x3a: {  	_ = 	snop  }
0x3b: {  	_ = 	snop  }
0x3c: {  	p2 =	seq.s32 s10, $0x1;
	s10 =	sld [smem:$0x3F9C]  }
0x3d: {  	_ =	shalt  }
0x3e: {  	_ =	shalt  }
0x3f: {  	_ =	shalt  }
0x40: {  	_ =	shalt  }
0x41: {  	_ =	shalt  }
0x42: {  	_ =	shalt  }
0x43: {  	_ =	shalt  }
0x44: {  	_ =	shalt  }
0x45: {  	_ =	shalt  }
0x46: {  	_ =	shalt  }
0x47: {  	_ =	shalt  }
0x48: {  	_ =	shalt  }
0x49: {  	_ =	shalt  }
0x4a: {  	_ =	shalt  }
0x4b: {  	_ =	shalt  }
0x4c: {  	_ =	shalt  }
0x4d: {  	_ =	shalt  }
0x4e: {  	_ =	shalt  }
0x4f: {  	_ =	shalt  }
0x50: {  	_ =	shalt  }
0x51: {  	_ =	shalt  }
0x52: {  	_ =	shalt  }
0x53: {  	_ =	shalt  }
0x54: {  	_ =	shalt  }
0x55: {  	_ =	shalt  }
0x56: {  	_ =	shalt  }
0x57: {  	_ =	shalt  }
0x58: {  	_ =	shalt  }
0x59: {  	_ =	shalt  }
0x5a: {  	_ =	shalt  }
0x5b: {  	_ =	shalt  }
0x5c: {  	_ =	shalt  }
0x5d: {  	_ =	shalt  }
0x5e: {  	_ =	shalt  }
0x5f: {  	_ =	shalt  }
0x60: {  	_ =	shalt  }
0x61: {  	_ =	shalt  }
0x62: {  	_ =	shalt  }
0x63: {  	_ =	shalt  }
0x64: {  	_ =	shalt  }
0x65: {  	_ =	shalt  }
0x66: {  	_ =	shalt  }
0x67: {  	_ =	shalt  }
0x68: {  	_ =	shalt  }
0x69: {  	_ =	shalt  }
0x6a: {  	_ =	shalt  }
0x6b: {  	_ =	shalt  }
0x6c: {  	_ =	shalt  }
0x6d: {  	_ =	shalt  }
0x6e: {  	_ =	shalt  }
0x6f: {  	_ =	shalt  }
0x70: {  	_ =	shalt  }
0x71: {  	_ =	shalt  }
0x72: {  	_ =	shalt  }
0x73: {  	_ =	shalt  }
0x74: {  	_ =	shalt  }
0x75: {  	_ =	shalt  }
0x76: {  	_ =	shalt  }
0x77: {  	_ =	shalt  }
0x78: {  	_ =	shalt  }
0x79: {  	_ =	shalt  }
0x7a: {  	_ =	shalt  }
0x7b: {  	_ =	shalt  }
0x7c: {  	_ =	shalt  }
0x7d: {  	_ =	shalt  }
0x7e: {  	_ =	shalt  }
0x7f: {  	_ =	shalt  }
0x80: {  	_ =	shalt  }
0x81: {  	_ =	shalt  }
0x82: {  	_ =	shalt  }
0x83: {  	_ =	shalt  }
0x84: {  	_ =	shalt  }
0x85: {  	_ =	shalt  }
0x86: {  	_ =	shalt  }
0x87: {  	_ =	shalt  }
.Lfunc_end0:
.L_simem_size_0:
called_computation.5_lowered:
.L_overlay_start_0:
0x88: {  	s0 =	sld [smem:$0x3FD9]  }
0x89: {  	s1 =	sld [smem:$0x3FFE];
	_ =	sdelay $0x3  }
0x8a: {  	s0 =	sadd.s32 s1, s0  }
0x8b: {  	[smem:$0x3FA8] =	sst s0  }
0x8c: {  	_ = 	snop  }
0x8d: {  	s0 =	sld [smem:$0x3FD0];
	(tm) =	ssettm $0x1  }
0x8e: {  	s16 =	sld [smem:$0x3FFB];
	_ =	sdelay $0x3  }
0x8f: {  	_ =	strace s16  }
0x90: {  	s1 =	sld [smem:$0x3FFC];
	_ =	sdelay $0x3  }
0x91: {  	_ =	strace s1  }
0x92: {  	s1 =	sld [smem:$0x3FFD];
	_ =	sdelay $0x3  }
0x93: {  	_ =	strace s1  }
0x94: {  	_ =	strace $0x8FFFFFFF  }
0x95: {  	s17 =	sld [smem:$0x3FDB];
	_ =	sdelay $0x1  }
0x96: {  	s2 =	simm.s32 $_scs_section_size  }
0x97: {  	s3 =	simm.s32 $_size__tile_overlayer_lowered;
	s4 =	simm.s32 $_tile_overlayer_lowered  }
0x98: {  	s20 =	simm.s32 $0x1BFF;
	s19 =	sshll.u32 s4, $0x1;
	s1 =	sadd.s32 s2, s17  }
0x99: {  	s5 =	simm.s32 $0x0;
	s18 =	sshll.u32 s3, $0x1;
	s3 =	sadd.s32 s19, s1  }
0x9a: {  	[timem:s5], [sflag:s20] =	dma.local [hbm:s3], s18  }
0x9b: {  	_ =	swait.ge [sflag:s20], s18  }
0x9c: {  	s2 =	ssub.s32 $0x0, s18;
	[sflag:s20] =	ssyncset.done $0x0  }
0x9d: {  	[sflag:s20] =	ssyncadd.s32 s2;
	_ =	sdelay $0x1  }
0x9e: {  	s21 =	simm.s32 $0x1B8B  }
0x9f: {  	_ =	swait.ge [sflag:s21], $0x1  }
0xa0: {  	[sflag:s21] =	ssyncset.done $0x0  }
0xa1: {  	s23 =	simm.s32 $0x1B8E;
	s22 =	sld [smem:$0x3FFE];
	[sflag:s21] =	ssyncadd.s32 $0xFFFFFFFF  }
0xa2: {  	s24 =	simm.s32 $execute0_lowered;
	[smem:$0x3FD2] =	sst s23  }
0xa3: {  	s3 =	sshll.u32 s24, $0x1;
	_ =	strace $0x8000005E;
	[dreg:$0x1] =	wrdreg $0xFFFFFFFF  }
0xa4: {  	s25 =	simm.s32 $_size_execute0_lowered;
	s1 =	sadd.s32 s1, s3;
	[dreg:$0x0] =	wrdreg $0x0  }
0xa5: {  	s3 =	sshll.u32 s25, $0x1;
	[dreg:$0x2] =	wrdreg s1  }
0xa6: {  	[dreg:$0x3] =	wrdreg s3  }
0xa7: {  	[dreg:$0x4] =	wrdreg $0xC0  }
0xa8: {  	_ =	task [dreg:s5], $0x5FFFF  }
0xa9: {  	[dreg:$0x1] =	wrdreg $0xFFFFFFFF  }
0xaa: {  	[dreg:$0x0] =	wrdreg $0x60  }
0xab: {  	[dreg:$0x2] =	wrdreg s0  }
0xac: {  	[dreg:$0x3] =	wrdreg s22  }
0xad: {  	[dreg:$0x4] =	wrdreg $0xA  }
0xae: {  	_ =	task.clear_ibuf [dreg:s5], $0x5FFFF;
	_ =	strace $0x9000005E  }
0xaf: {  	s26 =	simm.s32 $0xA;
	_ =	strace $0x80000060  }
0xb0: {  	_ =	swait.ge [sflag:s26], $0x1  }
0xb1: {  	[sflag:s26] =	ssyncadd.s32 $0xFFFFFFFF  }
0xb2: {  	_ =	strace $0x90000060  }
0xb3: {  	_ =	sfence  }
0xb4: {  	s28 =	sld [smem:$0x0];
	_ =	sdelay $0x1  }
0xb5: {  	s29 =	srdreg.scid  }
0xb6: {  	s30 =	sshll.u32 s29, $0xD;
	s31 =	sshrl.u32 s29, $0x2  }
0xb7: {  	s2 =	sand.u32 $0x4000, s30;
	s1 =	sand.u32 $0x1, s29;
	s0 =	sadd.s32 s31, s28  }
0xb8: {  	s1 =	sor.u32 s2, s1;
	s0 =	sshll.u32 s0, $0x11  }
0xb9: {  	s0 =	sor.u32 s0, s1  }
0xba: {  	s0 =	sadd.s32 $0x8F2B, s0  }
0xbb: {  	[sflag:s0] =	ssyncadd.remote.s32 $0x1  }
0xbc: {  	_ =	sfence.sel $0xFFFF  }
0xbd: {  	[dreg:$0x0] =	wrdreg $0xFFFFFFFF;
	(pc) =	sbr.abs _section_cstart, $3  }
0xbe: {  	[dreg:$0x1] =	wrdreg $0xFFFFFFFF  }
0xbf: {  	_ =	task.clear_ibuf [dreg:s5], $0x2FFFF;
	_ =	strace $0x9FFFFFFF  }
0xc0: {  	(tm) =	ssettm $0x7FFFFFFF  }
0xc1: {  	_ =	shalt  }
tec
execute0_lowered:
.L_overlay_start_1:
0x0: {  	(tag) =	ssettag $0x1  }
0x1: {  	s1 =	rddreg [dreg:$0x0]  }
0x2: {  	s0 =	rddreg [dreg:$0x1];
	_ =	strace $0x8000005F;
	s2 =	simm.s32 $0x1  }
0x3: {  	s8 =	simm.s32 $0x208;
	v0 =	vimm.s32 $0x0;
	[sflag:s2] =	ssyncpa.u1 $0x0  }
0x4: {  	[tilespmem:s8+$0x70] =	vst v0  }
0x5: {  	[tilespmem:s8+$0x60] =	vst v0  }
0x6: {  	[tilespmem:s8+$0x50] =	vst v0  }
0x7: {  	[tilespmem:s8+$0x40] =	vst v0  }
0x8: {  	[tilespmem:s8+$0x30] =	vst v0  }
0x9: {  	s10 =	sadd.s32 $0x3E000, s0;
	[tilespmem:s8+$0x20] =	vst v0  }
0xa: {  	s4 =	sadd.s32 $0x13CA00, s0;
	s5 =	sadd.s32 $0x48200, s0;
	s0 =	simm.s32 $0x40;
	[tilespmem:s8+$0x10] =	vst v0  }
.LBB2_1:
0xb: {  	s0 =	sadd.s32 $0x40, s0;
	[tilespmem:s8+$0x0] =	vst v0;
	s8 =	sadd.s32 $0x80, s8  }
0xc: {  	p0 =	slt.u32 s0, $0x3880;
	[tilespmem:s8+$0x70] =	vst v0  }
0xd: {  	[tilespmem:s8+$0x60] =	vst v0  }
.Ltmp0:
0xe: {  	[tilespmem:s8+$0x50] =	vst v0;
	(pc) =	sbr.rel @p0 .LBB2_1-.Ltmp0, $4  }
0xf: {  	[tilespmem:s8+$0x40] =	vst v0  }
0x10: {  	[tilespmem:s8+$0x30] =	vst v0  }
0x11: {  	[tilespmem:s8+$0x20] =	vst v0  }
0x12: {  	[tilespmem:s8+$0x10] =	vst v0  }
0x13: {  	s3 =	stileid.u32  }
0x14: {  	s0 =	smul.u32 $0xB8, s3  }
0x15: {  	s2 =	smin.u32 s3, $0x3  }
0x16: {  	s0 =	sor.u32 s2, s0  }
0x17: {  	p0 =	slt.u32 s3, $0x3;
	s6 =	smul.u32 $0x70, s0;
	s0 =	simm.s32 $0x50F0  }
0x18: {  	s0 =	simm.s32 @!p0 $0x5080  }
0x19: {  	s0 =	sadd.s32 s0, s6  }
0x1a: {  	s7 =	smin.u32 s0, $0x50910  }
0x1b: {  	s0 =	ssub.s32 s7, s6  }
0x1c: {  	p0 =	sgt.s32 s0, $0x0  }
0x1d: {  	s26 =	simm.s32 $0x2;
	s0 =	simm.s32 @!p0 $0x0  }
0x1e: {  	s29 =	simm.s32 $0x7;
	s30 =	simm.s32 $0x8;
	s28 =	smulhi.u32 $0x92492493, s0  }
0x1f: {  	s31 =	simm.s32 $0x9;
	s11 =	simm.s32 $0x1;
	s21 =	simm.s32 $0x0  }
0x20: {  	p1 =	por $0x0, $0x0;
	s15 =	simm.s32 $0x80;
	s2 =	sshrl.u32 s28, $0x6  }
0x21: {  	s16 =	simm.s32 $0x400;
	s17 =	simm.s32 $0xA;
	s9 =	smul.u32 $0x70, s2  }
.Ltmp1:
0x22: {  	[tilespmem:s8+$0x0] =	vst v0;
	v0 =	vimm.s32 $0xFFFFFFFF;
	s18 =	simm.s32 $0x0;
	[sflag:s26] =	ssyncpa.u1 $0x0;
	(pc) =	sbr.rel .LBB2_3-.Ltmp1, $4  }
0x23: {  	[tilespmem:$0xE408] =	vst v0;
	[sflag:s29] =	ssyncpa.u1 $0x0;
	p0 =	sne.s32 s0, s9;
	s0 =	simm.s32 $0x1  }
0x24: {  	s20 =	simm.s32 $0x0;
	[sflag:s30] =	ssyncpa.u1 $0x0;
	s0 =	simm.s32 @!p0 $0x0  }
0x25: {  	s13 =	sshll.u32 s3, $0x9;
	[sflag:s31] =	ssyncpa.u1 $0x0;
	s12 =	sadd.s32 s0, s2  }
0x26: {  	v0 =	vlaneseq.u32;
	s19 =	smov.u32 s6;
	p0 =	por $0x1, $0x1;
	s14 =	sadd.s32 $0x1, s12  }
.LBB2_24:
0x27: {  	s0 =	sshrl.u32 s30, $0x2  }
.LBB2_26:
0x28: {  	_ =	swait.ge [sflag:s17], s0  }
0x29: {  	s31 =	ssub.s32 $0x0, s0;
	v1 =	vmov s23;
	vm0 =	veq.s32 v0, $0x0;
	[sflag:s17] =	ssyncset.done $0x0  }
0x2a: {  	vm15 =	veq.s32 v0, $0x2;
	v1 =	vsel vm0, s29, v1;
	[sflag:s17] =	ssyncadd.s32 s31  }
0x2b: {  	v1 =	vsel vm15, s21, v1;
	[sflag:s17] =	ssyncpa.u1 $0x1  }
0x2c: {  	[tilespmem:$0xE408] =	vst v1  }
.LBB2_27:
0x2d: {  	s0 =	sadd.s32 $0x70, s19  }
0x2e: {  	s2 =	smov.u32 s6;
	p2 =	slt.s32 s0, s7  }
0x2f: {  	s2 =	smov.u32 @p2 s0;
	p2 =	sne.s32 s20, s14  }
.Ltmp2:
0x30: {  	_ = 	snop;
	(pc) =	sbr.rel @!p2 .LBB2_28-.Ltmp2, $4  }
0x31: {  	_ = 	snop  }
0x32: {  	s21 =	smov.u32 s18  }
0x33: {  	s31 =	sadd.s32 $0x1, s20;
	s18 =	smov.u32 s19;
	p0 =	por !p0, !p0  }
0x34: {  	p1 =	por !p1, !p1;
	s20 =	smov.u32 s31;
	s19 =	smov.u32 s2  }
.LBB2_3:
0x35: {  	p2 =	sge.u32 s20, s12  }
0x36: {  	s0 =	smulhi.u32 @!p2 $0xAAAAAAAB, s20  }
0x37: {  	s2 =	smov.u32 s19;
	p3 =	sgt.s32 @!p2 s19, $0x508A0  }
0x38: {  	s8 =	sshra.s32 @!p2 s19, $0x1F;
	p3 =	por !p3, p2;
	s0 =	sshrl.u32 @!p2 s0, $0x1  }
0x39: {  	s8 =	sand.u32 @!p2 s8, s19;
	s2 =	simm.s32 @p3 $0x508A0;
	s0 =	smul.u32 @!p2 $0x3, s0  }
0x3a: {  	s2 =	ssub.s32 @!p2 s2, s8  }
0x3b: {  	s2 =	sadd.s32 @!p2 $0xFFFAF760, s2;
	s0 =	ssub.s32 @!p2 s20, s0  }
0x3c: {  	s8 =	sshll.u32 @!p2 s2, $0x2;
	p3 =	sgt.s32 @!p2 s2, $0x6F;
	s0 =	smul.u32 @!p2 $0x1C0, s0  }
0x3d: {  	s9 =	sand.u32 @!p2 $0x7, s19;
	s2 =	ssub.s32 @!p2 $0x1C0, s8;
	p3 =	por !p3, p2  }
0x3e: {  	s8 =	sshrl.u32 @!p2 s19, $0x3;
	s2 =	sshrl.u32 @!p2 s2, $0x2;
	s0 =	sshrl.u32 @!p2 s0, $0x2  }
0x3f: {  	s8 =	sadd.s32 @!p2 s5, s8;
	s2 =	simm.s32 @!p3 $0x0;
	s0 =	sadd.s32 @!p2 $0x10438, s0  }
0x40: {  	[tilespmem:s0], [sflag:$0x8] =	stream.linear.gather @!p2 [hbm4b:s8+s9], s2, $0x38;
	[tilespmem:$0x1E668] =	vst v63  }
0x41: {  	s0 =	sadd.s32 $0xFFFFFFFF, s20  }
0x42: {  	p2 =	sge.u32 s0, s12  }
0x43: {  	p3 =	sgt.s32 @!p2 s18, $0x508A0  }
0x44: {  	s2 =	smov.u32 s18;
	s8 =	sshra.s32 @!p2 s18, $0x1F;
	p3 =	por !p3, p2  }
0x45: {  	s8 =	sand.u32 @!p2 s8, s18;
	s2 =	simm.s32 @p3 $0x508A0  }
0x46: {  	s2 =	ssub.s32 @!p2 s2, s8  }
0x47: {  	s2 =	sadd.s32 @!p2 $0xFFFAF760, s2  }
0x48: {  	s8 =	sshll.u32 @!p2 s2, $0x2  }
0x49: {  	p3 =	sgt.s32 @!p2 s2, $0x6F;
	s2 =	ssub.s32 @!p2 $0x1C0, s8  }
0x4a: {  	p3 =	por !p3, p2;
	s2 =	sshrl.u32 @!p2 s2, $0x2  }
0x4b: {  	s9 =	simm.s32 @!p2 $0x8;
	s8 =	sand.u32 @!p2 $0x1, s0;
	s2 =	simm.s32 @!p3 $0x0  }
0x4c: {  	s8 =	smul.u32 @!p2 $0x1C0, s8;
	_ =	swait.ge @!p2 [sflag:s9], s2  }
0x4d: {  	s22 =	ssub.s32 @!p2 $0x0, s2;
	[sflag:s9] =	ssyncset.done @!p2 $0x0  }
0x4e: {  	s8 =	sshrl.u32 @!p2 s8, $0x2;
	[sflag:s9] =	ssyncadd.s32 @!p2 s22;
	s9 =	sshrl.u32 @!p2 s18, $0x3  }
0x4f: {  	s8 =	sor.u32 @!p2 $0x10588, s8;
	s22 =	sand.u32 @!p2 $0x7, s18;
	s9 =	sadd.s32 @!p2 s10, s9  }
0x50: {  	[tilespmem:s8], [sflag:$0x9] =	stream.linear.gather @!p2 [hbm4b:s9+s22], s2, $0x38;
	[tilespmem:$0x1E668] =	vst v63  }
0x51: {  	s22 =	ssub.s32 @!p2 $0x50910, s18  }
0x52: {  	p3 =	slt.s32 @!p2 s22, $0x1  }
0x53: {  	p3 =	por p2, p3  }
.Ltmp3:
0x54: {  	_ = 	snop;
	(pc) =	sbr.rel @p3 .LBB2_9-.Ltmp3, $1  }
0x55: {  	_ =	sdelay $0x3  }
0x56: {  	s2 =	smulhi.u32 $0xAAAAAAAB, s0;
	_ =	sdelay $0x1  }
0x57: {  	s2 =	sshrl.u32 s2, $0x1  }
0x58: {  	s2 =	smul.u32 $0x3, s2;
	_ =	sdelay $0x1  }
0x59: {  	s29 =	ssub.s32 s0, s2  }
0x5a: {  	s8 =	simm.s32 $0x1;
	s0 =	smul.u32 $0x1C0, s29  }
.Ltmp4:
0x5b: {  	s8 =	simm.s32 @!p0 $0x0;
	(pc) =	sbr.rel .LBB2_6-.Ltmp4, $4  }
0x5c: {  	s30 =	smul.u32 $0x1C000, s8  }
0x5d: {  	p3 =	slt.s32 @!p2 s22, $0x70;
	s0 =	sshrl.u32 s0, $0x2  }
0x5e: {  	p2 =	por !p3, p2;
	s2 =	sshrl.u32 s30, $0x2;
	s31 =	sadd.s32 $0x10438, s0  }
0x5f: {  	s22 =	simm.s32 @p2 $0x70;
	s23 =	sor.u32 $0x10668, s2;
	s0 =	simm.s32 $0x0;
	v1 =	vmov s31  }
.LBB2_5:
0x60: {  	p2 =	sge.s32 s0, s22  }
.Ltmp5:
0x61: {  	_ = 	snop;
	(pc) =	sbr.rel @p2 .LBB2_9-.Ltmp5, $2  }
0x62: {  	_ =	sdelay $0x2  }
0x63: {  	s23 =	sadd.s32 $0x1000, s23  }
.LBB2_6:
0x64: {  	p2 =	sle.s32 s22, s0  }
.Ltmp6:
0x65: {  	_ = 	snop;
	(pc) =	sbr.rel @p2 .LBB2_5-.Ltmp6, $2  }
0x66: {  	_ =	sdelay $0x2  }
0x67: {  	s24 =	smov.u32 s0;
	s0 =	sadd.s32 $0x10, s0  }
0x68: {  	s2 =	ssub.s32 s22, s24  }
0x69: {  	p2 =	slt.s32 s2, $0x10  }
0x6a: {  	s2 =	simm.s32 @!p2 $0x10  }
0x6b: {  	v2 =	vmov s2  }
0x6c: {  	vm0 =	vgt.s32 v2, v0;
	_ =	sdelay $0x5  }
0x6d: {  	v2 =	vld.idx.msk [tilespmem:v1+s24+$0x0 ss:$0x1], vm0;
	_ =	sdelay $0x2  }
0x6e: {  	p2 =	slt.s32 s0, s22;
	s2 =	smov.u32 s22  }
0x6f: {  	s8 =	smov.u32 s23;
	s25 =	simm.s32 $0x0;
	s2 =	smov.u32 @p2 s0  }
.LBB2_8:
0x70: {  	(v2sf) =	vpush v2, s25;
	_ =	sdelay $0xe  }
0x71: {  	s25 =	sadd.s32 $0x1, s25;
	s9 =	spop (v2sf)  }
0x72: {  	s31 =	sadd.s32 s25, s24;
	s26 =	sshll.u32 s9, $0x8;
	s9 =	sshll.u32 s9, $0x7  }
0x73: {  	p2 =	slt.s32 s31, s2;
	s26 =	sand.u32 $0xFFFFF800, s26;
	s9 =	sand.u32 $0x380, s9  }
.Ltmp7:
0x74: {  	s9 =	sor.u32 s9, s26;
	(pc) =	sbr.rel @p2 .LBB2_8-.Ltmp7, $4  }
0x75: {  	s9 =	sshrl.u32 s9, $0x3  }
0x76: {  	s9 =	sadd.s32 s4, s9  }
0x77: {  	[tilespmem:s8], [sflag:$0x7] =	stream.strided.gather [hbm4b:s9+s15], $0x100, s16, s15, $0x38;
	[tilespmem:$0x1E668] =	vst v63  }
0x78: {  	s8 =	sadd.s32 $0x100, s8  }
.Ltmp8:
0x79: {  	_ = 	snop;
	(pc) =	sbr.rel .LBB2_5-.Ltmp8, $1  }
0x7a: {  	_ =	sdelay $0x3  }
.LBB2_9:
0x7b: {  	p2 =	slt.u32 s20, $0x2  }
.Ltmp9:
0x7c: {  	_ = 	snop;
	(pc) =	sbr.rel @p2 .LBB2_27-.Ltmp9, $1  }
0x7d: {  	_ =	sdelay $0x3  }
0x7e: {  	p2 =	sgt.s32 s21, $0x508A0;
	s0 =	smov.u32 s21  }
0x7f: {  	s2 =	sshra.s32 s21, $0x1F;
	s8 =	ssub.s32 $0x50910, s21;
	s0 =	simm.s32 @!p2 $0x508A0  }
0x80: {  	s2 =	sand.u32 s2, s21;
	p2 =	slt.s32 s8, $0x70;
	s9 =	smov.u32 s8  }
0x81: {  	s0 =	ssub.s32 s0, s2;
	s9 =	simm.s32 @!p2 $0x70  }
0x82: {  	s0 =	sadd.s32 $0xFFFAF760, s0;
	s25 =	sshll.u32 s9, $0x8  }
0x83: {  	s3 =	simm.s32 $0x7;
	s26 =	sshll.u32 s0, $0x2;
	s2 =	sand.u32 $0x3FFFFF00, s25  }
0x84: {  	p2 =	sgt.s32 s0, $0x6F;
	s28 =	ssub.s32 $0x1C0, s26;
	_ =	swait.ge [sflag:s3], s2  }
0x85: {  	s2 =	ssub.s32 $0x0, s2;
	[sflag:s3] =	ssyncset.done $0x0;
	s0 =	sshrl.u32 s28, $0x2  }
0x86: {  	s30 =	simm.s32 $0x9;
	[sflag:s3] =	ssyncadd.s32 s2;
	s0 =	simm.s32 @p2 $0x0  }
0x87: {  	_ =	swait.ge [sflag:s30], s0  }
0x88: {  	s0 =	ssub.s32 $0x0, s0;
	[sflag:s30] =	ssyncset.done $0x0  }
0x89: {  	[sflag:s30] =	ssyncadd.s32 s0  }
0x8a: {  	v1 =	vld [tilespmem:$0xE408];
	_ =	sdelay $0x4  }
0x8b: {  	(v2sf) =	vpush v1, $0x0  }
0x8c: {  	(v2sf) =	vpush v1, $0x1  }
0x8d: {  	(v2sf) =	vpush v1, $0x2;
	_ =	sdelay $0x3  }
0x8e: {  	s0 =	sadd.s32 $0x70, s21  }
0x8f: {  	p2 =	slt.s32 s7, s0  }
0x90: {  	s0 =	smov.u32 @p2 s7;
	p2 =	sgt.s32 s8, $0x0  }
0x91: {  	s25 =	ssub.s32 s0, s21;
	s8 =	simm.s32 @!p2 $0x0  }
0x92: {  	p2 =	slt.s32 s8, s25  }
0x93: {  	s25 =	smov.u32 @p2 s8  }
0x94: {  	s24 =	simm.s32 $0x1;
	p2 =	slt.s32 s25, $0x1  }
.Ltmp10:
0x95: {  	s24 =	simm.s32 @!p1 $0x0;
	(pc) =	sbr.rel @p2 .LBB2_14-.Ltmp10, $4  }
0x96: {  	s31 =	smul.u32 $0x1C0, s24  }
0x97: {  	s26 =	spop (v2sf)  }
0x98: {  	s0 =	sshrl.u32 s31, $0x2;
	s29 =	spop (v2sf)  }
0x99: {  	s22 =	sor.u32 $0x10588, s0;
	s21 =	spop (v2sf)  }
0x9a: {  	s0 =	smin.u32 s25, $0x10  }
0x9b: {  	v1 =	vmov s0  }
0x9c: {  	vm1 =	vgt.u32 v1, v0  }
0x9d: {  	p3 =	sgt.s32 s25, $0x10  }
.Ltmp11:
0x9e: {  	_ = 	snop;
	(pc) =	sbr.rel @!p3 .LBB2_13-.Ltmp11, $2  }
0x9f: {  	_ =	sdelay $0x2  }
0xa0: {  	s23 =	simm.s32 $0x10;
	s28 =	sadd.s32 $0xFFFFFFF0, s25;
	s0 =	smov.u32 s22;
	vm0 =	vmmov vm1;
	v1 =	vld.msk [tilespmem:s22+$0x0 ss:$0x1], vm1  }
.LBB2_12:
0xa1: {  	s2 =	smin.u32 s28, $0x10;
	s23 =	sadd.s32 $0x10, s23  }
0xa2: {  	v2 =	vmov s2;
	p3 =	slt.s32 s23, s25  }
0xa3: {  	vm1 =	vgt.u32 v2, v0;
	_ =	sdelay $0x1  }
0xa4: {  	v2 =	vshll.u32 v1, $0x5;
	v1 =	vshll.u32 v1, $0x4  }
.Ltmp12:
0xa5: {  	v2 =	vand.u32 $0xFFFFFF00, v2;
	v1 =	vand.u32 $0x70, v1;
	(pc) =	sbr.rel @p3 .LBB2_12-.Ltmp12, $4  }
0xa6: {  	v1 =	vor.u32 v1, v2  }
0xa7: {  	[tilespmem:s0+$0x0] =	vst.msk vm0, v1;
	s0 =	sadd.s32 $0x10, s0;
	vm0 =	vmmov vm1  }
0xa8: {  	v1 =	vld.msk [tilespmem:s0+$0x0 ss:$0x1], vm1  }
0xa9: {  	s28 =	sadd.s32 $0xFFFFFFF0, s28  }
.LBB2_13:
0xaa: {  	_ =	sdelay $0x3  }
0xab: {  	v2 =	vshll.u32 v1, $0x5;
	v1 =	vshll.u32 v1, $0x4  }
0xac: {  	v2 =	vand.u32 $0xFFFFFF00, v2;
	v1 =	vand.u32 $0x70, v1  }
0xad: {  	v1 =	vor.u32 v1, v2  }
0xae: {  	[tilespmem:s0+$0x0] =	vst.msk vm0, v1  }
.LBB2_14:
0xaf: {  	s0 =	sand.u32 $0x1, s20  }
0xb0: {  	s0 =	smul.u32 $0x70, s0  }
0xb1: {  	p3 =	sne.s32 s29, $0xFFFFFFFF  }
0xb2: {  	v1 =	vld.msk @!p3 [tilespmem:s0+$0x10588], $0x1;
	_ =	sdelay $0x4  }
0xb3: {  	(v2sf) =	vpush @!p3 v1, $0x0;
	_ =	sdelay $0xc  }
.Ltmp13:
0xb4: {  	_ = 	snop;
	(pc) =	sbr.rel @p2 .LBB2_25-.Ltmp13, $4  }
0xb5: {  	_ = 	snop  }
0xb6: {  	s28 =	spop @!p3 (v2sf)  }
0xb7: {  	s21 =	simm.s32 @!p3 $0x0;
	s23 =	smov.u32 s28  }
0xb8: {  	[sflag:s17] =	ssyncpa.u1 $0x0;
	s28 =	smov.u32 @p3 s26;
	s23 =	smov.u32 @p3 s29  }
0xb9: {  	v1 =	vld.msk [tilespmem:s22+$0x0], $0x1;
	_ =	sdelay $0x4  }
0xba: {  	(v2sf) =	vpush v1, $0x0;
	_ =	sdelay $0xd  }
0xbb: {  	s17 =	smov.u32 s6  }
0xbc: {  	s6 =	smov.u32 s14;
	s14 =	smov.u32 s5;
	s30 =	spop (v2sf)  }
0xbd: {  	s5 =	smov.u32 s10;
	s0 =	smul.u32 $0x1C000, s24;
	p2 =	seq.s32 s28, s30  }
0xbe: {  	s2 =	smov.u32 s28;
	s25 =	ssub.s32 $0x0, s25;
	p3 =	sgt.s32 @!p2 s28, $0x0  }
0xbf: {  	s26 =	simm.s32 $0x0;
	s0 =	sshrl.u32 s0, $0x2;
	p3 =	por !p3, p2  }
0xc0: {  	s29 =	sadd.s32 $0x1, s25;
	s24 =	sor.u32 $0x106E8, s0;
	s2 =	simm.s32 @p3 $0x0  }
0xc1: {  	s0 =	simm.s32 @!p2 $0x1;
	p3 =	seq.s32 s29, $0x0;
	s2 =	smin.u32 @!p2 s2, $0x4E170  }
.Ltmp14:
0xc2: {  	s9 =	simm.s32 @!p2 $0x7308;
	s8 =	sand.u32 @!p2 $0x7FFF8, s2;
	(pc) =	sbr.rel @p3 .LBB2_17-.Ltmp14, $4  }
0xc3: {  	s31 =	sadd.s32 @!p2 $0x80, s2;
	s10 =	sadd.s32 @!p2 s1, s8;
	s8 =	sand.u32 @!p2 $0x7, s2  }
0xc4: {  	[tilespmem:s9], [sflag:$0x2] =	stream.linear.gather @!p2 [hbm4b:s10+s8], $0x80, $0x38;
	[tilespmem:$0x1E668] =	vst v63  }
0xc5: {  	s0 =	smov.u32 @p2 s26;
	s9 =	sand.u32 @!p2 $0xFFFF8, s31  }
0xc6: {  	s2 =	simm.s32 @!p2 $0x7388;
	s31 =	sadd.s32 $0x1, s22;
	s9 =	sadd.s32 @!p2 s1, s9  }
.LBB2_16:
0xc7: {  	s10 =	smov.u32 s0  }
0xc8: {  	[tilespmem:s2], [sflag:$0x2] =	stream.linear.gather @!p2 [hbm4b:s9+s8], $0x80, $0x38;
	[tilespmem:$0x1E668] =	vst v63  }
0xc9: {  	s29 =	sadd.s32 $0x1, s29;
	s8 =	smov.u32 s30;
	v1 =	vld.msk [tilespmem:s31+$0x0], $0x1  }
0xca: {  	p3 =	seq.s32 s29, $0x0;
	_ =	sdelay $0x3  }
0xcb: {  	(v2sf) =	vpush v1, $0x0;
	_ =	sdelay $0xe  }
0xcc: {  	s30 =	spop (v2sf)  }
0xcd: {  	p2 =	seq.s32 s8, s30  }
0xce: {  	p4 =	sgt.s32 @!p2 s8, $0x0;
	s2 =	sshll.u32 @!p2 s0, $0xA;
	s0 =	sadd.s32 @!p2 $0x1, s0  }
0xcf: {  	p4 =	por !p4, p2;
	s2 =	sshra.s32 @!p2 s2, $0x2;
	s0 =	smov.u32 @p2 s10  }
0xd0: {  	s8 =	simm.s32 @p4 $0x0;
	s9 =	sadd.s32 @!p2 $0x7308, s2;
	s2 =	sadd.s32 @!p2 $0x7388, s2  }
.Ltmp15:
0xd1: {  	s8 =	smin.u32 @!p2 s8, $0x4E170;
	(pc) =	sbr.rel @!p3 .LBB2_16-.Ltmp15, $4  }
0xd2: {  	s10 =	sand.u32 @!p2 $0x7FFF8, s8;
	s3 =	sadd.s32 @!p2 $0x80, s8  }
0xd3: {  	s8 =	sand.u32 @!p2 $0x7, s8;
	s10 =	sadd.s32 @!p2 s1, s10;
	s3 =	sand.u32 @!p2 $0xFFFF8, s3  }
0xd4: {  	[tilespmem:s9], [sflag:$0x2] =	stream.linear.gather @!p2 [hbm4b:s10+s8], $0x80, $0x38;
	[tilespmem:$0x1E668] =	vst v63  }
0xd5: {  	s31 =	sadd.s32 $0x1, s31;
	s9 =	sadd.s32 @!p2 s1, s3  }
.LBB2_17:
0xd6: {  	[tilespmem:s2], [sflag:$0x2] =	stream.linear.gather @!p2 [hbm4b:s9+s8], $0x80, $0x38;
	[tilespmem:$0x1E668] =	vst v63  }
.Ltmp16:
0xd7: {  	s0 =	sshll.u32 s0, $0x8;
	(pc) =	sbr.rel .LBB2_18-.Ltmp16, $4  }
0xd8: {  	s31 =	simm.s32 $0x2;
	s30 =	simm.s32 $0x0;
	s0 =	sand.u32 $0x3FFFFF00, s0  }
0xd9: {  	s10 =	smov.u32 s5;
	s5 =	smov.u32 s14;
	_ =	swait.ge [sflag:s31], s0  }
0xda: {  	s14 =	smov.u32 s6;
	s0 =	ssub.s32 $0x0, s0;
	[sflag:s31] =	ssyncset.done $0x0  }
0xdb: {  	s6 =	smov.u32 s17;
	s17 =	simm.s32 $0xA;
	[sflag:s31] =	ssyncadd.s32 s0  }
.LBB2_19:
0xdc: {  	v1 =	vld [tilespmem:s24+$0xFFFFFF80];
	_ =	sdelay $0x4  }
0xdd: {  	[tilespmem:s31+$0x208] =	vst.add.f32.msk $0xffff, v1  }
0xde: {  	v1 =	vld [tilespmem:s24+$0xFFFFFF90];
	_ =	sdelay $0x4  }
0xdf: {  	[tilespmem:s31+$0x218] =	vst.add.f32.msk $0xffff, v1  }
0xe0: {  	v1 =	vld [tilespmem:s24+$0xFFFFFFA0];
	_ =	sdelay $0x4  }
0xe1: {  	[tilespmem:s31+$0x228] =	vst.add.f32.msk $0xffff, v1  }
0xe2: {  	v1 =	vld [tilespmem:s24+$0xFFFFFFB0];
	_ =	sdelay $0x4  }
0xe3: {  	[tilespmem:s31+$0x238] =	vst.add.f32.msk $0xffff, v1  }
0xe4: {  	v1 =	vld [tilespmem:s24+$0xFFFFFFC0];
	_ =	sdelay $0x4  }
0xe5: {  	[tilespmem:s31+$0x248] =	vst.add.f32.msk $0xffff, v1  }
0xe6: {  	v1 =	vld [tilespmem:s24+$0xFFFFFFD0];
	_ =	sdelay $0x4  }
0xe7: {  	[tilespmem:s31+$0x258] =	vst.add.f32.msk $0xffff, v1  }
0xe8: {  	v1 =	vld [tilespmem:s24+$0xFFFFFFE0];
	_ =	sdelay $0x4  }
0xe9: {  	[tilespmem:s31+$0x268] =	vst.add.f32.msk $0xffff, v1  }
0xea: {  	v1 =	vld [tilespmem:s24+$0xFFFFFFF0];
	_ =	sdelay $0x4  }
0xeb: {  	[tilespmem:s31+$0x278] =	vst.add.f32.msk $0xffff, v1  }
0xec: {  	v1 =	vld [tilespmem:s24+$0x0];
	_ =	sdelay $0x4  }
0xed: {  	[tilespmem:s31+$0x288] =	vst.add.f32.msk $0xffff, v1  }
0xee: {  	v1 =	vld [tilespmem:s24+$0x10];
	_ =	sdelay $0x4  }
0xef: {  	[tilespmem:s31+$0x298] =	vst.add.f32.msk $0xffff, v1  }
0xf0: {  	v1 =	vld [tilespmem:s24+$0x20];
	_ =	sdelay $0x4  }
0xf1: {  	[tilespmem:s31+$0x2A8] =	vst.add.f32.msk $0xffff, v1  }
0xf2: {  	v1 =	vld [tilespmem:s24+$0x30];
	_ =	sdelay $0x4  }
0xf3: {  	[tilespmem:s31+$0x2B8] =	vst.add.f32.msk $0xffff, v1  }
0xf4: {  	v1 =	vld [tilespmem:s24+$0x40];
	_ =	sdelay $0x4  }
0xf5: {  	[tilespmem:s31+$0x2C8] =	vst.add.f32.msk $0xffff, v1  }
0xf6: {  	v1 =	vld [tilespmem:s24+$0x50];
	_ =	sdelay $0x4  }
0xf7: {  	[tilespmem:s31+$0x2D8] =	vst.add.f32.msk $0xffff, v1  }
0xf8: {  	v1 =	vld [tilespmem:s24+$0x60];
	_ =	sdelay $0x4  }
0xf9: {  	[tilespmem:s31+$0x2E8] =	vst.add.f32.msk $0xffff, v1  }
0xfa: {  	v1 =	vld [tilespmem:s24+$0x70];
	_ =	sdelay $0x4  }
0xfb: {  	[tilespmem:s31+$0x2F8] =	vst.add.f32.msk $0xffff, v1  }
.LBB2_23:
0xfc: {  	s25 =	sadd.s32 $0x1, s25  }
0xfd: {  	p2 =	seq.s32 s25, $0x0  }
.Ltmp17:
0xfe: {  	_ = 	snop;
	(pc) =	sbr.rel @p2 .LBB2_24-.Ltmp17, $2  }
0xff: {  	_ =	sdelay $0x2  }
0x100: {  	s22 =	sadd.s32 $0x1, s22;
	s24 =	sadd.s32 $0x100, s24;
	s28 =	smov.u32 s29  }
.LBB2_18:
0x101: {  	v1 =	vld.msk [tilespmem:s22+$0x0], $0x1;
	_ =	sdelay $0x4  }
0x102: {  	(v2sf) =	vpush v1, $0x0;
	_ =	sdelay $0xe  }
0x103: {  	s29 =	spop (v2sf)  }
0x104: {  	p2 =	sne.s32 s28, s29  }
.Ltmp18:
0x105: {  	_ = 	snop;
	(pc) =	sbr.rel @!p2 .LBB2_19-.Ltmp18, $3  }
0x106: {  	_ =	sdelay $0x1  }
0x107: {  	s0 =	sshll.u32 s21, $0xA  }
0x108: {  	s31 =	sshra.s32 s0, $0x2  }
0x109: {  	p2 =	seq.s32 s28, s23  }
.Ltmp19:
0x10a: {  	_ = 	snop;
	(pc) =	sbr.rel @!p2 .LBB2_21-.Ltmp19, $1  }
0x10b: {  	_ =	sdelay $0x3  }
.Ltmp20:
0x10c: {  	s0 =	sadd.s32 $0x208, s31;
	(pc) =	sbr.rel .LBB2_22-.Ltmp20, $4  }
0x10d: {  	[spmem:s13] =	stream.linear.scatter [tilespmem:s0], [sflag:$0x1], $0x100, $0x38;
	[tilespmem:$0x1E668] =	vst v63  }
0x10e: {  	_ =	swait.ge [sflag:s11], $0x100  }
0x10f: {  	[sflag:s11] =	ssyncset.done $0x0  }
0x110: {  	[sflag:s11] =	ssyncadd.s32 $0xFFFFFF00  }
.LBB2_21:
0x111: {  	s0 =	sshll.u32 s26, $0xA  }
0x112: {  	s0 =	sshra.s32 s0, $0x2  }
0x113: {  	v1 =	vld [tilespmem:s0+$0x7308];
	_ =	sdelay $0x4  }
0x114: {  	[tilespmem:s31+$0x208] =	vst.add.f32.msk $0xffff, v1  }
0x115: {  	v1 =	vld [tilespmem:s0+$0x7318];
	_ =	sdelay $0x4  }
0x116: {  	[tilespmem:s31+$0x218] =	vst.add.f32.msk $0xffff, v1  }
0x117: {  	v1 =	vld [tilespmem:s0+$0x7328];
	_ =	sdelay $0x4  }
0x118: {  	[tilespmem:s31+$0x228] =	vst.add.f32.msk $0xffff, v1  }
0x119: {  	v1 =	vld [tilespmem:s0+$0x7338];
	_ =	sdelay $0x4  }
0x11a: {  	[tilespmem:s31+$0x238] =	vst.add.f32.msk $0xffff, v1  }
0x11b: {  	v1 =	vld [tilespmem:s0+$0x7348];
	_ =	sdelay $0x4  }
0x11c: {  	[tilespmem:s31+$0x248] =	vst.add.f32.msk $0xffff, v1  }
0x11d: {  	v1 =	vld [tilespmem:s0+$0x7358];
	_ =	sdelay $0x4  }
0x11e: {  	[tilespmem:s31+$0x258] =	vst.add.f32.msk $0xffff, v1  }
0x11f: {  	v1 =	vld [tilespmem:s0+$0x7368];
	_ =	sdelay $0x4  }
0x120: {  	[tilespmem:s31+$0x268] =	vst.add.f32.msk $0xffff, v1  }
0x121: {  	v1 =	vld [tilespmem:s0+$0x7378];
	_ =	sdelay $0x4  }
0x122: {  	[tilespmem:s31+$0x278] =	vst.add.f32.msk $0xffff, v1  }
0x123: {  	v1 =	vld [tilespmem:s0+$0x7388];
	_ =	sdelay $0x4  }
0x124: {  	[tilespmem:s31+$0x288] =	vst.add.f32.msk $0xffff, v1  }
0x125: {  	v1 =	vld [tilespmem:s0+$0x7398];
	_ =	sdelay $0x4  }
0x126: {  	[tilespmem:s31+$0x298] =	vst.add.f32.msk $0xffff, v1  }
0x127: {  	v1 =	vld [tilespmem:s0+$0x73A8];
	_ =	sdelay $0x4  }
0x128: {  	[tilespmem:s31+$0x2A8] =	vst.add.f32.msk $0xffff, v1  }
0x129: {  	v1 =	vld [tilespmem:s0+$0x73B8];
	_ =	sdelay $0x4  }
0x12a: {  	[tilespmem:s31+$0x2B8] =	vst.add.f32.msk $0xffff, v1  }
0x12b: {  	v1 =	vld [tilespmem:s0+$0x73C8];
	_ =	sdelay $0x4  }
0x12c: {  	[tilespmem:s31+$0x2C8] =	vst.add.f32.msk $0xffff, v1  }
0x12d: {  	v1 =	vld [tilespmem:s0+$0x73D8];
	_ =	sdelay $0x4  }
0x12e: {  	[tilespmem:s31+$0x2D8] =	vst.add.f32.msk $0xffff, v1  }
0x12f: {  	v1 =	vld [tilespmem:s0+$0x73E8];
	_ =	sdelay $0x4  }
0x130: {  	[tilespmem:s31+$0x2E8] =	vst.add.f32.msk $0xffff, v1  }
0x131: {  	v1 =	vld [tilespmem:s0+$0x73F8];
	_ =	sdelay $0x2  }
0x132: {  	p2 =	sgt.u32 s28, $0x4E170  }
0x133: {  	s0 =	sand.u32 @!p2 $0x7FFF8, s28  }
0x134: {  	s2 =	sadd.s32 $0x208, s31;
	s3 =	sand.u32 @!p2 $0x7, s28;
	s0 =	sadd.s32 @!p2 s1, s0;
	[tilespmem:s31+$0x2F8] =	vst.add.f32.msk $0xffff, v1  }
0x135: {  	[hbm4b:s0+s3] =	stream.linear.scatter @!p2 [tilespmem:s2], [sflag:$0xA], $0x80, $0x38;
	[tilespmem:$0x1E668] =	vst v63  }
0x136: {  	s0 =	sadd.s32 @!p2 $0x80, s28  }
0x137: {  	s0 =	sand.u32 @!p2 $0xFFFF8, s0  }
0x138: {  	s2 =	sadd.s32 $0x288, s31;
	s0 =	sadd.s32 @!p2 s1, s0  }
0x139: {  	[hbm4b:s0+s3] =	stream.linear.scatter @!p2 [tilespmem:s2], [sflag:$0xA], $0x80, $0x38;
	[tilespmem:$0x1E668] =	vst v63  }
0x13a: {  	s0 =	simm.s32 $0x0  }
0x13b: {  	s0 =	simm.s32 @!p2 $0x400  }
0x13c: {  	s30 =	sadd.s32 s0, s30  }
.LBB2_22:
0x13d: {  	s0 =	sadd.s32 $0x1, s21  }
0x13e: {  	s2 =	sshrl.u32 s0, $0x4  }
0x13f: {  	s2 =	smulhi.u32 $0x24924925, s2  }
0x140: {  	v1 =	vld [tilespmem:s24+$0xFFFFFF80]  }
0x141: {  	s2 =	smul.u32 $0x70, s2;
	_ =	sdelay $0x1  }
0x142: {  	s21 =	ssub.s32 s0, s2  }
0x143: {  	s0 =	sshll.u32 s21, $0x8  }
0x144: {  	[tilespmem:s0+$0x208] =	vst v1  }
0x145: {  	v1 =	vld [tilespmem:s24+$0xFFFFFF90];
	_ =	sdelay $0x4  }
0x146: {  	[tilespmem:s0+$0x218] =	vst v1  }
0x147: {  	v1 =	vld [tilespmem:s24+$0xFFFFFFA0];
	_ =	sdelay $0x4  }
0x148: {  	[tilespmem:s0+$0x228] =	vst v1  }
0x149: {  	v1 =	vld [tilespmem:s24+$0xFFFFFFB0];
	_ =	sdelay $0x4  }
0x14a: {  	[tilespmem:s0+$0x238] =	vst v1  }
0x14b: {  	v1 =	vld [tilespmem:s24+$0xFFFFFFC0];
	_ =	sdelay $0x4  }
0x14c: {  	[tilespmem:s0+$0x248] =	vst v1  }
0x14d: {  	v1 =	vld [tilespmem:s24+$0xFFFFFFD0];
	_ =	sdelay $0x4  }
0x14e: {  	[tilespmem:s0+$0x258] =	vst v1  }
0x14f: {  	v1 =	vld [tilespmem:s24+$0xFFFFFFE0];
	_ =	sdelay $0x4  }
0x150: {  	[tilespmem:s0+$0x268] =	vst v1  }
0x151: {  	v1 =	vld [tilespmem:s24+$0xFFFFFFF0];
	_ =	sdelay $0x4  }
0x152: {  	[tilespmem:s0+$0x278] =	vst v1  }
0x153: {  	v1 =	vld [tilespmem:s24+$0x0];
	_ =	sdelay $0x4  }
0x154: {  	[tilespmem:s0+$0x288] =	vst v1  }
0x155: {  	v1 =	vld [tilespmem:s24+$0x10];
	_ =	sdelay $0x4  }
0x156: {  	[tilespmem:s0+$0x298] =	vst v1  }
0x157: {  	v1 =	vld [tilespmem:s24+$0x20];
	_ =	sdelay $0x4  }
0x158: {  	[tilespmem:s0+$0x2A8] =	vst v1  }
0x159: {  	v1 =	vld [tilespmem:s24+$0x30];
	_ =	sdelay $0x4  }
0x15a: {  	[tilespmem:s0+$0x2B8] =	vst v1  }
0x15b: {  	v1 =	vld [tilespmem:s24+$0x40];
	_ =	sdelay $0x4  }
0x15c: {  	[tilespmem:s0+$0x2C8] =	vst v1  }
0x15d: {  	v1 =	vld [tilespmem:s24+$0x50];
	_ =	sdelay $0x4  }
0x15e: {  	[tilespmem:s0+$0x2D8] =	vst v1  }
0x15f: {  	v1 =	vld [tilespmem:s24+$0x60];
	_ =	sdelay $0x4  }
0x160: {  	[tilespmem:s0+$0x2E8] =	vst v1  }
0x161: {  	v1 =	vld [tilespmem:s24+$0x70]  }
.Ltmp21:
0x162: {  	_ = 	snop;
	(pc) =	sbr.rel .LBB2_23-.Ltmp21, $2  }
0x163: {  	_ =	sdelay $0x2  }
0x164: {  	s26 =	sadd.s32 $0x1, s26;
	[tilespmem:s0+$0x2F8] =	vst v1  }
.LBB2_25:
.Ltmp22:
0x165: {  	(pc) =	sbr.rel .LBB2_26-.Ltmp22, $4  }
0x166: {  	_ = 	snop  }
0x167: {  	s0 =	simm.s32 $0x2  }
0x168: {  	_ =	swait.ge [sflag:s0], $0x0  }
0x169: {  	s29 =	smov.u32 s28;
	[sflag:s0] =	ssyncset.done $0x0;
	s0 =	simm.s32 $0x0  }
.LBB2_28:
0x16a: {  	_ =	sfence.sel $0x180000  }
0x16b: {  	s0 =	simm.s32 $0x7;
	[bflag:$0x0] =	sbarrier.arrive $0xFFFF  }
0x16c: {  	s25 =	simm.s32 $0x8;
	[sflag:s0] =	ssyncpa.u1 $0x1  }
0x16d: {  	s26 =	simm.s32 $0x9;
	[sflag:s25] =	ssyncpa.u1 $0x1  }
0x16e: {  	s28 =	simm.s32 $0x2;
	[sflag:s26] =	ssyncpa.u1 $0x1  }
0x16f: {  	[sflag:s28] =	ssyncpa.u1 $0x1  }
0x170: {  	v0 =	vld [tilespmem:$0xE408];
	_ =	sdelay $0x4  }
0x171: {  	(v2sf) =	vpush v0, $0x0  }
0x172: {  	(v2sf) =	vpush v0, $0x1;
	_ =	sdelay $0x1  }
0x173: {  	(v2sf) =	vpush v0, $0x2;
	_ =	sdelay $0xb  }
0x174: {  	s0 =	spop (v2sf)  }
0x175: {  	s2 =	spop (v2sf)  }
0x176: {  	s3 =	smov.u32 s0;
	p0 =	sne.s32 s0, s2  }
0x177: {  	s4 =	spop (v2sf);
	s3 =	simm.s32 @!p0 $0xFFFFFFFF  }
0x178: {  	v2 =	vimm.s32 $0x1;
	v3 =	vlaneseq.u32;
	p0 =	seq.s32 s4, $0xFFFFFFFF;
	v1 =	vmov s3  }
0x179: {  	s7 =	stileid.u32;
	v0 =	vperm.xlane v0, v2;
	p1 =	sne.s32 @!p0 s0, s2;
	v1 =	vperm.xlane v1, v3  }
0x17a: {  	vm0 =	vcmask $0x3F04;
	s6 =	simm.s32 $0xE408;
	s0 =	simm.s32 @!p0 $0x1;
	p1 =	por !p1, p0  }
0x17b: {  	s3 =	sshll.u32 s7, $0x1;
	s2 =	sshll.u32 @!p0 s4, $0xA;
	s0 =	simm.s32 @p1 $0x0;
	v0 =	vsel vm0, v1, v0  }
0x17c: {  	s5 =	sor.u32 $0x2000, s3;
	s2 =	sshra.s32 @!p0 s2, $0x2;
	s0 =	sor.u32 @!p0 s0, s3;
	[tilespmem:$0xE408] =	vst v0  }
0x17d: {  	[spmem:s5] =	stream.linear.scatter [tilespmem:s6], [sflag:$0x1], $0x2, $0x38;
	[tilespmem:$0x1E668] =	vst v63  }
0x17e: {  	s2 =	sadd.s32 @!p0 $0x208, s2;
	s0 =	sshll.u32 @!p0 s0, $0x8  }
0x17f: {  	[spmem:s0] =	stream.linear.scatter @!p0 [tilespmem:s2], [sflag:$0x1], $0x100, $0x38;
	[tilespmem:$0x1E668] =	vst v63  }
0x180: {  	s2 =	simm.s32 @!p0 $0x102  }
0x181: {  	s0 =	simm.s32 $0x1;
	s2 =	simm.s32 @p0 $0x2  }
0x182: {  	_ =	swait.ge [sflag:s0], s2  }
0x183: {  	s2 =	ssub.s32 $0x0, s2;
	[sflag:s0] =	ssyncset.done $0x0  }
0x184: {  	[sflag:s0] =	ssyncadd.s32 s2  }
0x185: {  	_ =	sfence.stream.spmem  }
0x186: {  	s29 =	simm.s32 $0x3;
	[bflag:$0x0] =	sbarrier.arrive $0xFFFF  }
0x187: {  	s30 =	simm.s32 $0x4;
	[sflag:s29] =	ssyncpa.u1 $0x1  }
0x188: {  	s31 =	simm.s32 $0x3C;
	[sflag:s30] =	ssyncpa.u1 $0x1  }
0x189: {  	p0 =	sne.s32 s7, $0x0;
	[sflag:s31] =	ssyncpa.u1 $0x1  }
0x18a: {  	_ =	sfence @p0  }
0x18b: {  	[sflag:s0] =	ssyncpa.u1 @p0 $0x1  }
0x18c: {  	_ =	strace @p0 $0x9000005F  }
0x18d: {  	[bflag:$0x2] =	sbarrier.arrive @p0 $0xFFFF  }
0x18e: {  	_ =	shalt @p0  }
.LBB2_29:
0x18f: {  	_ =	sfence.stream.spmem;
	s0 =	simm.s32 $0x5  }
0x190: {  	s2 =	simm.s32 $0x2000;
	s3 =	simm.s32 $0xE418;
	[sflag:s0] =	ssyncpa.u1 $0x0  }
0x191: {  	[tilespmem:s3], [sflag:$0x5] =	stream.linear.gather [spmem:s2], $0x20, $0x38;
	[tilespmem:$0x1E668] =	vst v63  }
0x192: {  	s30 =	simm.s32 $0xE438;
	s2 =	simm.s32 $0x0  }
0x193: {  	[tilespmem:s30], [sflag:$0x5] =	stream.linear.gather [spmem:s2], $0x2000, $0x38;
	[tilespmem:$0x1E668] =	vst v63  }
.Ltmp23:
0x194: {  	_ = 	snop;
	(pc) =	sbr.rel .LBB2_30-.Ltmp23, $4  }
0x195: {  	_ =	swait.ge [sflag:s0], $0x2020  }
0x196: {  	[sflag:s0] =	ssyncset.done $0x0  }
0x197: {  	s31 =	simm.s32 $0x6;
	[sflag:s0] =	ssyncadd.s32 $0xFFFFDFE0  }
0x198: {  	s3 =	simm.s32 $0x0;
	[sflag:s31] =	ssyncpa.u1 $0x0  }
.LBB2_36:
0x199: {  	p0 =	slt.u32 s4, $0x4E171  }
0x19a: {  	s0 =	sand.u32 @p0 $0x7FFF8, s4  }
0x19b: {  	s5 =	sand.u32 @p0 $0x7, s4;
	s6 =	simm.s32 @p0 $0xE308;
	s0 =	sadd.s32 @p0 s1, s0  }
0x19c: {  	[tilespmem:s6], [sflag:$0x6] =	stream.linear.gather @p0 [hbm4b:s0+s5], $0x80, $0x38;
	[tilespmem:$0x1E668] =	vst v63  }
0x19d: {  	s0 =	sadd.s32 @p0 $0x80, s4  }
0x19e: {  	s0 =	sand.u32 @p0 $0xFFFF8, s0  }
0x19f: {  	s4 =	simm.s32 @p0 $0xE388;
	s0 =	sadd.s32 @p0 s1, s0  }
0x1a0: {  	[tilespmem:s4], [sflag:$0x6] =	stream.linear.gather @p0 [hbm4b:s0+s5], $0x80, $0x38;
	[tilespmem:$0x1E668] =	vst v63  }
0x1a1: {  	s0 =	simm.s32 @p0 $0x6  }
0x1a2: {  	_ =	swait.ge @p0 [sflag:s0], $0x100  }
0x1a3: {  	[sflag:s0] =	ssyncset.done @p0 $0x0  }
0x1a4: {  	[sflag:s0] =	ssyncadd.s32 @p0 $0xFFFFFF00  }
0x1a5: {  	v1 =	vld @p0 [tilespmem:$0xE308];
	_ =	sdelay $0x2  }
0x1a6: {  	s0 =	sshll.u32 @p0 s3, $0xA  }
0x1a7: {  	s4 =	sshrl.u32 @p0 s0, $0x2  }
0x1a8: {  	[tilespmem:s4+$0xE438] =	vst.add.f32.msk @p0 $0xffff, v1  }
0x1a9: {  	v1 =	vld @p0 [tilespmem:$0xE318];
	_ =	sdelay $0x4  }
0x1aa: {  	[tilespmem:s4+$0xE448] =	vst.add.f32.msk @p0 $0xffff, v1  }
0x1ab: {  	v1 =	vld @p0 [tilespmem:$0xE328];
	_ =	sdelay $0x4  }
0x1ac: {  	[tilespmem:s4+$0xE458] =	vst.add.f32.msk @p0 $0xffff, v1  }
0x1ad: {  	v1 =	vld @p0 [tilespmem:$0xE338];
	_ =	sdelay $0x4  }
0x1ae: {  	[tilespmem:s4+$0xE468] =	vst.add.f32.msk @p0 $0xffff, v1  }
0x1af: {  	v1 =	vld @p0 [tilespmem:$0xE348];
	_ =	sdelay $0x4  }
0x1b0: {  	[tilespmem:s4+$0xE478] =	vst.add.f32.msk @p0 $0xffff, v1  }
0x1b1: {  	v1 =	vld @p0 [tilespmem:$0xE358];
	_ =	sdelay $0x4  }
0x1b2: {  	[tilespmem:s4+$0xE488] =	vst.add.f32.msk @p0 $0xffff, v1  }
0x1b3: {  	v1 =	vld @p0 [tilespmem:$0xE368];
	_ =	sdelay $0x4  }
0x1b4: {  	[tilespmem:s4+$0xE498] =	vst.add.f32.msk @p0 $0xffff, v1  }
0x1b5: {  	v1 =	vld @p0 [tilespmem:$0xE378];
	_ =	sdelay $0x4  }
0x1b6: {  	[tilespmem:s4+$0xE4A8] =	vst.add.f32.msk @p0 $0xffff, v1  }
0x1b7: {  	v1 =	vld @p0 [tilespmem:$0xE388];
	_ =	sdelay $0x4  }
0x1b8: {  	[tilespmem:s4+$0xE4B8] =	vst.add.f32.msk @p0 $0xffff, v1  }
0x1b9: {  	v1 =	vld @p0 [tilespmem:$0xE398];
	_ =	sdelay $0x4  }
0x1ba: {  	[tilespmem:s4+$0xE4C8] =	vst.add.f32.msk @p0 $0xffff, v1  }
0x1bb: {  	v1 =	vld @p0 [tilespmem:$0xE3A8];
	_ =	sdelay $0x4  }
0x1bc: {  	[tilespmem:s4+$0xE4D8] =	vst.add.f32.msk @p0 $0xffff, v1  }
0x1bd: {  	v1 =	vld @p0 [tilespmem:$0xE3B8];
	_ =	sdelay $0x4  }
0x1be: {  	[tilespmem:s4+$0xE4E8] =	vst.add.f32.msk @p0 $0xffff, v1  }
0x1bf: {  	v1 =	vld @p0 [tilespmem:$0xE3C8];
	_ =	sdelay $0x4  }
0x1c0: {  	[tilespmem:s4+$0xE4F8] =	vst.add.f32.msk @p0 $0xffff, v1  }
0x1c1: {  	v1 =	vld @p0 [tilespmem:$0xE3D8];
	_ =	sdelay $0x4  }
0x1c2: {  	[tilespmem:s4+$0xE508] =	vst.add.f32.msk @p0 $0xffff, v1  }
0x1c3: {  	v1 =	vld @p0 [tilespmem:$0xE3E8];
	_ =	sdelay $0x4  }
0x1c4: {  	[tilespmem:s4+$0xE518] =	vst.add.f32.msk @p0 $0xffff, v1  }
0x1c5: {  	v1 =	vld @p0 [tilespmem:$0xE3F8];
	_ =	sdelay $0x3  }
0x1c6: {  	s5 =	sshll.u32 @!p0 s3, $0xA  }
0x1c7: {  	s5 =	smov.u32 @p0 s0;
	[tilespmem:s4+$0xE528] =	vst.add.f32.msk @p0 $0xffff, v1  }
0x1c8: {  	s0 =	sshrl.u32 s5, $0x2;
	[tilespmem:s2+$0xE418] =	vst.msk $0x1, v0  }
0x1c9: {  	v0 =	vld [tilespmem:s0+$0xE438];
	_ =	sdelay $0x2  }
0x1ca: {  	s31 =	sshll.u32 s2, $0xA  }
0x1cb: {  	s4 =	sshra.s32 s31, $0x2  }
0x1cc: {  	[tilespmem:s4+$0xE438] =	vst v0  }
0x1cd: {  	v0 =	vld [tilespmem:s0+$0xE448];
	_ =	sdelay $0x4  }
0x1ce: {  	[tilespmem:s4+$0xE448] =	vst v0  }
0x1cf: {  	v0 =	vld [tilespmem:s0+$0xE458];
	_ =	sdelay $0x4  }
0x1d0: {  	[tilespmem:s4+$0xE458] =	vst v0  }
0x1d1: {  	v0 =	vld [tilespmem:s0+$0xE468];
	_ =	sdelay $0x4  }
0x1d2: {  	[tilespmem:s4+$0xE468] =	vst v0  }
0x1d3: {  	v0 =	vld [tilespmem:s0+$0xE478];
	_ =	sdelay $0x4  }
0x1d4: {  	[tilespmem:s4+$0xE478] =	vst v0  }
0x1d5: {  	v0 =	vld [tilespmem:s0+$0xE488];
	_ =	sdelay $0x4  }
0x1d6: {  	[tilespmem:s4+$0xE488] =	vst v0  }
0x1d7: {  	v0 =	vld [tilespmem:s0+$0xE498];
	_ =	sdelay $0x4  }
0x1d8: {  	[tilespmem:s4+$0xE498] =	vst v0  }
0x1d9: {  	v0 =	vld [tilespmem:s0+$0xE4A8];
	_ =	sdelay $0x4  }
0x1da: {  	[tilespmem:s4+$0xE4A8] =	vst v0  }
0x1db: {  	v0 =	vld [tilespmem:s0+$0xE4B8];
	_ =	sdelay $0x4  }
0x1dc: {  	[tilespmem:s4+$0xE4B8] =	vst v0  }
0x1dd: {  	v0 =	vld [tilespmem:s0+$0xE4C8];
	_ =	sdelay $0x4  }
0x1de: {  	[tilespmem:s4+$0xE4C8] =	vst v0  }
0x1df: {  	v0 =	vld [tilespmem:s0+$0xE4D8];
	_ =	sdelay $0x4  }
0x1e0: {  	[tilespmem:s4+$0xE4D8] =	vst v0  }
0x1e1: {  	v0 =	vld [tilespmem:s0+$0xE4E8];
	_ =	sdelay $0x4  }
0x1e2: {  	[tilespmem:s4+$0xE4E8] =	vst v0  }
0x1e3: {  	v0 =	vld [tilespmem:s0+$0xE4F8];
	_ =	sdelay $0x4  }
0x1e4: {  	[tilespmem:s4+$0xE4F8] =	vst v0  }
0x1e5: {  	v0 =	vld [tilespmem:s0+$0xE508];
	_ =	sdelay $0x4  }
0x1e6: {  	[tilespmem:s4+$0xE508] =	vst v0  }
0x1e7: {  	v0 =	vld [tilespmem:s0+$0xE518];
	_ =	sdelay $0x4  }
0x1e8: {  	[tilespmem:s4+$0xE518] =	vst v0  }
0x1e9: {  	v0 =	vld [tilespmem:s0+$0xE528];
	_ =	sdelay $0x4  }
0x1ea: {  	s2 =	sadd.s32 $0x1, s2;
	[tilespmem:s4+$0xE528] =	vst v0  }
.LBB2_37:
0x1eb: {  	s3 =	sadd.s32 $0x1, s3  }
0x1ec: {  	p0 =	sne.s32 s3, $0x20  }
.Ltmp24:
0x1ed: {  	_ = 	snop;
	(pc) =	sbr.rel @!p0 .LBB2_38-.Ltmp24, $1  }
0x1ee: {  	_ =	sdelay $0x3  }
.LBB2_30:
0x1ef: {  	v0 =	vld.msk [tilespmem:s3+$0xE418], $0x1;
	_ =	sdelay $0x4  }
0x1f0: {  	(v2sf) =	vpush v0, $0x0;
	_ =	sdelay $0xe  }
0x1f1: {  	s4 =	spop (v2sf)  }
0x1f2: {  	p0 =	seq.s32 s4, $0xFFFFFFFF  }
.Ltmp25:
0x1f3: {  	_ = 	snop;
	(pc) =	sbr.rel @p0 .LBB2_37-.Ltmp25, $1  }
0x1f4: {  	_ =	sdelay $0x3  }
0x1f5: {  	p0 =	slt.s32 s2, $0x1  }
.Ltmp26:
0x1f6: {  	_ = 	snop;
	(pc) =	sbr.rel @p0 .LBB2_36-.Ltmp26, $1  }
0x1f7: {  	_ =	sdelay $0x3  }
0x1f8: {  	s5 =	simm.s32 $0xE418;
	p0 =	por $0x0, $0x0  }
0x1f9: {  	v1 =	vld.msk @!p0 [tilespmem:s5+$0x0], $0x1;
	_ =	sdelay $0x4  }
0x1fa: {  	(v2sf) =	vpush @!p0 v1, $0x0;
	_ =	sdelay $0xd  }
0x1fb: {  	p2 =	sne.s32 s2, $0x1  }
.Ltmp27:
0x1fc: {  	s0 =	spop @!p0 (v2sf);
	(pc) =	sbr.rel @!p2 .LBB2_34-.Ltmp27, $4  }
0x1fd: {  	p1 =	seq.s32 @!p0 s4, s0  }
0x1fe: {  	s6 =	simm.s32 $0x0;
	p1 =	por !p1, p0  }
0x1ff: {  	s0 =	simm.s32 $0xFFFFFFFF;
	s6 =	simm.s32 @p1 $0xFFFFFFFF  }
0x200: {  	s7 =	simm.s32 $0x1;
	s6 =	smov.u32 @p0 s0  }
.LBB2_33:
0x201: {  	s0 =	smov.u32 s6;
	p0 =	sne.s32 s6, $0xFFFFFFFF  }
0x202: {  	s5 =	sadd.s32 $0x1, s5;
	s6 =	smov.u32 s7;
	s7 =	sadd.s32 $0x1, s7  }
0x203: {  	p1 =	sne.s32 s2, s7;
	v1 =	vld.msk @!p0 [tilespmem:s5+$0x0], $0x1;
	_ =	sdelay $0x4  }
0x204: {  	(v2sf) =	vpush @!p0 v1, $0x0;
	_ =	sdelay $0xe  }
.Ltmp28:
0x205: {  	s8 =	spop @!p0 (v2sf);
	(pc) =	sbr.rel @p1 .LBB2_33-.Ltmp28, $4  }
0x206: {  	p2 =	seq.s32 @!p0 s4, s8  }
0x207: {  	p2 =	por !p2, p0  }
0x208: {  	s6 =	simm.s32 @p2 $0xFFFFFFFF  }
0x209: {  	s6 =	smov.u32 @p0 s0  }
.LBB2_34:
0x20a: {  	p0 =	seq.s32 s6, $0xFFFFFFFF  }
.Ltmp29:
0x20b: {  	_ = 	snop;
	(pc) =	sbr.rel @p0 .LBB2_36-.Ltmp29, $1  }
0x20c: {  	_ =	sdelay $0x3  }
0x20d: {  	s0 =	sshll.u32 s3, $0x8  }
0x20e: {  	s0 =	sand.u32 $0x3FFFFF00, s0  }
0x20f: {  	v0 =	vld [tilespmem:s0+$0xE438];
	_ =	sdelay $0x2  }
0x210: {  	s4 =	sshll.u32 s6, $0xA  }
0x211: {  	s4 =	sshra.s32 s4, $0x2  }
0x212: {  	[tilespmem:s4+$0xE438] =	vst.add.f32.msk $0xffff, v0  }
0x213: {  	v0 =	vld [tilespmem:s0+$0xE448];
	_ =	sdelay $0x4  }
0x214: {  	[tilespmem:s4+$0xE448] =	vst.add.f32.msk $0xffff, v0  }
0x215: {  	v0 =	vld [tilespmem:s0+$0xE458];
	_ =	sdelay $0x4  }
0x216: {  	[tilespmem:s4+$0xE458] =	vst.add.f32.msk $0xffff, v0  }
0x217: {  	v0 =	vld [tilespmem:s0+$0xE468];
	_ =	sdelay $0x4  }
0x218: {  	[tilespmem:s4+$0xE468] =	vst.add.f32.msk $0xffff, v0  }
0x219: {  	v0 =	vld [tilespmem:s0+$0xE478];
	_ =	sdelay $0x4  }
0x21a: {  	[tilespmem:s4+$0xE478] =	vst.add.f32.msk $0xffff, v0  }
0x21b: {  	v0 =	vld [tilespmem:s0+$0xE488];
	_ =	sdelay $0x4  }
0x21c: {  	[tilespmem:s4+$0xE488] =	vst.add.f32.msk $0xffff, v0  }
0x21d: {  	v0 =	vld [tilespmem:s0+$0xE498];
	_ =	sdelay $0x4  }
0x21e: {  	[tilespmem:s4+$0xE498] =	vst.add.f32.msk $0xffff, v0  }
0x21f: {  	v0 =	vld [tilespmem:s0+$0xE4A8];
	_ =	sdelay $0x4  }
0x220: {  	[tilespmem:s4+$0xE4A8] =	vst.add.f32.msk $0xffff, v0  }
0x221: {  	v0 =	vld [tilespmem:s0+$0xE4B8];
	_ =	sdelay $0x4  }
0x222: {  	[tilespmem:s4+$0xE4B8] =	vst.add.f32.msk $0xffff, v0  }
0x223: {  	v0 =	vld [tilespmem:s0+$0xE4C8];
	_ =	sdelay $0x4  }
0x224: {  	[tilespmem:s4+$0xE4C8] =	vst.add.f32.msk $0xffff, v0  }
0x225: {  	v0 =	vld [tilespmem:s0+$0xE4D8];
	_ =	sdelay $0x4  }
0x226: {  	[tilespmem:s4+$0xE4D8] =	vst.add.f32.msk $0xffff, v0  }
0x227: {  	v0 =	vld [tilespmem:s0+$0xE4E8];
	_ =	sdelay $0x4  }
0x228: {  	[tilespmem:s4+$0xE4E8] =	vst.add.f32.msk $0xffff, v0  }
0x229: {  	v0 =	vld [tilespmem:s0+$0xE4F8];
	_ =	sdelay $0x4  }
0x22a: {  	[tilespmem:s4+$0xE4F8] =	vst.add.f32.msk $0xffff, v0  }
0x22b: {  	v0 =	vld [tilespmem:s0+$0xE508];
	_ =	sdelay $0x4  }
0x22c: {  	[tilespmem:s4+$0xE508] =	vst.add.f32.msk $0xffff, v0  }
0x22d: {  	v0 =	vld [tilespmem:s0+$0xE518];
	_ =	sdelay $0x4  }
0x22e: {  	[tilespmem:s4+$0xE518] =	vst.add.f32.msk $0xffff, v0  }
0x22f: {  	v0 =	vld [tilespmem:s0+$0xE528]  }
.Ltmp30:
0x230: {  	_ = 	snop;
	(pc) =	sbr.rel .LBB2_37-.Ltmp30, $2  }
0x231: {  	_ =	sdelay $0x2  }
0x232: {  	[tilespmem:s4+$0xE528] =	vst.add.f32.msk $0xffff, v0  }
.LBB2_38:
0x233: {  	p0 =	slt.s32 s2, $0x1  }
.Ltmp31:
0x234: {  	_ = 	snop;
	(pc) =	sbr.rel @p0 .LBB2_42-.Ltmp31, $3  }
0x235: {  	_ =	sdelay $0x1  }
0x236: {  	s0 =	simm.s32 $0x6  }
0x237: {  	[sflag:s0] =	ssyncpa.u1 $0x1;
	s0 =	simm.s32 $0x0  }
0x238: {  	s3 =	simm.s32 $0xE418  }
0x239: {  	v0 =	vld.msk [tilespmem:s3+$0x0], $0x1;
	_ =	sdelay $0x4  }
0x23a: {  	(v2sf) =	vpush v0, $0x0;
	_ =	sdelay $0xe  }
0x23b: {  	s2 =	sadd.s32 $0xFFFFFFFF, s2;
	s4 =	spop (v2sf)  }
0x23c: {  	s5 =	simm.s32 $0xE438;
	p0 =	sne.s32 s2, $0x0;
	p1 =	sgt.u32 s4, $0x4E170  }
.Ltmp32:
0x23d: {  	s3 =	simm.s32 $0xE538;
	s6 =	sand.u32 @!p1 $0x7FFF8, s4;
	(pc) =	sbr.rel @!p0 .LBB2_41-.Ltmp32, $4  }
0x23e: {  	s7 =	sadd.s32 @!p1 $0x80, s4;
	s8 =	sadd.s32 @!p1 s1, s6;
	s6 =	sand.u32 @!p1 $0x7, s4  }
0x23f: {  	[hbm4b:s8+s6] =	stream.linear.scatter @!p1 [tilespmem:s5], [sflag:$0x5], $0x80, $0x38;
	[tilespmem:$0x1E668] =	vst v63  }
0x240: {  	s0 =	simm.s32 @!p1 $0x400;
	s4 =	simm.s32 $0xE419;
	s5 =	sand.u32 @!p1 $0xFFFF8, s7  }
0x241: {  	s7 =	simm.s32 @!p1 $0xE4B8;
	s8 =	sadd.s32 @!p1 s1, s5;
	s5 =	sadd.s32 $0x0, s0  }
.LBB2_40:
0x242: {  	[hbm4b:s8+s6] =	stream.linear.scatter @!p1 [tilespmem:s7], [sflag:$0x5], $0x80, $0x38;
	[tilespmem:$0x1E668] =	vst v63  }
0x243: {  	s2 =	sadd.s32 $0xFFFFFFFF, s2;
	s0 =	smov.u32 s3;
	v0 =	vld.msk [tilespmem:s4+$0x0], $0x1  }
0x244: {  	p0 =	sne.s32 s2, $0x0;
	_ =	sdelay $0x3  }
0x245: {  	(v2sf) =	vpush v0, $0x0;
	_ =	sdelay $0xe  }
0x246: {  	s3 =	sadd.s32 $0x100, s3;
	s9 =	simm.s32 $0x0;
	s6 =	spop (v2sf)  }
.Ltmp33:
0x247: {  	s4 =	sadd.s32 $0x1, s4;
	p1 =	sgt.u32 s6, $0x4E170;
	(pc) =	sbr.rel @p0 .LBB2_40-.Ltmp33, $4  }
0x248: {  	s9 =	simm.s32 @!p1 $0x400;
	s7 =	sand.u32 @!p1 $0x7FFF8, s6;
	s8 =	sadd.s32 @!p1 $0x80, s6  }
0x249: {  	s6 =	sand.u32 @!p1 $0x7, s6;
	s7 =	sadd.s32 @!p1 s1, s7;
	s8 =	sand.u32 @!p1 $0xFFFF8, s8  }
0x24a: {  	[hbm4b:s7+s6] =	stream.linear.scatter @!p1 [tilespmem:s0], [sflag:$0x5], $0x80, $0x38;
	[tilespmem:$0x1E668] =	vst v63  }
0x24b: {  	s5 =	sadd.s32 s5, s9;
	s7 =	sadd.s32 @!p1 $0x80, s0;
	s8 =	sadd.s32 @!p1 s1, s8  }
.LBB2_41:
0x24c: {  	[hbm4b:s8+s6] =	stream.linear.scatter @!p1 [tilespmem:s7], [sflag:$0x5], $0x80, $0x38;
	[tilespmem:$0x1E668] =	vst v63  }
0x24d: {  	s0 =	sshrl.u32 s5, $0x2  }
.LBB2_42:
0x24e: {  	s1 =	simm.s32 $0x5  }
0x24f: {  	_ =	swait.ge [sflag:s1], s0  }
0x250: {  	s29 =	ssub.s32 $0x0, s0;
	[sflag:s1] =	ssyncset.done $0x0  }
0x251: {  	[sflag:s1] =	ssyncadd.s32 s29  }
0x252: {  	[sflag:s1] =	ssyncpa.u1 $0x1  }
0x253: {  	s30 =	simm.s32 $0x1;
	_ =	sfence  }
0x254: {  	[sflag:s30] =	ssyncpa.u1 $0x1  }
0x255: {  	_ =	strace $0x9000005F  }
0x256: {  	[bflag:$0x2] =	sbarrier.arrive $0xFFFF  }
0x257: {  	s31 =	rddreg [dreg:$0x2]  }
0x258: {  	s0 =	sadd.s32 $0x100000, s31  }
0x259: {  	[sflag:s0] =	ssyncadd.tile.s32 $0x1;
	_ =	shalt  }
.Lfunc_end2:
_tile_overlayer_lowered:
.L_overlay_start_2:
0x25a: {  	(tag) =	ssettag $0x2  }
0x25b: {  	s0 =	rddreg [dreg:$0x0];
	s2 =	stileid.u32  }
0x25c: {  	s1 =	rddreg [dreg:$0x1];
	p0 =	sne.s32 s2, $0x0  }
0x25d: {  	s3 =	rddreg [dreg:$0x2];
	[bflag:$0x3] =	sbarrier.arrive $0xFFFF;
	s2 =	simm.s32 @!p0 $0x1C01  }
0x25e: {  	[timem:s3], [sflag:s2] =	dma.local @!p0 [hbm:s0], s1  }
0x25f: {  	s0 =	simm.s32 @!p0 $0x1  }
0x260: {  	_ =	swait.ge @!p0 [sflag:s0], s1  }
0x261: {  	s1 =	ssub.s32 @!p0 $0x0, s1;
	[sflag:s0] =	ssyncset.done @!p0 $0x0  }
0x262: {  	[sflag:s0] =	ssyncadd.s32 @!p0 s1  }
0x263: {  	[bflag:$0x3] =	sbarrier.arrive $0xFFFF  }
0x264: {  	_ =	shalt  }

// kernel: scatter_offload_async_start
scs
__scs_entry_jumppad:
0x0: {  	(pc) =	sbr.rel $0x88, $3  }
0x1: {  	(tag) =	ssettag $0x0;
	lr =	simm.s32 $0x1  }
0x2: {  	[smem:$0x3F81] =	sst lr;
	_ =	strace $0xD0000000  }
0x3: {  	_ = 	snop  }
0x4: {  	_ = 	snop  }
0x5: {  	_ = 	snop  }
0x6: {  	_ = 	snop  }
0x7: {  	_ = 	snop  }
__scs_overlays_trampoline_lowered:
0x8: {  	[smem:$0x3F90] =	sst s0  }
0x9: {  	[smem:$0x3F91] =	sst s1  }
0xa: {  	[smem:$0x3F92] =	sst s2  }
0xb: {  	[smem:$0x3F93] =	sst s3  }
0xc: {  	[smem:$0x3F94] =	sst s4  }
0xd: {  	[smem:$0x3F95] =	sst s5  }
0xe: {  	[smem:$0x3F96] =	sst s6  }
0xf: {  	[smem:$0x3F97] =	sst s7  }
0x10: {  	[smem:$0x3F98] =	sst s8  }
0x11: {  	[smem:$0x3F99] =	sst s9;
	s0 =	simm.s32 @!p0 $0x0  }
0x12: {  	s1 =	sld [smem:$0x3F7F];
	s0 =	simm.s32 @p0 $0x1  }
0x13: {  	[smem:$0x3F9A] =	sst s0;
	s0 =	simm.s32 @!p1 $0x0  }
0x14: {  	s2 =	sld [smem:$0x3F7E];
	s0 =	simm.s32 @p1 $0x1  }
0x15: {  	[smem:$0x3F9B] =	sst s0;
	s0 =	simm.s32 @!p2 $0x0  }
0x16: {  	s3 =	sld [smem:$0x3FDB];
	s0 =	simm.s32 @p2 $0x1  }
0x17: {  	s4 =	simm.s32 $0x1BF5;
	[smem:$0x3F9D] =	sst s0  }
0x18: {  	s0 =	sld [smem:$0x3F80];
	_ =	swait.ge [sflag:s4], $0x0  }
0x19: {  	s7 =	sld [smem:$0x3F81]  }
0x1a: {  	s8 =	sadd.s32 $0xFFFFE003, lr  }
0x1b: {  	s9 =	sadd.s32 $0xFFFFFEF7, lr;
	s5 =	simm.s32 $0xFFFFFFFF;
	p2 =	slt.u32 s8, $0xFFFFF086  }
0x1c: {  	p1 =	slt.u32 s9, $0xF7A;
	s5 =	simm.s32 @!p2 $0x0  }
0x1d: {  	s5 =	simm.s32 @p1 $0x1;
	p0 =	seq.s32 s7, s2  }
0x1e: {  	s7 =	smul.u32 @!p0 $0xF7A, s2;
	p2 =	seq.s32 @!p0 s5, $0x0  }
0x1f: {  	s9 =	smul.u32 $0xF7A, s1;
	s8 =	simm.s32 @!p0 $0x1BF5;
	p2 =	por !p2, p0  }
0x20: {  	[sflag:s8] =	ssyncset.s32 @!p0 $0xFFFFF086;
	s6 =	sadd.s32 @!p0 s3, s7;
	s7 =	simm.s32 @!p0 $0x108  }
0x21: {  	s3 =	sadd.s32 s3, s9;
	s6 =	sadd.s32 @!p0 $0x88, s6;
	s7 =	simm.s32 @p2 $0x1082  }
0x22: {  	[simem:s7], [sflag:s8] =	dma.local @!p0 [hbm:s6], $0xF7A  }
0x23: {  	s9 =	sor.u32 $0xD0000000, s2;
	s6 =	simm.s32 $0x108;
	_ =	swait.ge @!p0 [sflag:s8], $0x0  }
0x24: {  	s3 =	sadd.s32 $0x88, s3;
	s6 =	simm.s32 @!p1 $0x1082;
	[sflag:s4] =	ssyncset.s32 $0xFFFFF086  }
0x25: {  	[simem:s6], [sflag:s4] =	dma.local [hbm:s3], $0xF7A  }
0x26: {  	[smem:$0x3F81] =	sst s1;
	(tag) =	ssettag s2;
	_ =	strace s9  }
0x27: {  	s1 =	sld [smem:$0x3F91]  }
0x28: {  	s2 =	sld [smem:$0x3F92]  }
0x29: {  	s4 =	sld [smem:$0x3F94]  }
0x2a: {  	p0 =	seq.s32 s5, $0x0;
	s5 =	sld [smem:$0x3F95]  }
0x2b: {  	s6 =	sld [smem:$0x3F96]  }
0x2c: {  	s7 =	sld [smem:$0x3F97]  }
0x2d: {  	s3 =	simm.s32 $0x108;
	s8 =	sld [smem:$0x3F98]  }
0x2e: {  	s3 =	simm.s32 @!p0 $0x1082;
	s9 =	sld [smem:$0x3F99]  }
0x2f: {  	lr =	sadd.s32 s0, s3;
	s0 =	sld [smem:$0x3F90]  }
0x30: {  	s3 =	sld [smem:$0x3F93]  }
0x31: {  	[smem:$0x3F9C] =	sst s10  }
0x32: {  	s10 =	sld [smem:$0x3F9A];
	_ =	sdelay $0x3  }
0x33: {  	p0 =	seq.s32 s10, $0x1;
	s10 =	sld [smem:$0x3F9C];
	_ =	sdelay $0x3  }
0x34: {  	[smem:$0x3F9C] =	sst s10  }
0x35: {  	s10 =	sld [smem:$0x3F9B];
	_ =	sdelay $0x3  }
0x36: {  	p1 =	seq.s32 s10, $0x1;
	s10 =	sld [smem:$0x3F9C];
	_ =	sdelay $0x3  }
0x37: {  	[smem:$0x3F9C] =	sst s10  }
0x38: {  	s10 =	sld [smem:$0x3F9D]  }
0x39: {  	_ = 	snop;
	(pc) =	sbr.ind lr, $3  }
0x3a: {  	_ = 	snop  }
0x3b: {  	_ = 	snop  }
0x3c: {  	p2 =	seq.s32 s10, $0x1;
	s10 =	sld [smem:$0x3F9C]  }
0x3d: {  	_ =	shalt  }
0x3e: {  	_ =	shalt  }
0x3f: {  	_ =	shalt  }
0x40: {  	_ =	shalt  }
0x41: {  	_ =	shalt  }
0x42: {  	_ =	shalt  }
0x43: {  	_ =	shalt  }
0x44: {  	_ =	shalt  }
0x45: {  	_ =	shalt  }
0x46: {  	_ =	shalt  }
0x47: {  	_ =	shalt  }
0x48: {  	_ =	shalt  }
0x49: {  	_ =	shalt  }
0x4a: {  	_ =	shalt  }
0x4b: {  	_ =	shalt  }
0x4c: {  	_ =	shalt  }
0x4d: {  	_ =	shalt  }
0x4e: {  	_ =	shalt  }
0x4f: {  	_ =	shalt  }
0x50: {  	_ =	shalt  }
0x51: {  	_ =	shalt  }
0x52: {  	_ =	shalt  }
0x53: {  	_ =	shalt  }
0x54: {  	_ =	shalt  }
0x55: {  	_ =	shalt  }
0x56: {  	_ =	shalt  }
0x57: {  	_ =	shalt  }
0x58: {  	_ =	shalt  }
0x59: {  	_ =	shalt  }
0x5a: {  	_ =	shalt  }
0x5b: {  	_ =	shalt  }
0x5c: {  	_ =	shalt  }
0x5d: {  	_ =	shalt  }
0x5e: {  	_ =	shalt  }
0x5f: {  	_ =	shalt  }
0x60: {  	_ =	shalt  }
0x61: {  	_ =	shalt  }
0x62: {  	_ =	shalt  }
0x63: {  	_ =	shalt  }
0x64: {  	_ =	shalt  }
0x65: {  	_ =	shalt  }
0x66: {  	_ =	shalt  }
0x67: {  	_ =	shalt  }
0x68: {  	_ =	shalt  }
0x69: {  	_ =	shalt  }
0x6a: {  	_ =	shalt  }
0x6b: {  	_ =	shalt  }
0x6c: {  	_ =	shalt  }
0x6d: {  	_ =	shalt  }
0x6e: {  	_ =	shalt  }
0x6f: {  	_ =	shalt  }
0x70: {  	_ =	shalt  }
0x71: {  	_ =	shalt  }
0x72: {  	_ =	shalt  }
0x73: {  	_ =	shalt  }
0x74: {  	_ =	shalt  }
0x75: {  	_ =	shalt  }
0x76: {  	_ =	shalt  }
0x77: {  	_ =	shalt  }
0x78: {  	_ =	shalt  }
0x79: {  	_ =	shalt  }
0x7a: {  	_ =	shalt  }
0x7b: {  	_ =	shalt  }
0x7c: {  	_ =	shalt  }
0x7d: {  	_ =	shalt  }
0x7e: {  	_ =	shalt  }
0x7f: {  	_ =	shalt  }
0x80: {  	_ =	shalt  }
0x81: {  	_ =	shalt  }
0x82: {  	_ =	shalt  }
0x83: {  	_ =	shalt  }
0x84: {  	_ =	shalt  }
0x85: {  	_ =	shalt  }
0x86: {  	_ =	shalt  }
0x87: {  	_ =	shalt  }
.Lfunc_end0:
.L_simem_size_0:
called_computation_lowered:
.L_overlay_start_0:
0x88: {  	s0 =	sld [smem:$0x3FD9]  }
0x89: {  	s1 =	sld [smem:$0x3FFE];
	_ =	sdelay $0x3  }
0x8a: {  	s0 =	sadd.s32 s1, s0  }
0x8b: {  	[smem:$0x3FA8] =	sst s0  }
0x8c: {  	_ = 	snop  }
0x8d: {  	(tm) =	ssettm $0x1  }
0x8e: {  	s14 =	sld [smem:$0x3FFB];
	_ =	sdelay $0x3  }
0x8f: {  	_ =	strace s14  }
0x90: {  	s0 =	sld [smem:$0x3FFC];
	_ =	sdelay $0x3  }
0x91: {  	_ =	strace s0  }
0x92: {  	s0 =	sld [smem:$0x3FFD];
	_ =	sdelay $0x3  }
0x93: {  	_ =	strace s0  }
0x94: {  	_ =	strace $0x8FFFFFFF  }
0x95: {  	s15 =	sld [smem:$0x3FDB];
	_ =	sdelay $0x1  }
0x96: {  	s16 =	simm.s32 $_scs_section_size  }
0x97: {  	s2 =	simm.s32 $_size__tile_overlayer_lowered;
	s3 =	simm.s32 $_tile_overlayer_lowered  }
0x98: {  	s4 =	simm.s32 $0x1BFF;
	s17 =	sshll.u32 s3, $0x1;
	s1 =	sadd.s32 s16, s15  }
0x99: {  	s18 =	simm.s32 $0x0;
	s2 =	sshll.u32 s2, $0x1;
	s3 =	sadd.s32 s17, s1  }
0x9a: {  	[timem:s18], [sflag:s4] =	dma.local [hbm:s3], s2  }
0x9b: {  	_ =	swait.ge [sflag:s4], s2  }
0x9c: {  	s2 =	ssub.s32 $0x0, s2;
	[sflag:s4] =	ssyncset.done $0x0  }
0x9d: {  	[sflag:s4] =	ssyncadd.s32 s2;
	_ =	sdelay $0x1  }
0x9e: {  	s19 =	simm.s32 $0x1B8B  }
0x9f: {  	_ =	swait.ge [sflag:s19], $0x1  }
0xa0: {  	[sflag:s19] =	ssyncset.done $0x0  }
0xa1: {  	s21 =	simm.s32 $0x1B8E;
	s20 =	sld [smem:$0x3FFE];
	[sflag:s19] =	ssyncadd.s32 $0xFFFFFFFF  }
0xa2: {  	s22 =	simm.s32 $execute0_lowered;
	[smem:$0x3FD2] =	sst s21  }
0xa3: {  	s3 =	sshll.u32 s22, $0x1;
	_ =	strace $0x80000046;
	[dreg:$0x1] =	wrdreg $0xFFFFFFFF  }
0xa4: {  	s23 =	simm.s32 $_size_execute0_lowered;
	s3 =	sadd.s32 s1, s3;
	[dreg:$0x0] =	wrdreg $0x0  }
0xa5: {  	s4 =	sshll.u32 s23, $0x1;
	[dreg:$0x2] =	wrdreg s3  }
0xa6: {  	[dreg:$0x3] =	wrdreg s4  }
0xa7: {  	[dreg:$0x4] =	wrdreg $0xC0  }
0xa8: {  	s24 =	simm.s32 $execute1_lowered;
	_ =	task [dreg:s18], $0x5FFFF  }
0xa9: {  	s3 =	sshll.u32 s24, $0x1;
	[dreg:$0x1] =	wrdreg $0xFFFFFFFF  }
0xaa: {  	s1 =	sadd.s32 s1, s3;
	[dreg:$0x0] =	wrdreg $0x60  }
0xab: {  	[dreg:$0x2] =	wrdreg s1  }
0xac: {  	[dreg:$0x3] =	wrdreg s20  }
0xad: {  	[dreg:$0x4] =	wrdreg $0x9  }
0xae: {  	_ =	task.clear_ibuf [dreg:s18], $0x5FFFF;
	_ =	strace $0x90000046  }
0xaf: {  	s25 =	simm.s32 $0x9;
	_ =	strace $0x80000048  }
0xb0: {  	_ =	swait.ge [sflag:s25], $0x1  }
0xb1: {  	[sflag:s25] =	ssyncadd.s32 $0xFFFFFFFF  }
0xb2: {  	_ =	strace $0x90000048  }
0xb3: {  	_ =	strace $0x80000049;
	[dreg:$0x1] =	wrdreg $0xFFFFFFFF  }
0xb4: {  	[dreg:$0x0] =	wrdreg $0x2030  }
0xb5: {  	[dreg:$0x2] =	wrdreg s20  }
0xb6: {  	[dreg:$0x3] =	wrdreg $0xA  }
0xb7: {  	_ =	task.clear_ibuf [dreg:s18], $0x4FFFF;
	_ =	strace $0x90000049  }
0xb8: {  	s26 =	simm.s32 $0xA;
	_ =	strace $0x8000004B  }
0xb9: {  	_ =	swait.ge [sflag:s26], $0x1  }
0xba: {  	[sflag:s26] =	ssyncadd.s32 $0xFFFFFFFF  }
0xbb: {  	_ =	strace $0x9000004B  }
0xbc: {  	_ =	sfence  }
0xbd: {  	s28 =	sld [smem:$0x0];
	_ =	sdelay $0x1  }
0xbe: {  	s29 =	srdreg.scid  }
0xbf: {  	s30 =	sshll.u32 s29, $0xD;
	s31 =	sshrl.u32 s29, $0x2  }
0xc0: {  	s2 =	sand.u32 $0x1, s29;
	s3 =	sand.u32 $0x4000, s30;
	s1 =	sadd.s32 s31, s28  }
0xc1: {  	s2 =	sor.u32 s3, s2;
	s1 =	sshll.u32 s1, $0x11  }
0xc2: {  	s1 =	sor.u32 s1, s2  }
0xc3: {  	s1 =	sadd.s32 $0x8F2B, s1  }
0xc4: {  	[sflag:s1] =	ssyncadd.remote.s32 $0x1  }
0xc5: {  	_ =	sfence.sel $0xFFFF  }
0xc6: {  	[dreg:$0x0] =	wrdreg $0xFFFFFFFF;
	(pc) =	sbr.abs _section_cstart, $3  }
0xc7: {  	[dreg:$0x1] =	wrdreg $0xFFFFFFFF  }
0xc8: {  	_ =	task.clear_ibuf [dreg:s18], $0x2FFFF;
	_ =	strace $0x9FFFFFFF  }
0xc9: {  	(tm) =	ssettm $0x7FFFFFFF  }
tec
execute0_lowered:
.L_overlay_start_1:
0x0: {  	(tag) =	ssettag $0x1  }
0x1: {  	s2 =	rddreg [dreg:$0x0]  }
0x2: {  	s4 =	rddreg [dreg:$0x1]  }
0x3: {  	s0 =	rddreg [dreg:$0x2];
	s3 =	stileid.u32  }
0x4: {  	[bflag:$0x3] =	sbarrier.arrive $0xFFFF;
	s1 =	simm.s32 $_size_execute1_lowered;
	p0 =	sne.s32 s3, $0x0  }
0x5: {  	s1 =	sshll.u32 s1, $0x1;
	s5 =	simm.s32 @!p0 $0x1C3F;
	s6 =	simm.s32 @!p0 $0x4060  }
0x6: {  	[timem:s6], [sflag:s5] =	dma.local @!p0 [hbm:s2], s1  }
0x7: {  	s2 =	smul.u32 $0x280, s3  }
.Ltmp0:
0x8: {  	s31 =	simm.s32 $0x2;
	s7 =	simm.s32 $0x280;
	(pc) =	sbr.rel .LBB2_1-.Ltmp0, $4  }
0x9: {  	s8 =	simm.s32 $0x780;
	s10 =	simm.s32 $0x0;
	s9 =	simm.s32 $0x0  }
0xa: {  	s3 =	simm.s32 $0x1;
	_ =	strace $0x80000047;
	s30 =	sshrl.u32 s2, $0x3  }
0xb: {  	s6 =	simm.s32 $0x0;
	[sflag:s3] =	ssyncpa.u1 $0x0;
	s5 =	sadd.s32 s30, s4  }
0xc: {  	s4 =	sadd.s32 $0x1E00, s4;
	[sflag:s31] =	ssyncpa.u1 $0x0;
	s5 =	sadd.s32 $0x1800, s5  }
.LBB2_8:
0xd: {  	p1 =	seq.s32 s9, $0x2  }
.Ltmp1:
0xe: {  	_ = 	snop;
	(pc) =	sbr.rel @p1 .LBB2_10-.Ltmp1, $1  }
0xf: {  	_ =	sdelay $0x3  }
.LBB2_9:
0x10: {  	s9 =	sadd.s32 $0x1, s9;
	s10 =	smov.u32 s2  }
.LBB2_1:
0x11: {  	p1 =	sne.s32 s9, $0x0  }
.Ltmp2:
0x12: {  	_ = 	snop;
	(pc) =	sbr.rel @!p1 .LBB2_2-.Ltmp2, $1  }
0x13: {  	_ =	sdelay $0x3  }
0x14: {  	s11 =	sand.u32 $0x1, s9  }
0x15: {  	p1 =	seq.s32 s11, $0x0  }
.Ltmp3:
0x16: {  	_ = 	snop;
	(pc) =	sbr.rel @p1 .LBB2_8-.Ltmp3, $1  }
0x17: {  	_ =	sdelay $0x3  }
0x18: {  	_ =	swait.ge [sflag:s3], $0x280  }
0x19: {  	[sflag:s3] =	ssyncset.done $0x0  }
0x1a: {  	s11 =	simm.s32 $0x0;
	p1 =	por $0x1, $0x1;
	[sflag:s3] =	ssyncadd.s32 $0xFFFFFD80  }
.LBB2_5:
0x1b: {  	v0 =	vld [tilespmem:s11+$0x280]  }
0x1c: {  	v1 =	vld [tilespmem:s11+$0x290]  }
0x1d: {  	v2 =	vld [tilespmem:s11+$0x2A0]  }
0x1e: {  	v3 =	vld [tilespmem:s11+$0x2B0]  }
0x1f: {  	v4 =	vld [tilespmem:s11+$0x2C0]  }
0x20: {  	v53 =	vld [tilespmem:s11+$0x2D0];
	[tilespmem:s11+$0x780] =	vst v0  }
0x21: {  	v54 =	vld [tilespmem:s11+$0x2E0];
	[tilespmem:s11+$0x790] =	vst v1  }
0x22: {  	v55 =	vld [tilespmem:s11+$0x2F0];
	[tilespmem:s11+$0x7A0] =	vst v2  }
0x23: {  	v56 =	vld [tilespmem:s11+$0x300];
	[tilespmem:s11+$0x7B0] =	vst v3  }
0x24: {  	v57 =	vld [tilespmem:s11+$0x310];
	[tilespmem:s11+$0x7C0] =	vst v4  }
0x25: {  	v58 =	vld [tilespmem:s11+$0x320];
	[tilespmem:s11+$0x7D0] =	vst v53  }
0x26: {  	v59 =	vld [tilespmem:s11+$0x330];
	[tilespmem:s11+$0x7E0] =	vst v54  }
0x27: {  	v60 =	vld [tilespmem:s11+$0x340];
	[tilespmem:s11+$0x7F0] =	vst v55  }
0x28: {  	v61 =	vld [tilespmem:s11+$0x350];
	[tilespmem:s11+$0x800] =	vst v56  }
0x29: {  	v62 =	vld [tilespmem:s11+$0x360];
	[tilespmem:s11+$0x810] =	vst v57  }
0x2a: {  	v63 =	vld [tilespmem:s11+$0x370];
	p2 =	por p1, p1;
	[tilespmem:s11+$0x820] =	vst v58  }
.Ltmp4:
0x2b: {  	[tilespmem:s11+$0x830] =	vst v59;
	(pc) =	sbr.rel @p2 .LBB2_5-.Ltmp4, $4  }
0x2c: {  	[tilespmem:s11+$0x840] =	vst v60  }
0x2d: {  	[tilespmem:s11+$0x850] =	vst v61  }
0x2e: {  	s12 =	simm.s32 $0x1F0;
	s13 =	simm.s32 $0x980;
	[tilespmem:s11+$0x860] =	vst v62  }
0x2f: {  	s14 =	simm.s32 $0x480;
	p1 =	por $0x0, $0x0;
	[tilespmem:s11+$0x870] =	vst v63;
	s11 =	simm.s32 $0x100  }
.LBB2_6:
0x30: {  	s12 =	sadd.s32 $0x10, s12  }
0x31: {  	v0 =	vld [tilespmem:s14+$0x0];
	p1 =	slt.u32 s12, $0x270  }
.Ltmp5:
0x32: {  	_ = 	snop;
	(pc) =	sbr.rel @p1 .LBB2_6-.Ltmp5, $2  }
0x33: {  	_ =	sdelay $0x2  }
0x34: {  	s14 =	sadd.s32 $0x10, s14;
	[tilespmem:s13+$0x0] =	vst v0;
	s13 =	sadd.s32 $0x10, s13  }
.Ltmp6:
0x35: {  	(pc) =	sbr.rel .LBB2_8-.Ltmp6, $4  }
0x36: {  	_ = 	snop  }
0x37: {  	s10 =	sshrl.u32 s10, $0x3  }
0x38: {  	s10 =	sadd.s32 s4, s10  }
0x39: {  	[hbm4b:s10+s6] =	stream.linear.scatter [tilespmem:s8], [sflag:$0x2], $0x280, $0x38;
	[tilespmem:$0xA00] =	vst v63  }
.LBB2_2:
.Ltmp7:
0x3a: {  	(pc) =	sbr.rel .LBB2_9-.Ltmp7, $2  }
0x3b: {  	_ =	sdelay $0x2  }
0x3c: {  	[tilespmem:s7], [sflag:$0x1] =	stream.linear.gather [hbm4b:s5+s6], $0x280, $0x38;
	[tilespmem:$0xA00] =	vst v63  }
.LBB2_10:
0x3d: {  	s2 =	simm.s32 $0x2  }
0x3e: {  	_ =	swait.ge [sflag:s2], $0x280  }
0x3f: {  	[sflag:s2] =	ssyncset.done $0x0  }
0x40: {  	[sflag:s2] =	ssyncadd.s32 $0xFFFFFD80  }
0x41: {  	_ =	sfence.sel $0x180000  }
0x42: {  	s3 =	simm.s32 $0x1;
	[bflag:$0x0] =	sbarrier.arrive $0xFFFF  }
0x43: {  	[sflag:s3] =	ssyncpa.u1 $0x1  }
0x44: {  	[sflag:s2] =	ssyncpa.u1 $0x1  }
0x45: {  	_ =	strace $0x90000047  }
0x46: {  	s0 =	sadd.s32 @!p0 $0x100000, s0;
	[bflag:$0x2] =	sbarrier.arrive $0xFFFF  }
0x47: {  	[sflag:s0] =	ssyncadd.tile.s32 @!p0 $0x1;
	s0 =	simm.s32 @!p0 $0x3F  }
0x48: {  	_ =	swait.ge @!p0 [sflag:s0], s1  }
0x49: {  	s1 =	ssub.s32 @!p0 $0x0, s1;
	[sflag:s0] =	ssyncset.done @!p0 $0x0  }
0x4a: {  	[sflag:s0] =	ssyncadd.s32 @!p0 s1  }
0x4b: {  	[bflag:$0x3] =	sbarrier.arrive $0xFFFF  }
0x4c: {  	_ =	shalt  }
.Lfunc_end2:
execute1_lowered:
.L_overlay_start_2:
0x4d: {  	(tag) =	ssettag $0x2  }
0x4e: {  	s0 =	rddreg [dreg:$0x0]  }
0x4f: {  	s6 =	stileid.u32;
	_ =	strace $0x8000004A;
	s2 =	simm.s32 $0x1  }
0x50: {  	v1 =	vimm.s32 $0xFFFFFFFF;
	s1 =	smul.u32 $0x3, s6;
	[sflag:s2] =	ssyncpa.u1 $0x0  }
0x51: {  	s3 =	smin.u32 s6, $0x7;
	[tilespmem:$0x10] =	vst v1  }
0x52: {  	v0 =	vimm.f32 $0.0e+00;
	[tilespmem:$0x20] =	vst v1;
	s1 =	sadd.s32 s3, s1  }
0x53: {  	p0 =	slt.u32 s6, $0x7;
	[tilespmem:$0x30] =	vst v0;
	s3 =	smul.u32 $0x1770, s1;
	s1 =	simm.s32 $0x5DC0  }
0x54: {  	[tilespmem:$0x40] =	vst v0;
	s1 =	simm.s32 @!p0 $0x4650  }
0x55: {  	[tilespmem:$0x50] =	vst v0;
	s1 =	sadd.s32 s1, s3  }
0x56: {  	[tilespmem:$0x60] =	vst v1;
	s4 =	smin.u32 s1, $0x50910  }
0x57: {  	s7 =	simm.s32 $0x2;
	[tilespmem:$0x70] =	vst v1;
	s9 =	ssub.s32 s4, s3  }
0x58: {  	s8 =	simm.s32 $0x8;
	s31 =	simm.s32 $0x9;
	[tilespmem:$0x80] =	vst v1;
	p0 =	sgt.s32 s9, $0x0  }
0x59: {  	s16 =	simm.s32 $0x0;
	s17 =	simm.s32 $0xF0;
	v1 =	vimm.s32 $0x0;
	[tilespmem:$0xB0] =	vst v0;
	s9 =	simm.s32 @!p0 $0x0  }
0x5a: {  	s18 =	simm.s32 $0xFFFFFFFF;
	s19 =	simm.s32 $0xFFFFD220;
	[tilespmem:$0x90] =	vst v1;
	s5 =	smulhi.u32 $0x57619F1, s9  }
0x5b: {  	s20 =	simm.s32 $0xFFFFFFFE;
	[tilespmem:$0xA0] =	vst v1;
	[sflag:s7] =	ssyncpa.u1 $0x0;
	s7 =	simm.s32 $0x7  }
0x5c: {  	s21 =	simm.s32 $0xF;
	[sflag:s7] =	ssyncpa.u1 $0x0;
	s10 =	sshrl.u32 s5, $0x7  }
0x5d: {  	s25 =	simm.s32 $0x0;
	[sflag:s8] =	ssyncpa.u1 $0x0;
	s11 =	smul.u32 $0x1770, s10  }
0x5e: {  	s24 =	simm.s32 $0x0;
	s14 =	sshllo.u32 s6, $0x1;
	[sflag:s31] =	ssyncpa.u1 $0x0  }
.Ltmp8:
0x5f: {  	s1 =	sadd.s32 $0x1E00, s0;
	p0 =	sne.s32 s9, s11;
	(pc) =	sbr.rel .LBB3_1-.Ltmp8, $4  }
0x60: {  	s5 =	sadd.s32 $0x29C00, s0;
	s0 =	sadd.s32 $0x33E00, s0;
	s2 =	simm.s32 @!p0 $0x0  }
0x61: {  	s23 =	smov.u32 s3;
	[dreg:$0x2] =	wrdreg s0;
	s9 =	sadd.s32 s2, s10  }
0x62: {  	vm0 =	vmmov $0xffff;
	v2 =	vlaneseq.u32;
	p0 =	por $0x0, $0x0;
	s10 =	sshll.u32 s6, $0x1;
	s11 =	sadd.s32 $0x1, s9  }
0x63: {  	vm1 =	vmxor vm1, vm1;
	vm2 =	vmmov $0x1;
	vm3 =	vcmask $0x3F3C;
	s12 =	sadd.s32 $0x2, s9;
	s13 =	sor.u32 $0x81, s10;
	s15 =	sor.u32 $0x80, s10  }
.LBB3_9:
0x64: {  	p1 =	slt.u32 s24, $0x3  }
0x65: {  	s0 =	simm.s32 @!p1 $0x2  }
0x66: {  	_ =	swait.ge @!p1 [sflag:s0], $0x1770  }
0x67: {  	[sflag:s0] =	ssyncset.done @!p1 $0x0  }
0x68: {  	[sflag:s0] =	ssyncadd.s32 @!p1 $0xFFFFE890;
	s0 =	simm.s32 @!p1 $0x9  }
0x69: {  	_ =	swait.ge @!p1 [sflag:s0], $0x10  }
0x6a: {  	[sflag:s0] =	ssyncset.done @!p1 $0x0  }
0x6b: {  	[sflag:s0] =	ssyncadd.s32 @!p1 $0xFFFFFFF0;
	p1 =	sne.s32 s24, s12  }
.Ltmp9:
0x6c: {  	s2 =	sadd.s32 $0x1770, s23;
	(pc) =	sbr.rel @!p1 .LBB3_10-.Ltmp9, $4  }
0x6d: {  	s6 =	smov.u32 s3;
	s31 =	sadd.s32 $0x1, s24;
	s17 =	sadd.s32 $0x1770, s17  }
0x6e: {  	s18 =	sadd.s32 $0x1, s18;
	s25 =	smov.u32 s23;
	p2 =	slt.s32 s2, s4  }
0x6f: {  	p0 =	por !p0, !p0;
	s19 =	sadd.s32 $0x1770, s19;
	s6 =	smov.u32 @p2 s2  }
0x70: {  	s20 =	sadd.s32 $0x1, s20;
	s23 =	smov.u32 s6;
	s24 =	smov.u32 s31  }
.LBB3_1:
0x71: {  	p1 =	sge.u32 s24, s9  }
0x72: {  	s0 =	smulhi.u32 @!p1 $0xAAAAAAAB, s24;
	_ =	sdelay $0x1  }
0x73: {  	s0 =	sshrl.u32 @!p1 s0, $0x1  }
0x74: {  	s0 =	smul.u32 @!p1 $0x3, s0;
	_ =	sdelay $0x1  }
0x75: {  	s0 =	ssub.s32 @!p1 s24, s0  }
0x76: {  	s0 =	smul.u32 @!p1 $0x5DC0, s0;
	_ =	sdelay $0x1  }
0x77: {  	s2 =	sshrl.u32 @!p1 s23, $0x3;
	s0 =	sshrl.u32 @!p1 s0, $0x2  }
0x78: {  	s22 =	sand.u32 @!p1 $0x7, s23;
	s2 =	sadd.s32 @!p1 s5, s2;
	s0 =	sadd.s32 @!p1 $0x100, s0  }
0x79: {  	[tilespmem:s0], [sflag:$0x7] =	stream.linear.gather @!p1 [hbm4b:s2+s22], $0x1770, $0x38;
	[tilespmem:$0xD410] =	vst v63  }
0x7a: {  	s0 =	sadd.s32 $0xFFFFFFFF, s24  }
0x7b: {  	p1 =	sge.u32 s0, s9  }
.Ltmp10:
0x7c: {  	_ = 	snop;
	(pc) =	sbr.rel @p1 .LBB3_5-.Ltmp10, $1  }
0x7d: {  	_ =	sdelay $0x3  }
0x7e: {  	s2 =	smulhi.u32 $0xAAAAAAAB, s0;
	_ =	sdelay $0x1  }
0x7f: {  	s2 =	sshrl.u32 s2, $0x1  }
0x80: {  	s2 =	smul.u32 $0x3, s2;
	_ =	sdelay $0x1  }
0x81: {  	s2 =	ssub.s32 s0, s2  }
0x82: {  	s2 =	smul.u32 $0x5DC0, s2  }
0x83: {  	_ =	swait.ge [sflag:s7], $0x1770  }
0x84: {  	[sflag:s7] =	ssyncset.done $0x0;
	s2 =	sshrl.u32 s2, $0x2  }
0x85: {  	[sflag:s7] =	ssyncadd.s32 $0xFFFFE890;
	(ifvalue) =	ssetifvalue $0xFFFFFFFF;
	v3 =	vld.msk [tilespmem:s2+$0x100 ss:$0x1], $0xffff;
	_ =	sdelay $0x2  }
0x86: {  	s30 =	smulhi.u32 $0xAAAAAAAB, s18;
	p1 =	sne.s32 s24, $0x1  }
0x87: {  	v4 =	vimm.s32 @!p1 $0x0  }
0x88: {  	s2 =	sshrl.u32 s30, $0x1;
	v4 =	vperm.xlane @!p1 v3, v4  }
0x89: {  	s22 =	sshll.u32 s24, $0x4;
	s2 =	smul.u32 $0xFFFEE6C0, s2;
	vm4 =	vlt.u32 v3, $0x2800  }
0x8a: {  	s22 =	sand.u32 $0x10, s22;
	v3 =	vnsel vm4, $0xFFFFFFFE, v3;
	vm4 =	vlt.u32 @!p1 v4, $0x2800  }
0x8b: {  	s2 =	sshra.s32 s2, $0x2;
	[tilespmem:s22+$0x60] =	vst v3;
	v3 =	vnsel @!p1 vm4, $0xFFFFFFFE, v4  }
0x8c: {  	s28 =	sadd.s32 s2, s17;
	[tilespmem:$0x80] =	vst @!p1 v3  }
0x8d: {  	v3 =	vld.msk [tilespmem:s28+$0x0 ss:$0x1], $0xffff;
	_ =	sdelay $0x4  }
0x8e: {  	(xrf1) =	vunique.msk.u32 $0xffff, v3;
	_ =	sdelay $0xd  }
0x8f: {  	v4 =	vimm.s32 $0xFFFFFFFF;
	v5, _, _ =	vpop (xrf1)  }
0x90: {  	vm5 =	vne.s32 v3, v4;
	vm4 =	veq.s32 v5, v2  }
0x91: {  	vm6 =	vlt.u32 v3, $0x2800;
	vm4 =	vmand vm5, vm4  }
0x92: {  	vm4 =	vmand vm6, vm4  }
0x93: {  	v4 =	vnsel vm4, $0xFFFFFFFF, v3  }
0x94: {  	s31 =	sand.u32 $0x1, s0  }
0x95: {  	s0 =	simm.s32 $0x1770;
	p1 =	seq.s32 s31, $0x1  }
0x96: {  	s0 =	simm.s32 @!p1 $0x0  }
0x97: {  	s26 =	sadd.s32 $0x5EB0, s0;
	(ifvalue) =	ssetifvalue $0xFFFFFFFF  }
0x98: {  	v3 =	vperm.xlane v3, v1;
	[tilespmem:s26], [sflag:$0x8] =	stream.indirect_vreg.gather [hbm4b:s1+s16], $0x1, v4, vm0, $0x4038;
	v4 =	vnsel vm6, $0xFFFFFFFE, v4;
	[tilespmem:$0xD410] =	vst v63  }
0x99: {  	s2 =	simm.s32 $0x0;
	s22 =	sadd.s32 $0xFFFFFFF0, s28;
	[tilespmem:s28+$0x0] =	vst v4  }
.LBB3_3:
0x9a: {  	v4 =	vld.msk [tilespmem:s22+$0x0 ss:$0x1], $0xffff;
	s2 =	sadd.s32 $0x10, s2;
	v5 =	vmov v3;
	s28 =	smov.u32 s22  }
0x9b: {  	p1 =	slt.u32 s2, $0x1760;
	_ =	sdelay $0x4  }
0x9c: {  	v3 =	vperm.xlane v4, v1;
	(xrf1) =	vunique.msk.u32 $0xffff, v4;
	_ =	sdelay $0xd  }
0x9d: {  	v6, _, _ =	vpop (xrf1)  }
0x9e: {  	vm5 =	vne.s32 v4, v5;
	vm4 =	veq.s32 v6, v2  }
0x9f: {  	vm6 =	vlt.u32 v4, $0x2800;
	vm4 =	vmand vm5, vm4  }
0xa0: {  	vm4 =	vmand vm6, vm4  }
0xa1: {  	v4 =	vnsel vm4, $0xFFFFFFFF, v4  }
.Ltmp11:
0xa2: {  	v5 =	vnsel vm6, $0xFFFFFFFE, v4;
	(pc) =	sbr.rel @p1 .LBB3_3-.Ltmp11, $3  }
0xa3: {  	_ =	sdelay $0x1  }
0xa4: {  	s22 =	sadd.s32 $0xFFFFFFF0, s22;
	s26 =	sadd.s32 $0xFFFFFFF0, s26;
	(ifvalue) =	ssetifvalue $0xFFFFFFFF  }
0xa5: {  	[tilespmem:s26], [sflag:$0x8] =	stream.indirect_vreg.gather [hbm4b:s1+s16], $0x1, v4, vm0, $0x4038;
	[tilespmem:s28+$0x0] =	vst v5  }
0xa6: {  	s2 =	sshrl.u32 s25, $0x3;
	s6 =	rddreg [dreg:$0x2]  }
0xa7: {  	s0 =	sadd.s32 $0x7630, s0;
	s2 =	sadd.s32 s6, s2  }
0xa8: {  	[tilespmem:s0], [sflag:$0x8] =	stream.linear.gather [hbm:s2], $0x1770, $0x38;
	[tilespmem:$0xD410] =	vst v63  }
.LBB3_5:
0xa9: {  	p1 =	slt.u32 s24, $0x2  }
0xaa: {  	p2 =	sge.u32 @!p1 s24, s12  }
0xab: {  	p1 =	por p1, p2  }
.Ltmp12:
0xac: {  	_ = 	snop;
	(pc) =	sbr.rel @p1 .LBB3_9-.Ltmp12, $1  }
0xad: {  	_ =	sdelay $0x3  }
0xae: {  	s0 =	sadd.s32 $0xFFFFFFFE, s24  }
0xaf: {  	s2 =	smulhi.u32 $0xAAAAAAAB, s0;
	_ =	sdelay $0x1  }
0xb0: {  	s2 =	sshrl.u32 s2, $0x1  }
0xb1: {  	s2 =	smul.u32 $0x3, s2;
	_ =	sdelay $0x1  }
0xb2: {  	s0 =	ssub.s32 s0, s2  }
0xb3: {  	_ =	swait.ge [sflag:s8], $0x2EE0;
	s0 =	smul.u32 $0x1770, s0  }
0xb4: {  	p1 =	sne.s32 s24, s11;
	[sflag:s8] =	ssyncset.done $0x0  }
0xb5: {  	[sflag:s8] =	ssyncadd.s32 $0xFFFFD120;
	s2 =	sadd.s32 @!p1 $0x186F, s0  }
0xb6: {  	[spmem:s13] =	stream.linear.scatter @!p1 [tilespmem:s2], [sflag:$0x1], $0x1, $0x38;
	[tilespmem:$0xD410] =	vst v63  }
0xb7: {  	s2 =	simm.s32 @!p1 $0x1  }
0xb8: {  	_ =	swait.ge @!p1 [sflag:s2], $0x1  }
0xb9: {  	s22 =	sshll.u32 s24, $0x4;
	[sflag:s2] =	ssyncset.done @!p1 $0x0  }
0xba: {  	s25 =	sand.u32 $0x10, s22;
	[sflag:s2] =	ssyncadd.s32 @!p1 $0xFFFFFFFF  }
0xbb: {  	s2 =	sxor.u32 $0x10, s25;
	v4 =	vld [tilespmem:s25+$0x10]  }
0xbc: {  	v5 =	vld [tilespmem:s2+$0x60]  }
0xbd: {  	v3 =	vld [tilespmem:$0x80];
	_ =	sdelay $0x2  }
0xbe: {  	(v2sf) =	vpush v4, $0x0  }
0xbf: {  	(v2sf) =	vpush v5, $0x0  }
0xc0: {  	(v2sf) =	vpush v3, $0x0;
	_ =	sdelay $0xc  }
0xc1: {  	s6 =	spop (v2sf)  }
0xc2: {  	s28 =	spop (v2sf)  }
0xc3: {  	s26 =	spop (v2sf)  }
0xc4: {  	p2 =	seq.s32 s6, s28;
	p3 =	seq.s32 s26, s6  }
0xc5: {  	p3 =	por p2, p3  }
0xc6: {  	s6 =	sand.u32 $0x1, s24;
	v4 =	vpsel p3, $0xFFFFFFFF, v4  }
0xc7: {  	s28 =	smul.u32 $0x1770, s6;
	[tilespmem:s25+$0x10] =	vst.msk $0x1, v4  }
0xc8: {  	v4 =	vld [tilespmem:$0x30]  }
0xc9: {  	v5 =	vld [tilespmem:s28+$0x7630]  }
0xca: {  	v6 =	vld [tilespmem:s25+$0x40];
	_ =	sdelay $0x3  }
0xcb: {  	vm4 =	vmmov vm1;
	v5 =	vadd.f32 v5, v4  }
0xcc: {  	vm5 =	vmmov vm2;
	vm4 =	vmmov @p2 vm2;
	v4 =	vadd.f32 v6, v4  }
0xcd: {  	s22 =	sshll.u32 s6, $0x4;
	vm5 =	vmmov @p3 vm1;
	[tilespmem:s28+$0x7630] =	vst.msk vm4, v5  }
0xce: {  	[tilespmem:s22+$0xD3F0] =	vst.msk vm5, v4  }
0xcf: {  	v4 =	vld [tilespmem:s28+$0x5EB0];
	_ =	sdelay $0x3  }
0xd0: {  	v5 =	vimm.f32 $0.0e+00  }
0xd1: {  	v4 =	vshift.insert v4, v5, s21  }
0xd2: {  	s29 =	sor.u32 $0x40, s2  }
0xd3: {  	[tilespmem:s29+$0x0] =	vst.msk $0x1, v4  }
0xd4: {  	[tilespmem:s28+$0x5EBF] =	vst.msk $0x1, v5  }
0xd5: {  	v4 =	vld [tilespmem:s0+$0x1860];
	_ =	sdelay $0x1  }
0xd6: {  	s29 =	smulhi.u32 $0xAAAAAAAB, s20;
	s0 =	simm.s32 $0x1  }
0xd7: {  	s0 =	simm.s32 @!p0 $0x0  }
0xd8: {  	s29 =	sshrl.u32 s29, $0x1;
	s0 =	smul.u32 $0x5DC0, s0  }
0xd9: {  	s29 =	smul.u32 $0xFFFEE6C0, s29;
	v4 =	vshift.insert v4, v1, s21  }
0xda: {  	s0 =	sshrl.u32 s0, $0x2  }
0xdb: {  	s29 =	sshra.s32 s29, $0x2;
	s30 =	sadd.s32 $0x7630, s0;
	[tilespmem:s2+$0x10] =	vst.msk $0x1, v4  }
0xdc: {  	s6 =	sadd.s32 s29, s19;
	v6 =	vld [tilespmem:s30+$0x0]  }
0xdd: {  	v7 =	vld [tilespmem:s6+$0x0];
	_ =	sdelay $0x3  }
0xde: {  	v5 =	vadd.f32 v6, v5  }
0xdf: {  	vm4 =	vne.s32 v7, $0xFFFFFFFF  }
0xe0: {  	(xrf2) =	vadd.seg.scan.f32 vm4, v5;
	_ =	sdelay $0x3  }
0xe1: {  	s31 =	sadd.s32 $0x4750, s0;
	v5 =	vperm.xlane v4, v1  }
0xe2: {  	v6 =	vld [tilespmem:s31+$0x0]  }
0xe3: {  	vm5 =	veq.s32 v7, v3;
	vm6 =	veq.s32 v7, v5  }
0xe4: {  	vm7 =	vgt.u32 v7, $0xFFFFFFFD;
	vm6 =	vmor vm6, vm5  }
0xe5: {  	vm6 =	vmor vm6, vm7  }
0xe6: {  	v9 =	vld [tilespmem:$0xA0];
	v7 =	vsel vm6, $0xFFFFFFFF, v7  }
0xe7: {  	v10 =	vld [tilespmem:$0x90];
	v6 =	vsel vm5, $0x0, v6;
	v8, _, _ =	vpop (xrf2)  }
0xe8: {  	v6 =	vadd.f32 v8, v6  }
0xe9: {  	s0 =	sadd.s32 $0xA510, s0  }
0xea: {  	vm4 =	vmand vm4, vm3;
	[tilespmem:s0+$0x0] =	vst v6;
	(ifvalue) =	ssetifvalue $0xFFFFFFFF  }
0xeb: {  	vm6 =	veq.s32 v9, $0x1;
	[hbm4b:s1+s16] =	stream.indirect_vreg.scatter [tilespmem:s0], [sflag:$0x2], $0x1, v7, vm0, $0x4038;
	v7 =	vsel vm4, $0x0, v8;
	[tilespmem:$0xD410] =	vst v63  }
0xec: {  	s29 =	sadd.s32 $0xD3F0, s22;
	s22 =	sadd.s32 $0x10, s6;
	s2 =	simm.s32 $0x0;
	vm4 =	vmor vm6, vm5;
	v6 =	vsel vm5, v8, v10;
	v7 =	vshift.insert v7, v0, s21  }
.LBB3_7:
0xed: {  	v8 =	vld [tilespmem:s22+$0x0];
	s30 =	sadd.s32 $0x10, s30  }
0xee: {  	s31 =	sadd.s32 $0x10, s31;
	v9 =	vld [tilespmem:s30+$0x0]  }
0xef: {  	s2 =	sadd.s32 $0x10, s2;
	v10 =	vld [tilespmem:s31+$0x0]  }
0xf0: {  	p2 =	slt.u32 s2, $0x1760;
	_ =	sdelay $0x2  }
0xf1: {  	v7 =	vadd.f32 v9, v7  }
0xf2: {  	vm5 =	vne.s32 v8, $0xFFFFFFFF  }
0xf3: {  	vm6 =	vmand vm5, vm3;
	(xrf2) =	vadd.seg.scan.f32 vm5, v7;
	_ =	sdelay $0x5  }
0xf4: {  	vm7 =	veq.s32 v8, v5;
	vm5 =	veq.s32 v8, v3  }
0xf5: {  	vm8 =	vgt.u32 v8, $0xFFFFFFFD;
	vm4 =	vmor vm4, vm5;
	vm7 =	vmor vm7, vm5  }
0xf6: {  	vm7 =	vmor vm7, vm8  }
0xf7: {  	v8 =	vsel vm7, $0xFFFFFFFF, v8  }
.Ltmp13:
0xf8: {  	v7 =	vsel vm5, $0x0, v10;
	v9, _, _ =	vpop (xrf2);
	(pc) =	sbr.rel @p2 .LBB3_7-.Ltmp13, $4  }
0xf9: {  	v6 =	vsel vm5, v9, v6;
	v10 =	vadd.f32 v9, v7;
	v7 =	vsel vm6, $0x0, v9  }
0xfa: {  	s0 =	sadd.s32 $0x10, s0;
	v7 =	vshift.insert v7, v0, s21  }
0xfb: {  	s22 =	sadd.s32 $0x10, s22;
	[tilespmem:s0+$0x0] =	vst v10;
	(ifvalue) =	ssetifvalue $0xFFFFFFFF  }
0xfc: {  	[hbm4b:s1+s16] =	stream.indirect_vreg.scatter [tilespmem:s0], [sflag:$0x2], $0x1, v8, vm0, $0x4038;
	[tilespmem:$0xD410] =	vst v63  }
0xfd: {  	v3 =	vld [tilespmem:s28+$0xBC70];
	_ =	sdelay $0x4  }
0xfe: {  	v3 =	vshift.insert v3, v0, s21  }
0xff: {  	s0 =	simm.s32 $0x30  }
0x100: {  	[tilespmem:s0+$0x0] =	vst.msk $0x1, v3  }
0x101: {  	v3 =	vsel vm4, $0x1, v1;
	[tilespmem:$0x90] =	vst v6  }
0x102: {  	s0 =	sadd.s32 @!p1 $0xBC7F, s28;
	[tilespmem:$0xA0] =	vst v3  }
0x103: {  	[spmem:s14] =	stream.linear.scatter @!p1 [tilespmem:s0], [sflag:$0x1], $0x1, $0x38;
	[tilespmem:$0xD410] =	vst v63  }
0x104: {  	s0 =	simm.s32 @!p1 $0x1  }
0x105: {  	v3 =	vmctz.xlane @!p1 vm4;
	_ =	swait.ge @!p1 [sflag:s0], $0x1  }
0x106: {  	(v2sf) =	vpush @!p1 v4, $0x0  }
0x107: {  	(v2sf) =	vpush @!p1 v3, $0x0;
	_ =	sdelay $0xd  }
0x108: {  	s2 =	spop @!p1 (v2sf)  }
0x109: {  	s6 =	spop @!p1 (v2sf)  }
0x10a: {  	p2 =	sne.s32 @!p1 s26, s2;
	p3 =	slt.s32 @!p1 s6, $0xF  }
0x10b: {  	[sflag:s0] =	ssyncset.done @!p1 $0x0;
	p2 =	por p2, p1;
	p3 =	por !p3, p1  }
0x10c: {  	[sflag:s0] =	ssyncadd.s32 @!p1 $0xFFFFFFFF;
	v3 =	vimm.s32 @!p2 $0xFFFFFFFF;
	s6 =	simm.s32 @p3 $0xF  }
0x10d: {  	[tilespmem:$0x80] =	vst @!p2 v3;
	s2 =	sadd.s32 @!p1 $0x90, s6  }
0x10e: {  	[spmem:s10] =	stream.linear.scatter @!p1 [tilespmem:s2], [sflag:$0x1], $0x1, $0x38;
	[tilespmem:$0xD410] =	vst v63  }
0x10f: {  	_ =	swait.ge @!p1 [sflag:s0], $0x1  }
0x110: {  	[sflag:s0] =	ssyncset.done @!p1 $0x0  }
0x111: {  	s2 =	simm.s32 @!p1 $0x80;
	[sflag:s0] =	ssyncadd.s32 @!p1 $0xFFFFFFFF  }
0x112: {  	[spmem:s15] =	stream.linear.scatter @!p1 [tilespmem:s2], [sflag:$0x1], $0x1, $0x38;
	[tilespmem:$0xD410] =	vst v63  }
0x113: {  	_ =	swait.ge @!p1 [sflag:s0], $0x1  }
0x114: {  	[sflag:s0] =	ssyncset.done @!p1 $0x0  }
0x115: {  	[sflag:s0] =	ssyncadd.s32 @!p1 $0xFFFFFFFF;
	(ifvalue) =	ssetifvalue $0xFFFFFFFF;
	v3 =	vld [tilespmem:s25+$0x10];
	_ =	sdelay $0x3  }
.Ltmp14:
0x116: {  	_ = 	snop;
	(pc) =	sbr.rel .LBB3_9-.Ltmp14, $3  }
0x117: {  	_ =	sdelay $0x1  }
0x118: {  	(ifvalue) =	ssetifvalue $0xFFFFFFFF  }
0x119: {  	[hbm4b:s1+s16] =	stream.indirect_vreg.scatter [tilespmem:s29], [sflag:$0x9], $0x1, v3, vm0, $0x4038;
	[tilespmem:$0xD410] =	vst v63  }
.LBB3_10:
0x11a: {  	_ =	sfence.sel $0x180000  }
0x11b: {  	s0 =	simm.s32 $0x7;
	[bflag:$0x0] =	sbarrier.arrive $0xFFFF  }
0x11c: {  	s26 =	simm.s32 $0x8;
	[sflag:s0] =	ssyncpa.u1 $0x1  }
0x11d: {  	s28 =	simm.s32 $0x9;
	[sflag:s26] =	ssyncpa.u1 $0x1  }
0x11e: {  	[sflag:s28] =	ssyncpa.u1 $0x1  }
0x11f: {  	_ =	sfence.stream.spmem  }
0x120: {  	s29 =	simm.s32 $0x3;
	[bflag:$0x0] =	sbarrier.arrive $0xFFFF  }
0x121: {  	s30 =	simm.s32 $0x4;
	[sflag:s29] =	ssyncpa.u1 $0x1  }
0x122: {  	s31 =	simm.s32 $0x3C;
	s2 =	stileid.u32;
	[sflag:s30] =	ssyncpa.u1 $0x1  }
0x123: {  	p0 =	sne.s32 s2, $0x0;
	[sflag:s31] =	ssyncpa.u1 $0x1  }
0x124: {  	s0 =	simm.s32 @p0 $0x1;
	_ =	sfence @p0  }
0x125: {  	[sflag:s0] =	ssyncpa.u1 @p0 $0x1;
	s0 =	simm.s32 @p0 $0x2  }
0x126: {  	[sflag:s0] =	ssyncpa.u1 @p0 $0x1  }
0x127: {  	_ =	strace @p0 $0x9000004A  }
0x128: {  	[bflag:$0x2] =	sbarrier.arrive @p0 $0xFFFF  }
0x129: {  	_ =	shalt @p0  }
.LBB3_11:
0x12a: {  	_ =	sfence.stream.spmem;
	s0 =	simm.s32 $0x5  }
0x12b: {  	s2 =	simm.s32 $0x80;
	s3 =	simm.s32 $0xC0;
	[sflag:s0] =	ssyncpa.u1 $0x0  }
0x12c: {  	[tilespmem:s3], [sflag:$0x5] =	stream.linear.gather [spmem:s2], $0x20, $0x38;
	[tilespmem:$0xD410] =	vst v63  }
0x12d: {  	s2 =	simm.s32 $0x0;
	s3 =	simm.s32 $0xE0  }
0x12e: {  	[tilespmem:s3], [sflag:$0x5] =	stream.linear.gather [spmem:s2], $0x20, $0x38;
	[tilespmem:$0xD410] =	vst v63  }
.Ltmp15:
0x12f: {  	_ = 	snop;
	(pc) =	sbr.rel .LBB3_12-.Ltmp15, $4  }
0x130: {  	_ =	swait.ge [sflag:s0], $0x40  }
0x131: {  	[sflag:s0] =	ssyncset.done $0x0  }
0x132: {  	s31 =	simm.s32 $0x6;
	[sflag:s0] =	ssyncadd.s32 $0xFFFFFFC0  }
0x133: {  	s4 =	simm.s32 $0x0;
	[sflag:s31] =	ssyncpa.u1 $0x0  }
.LBB3_17:
0x134: {  	p0 =	sgt.u32 s5, $0x27FF  }
0x135: {  	s0 =	sshrl.u32 @!p0 s5, $0x3  }
0x136: {  	s5 =	sand.u32 @!p0 $0x7, s5;
	s6 =	simm.s32 @!p0 $0xB0;
	s0 =	sadd.s32 @!p0 s1, s0  }
0x137: {  	[tilespmem:s6], [sflag:$0x6] =	stream.linear.gather @!p0 [hbm4b:s0+s5], $0x1, $0x38;
	[tilespmem:$0xD410] =	vst v63  }
0x138: {  	s0 =	simm.s32 @!p0 $0x6  }
0x139: {  	_ =	swait.ge @!p0 [sflag:s0], $0x1  }
0x13a: {  	[sflag:s0] =	ssyncset.done @!p0 $0x0  }
0x13b: {  	[sflag:s0] =	ssyncadd.s32 @!p0 $0xFFFFFFFF  }
0x13c: {  	v2 =	vmov @!p0 s4;
	v1 =	vld.msk @!p0 [tilespmem:$0xB0], $0x1;
	_ =	sdelay $0x3  }
0x13d: {  	s0 =	simm.s32 @!p0 $0xE0  }
0x13e: {  	[tilespmem:v2+s0+$0x0], v1 =	vst.idx.ret.add.f32.msk @!p0 $0x1, v1  }
0x13f: {  	[tilespmem:s2+$0xC0] =	vst.msk $0x1, v0  }
0x140: {  	v0 =	vld.msk [tilespmem:s4+$0xE0], $0x1;
	_ =	sdelay $0x4  }
0x141: {  	[tilespmem:s2+$0xE0] =	vst.msk $0x1, v0;
	s2 =	sadd.s32 $0x1, s2  }
.LBB3_19:
0x142: {  	s4 =	sadd.s32 $0x1, s4  }
0x143: {  	p0 =	sne.s32 s4, $0x20  }
.Ltmp16:
0x144: {  	_ = 	snop;
	(pc) =	sbr.rel @!p0 .LBB3_20-.Ltmp16, $1  }
0x145: {  	_ =	sdelay $0x3  }
.LBB3_12:
0x146: {  	v0 =	vld.msk [tilespmem:s4+$0xC0], $0x1;
	_ =	sdelay $0x4  }
0x147: {  	(v2sf) =	vpush v0, $0x0;
	_ =	sdelay $0xe  }
0x148: {  	s5 =	spop (v2sf)  }
0x149: {  	p0 =	seq.s32 s5, $0xFFFFFFFF  }
.Ltmp17:
0x14a: {  	_ = 	snop;
	(pc) =	sbr.rel @p0 .LBB3_19-.Ltmp17, $1  }
0x14b: {  	_ =	sdelay $0x3  }
0x14c: {  	p0 =	slt.s32 s2, $0x1  }
.Ltmp18:
0x14d: {  	_ = 	snop;
	(pc) =	sbr.rel @p0 .LBB3_17-.Ltmp18, $1  }
0x14e: {  	_ =	sdelay $0x3  }
0x14f: {  	s0 =	simm.s32 $0xC0;
	p0 =	por $0x0, $0x0  }
0x150: {  	v1 =	vld.msk @!p0 [tilespmem:s0+$0x0], $0x1;
	_ =	sdelay $0x4  }
0x151: {  	(v2sf) =	vpush @!p0 v1, $0x0;
	_ =	sdelay $0xd  }
0x152: {  	p2 =	sne.s32 s2, $0x1  }
.Ltmp19:
0x153: {  	s6 =	spop @!p0 (v2sf);
	(pc) =	sbr.rel @!p2 .LBB3_16-.Ltmp19, $4  }
0x154: {  	p1 =	seq.s32 @!p0 s5, s6  }
0x155: {  	s6 =	simm.s32 $0x0;
	p1 =	por !p1, p0  }
0x156: {  	s8 =	simm.s32 $0xFFFFFFFF;
	s6 =	simm.s32 @p1 $0xFFFFFFFF  }
0x157: {  	s7 =	simm.s32 $0x1;
	s6 =	smov.u32 @p0 s8  }
.LBB3_15:
0x158: {  	s8 =	smov.u32 s6;
	p0 =	sne.s32 s6, $0xFFFFFFFF  }
0x159: {  	s0 =	sadd.s32 $0x1, s0;
	s6 =	smov.u32 s7;
	s7 =	sadd.s32 $0x1, s7  }
0x15a: {  	p1 =	sne.s32 s2, s7;
	v1 =	vld.msk @!p0 [tilespmem:s0+$0x0], $0x1;
	_ =	sdelay $0x4  }
0x15b: {  	(v2sf) =	vpush @!p0 v1, $0x0;
	_ =	sdelay $0xe  }
.Ltmp20:
0x15c: {  	s9 =	spop @!p0 (v2sf);
	(pc) =	sbr.rel @p1 .LBB3_15-.Ltmp20, $4  }
0x15d: {  	p2 =	seq.s32 @!p0 s5, s9  }
0x15e: {  	p2 =	por !p2, p0  }
0x15f: {  	s6 =	simm.s32 @p2 $0xFFFFFFFF  }
0x160: {  	s6 =	smov.u32 @p0 s8  }
.LBB3_16:
0x161: {  	p0 =	sne.s32 s6, $0xFFFFFFFF  }
.Ltmp21:
0x162: {  	_ = 	snop;
	(pc) =	sbr.rel @!p0 .LBB3_17-.Ltmp21, $1  }
0x163: {  	_ =	sdelay $0x3  }
0x164: {  	v0 =	vld.msk [tilespmem:s4+$0xE0], $0x1;
	v1 =	vmov s6  }
.Ltmp22:
0x165: {  	_ = 	snop;
	(pc) =	sbr.rel .LBB3_19-.Ltmp22, $2  }
0x166: {  	_ =	sdelay $0x2  }
0x167: {  	[tilespmem:v1+s3+$0x0], v0 =	vst.idx.ret.add.f32.msk $0x1, v0  }
.LBB3_20:
0x168: {  	p0 =	slt.s32 s2, $0x1  }
.Ltmp23:
0x169: {  	_ = 	snop;
	(pc) =	sbr.rel @p0 .LBB3_24-.Ltmp23, $3  }
0x16a: {  	_ =	sdelay $0x1  }
0x16b: {  	s0 =	simm.s32 $0x6  }
0x16c: {  	s3 =	simm.s32 $0x0;
	[sflag:s0] =	ssyncpa.u1 $0x1  }
0x16d: {  	s0 =	simm.s32 $0xC0  }
0x16e: {  	v0 =	vld.msk [tilespmem:s0+$0x0], $0x1;
	_ =	sdelay $0x4  }
0x16f: {  	(v2sf) =	vpush v0, $0x0;
	_ =	sdelay $0xe  }
0x170: {  	s2 =	sadd.s32 $0xFFFFFFFF, s2;
	s4 =	spop (v2sf)  }
0x171: {  	p1 =	sne.s32 s2, $0x0;
	p0 =	sgt.u32 s4, $0x27FF  }
.Ltmp24:
0x172: {  	s5 =	sshrl.u32 @!p0 s4, $0x3;
	(pc) =	sbr.rel @!p1 .LBB3_23-.Ltmp24, $4  }
0x173: {  	s0 =	simm.s32 $0xE0;
	s4 =	sand.u32 @!p0 $0x7, s4;
	s5 =	sadd.s32 @!p0 s1, s5  }
0x174: {  	[hbm4b:s5+s4] =	stream.linear.scatter @!p0 [tilespmem:s0], [sflag:$0x5], $0x1, $0x38;
	[tilespmem:$0xD410] =	vst v63  }
0x175: {  	s5 =	simm.s32 $0x0  }
0x176: {  	s4 =	simm.s32 $0xC1;
	s5 =	simm.s32 @!p0 $0x4  }
.LBB3_22:
0x177: {  	v0 =	vld.msk [tilespmem:s4+$0x0], $0x1;
	s2 =	sadd.s32 $0xFFFFFFFF, s2;
	s3 =	sadd.s32 s3, s5  }
0x178: {  	p0 =	sne.s32 s2, $0x0;
	_ =	sdelay $0x3  }
0x179: {  	(v2sf) =	vpush v0, $0x0;
	_ =	sdelay $0xe  }
.Ltmp25:
0x17a: {  	s6 =	spop (v2sf);
	(pc) =	sbr.rel @p0 .LBB3_22-.Ltmp25, $4  }
0x17b: {  	s5 =	simm.s32 $0x0;
	p1 =	sgt.u32 s6, $0x27FF  }
0x17c: {  	s0 =	sadd.s32 $0x1, s0;
	s5 =	simm.s32 @!p1 $0x4;
	s7 =	sshrl.u32 @!p1 s6, $0x3  }
0x17d: {  	s4 =	sadd.s32 $0x1, s4;
	s6 =	sand.u32 @!p1 $0x7, s6;
	s7 =	sadd.s32 @!p1 s1, s7  }
0x17e: {  	[hbm4b:s7+s6] =	stream.linear.scatter @!p1 [tilespmem:s0], [sflag:$0x5], $0x1, $0x38;
	[tilespmem:$0xD410] =	vst v63  }
.LBB3_23:
0x17f: {  	s0 =	sadd.s32 s3, s5  }
0x180: {  	s3 =	sshrl.u32 s0, $0x2  }
.LBB3_24:
0x181: {  	s0 =	simm.s32 $0x5  }
0x182: {  	_ =	swait.ge [sflag:s0], s3  }
0x183: {  	s1 =	ssub.s32 $0x0, s3;
	[sflag:s0] =	ssyncset.done $0x0  }
0x184: {  	[sflag:s0] =	ssyncadd.s32 s1  }
0x185: {  	[sflag:s0] =	ssyncpa.u1 $0x1  }
0x186: {  	s29 =	simm.s32 $0x1;
	_ =	sfence  }
0x187: {  	s30 =	simm.s32 $0x2;
	[sflag:s29] =	ssyncpa.u1 $0x1  }
0x188: {  	[sflag:s30] =	ssyncpa.u1 $0x1  }
0x189: {  	_ =	strace $0x9000004A  }
0x18a: {  	[bflag:$0x2] =	sbarrier.arrive $0xFFFF  }
0x18b: {  	s31 =	rddreg [dreg:$0x1]  }
0x18c: {  	s0 =	sadd.s32 $0x100000, s31  }
0x18d: {  	[sflag:s0] =	ssyncadd.tile.s32 $0x1;
	_ =	shalt  }
.Lfunc_end3:
_tile_overlayer_lowered:
.L_overlay_start_3:
0x18e: {  	(tag) =	ssettag $0x3  }
0x18f: {  	s0 =	rddreg [dreg:$0x0];
	s2 =	stileid.u32  }
0x190: {  	s1 =	rddreg [dreg:$0x1];
	p0 =	sne.s32 s2, $0x0  }
0x191: {  	s3 =	rddreg [dreg:$0x2];
	[bflag:$0x3] =	sbarrier.arrive $0xFFFF;
	s2 =	simm.s32 @!p0 $0x1C01  }
0x192: {  	[timem:s3], [sflag:s2] =	dma.local @!p0 [hbm:s0], s1  }
0x193: {  	s0 =	simm.s32 @!p0 $0x1  }
0x194: {  	_ =	swait.ge @!p0 [sflag:s0], s1  }
0x195: {  	s1 =	ssub.s32 @!p0 $0x0, s1;
	[sflag:s0] =	ssyncset.done @!p0 $0x0  }
0x196: {  	[sflag:s0] =	ssyncadd.s32 @!p0 s1  }
0x197: {  	[bflag:$0x3] =	sbarrier.arrive $0xFFFF  }
0x198: {  	_ =	shalt  }

</sc_bundles>
